<compile_context>
chip_gen: v7x
topology: tpu7x:2x2x1
jax: 0.10.2.dev20260603
libtpu: 0.0.44.dev20260713+nightly
codegen_flags: <defaults>
</compile_context>

<pallas_src>
import functools

import jax
import jax.numpy as jnp
from jax import lax
from jax.experimental import pallas as pl
from jax.experimental.pallas import tpu as pltpu
from jax.experimental.pallas import tpu_sc as plsc

D_MODEL = 256
SEQ = 65
SEQ_PAD = 80
EPS = 1e-5
N_PIECE = 8
N_COLOR = 3
N_ROWS = N_PIECE * N_COLOR * SEQ

NUM_CORES = 2
NUM_SUBCORES = 16
NUM_WORKERS = NUM_CORES * NUM_SUBCORES


def _table_and_idx_body(piece, color, square, gamma, beta, board, ctok,
                        table_o, idx_o):
    pv = piece[...]
    cv = color[...]
    sv = square[...]
    r = lax.broadcasted_iota(jnp.int32, (N_PIECE * N_COLOR, 1), 0)
    p = r // N_COLOR
    c = r - p * N_COLOR
    pc = jnp.zeros((N_PIECE * N_COLOR, D_MODEL), jnp.float32)
    for k in range(N_PIECE):
        pc = pc + jnp.where(p == k, 1.0, 0.0) * pv[k:k + 1, :]
    for k in range(N_COLOR):
        pc = pc + jnp.where(c == k, 1.0, 0.0) * cv[k:k + 1, :]
    x = pc[:, None, :] + sv[None, :, :]
    m = jnp.mean(x, axis=-1, keepdims=True)
    d = x - m
    v = jnp.mean(d * d, axis=-1, keepdims=True)
    y = d * lax.rsqrt(v + EPS)
    table_o[...] = y * gamma[...] + beta[...]
    bsz = board.shape[0]
    s_iota = lax.broadcasted_iota(jnp.int32, (bsz, SEQ), 1)
    idx = board[...] * (N_COLOR * SEQ) + ctok[...] * SEQ + s_iota
    pad = jnp.zeros((bsz, SEQ_PAD - SEQ), jnp.int32)
    idx_o[...] = jnp.concatenate([idx, pad], axis=1)


def _build_table_and_idx(piece, color, square, gamma, beta, board, ctok):
    bsz = board.shape[0]
    return pl.pallas_call(
        _table_and_idx_body,
        out_shape=(
            jax.ShapeDtypeStruct((N_PIECE * N_COLOR, SEQ, D_MODEL), jnp.float32),
            jax.ShapeDtypeStruct((bsz, SEQ_PAD), jnp.int32),
        ),
    )(piece, color, square, gamma.reshape(1, D_MODEL), beta.reshape(1, D_MODEL),
      board, ctok)


def _make_gather(bsz):
    assert bsz % NUM_WORKERS == 0
    nb = bsz // NUM_WORKERS
    half = nb // 2
    assert half % 2 == 0
    mesh = plsc.VectorSubcoreMesh(core_axis_name="c", subcore_axis_name="s")

    @functools.partial(
        pl.kernel,
        mesh=mesh,
        out_type=jax.ShapeDtypeStruct((bsz, SEQ, D_MODEL), jnp.float32),
        scratch_types=[
            pltpu.VMEM((nb * SEQ_PAD,), jnp.int32),
            pltpu.VMEM((2, 64, D_MODEL), jnp.float32),
            pltpu.VMEM((2, 1, D_MODEL), jnp.float32),
            pltpu.SemaphoreType.DMA,
            pltpu.SemaphoreType.DMA,
            pltpu.SemaphoreType.DMA,
            pltpu.SemaphoreType.DMA,
        ],
        compiler_params=pltpu.CompilerParams(use_tc_tiling_on_sc=True),
    )
    def gather(table_hbm, idx_hbm, out_hbm, idx_v, rows_v, tail_v,
               gsem0, gsem1, wsem0, wsem1):
        wid = lax.axis_index("s") * NUM_CORES + lax.axis_index("c")
        base = wid * nb
        gsem = (gsem0, gsem1)
        wsem = (wsem0, wsem1)
        pltpu.sync_copy(idx_hbm.at[pl.ds(base * SEQ_PAD, nb * SEQ_PAD)], idx_v)

        def g_main(j, b):
            return pltpu.make_async_copy(
                table_hbm.at[idx_v.at[pl.ds(j * SEQ_PAD, 64)]],
                rows_v.at[b], gsem[b])

        def g_tail(j, b):
            return pltpu.make_async_copy(
                table_hbm.at[idx_v.at[pl.ds(j * SEQ_PAD + 64, 1)]],
                tail_v.at[b], gsem[b])

        def g_start(j, b):
            g_main(j, b).start()
            g_tail(j, b).start()

        def g_wait(j, b):
            g_main(j, b).wait()
            g_tail(j, b).wait()

        def w_main(j, b):
            return pltpu.make_async_copy(
                rows_v.at[b], out_hbm.at[base + j, pl.ds(0, 64)], wsem[b])

        def w_tail(j, b):
            return pltpu.make_async_copy(
                tail_v.at[b], out_hbm.at[base + j, pl.ds(64, 1)], wsem[b])

        def w_start(j, b):
            w_main(j, b).start()
            w_tail(j, b).start()

        def w_wait(j, b):
            w_main(j, b).wait()
            w_tail(j, b).wait()

        g_start(0, 0)
        g_start(1, 1)

        def body(i, carry):
            j0 = 2 * i
            more = j0 + 2 < nb
            g_wait(j0, 0)
            w_start(j0, 0)
            g_wait(j0 + 1, 1)
            w_start(j0 + 1, 1)
            w_wait(j0, 0)
            @pl.when(more)
            def _():
                g_start(j0 + 2, 0)
            w_wait(j0 + 1, 1)
            @pl.when(more)
            def _():
                g_start(j0 + 3, 1)
            return carry

        lax.fori_loop(0, nb // 2, body, 0)

    return gather


def kernel(board_tokens, color_tokens, piece_table, color_table, square_table,
           gamma, beta):
    bsz = board_tokens.shape[0]
    table3, idx = _build_table_and_idx(
        piece_table, color_table, square_table, gamma, beta,
        board_tokens.astype(jnp.int32), color_tokens.astype(jnp.int32))
    table2 = table3.reshape(N_ROWS, D_MODEL)
    n_chunks = 4
    csz = bsz // n_chunks
    gath = _make_gather(csz)
    idx_flat = idx.reshape(bsz * SEQ_PAD)
    parts = [
        gath(table2, idx_flat[c * csz * SEQ_PAD:(c + 1) * csz * SEQ_PAD])
        for c in range(n_chunks)
    ]
    return jnp.concatenate(parts, axis=0)

# --- scband reference (transcript-rebuilt; emitter-appended) ---
"""Pipeline reference for scband-embedding-layer-35588099015405 (READ-ONLY COPY).

The authoritative reference and input builder live on the scoring server;
editing this copy changes nothing except your own understanding.
"""

import jax, jax.numpy as jnp
import numpy as np

D_MODEL = 256
SEQ = 65
EPS = 1e-5


def setup_inputs(seed: int = 0) -> dict:
    key = jax.random.key(seed)
    k1, k2, k3, k4, k5 = jax.random.split(key, 5)
    board_tokens = jax.random.randint(k1, (4096, SEQ), 0, 8)
    color_tokens = jax.random.randint(k2, (4096, SEQ), 0, 3)
    piece_table = jax.random.normal(k3, (8, D_MODEL), dtype=jnp.float32) * 0.02
    color_table = jax.random.normal(k4, (3, D_MODEL), dtype=jnp.float32) * 0.02
    square_table = jax.random.normal(k5, (SEQ, D_MODEL), dtype=jnp.float32) * 0.02
    gamma = jnp.ones((D_MODEL,), dtype=jnp.float32)
    beta = jnp.zeros((D_MODEL,), dtype=jnp.float32)
    return {
        "board_tokens": board_tokens,
        "color_tokens": color_tokens,
        "piece_table": piece_table,
        "color_table": color_table,
        "square_table": square_table,
        "gamma": gamma,
        "beta": beta,
    }


def reference(board_tokens, color_tokens, piece_table, color_table, square_table, gamma, beta):
    # piece + color embeddings via gather
    pe = jnp.take(piece_table, board_tokens, axis=0)   # [B, 65, 256]
    ce = jnp.take(color_table, color_tokens, axis=0)   # [B, 65, 256]
    # square indices 0..64 constructed from sequence length, broadcast over batch
    sq_idx = jnp.arange(SEQ)
    se = jnp.take(square_table, sq_idx, axis=0)[None, :, :]  # [1, 65, 256]
    x = pe + ce + se
    # Dropout(0.1) is identity in eval mode; then LayerNorm over last dim
    mean = jnp.mean(x, axis=-1, keepdims=True)
    var = jnp.var(x, axis=-1, keepdims=True)
    out = (x - mean) / jnp.sqrt(var + EPS) * gamma + beta
    return out

if __name__ == "__main__":
    import jax
    _d = setup_inputs()
    print(jax.jit(kernel)(*tuple(_d.values())))

</pallas_src>

<mosaic_0001>
#map = affine_map<(d0, d1) -> (0, 0)>
#map1 = affine_map<(d0, d1) -> (0)>
#map2 = affine_map<(d0, d1) -> (0, 0, 0)>
module attributes {stable_mosaic.version = 14 : i64} {
  func.func @gather(%arg0: i32, %arg1: i32, %arg2: memref<1560x256xf32, #tpu.memory_space<hbm>>, %arg3: memref<81920xi32, #tpu.memory_space<hbm>>, %arg4: memref<1024x65x256xf32, #tpu.memory_space<hbm>>, %arg5: memref<2560xi32, #tpu.memory_space<vmem>>, %arg6: memref<2x64x256xf32, #tpu.memory_space<vmem>>, %arg7: memref<2x1x256xf32, #tpu.memory_space<vmem>>, %arg8: memref<!tpu.dma_semaphore, #tpu.memory_space<semaphore_mem>>, %arg9: memref<!tpu.dma_semaphore, #tpu.memory_space<semaphore_mem>>, %arg10: memref<!tpu.dma_semaphore, #tpu.memory_space<semaphore_mem>>, %arg11: memref<!tpu.dma_semaphore, #tpu.memory_space<semaphore_mem>>) attributes {dimension_semantics = [#tpu.dimension_semantics<core_parallel>, #tpu.dimension_semantics<subcore_parallel>], iteration_bounds = array<i64: 2, 16>, scalar_prefetch = 0 : i64, scratch_operands = 7 : i64, tpu.core_type = #tpu.core_type<sc_vector_subcore>, window_params = [{transform_indices = #map}, {transform_indices = #map1}, {transform_indices = #map2}]} {
    %mul3A = arith.constant 2 : i32
    %mul3A_0 = arith.muli %arg1, %mul3A : i32
    %add3A = arith.addi %mul3A_0, %arg0 : i32
    %mul3A_1 = arith.constant 32 : i32
    %mul3A_2 = arith.muli %add3A, %mul3A_1 : i32
    %mul3A_3 = arith.constant 80 : i32
    %mul3A_4 = arith.muli %mul3A_2, %mul3A_3 : i32
    "tpu.region"() ({
      %run_scoped3A = tpu.sem_alloc : memref<!tpu.dma_semaphore, #tpu.memory_space<semaphore_mem>>
      %dma_start3A_49 = tpu.memref_slice %arg3[%mul3A_4] : memref<81920xi32, #tpu.memory_space<hbm>> -> memref<2560xi32, #tpu.memory_space<hbm>>
      %dma_start3A_50 = tpu.memref_slice %arg3[%mul3A_4] : memref<81920xi32, #tpu.memory_space<hbm>> -> memref<2560xi32, #tpu.memory_space<hbm>>
      tpu.enqueue_dma source(%dma_start3A_50 : memref<2560xi32, #tpu.memory_space<hbm>>) target(%arg5 : memref<2560xi32, #tpu.memory_space<vmem>>) target_semaphore(%run_scoped3A : memref<!tpu.dma_semaphore, #tpu.memory_space<semaphore_mem>>)
      %dma_wait3A = tpu.memref_slice %arg3[%mul3A_4] : memref<81920xi32, #tpu.memory_space<hbm>> -> memref<2560xi32, #tpu.memory_space<hbm>>
      %dma_wait3A_51 = tpu.memref_slice %arg3[%mul3A_4] : memref<81920xi32, #tpu.memory_space<hbm>> -> memref<2560xi32, #tpu.memory_space<hbm>>
      tpu.wait_dma2 semaphore(%run_scoped3A : memref<!tpu.dma_semaphore, #tpu.memory_space<semaphore_mem>>) src(%dma_wait3A_51 : memref<2560xi32, #tpu.memory_space<hbm>>) dst(%arg5 : memref<2560xi32, #tpu.memory_space<vmem>>)
      tpu.yield
    }) : () -> ()
    %dma_start3A = arith.constant 0 : i32
    %dma_start3A_5 = arith.constant 0 : i32
    %dma_start3A_6 = arith.constant 0 : i32
    %dma_start3A_7 = tpu.memref_slice %arg6[%dma_start3A, %dma_start3A_5, %dma_start3A_6] : memref<2x64x256xf32, #tpu.memory_space<vmem>> -> memref<1x64x256xf32, #tpu.memory_space<vmem>>
    %dma_start3A_8 = tpu.memref_squeeze %dma_start3A_7 : memref<1x64x256xf32, #tpu.memory_space<vmem>> -> memref<64x256xf32, #tpu.memory_space<vmem>>
    %dma_start3A_9 = arith.constant 0 : i32
    %dma_start3A_10 = tpu.memref_slice %arg5[%dma_start3A_9] : memref<2560xi32, #tpu.memory_space<vmem>> -> memref<64xi32, #tpu.memory_space<vmem>>
    %dma_start3A_11 = arith.constant 0 : i32
    %dma_start3A_12 = arith.constant 0 : i32
    %dma_start3A_13 = tpu.memref_slice %arg2[%dma_start3A_11, %dma_start3A_12] : memref<1560x256xf32, #tpu.memory_space<hbm>> -> memref<1560x256xf32, #tpu.memory_space<hbm>>
    tpu.enqueue_indirect_dma source(%dma_start3A_13 : memref<1560x256xf32, #tpu.memory_space<hbm>>) target(%dma_start3A_8 : memref<64x256xf32, #tpu.memory_space<vmem>>) offsets(%dma_start3A_10 : memref<64xi32, #tpu.memory_space<vmem>>) semaphore(%arg8 : memref<!tpu.dma_semaphore, #tpu.memory_space<semaphore_mem>>)
    %dma_start3A_14 = arith.constant 0 : i32
    %dma_start3A_15 = arith.constant 0 : i32
    %dma_start3A_16 = arith.constant 0 : i32
    %dma_start3A_17 = tpu.memref_slice %arg7[%dma_start3A_14, %dma_start3A_15, %dma_start3A_16] : memref<2x1x256xf32, #tpu.memory_space<vmem>> -> memref<1x1x256xf32, #tpu.memory_space<vmem>>
    %dma_start3A_18 = tpu.memref_squeeze %dma_start3A_17 : memref<1x1x256xf32, #tpu.memory_space<vmem>> -> memref<1x256xf32, #tpu.memory_space<vmem>>
    %dma_start3A_19 = arith.constant 64 : i32
    %dma_start3A_20 = tpu.memref_slice %arg5[%dma_start3A_19] : memref<2560xi32, #tpu.memory_space<vmem>> -> memref<1xi32, #tpu.memory_space<vmem>>
    %dma_start3A_21 = arith.constant 0 : i32
    %dma_start3A_22 = arith.constant 0 : i32
    %dma_start3A_23 = tpu.memref_slice %arg2[%dma_start3A_21, %dma_start3A_22] : memref<1560x256xf32, #tpu.memory_space<hbm>> -> memref<1560x256xf32, #tpu.memory_space<hbm>>
    tpu.enqueue_indirect_dma source(%dma_start3A_23 : memref<1560x256xf32, #tpu.memory_space<hbm>>) target(%dma_start3A_18 : memref<1x256xf32, #tpu.memory_space<vmem>>) offsets(%dma_start3A_20 : memref<1xi32, #tpu.memory_space<vmem>>) semaphore(%arg8 : memref<!tpu.dma_semaphore, #tpu.memory_space<semaphore_mem>>)
    %dma_start3A_24 = arith.constant 1 : i32
    %dma_start3A_25 = arith.constant 0 : i32
    %dma_start3A_26 = arith.constant 0 : i32
    %dma_start3A_27 = tpu.memref_slice %arg6[%dma_start3A_24, %dma_start3A_25, %dma_start3A_26] : memref<2x64x256xf32, #tpu.memory_space<vmem>> -> memref<1x64x256xf32, #tpu.memory_space<vmem>>
    %dma_start3A_28 = tpu.memref_squeeze %dma_start3A_27 : memref<1x64x256xf32, #tpu.memory_space<vmem>> -> memref<64x256xf32, #tpu.memory_space<vmem>>
    %dma_start3A_29 = arith.constant 80 : i32
    %dma_start3A_30 = tpu.memref_slice %arg5[%dma_start3A_29] : memref<2560xi32, #tpu.memory_space<vmem>> -> memref<64xi32, #tpu.memory_space<vmem>>
    %dma_start3A_31 = arith.constant 0 : i32
    %dma_start3A_32 = arith.constant 0 : i32
    %dma_start3A_33 = tpu.memref_slice %arg2[%dma_start3A_31, %dma_start3A_32] : memref<1560x256xf32, #tpu.memory_space<hbm>> -> memref<1560x256xf32, #tpu.memory_space<hbm>>
    tpu.enqueue_indirect_dma source(%dma_start3A_33 : memref<1560x256xf32, #tpu.memory_space<hbm>>) target(%dma_start3A_28 : memref<64x256xf32, #tpu.memory_space<vmem>>) offsets(%dma_start3A_30 : memref<64xi32, #tpu.memory_space<vmem>>) semaphore(%arg9 : memref<!tpu.dma_semaphore, #tpu.memory_space<semaphore_mem>>)
    %dma_start3A_34 = arith.constant 1 : i32
    %dma_start3A_35 = arith.constant 0 : i32
    %dma_start3A_36 = arith.constant 0 : i32
    %dma_start3A_37 = tpu.memref_slice %arg7[%dma_start3A_34, %dma_start3A_35, %dma_start3A_36] : memref<2x1x256xf32, #tpu.memory_space<vmem>> -> memref<1x1x256xf32, #tpu.memory_space<vmem>>
    %dma_start3A_38 = tpu.memref_squeeze %dma_start3A_37 : memref<1x1x256xf32, #tpu.memory_space<vmem>> -> memref<1x256xf32, #tpu.memory_space<vmem>>
    %dma_start3A_39 = arith.constant 144 : i32
    %dma_start3A_40 = tpu.memref_slice %arg5[%dma_start3A_39] : memref<2560xi32, #tpu.memory_space<vmem>> -> memref<1xi32, #tpu.memory_space<vmem>>
    %dma_start3A_41 = arith.constant 0 : i32
    %dma_start3A_42 = arith.constant 0 : i32
    %dma_start3A_43 = tpu.memref_slice %arg2[%dma_start3A_41, %dma_start3A_42] : memref<1560x256xf32, #tpu.memory_space<hbm>> -> memref<1560x256xf32, #tpu.memory_space<hbm>>
    tpu.enqueue_indirect_dma source(%dma_start3A_43 : memref<1560x256xf32, #tpu.memory_space<hbm>>) target(%dma_start3A_38 : memref<1x256xf32, #tpu.memory_space<vmem>>) offsets(%dma_start3A_40 : memref<1xi32, #tpu.memory_space<vmem>>) semaphore(%arg9 : memref<!tpu.dma_semaphore, #tpu.memory_space<semaphore_mem>>)
    %scan3A = arith.constant 0 : i32
    %scan3A_44 = arith.constant 0 : i32
    %scan3A_45 = arith.constant 16 : i32
    %scan3A_46 = arith.addi %scan3A_44, %scan3A_45 : i32
    %scan3A_47 = arith.constant 1 : i32
    scf.for %scan3A_49 = %scan3A_44 to %scan3A_46 step %scan3A_47  : i32 {
      %mul3A_50 = arith.constant 2 : i32
      %mul3A_51 = arith.muli %mul3A_50, %scan3A_49 : i32
      %add3A_52 = arith.constant 2 : i32
      %add3A_53 = arith.addi %mul3A_51, %add3A_52 : i32
      %lt3A = arith.constant 32 : i32
      %lt3A_54 = arith.cmpi slt, %add3A_53, %lt3A : i32
      %mul3A_55 = arith.constant 80 : i32
      %mul3A_56 = arith.muli %mul3A_51, %mul3A_55 : i32
      %dma_wait3A = arith.constant 0 : i32
      %dma_wait3A_57 = arith.constant 0 : i32
      %dma_wait3A_58 = arith.constant 0 : i32
      %dma_wait3A_59 = tpu.memref_slice %arg6[%dma_wait3A, %dma_wait3A_57, %dma_wait3A_58] : memref<2x64x256xf32, #tpu.memory_space<vmem>> -> memref<1x64x256xf32, #tpu.memory_space<vmem>>
      %dma_wait3A_60 = tpu.memref_squeeze %dma_wait3A_59 : memref<1x64x256xf32, #tpu.memory_space<vmem>> -> memref<64x256xf32, #tpu.memory_space<vmem>>
      %dma_wait3A_61 = tpu.memref_slice %arg5[%mul3A_56] : memref<2560xi32, #tpu.memory_space<vmem>> -> memref<64xi32, #tpu.memory_space<vmem>>
      %dma_wait3A_62 = arith.constant 0 : i32
      %dma_wait3A_63 = arith.constant 0 : i32
      %dma_wait3A_64 = tpu.memref_slice %arg2[%dma_wait3A_62, %dma_wait3A_63] : memref<1560x256xf32, #tpu.memory_space<hbm>> -> memref<1560x256xf32, #tpu.memory_space<hbm>>
      tpu.wait_indirect_dma semaphore(%arg8 : memref<!tpu.dma_semaphore, #tpu.memory_space<semaphore_mem>>) src(%dma_wait3A_64 : memref<1560x256xf32, #tpu.memory_space<hbm>>) dst(%dma_wait3A_60 : memref<64x256xf32, #tpu.memory_space<vmem>>)
      %mul3A_65 = arith.constant 80 : i32
      %mul3A_66 = arith.muli %mul3A_51, %mul3A_65 : i32
      %add3A_67 = arith.constant 64 : i32
      %add3A_68 = arith.addi %mul3A_66, %add3A_67 : i32
      %dma_wait3A_69 = arith.constant 0 : i32
      %dma_wait3A_70 = arith.constant 0 : i32
      %dma_wait3A_71 = arith.constant 0 : i32
      %dma_wait3A_72 = tpu.memref_slice %arg7[%dma_wait3A_69, %dma_wait3A_70, %dma_wait3A_71] : memref<2x1x256xf32, #tpu.memory_space<vmem>> -> memref<1x1x256xf32, #tpu.memory_space<vmem>>
      %dma_wait3A_73 = tpu.memref_squeeze %dma_wait3A_72 : memref<1x1x256xf32, #tpu.memory_space<vmem>> -> memref<1x256xf32, #tpu.memory_space<vmem>>
      %dma_wait3A_74 = tpu.memref_slice %arg5[%add3A_68] : memref<2560xi32, #tpu.memory_space<vmem>> -> memref<1xi32, #tpu.memory_space<vmem>>
      %dma_wait3A_75 = arith.constant 0 : i32
      %dma_wait3A_76 = arith.constant 0 : i32
      %dma_wait3A_77 = tpu.memref_slice %arg2[%dma_wait3A_75, %dma_wait3A_76] : memref<1560x256xf32, #tpu.memory_space<hbm>> -> memref<1560x256xf32, #tpu.memory_space<hbm>>
      tpu.wait_indirect_dma semaphore(%arg8 : memref<!tpu.dma_semaphore, #tpu.memory_space<semaphore_mem>>) src(%dma_wait3A_77 : memref<1560x256xf32, #tpu.memory_space<hbm>>) dst(%dma_wait3A_73 : memref<1x256xf32, #tpu.memory_space<vmem>>)
      %add3A_78 = arith.addi %mul3A_2, %mul3A_51 : i32
      %dma_start3A_79 = arith.constant 0 : i32
      %dma_start3A_80 = arith.constant 0 : i32
      %dma_start3A_81 = arith.constant 0 : i32
      %dma_start3A_82 = tpu.memref_slice %arg6[%dma_start3A_79, %dma_start3A_80, %dma_start3A_81] : memref<2x64x256xf32, #tpu.memory_space<vmem>> -> memref<1x64x256xf32, #tpu.memory_space<vmem>>
      %dma_start3A_83 = tpu.memref_squeeze %dma_start3A_82 : memref<1x64x256xf32, #tpu.memory_space<vmem>> -> memref<64x256xf32, #tpu.memory_space<vmem>>
      %dma_start3A_84 = arith.constant 0 : i32
      %dma_start3A_85 = arith.constant 0 : i32
      %dma_start3A_86 = tpu.memref_slice %arg4[%add3A_78, %dma_start3A_84, %dma_start3A_85] : memref<1024x65x256xf32, #tpu.memory_space<hbm>> -> memref<1x64x256xf32, #tpu.memory_space<hbm>>
      %dma_start3A_87 = tpu.memref_squeeze %dma_start3A_86 : memref<1x64x256xf32, #tpu.memory_space<hbm>> -> memref<64x256xf32, #tpu.memory_space<hbm>>
      %dma_start3A_88 = arith.constant 0 : i32
      %dma_start3A_89 = arith.constant 0 : i32
      %dma_start3A_90 = tpu.memref_slice %arg4[%add3A_78, %dma_start3A_88, %dma_start3A_89] : memref<1024x65x256xf32, #tpu.memory_space<hbm>> -> memref<1x64x256xf32, #tpu.memory_space<hbm>>
      %dma_start3A_91 = tpu.memref_squeeze %dma_start3A_90 : memref<1x64x256xf32, #tpu.memory_space<hbm>> -> memref<64x256xf32, #tpu.memory_space<hbm>>
      %dma_start3A_92 = arith.constant 0 : i32
      %dma_start3A_93 = arith.constant 0 : i32
      %dma_start3A_94 = tpu.memref_slice %arg6[%dma_start3A_79, %dma_start3A_92, %dma_start3A_93] : memref<2x64x256xf32, #tpu.memory_space<vmem>> -> memref<1x64x256xf32, #tpu.memory_space<vmem>>
      %dma_start3A_95 = tpu.memref_squeeze %dma_start3A_94 : memref<1x64x256xf32, #tpu.memory_space<vmem>> -> memref<64x256xf32, #tpu.memory_space<vmem>>
      tpu.enqueue_dma source(%dma_start3A_95 : memref<64x256xf32, #tpu.memory_space<vmem>>) target(%dma_start3A_91 : memref<64x256xf32, #tpu.memory_space<hbm>>) target_semaphore(%arg10 : memref<!tpu.dma_semaphore, #tpu.memory_space<semaphore_mem>>)
      %add3A_96 = arith.addi %mul3A_2, %mul3A_51 : i32
      %dma_start3A_97 = arith.constant 0 : i32
      %dma_start3A_98 = arith.constant 0 : i32
      %dma_start3A_99 = arith.constant 0 : i32
      %dma_start3A_100 = tpu.memref_slice %arg7[%dma_start3A_97, %dma_start3A_98, %dma_start3A_99] : memref<2x1x256xf32, #tpu.memory_space<vmem>> -> memref<1x1x256xf32, #tpu.memory_space<vmem>>
      %dma_start3A_101 = tpu.memref_squeeze %dma_start3A_100 : memref<1x1x256xf32, #tpu.memory_space<vmem>> -> memref<1x256xf32, #tpu.memory_space<vmem>>
      %dma_start3A_102 = arith.constant 64 : i32
      %dma_start3A_103 = arith.constant 0 : i32
      %dma_start3A_104 = tpu.memref_slice %arg4[%add3A_96, %dma_start3A_102, %dma_start3A_103] : memref<1024x65x256xf32, #tpu.memory_space<hbm>> -> memref<1x1x256xf32, #tpu.memory_space<hbm>>
      %dma_start3A_105 = tpu.memref_squeeze %dma_start3A_104 : memref<1x1x256xf32, #tpu.memory_space<hbm>> -> memref<1x256xf32, #tpu.memory_space<hbm>>
      %dma_start3A_106 = arith.constant 64 : i32
      %dma_start3A_107 = arith.constant 0 : i32
      %dma_start3A_108 = tpu.memref_slice %arg4[%add3A_96, %dma_start3A_106, %dma_start3A_107] : memref<1024x65x256xf32, #tpu.memory_space<hbm>> -> memref<1x1x256xf32, #tpu.memory_space<hbm>>
      %dma_start3A_109 = tpu.memref_squeeze %dma_start3A_108 : memref<1x1x256xf32, #tpu.memory_space<hbm>> -> memref<1x256xf32, #tpu.memory_space<hbm>>
      %dma_start3A_110 = arith.constant 0 : i32
      %dma_start3A_111 = arith.constant 0 : i32
      %dma_start3A_112 = tpu.memref_slice %arg7[%dma_start3A_97, %dma_start3A_110, %dma_start3A_111] : memref<2x1x256xf32, #tpu.memory_space<vmem>> -> memref<1x1x256xf32, #tpu.memory_space<vmem>>
      %dma_start3A_113 = tpu.memref_squeeze %dma_start3A_112 : memref<1x1x256xf32, #tpu.memory_space<vmem>> -> memref<1x256xf32, #tpu.memory_space<vmem>>
      tpu.enqueue_dma source(%dma_start3A_113 : memref<1x256xf32, #tpu.memory_space<vmem>>) target(%dma_start3A_109 : memref<1x256xf32, #tpu.memory_space<hbm>>) target_semaphore(%arg10 : memref<!tpu.dma_semaphore, #tpu.memory_space<semaphore_mem>>)
      %add3A_114 = arith.constant 1 : i32
      %add3A_115 = arith.addi %mul3A_51, %add3A_114 : i32
      %mul3A_116 = arith.constant 80 : i32
      %mul3A_117 = arith.muli %add3A_115, %mul3A_116 : i32
      %dma_wait3A_118 = arith.constant 1 : i32
      %dma_wait3A_119 = arith.constant 0 : i32
      %dma_wait3A_120 = arith.constant 0 : i32
      %dma_wait3A_121 = tpu.memref_slice %arg6[%dma_wait3A_118, %dma_wait3A_119, %dma_wait3A_120] : memref<2x64x256xf32, #tpu.memory_space<vmem>> -> memref<1x64x256xf32, #tpu.memory_space<vmem>>
      %dma_wait3A_122 = tpu.memref_squeeze %dma_wait3A_121 : memref<1x64x256xf32, #tpu.memory_space<vmem>> -> memref<64x256xf32, #tpu.memory_space<vmem>>
      %dma_wait3A_123 = tpu.memref_slice %arg5[%mul3A_117] : memref<2560xi32, #tpu.memory_space<vmem>> -> memref<64xi32, #tpu.memory_space<vmem>>
      %dma_wait3A_124 = arith.constant 0 : i32
      %dma_wait3A_125 = arith.constant 0 : i32
      %dma_wait3A_126 = tpu.memref_slice %arg2[%dma_wait3A_124, %dma_wait3A_125] : memref<1560x256xf32, #tpu.memory_space<hbm>> -> memref<1560x256xf32, #tpu.memory_space<hbm>>
      tpu.wait_indirect_dma semaphore(%arg9 : memref<!tpu.dma_semaphore, #tpu.memory_space<semaphore_mem>>) src(%dma_wait3A_126 : memref<1560x256xf32, #tpu.memory_space<hbm>>) dst(%dma_wait3A_122 : memref<64x256xf32, #tpu.memory_space<vmem>>)
      %mul3A_127 = arith.constant 80 : i32
      %mul3A_128 = arith.muli %add3A_115, %mul3A_127 : i32
      %add3A_129 = arith.constant 64 : i32
      %add3A_130 = arith.addi %mul3A_128, %add3A_129 : i32
      %dma_wait3A_131 = arith.constant 1 : i32
      %dma_wait3A_132 = arith.constant 0 : i32
      %dma_wait3A_133 = arith.constant 0 : i32
      %dma_wait3A_134 = tpu.memref_slice %arg7[%dma_wait3A_131, %dma_wait3A_132, %dma_wait3A_133] : memref<2x1x256xf32, #tpu.memory_space<vmem>> -> memref<1x1x256xf32, #tpu.memory_space<vmem>>
      %dma_wait3A_135 = tpu.memref_squeeze %dma_wait3A_134 : memref<1x1x256xf32, #tpu.memory_space<vmem>> -> memref<1x256xf32, #tpu.memory_space<vmem>>
      %dma_wait3A_136 = tpu.memref_slice %arg5[%add3A_130] : memref<2560xi32, #tpu.memory_space<vmem>> -> memref<1xi32, #tpu.memory_space<vmem>>
      %dma_wait3A_137 = arith.constant 0 : i32
      %dma_wait3A_138 = arith.constant 0 : i32
      %dma_wait3A_139 = tpu.memref_slice %arg2[%dma_wait3A_137, %dma_wait3A_138] : memref<1560x256xf32, #tpu.memory_space<hbm>> -> memref<1560x256xf32, #tpu.memory_space<hbm>>
      tpu.wait_indirect_dma semaphore(%arg9 : memref<!tpu.dma_semaphore, #tpu.memory_space<semaphore_mem>>) src(%dma_wait3A_139 : memref<1560x256xf32, #tpu.memory_space<hbm>>) dst(%dma_wait3A_135 : memref<1x256xf32, #tpu.memory_space<vmem>>)
      %add3A_140 = arith.constant 1 : i32
      %add3A_141 = arith.addi %mul3A_51, %add3A_140 : i32
      %add3A_142 = arith.addi %mul3A_2, %add3A_141 : i32
      %dma_start3A_143 = arith.constant 1 : i32
      %dma_start3A_144 = arith.constant 0 : i32
      %dma_start3A_145 = arith.constant 0 : i32
      %dma_start3A_146 = tpu.memref_slice %arg6[%dma_start3A_143, %dma_start3A_144, %dma_start3A_145] : memref<2x64x256xf32, #tpu.memory_space<vmem>> -> memref<1x64x256xf32, #tpu.memory_space<vmem>>
      %dma_start3A_147 = tpu.memref_squeeze %dma_start3A_146 : memref<1x64x256xf32, #tpu.memory_space<vmem>> -> memref<64x256xf32, #tpu.memory_space<vmem>>
      %dma_start3A_148 = arith.constant 0 : i32
      %dma_start3A_149 = arith.constant 0 : i32
      %dma_start3A_150 = tpu.memref_slice %arg4[%add3A_142, %dma_start3A_148, %dma_start3A_149] : memref<1024x65x256xf32, #tpu.memory_space<hbm>> -> memref<1x64x256xf32, #tpu.memory_space<hbm>>
      %dma_start3A_151 = tpu.memref_squeeze %dma_start3A_150 : memref<1x64x256xf32, #tpu.memory_space<hbm>> -> memref<64x256xf32, #tpu.memory_space<hbm>>
      %dma_start3A_152 = arith.constant 0 : i32
      %dma_start3A_153 = arith.constant 0 : i32
      %dma_start3A_154 = tpu.memref_slice %arg4[%add3A_142, %dma_start3A_152, %dma_start3A_153] : memref<1024x65x256xf32, #tpu.memory_space<hbm>> -> memref<1x64x256xf32, #tpu.memory_space<hbm>>
      %dma_start3A_155 = tpu.memref_squeeze %dma_start3A_154 : memref<1x64x256xf32, #tpu.memory_space<hbm>> -> memref<64x256xf32, #tpu.memory_space<hbm>>
      %dma_start3A_156 = arith.constant 0 : i32
      %dma_start3A_157 = arith.constant 0 : i32
      %dma_start3A_158 = tpu.memref_slice %arg6[%dma_start3A_143, %dma_start3A_156, %dma_start3A_157] : memref<2x64x256xf32, #tpu.memory_space<vmem>> -> memref<1x64x256xf32, #tpu.memory_space<vmem>>
      %dma_start3A_159 = tpu.memref_squeeze %dma_start3A_158 : memref<1x64x256xf32, #tpu.memory_space<vmem>> -> memref<64x256xf32, #tpu.memory_space<vmem>>
      tpu.enqueue_dma source(%dma_start3A_159 : memref<64x256xf32, #tpu.memory_space<vmem>>) target(%dma_start3A_155 : memref<64x256xf32, #tpu.memory_space<hbm>>) target_semaphore(%arg11 : memref<!tpu.dma_semaphore, #tpu.memory_space<semaphore_mem>>)
      %add3A_160 = arith.addi %mul3A_2, %add3A_141 : i32
      %dma_start3A_161 = arith.constant 1 : i32
      %dma_start3A_162 = arith.constant 0 : i32
      %dma_start3A_163 = arith.constant 0 : i32
      %dma_start3A_164 = tpu.memref_slice %arg7[%dma_start3A_161, %dma_start3A_162, %dma_start3A_163] : memref<2x1x256xf32, #tpu.memory_space<vmem>> -> memref<1x1x256xf32, #tpu.memory_space<vmem>>
      %dma_start3A_165 = tpu.memref_squeeze %dma_start3A_164 : memref<1x1x256xf32, #tpu.memory_space<vmem>> -> memref<1x256xf32, #tpu.memory_space<vmem>>
      %dma_start3A_166 = arith.constant 64 : i32
      %dma_start3A_167 = arith.constant 0 : i32
      %dma_start3A_168 = tpu.memref_slice %arg4[%add3A_160, %dma_start3A_166, %dma_start3A_167] : memref<1024x65x256xf32, #tpu.memory_space<hbm>> -> memref<1x1x256xf32, #tpu.memory_space<hbm>>
      %dma_start3A_169 = tpu.memref_squeeze %dma_start3A_168 : memref<1x1x256xf32, #tpu.memory_space<hbm>> -> memref<1x256xf32, #tpu.memory_space<hbm>>
      %dma_start3A_170 = arith.constant 64 : i32
      %dma_start3A_171 = arith.constant 0 : i32
      %dma_start3A_172 = tpu.memref_slice %arg4[%add3A_160, %dma_start3A_170, %dma_start3A_171] : memref<1024x65x256xf32, #tpu.memory_space<hbm>> -> memref<1x1x256xf32, #tpu.memory_space<hbm>>
      %dma_start3A_173 = tpu.memref_squeeze %dma_start3A_172 : memref<1x1x256xf32, #tpu.memory_space<hbm>> -> memref<1x256xf32, #tpu.memory_space<hbm>>
      %dma_start3A_174 = arith.constant 0 : i32
      %dma_start3A_175 = arith.constant 0 : i32
      %dma_start3A_176 = tpu.memref_slice %arg7[%dma_start3A_161, %dma_start3A_174, %dma_start3A_175] : memref<2x1x256xf32, #tpu.memory_space<vmem>> -> memref<1x1x256xf32, #tpu.memory_space<vmem>>
      %dma_start3A_177 = tpu.memref_squeeze %dma_start3A_176 : memref<1x1x256xf32, #tpu.memory_space<vmem>> -> memref<1x256xf32, #tpu.memory_space<vmem>>
      tpu.enqueue_dma source(%dma_start3A_177 : memref<1x256xf32, #tpu.memory_space<vmem>>) target(%dma_start3A_173 : memref<1x256xf32, #tpu.memory_space<hbm>>) target_semaphore(%arg11 : memref<!tpu.dma_semaphore, #tpu.memory_space<semaphore_mem>>)
      %add3A_178 = arith.addi %mul3A_2, %mul3A_51 : i32
      %dma_wait3A_179 = arith.constant 0 : i32
      %dma_wait3A_180 = arith.constant 0 : i32
      %dma_wait3A_181 = arith.constant 0 : i32
      %dma_wait3A_182 = tpu.memref_slice %arg6[%dma_wait3A_179, %dma_wait3A_180, %dma_wait3A_181] : memref<2x64x256xf32, #tpu.memory_space<vmem>> -> memref<1x64x256xf32, #tpu.memory_space<vmem>>
      %dma_wait3A_183 = tpu.memref_squeeze %dma_wait3A_182 : memref<1x64x256xf32, #tpu.memory_space<vmem>> -> memref<64x256xf32, #tpu.memory_space<vmem>>
      %dma_wait3A_184 = arith.constant 0 : i32
      %dma_wait3A_185 = arith.constant 0 : i32
      %dma_wait3A_186 = tpu.memref_slice %arg4[%add3A_178, %dma_wait3A_184, %dma_wait3A_185] : memref<1024x65x256xf32, #tpu.memory_space<hbm>> -> memref<1x64x256xf32, #tpu.memory_space<hbm>>
      %dma_wait3A_187 = tpu.memref_squeeze %dma_wait3A_186 : memref<1x64x256xf32, #tpu.memory_space<hbm>> -> memref<64x256xf32, #tpu.memory_space<hbm>>
      %dma_wait3A_188 = arith.constant 0 : i32
      %dma_wait3A_189 = arith.constant 0 : i32
      %dma_wait3A_190 = tpu.memref_slice %arg4[%add3A_178, %dma_wait3A_188, %dma_wait3A_189] : memref<1024x65x256xf32, #tpu.memory_space<hbm>> -> memref<1x64x256xf32, #tpu.memory_space<hbm>>
      %dma_wait3A_191 = tpu.memref_squeeze %dma_wait3A_190 : memref<1x64x256xf32, #tpu.memory_space<hbm>> -> memref<64x256xf32, #tpu.memory_space<hbm>>
      %dma_wait3A_192 = arith.constant 0 : i32
      %dma_wait3A_193 = arith.constant 0 : i32
      %dma_wait3A_194 = tpu.memref_slice %arg6[%dma_wait3A_179, %dma_wait3A_192, %dma_wait3A_193] : memref<2x64x256xf32, #tpu.memory_space<vmem>> -> memref<1x64x256xf32, #tpu.memory_space<vmem>>
      %dma_wait3A_195 = tpu.memref_squeeze %dma_wait3A_194 : memref<1x64x256xf32, #tpu.memory_space<vmem>> -> memref<64x256xf32, #tpu.memory_space<vmem>>
      tpu.wait_dma2 semaphore(%arg10 : memref<!tpu.dma_semaphore, #tpu.memory_space<semaphore_mem>>) src(%dma_wait3A_195 : memref<64x256xf32, #tpu.memory_space<vmem>>) dst(%dma_wait3A_191 : memref<64x256xf32, #tpu.memory_space<hbm>>)
      %add3A_196 = arith.addi %mul3A_2, %mul3A_51 : i32
      %dma_wait3A_197 = arith.constant 0 : i32
      %dma_wait3A_198 = arith.constant 0 : i32
      %dma_wait3A_199 = arith.constant 0 : i32
      %dma_wait3A_200 = tpu.memref_slice %arg7[%dma_wait3A_197, %dma_wait3A_198, %dma_wait3A_199] : memref<2x1x256xf32, #tpu.memory_space<vmem>> -> memref<1x1x256xf32, #tpu.memory_space<vmem>>
      %dma_wait3A_201 = tpu.memref_squeeze %dma_wait3A_200 : memref<1x1x256xf32, #tpu.memory_space<vmem>> -> memref<1x256xf32, #tpu.memory_space<vmem>>
      %dma_wait3A_202 = arith.constant 64 : i32
      %dma_wait3A_203 = arith.constant 0 : i32
      %dma_wait3A_204 = tpu.memref_slice %arg4[%add3A_196, %dma_wait3A_202, %dma_wait3A_203] : memref<1024x65x256xf32, #tpu.memory_space<hbm>> -> memref<1x1x256xf32, #tpu.memory_space<hbm>>
      %dma_wait3A_205 = tpu.memref_squeeze %dma_wait3A_204 : memref<1x1x256xf32, #tpu.memory_space<hbm>> -> memref<1x256xf32, #tpu.memory_space<hbm>>
      %dma_wait3A_206 = arith.constant 64 : i32
      %dma_wait3A_207 = arith.constant 0 : i32
      %dma_wait3A_208 = tpu.memref_slice %arg4[%add3A_196, %dma_wait3A_206, %dma_wait3A_207] : memref<1024x65x256xf32, #tpu.memory_space<hbm>> -> memref<1x1x256xf32, #tpu.memory_space<hbm>>
      %dma_wait3A_209 = tpu.memref_squeeze %dma_wait3A_208 : memref<1x1x256xf32, #tpu.memory_space<hbm>> -> memref<1x256xf32, #tpu.memory_space<hbm>>
      %dma_wait3A_210 = arith.constant 0 : i32
      %dma_wait3A_211 = arith.constant 0 : i32
      %dma_wait3A_212 = tpu.memref_slice %arg7[%dma_wait3A_197, %dma_wait3A_210, %dma_wait3A_211] : memref<2x1x256xf32, #tpu.memory_space<vmem>> -> memref<1x1x256xf32, #tpu.memory_space<vmem>>
      %dma_wait3A_213 = tpu.memref_squeeze %dma_wait3A_212 : memref<1x1x256xf32, #tpu.memory_space<vmem>> -> memref<1x256xf32, #tpu.memory_space<vmem>>
      tpu.wait_dma2 semaphore(%arg10 : memref<!tpu.dma_semaphore, #tpu.memory_space<semaphore_mem>>) src(%dma_wait3A_213 : memref<1x256xf32, #tpu.memory_space<vmem>>) dst(%dma_wait3A_209 : memref<1x256xf32, #tpu.memory_space<hbm>>)
      %convert_element_type3A = arith.extui %lt3A_54 : i1 to i32
      %cond3A = arith.constant 0 : i32
      %cond3A_214 = arith.cmpi ne, %convert_element_type3A, %cond3A : i32
      scf.if %cond3A_214 {
        %add3A_256 = arith.constant 2 : i32
        %add3A_257 = arith.addi %mul3A_51, %add3A_256 : i32
        %mul3A_258 = arith.constant 80 : i32
        %mul3A_259 = arith.muli %add3A_257, %mul3A_258 : i32
        %dma_start3A_260 = arith.constant 0 : i32
        %dma_start3A_261 = arith.constant 0 : i32
        %dma_start3A_262 = arith.constant 0 : i32
        %dma_start3A_263 = tpu.memref_slice %arg6[%dma_start3A_260, %dma_start3A_261, %dma_start3A_262] : memref<2x64x256xf32, #tpu.memory_space<vmem>> -> memref<1x64x256xf32, #tpu.memory_space<vmem>>
        %dma_start3A_264 = tpu.memref_squeeze %dma_start3A_263 : memref<1x64x256xf32, #tpu.memory_space<vmem>> -> memref<64x256xf32, #tpu.memory_space<vmem>>
        %dma_start3A_265 = tpu.memref_slice %arg5[%mul3A_259] : memref<2560xi32, #tpu.memory_space<vmem>> -> memref<64xi32, #tpu.memory_space<vmem>>
        %dma_start3A_266 = arith.constant 0 : i32
        %dma_start3A_267 = arith.constant 0 : i32
        %dma_start3A_268 = tpu.memref_slice %arg2[%dma_start3A_266, %dma_start3A_267] : memref<1560x256xf32, #tpu.memory_space<hbm>> -> memref<1560x256xf32, #tpu.memory_space<hbm>>
        tpu.enqueue_indirect_dma source(%dma_start3A_268 : memref<1560x256xf32, #tpu.memory_space<hbm>>) target(%dma_start3A_264 : memref<64x256xf32, #tpu.memory_space<vmem>>) offsets(%dma_start3A_265 : memref<64xi32, #tpu.memory_space<vmem>>) semaphore(%arg8 : memref<!tpu.dma_semaphore, #tpu.memory_space<semaphore_mem>>)
        %mul3A_269 = arith.constant 80 : i32
        %mul3A_270 = arith.muli %add3A_257, %mul3A_269 : i32
        %add3A_271 = arith.constant 64 : i32
        %add3A_272 = arith.addi %mul3A_270, %add3A_271 : i32
        %dma_start3A_273 = arith.constant 0 : i32
        %dma_start3A_274 = arith.constant 0 : i32
        %dma_start3A_275 = arith.constant 0 : i32
        %dma_start3A_276 = tpu.memref_slice %arg7[%dma_start3A_273, %dma_start3A_274, %dma_start3A_275] : memref<2x1x256xf32, #tpu.memory_space<vmem>> -> memref<1x1x256xf32, #tpu.memory_space<vmem>>
        %dma_start3A_277 = tpu.memref_squeeze %dma_start3A_276 : memref<1x1x256xf32, #tpu.memory_space<vmem>> -> memref<1x256xf32, #tpu.memory_space<vmem>>
        %dma_start3A_278 = tpu.memref_slice %arg5[%add3A_272] : memref<2560xi32, #tpu.memory_space<vmem>> -> memref<1xi32, #tpu.memory_space<vmem>>
        %dma_start3A_279 = arith.constant 0 : i32
        %dma_start3A_280 = arith.constant 0 : i32
        %dma_start3A_281 = tpu.memref_slice %arg2[%dma_start3A_279, %dma_start3A_280] : memref<1560x256xf32, #tpu.memory_space<hbm>> -> memref<1560x256xf32, #tpu.memory_space<hbm>>
        tpu.enqueue_indirect_dma source(%dma_start3A_281 : memref<1560x256xf32, #tpu.memory_space<hbm>>) target(%dma_start3A_277 : memref<1x256xf32, #tpu.memory_space<vmem>>) offsets(%dma_start3A_278 : memref<1xi32, #tpu.memory_space<vmem>>) semaphore(%arg8 : memref<!tpu.dma_semaphore, #tpu.memory_space<semaphore_mem>>)
      } else {
      }
      %add3A_215 = arith.constant 1 : i32
      %add3A_216 = arith.addi %mul3A_51, %add3A_215 : i32
      %add3A_217 = arith.addi %mul3A_2, %add3A_216 : i32
      %dma_wait3A_218 = arith.constant 1 : i32
      %dma_wait3A_219 = arith.constant 0 : i32
      %dma_wait3A_220 = arith.constant 0 : i32
      %dma_wait3A_221 = tpu.memref_slice %arg6[%dma_wait3A_218, %dma_wait3A_219, %dma_wait3A_220] : memref<2x64x256xf32, #tpu.memory_space<vmem>> -> memref<1x64x256xf32, #tpu.memory_space<vmem>>
      %dma_wait3A_222 = tpu.memref_squeeze %dma_wait3A_221 : memref<1x64x256xf32, #tpu.memory_space<vmem>> -> memref<64x256xf32, #tpu.memory_space<vmem>>
      %dma_wait3A_223 = arith.constant 0 : i32
      %dma_wait3A_224 = arith.constant 0 : i32
      %dma_wait3A_225 = tpu.memref_slice %arg4[%add3A_217, %dma_wait3A_223, %dma_wait3A_224] : memref<1024x65x256xf32, #tpu.memory_space<hbm>> -> memref<1x64x256xf32, #tpu.memory_space<hbm>>
      %dma_wait3A_226 = tpu.memref_squeeze %dma_wait3A_225 : memref<1x64x256xf32, #tpu.memory_space<hbm>> -> memref<64x256xf32, #tpu.memory_space<hbm>>
      %dma_wait3A_227 = arith.constant 0 : i32
      %dma_wait3A_228 = arith.constant 0 : i32
      %dma_wait3A_229 = tpu.memref_slice %arg4[%add3A_217, %dma_wait3A_227, %dma_wait3A_228] : memref<1024x65x256xf32, #tpu.memory_space<hbm>> -> memref<1x64x256xf32, #tpu.memory_space<hbm>>
      %dma_wait3A_230 = tpu.memref_squeeze %dma_wait3A_229 : memref<1x64x256xf32, #tpu.memory_space<hbm>> -> memref<64x256xf32, #tpu.memory_space<hbm>>
      %dma_wait3A_231 = arith.constant 0 : i32
      %dma_wait3A_232 = arith.constant 0 : i32
      %dma_wait3A_233 = tpu.memref_slice %arg6[%dma_wait3A_218, %dma_wait3A_231, %dma_wait3A_232] : memref<2x64x256xf32, #tpu.memory_space<vmem>> -> memref<1x64x256xf32, #tpu.memory_space<vmem>>
      %dma_wait3A_234 = tpu.memref_squeeze %dma_wait3A_233 : memref<1x64x256xf32, #tpu.memory_space<vmem>> -> memref<64x256xf32, #tpu.memory_space<vmem>>
      tpu.wait_dma2 semaphore(%arg11 : memref<!tpu.dma_semaphore, #tpu.memory_space<semaphore_mem>>) src(%dma_wait3A_234 : memref<64x256xf32, #tpu.memory_space<vmem>>) dst(%dma_wait3A_230 : memref<64x256xf32, #tpu.memory_space<hbm>>)
      %add3A_235 = arith.addi %mul3A_2, %add3A_216 : i32
      %dma_wait3A_236 = arith.constant 1 : i32
      %dma_wait3A_237 = arith.constant 0 : i32
      %dma_wait3A_238 = arith.constant 0 : i32
      %dma_wait3A_239 = tpu.memref_slice %arg7[%dma_wait3A_236, %dma_wait3A_237, %dma_wait3A_238] : memref<2x1x256xf32, #tpu.memory_space<vmem>> -> memref<1x1x256xf32, #tpu.memory_space<vmem>>
      %dma_wait3A_240 = tpu.memref_squeeze %dma_wait3A_239 : memref<1x1x256xf32, #tpu.memory_space<vmem>> -> memref<1x256xf32, #tpu.memory_space<vmem>>
      %dma_wait3A_241 = arith.constant 64 : i32
      %dma_wait3A_242 = arith.constant 0 : i32
      %dma_wait3A_243 = tpu.memref_slice %arg4[%add3A_235, %dma_wait3A_241, %dma_wait3A_242] : memref<1024x65x256xf32, #tpu.memory_space<hbm>> -> memref<1x1x256xf32, #tpu.memory_space<hbm>>
      %dma_wait3A_244 = tpu.memref_squeeze %dma_wait3A_243 : memref<1x1x256xf32, #tpu.memory_space<hbm>> -> memref<1x256xf32, #tpu.memory_space<hbm>>
      %dma_wait3A_245 = arith.constant 64 : i32
      %dma_wait3A_246 = arith.constant 0 : i32
      %dma_wait3A_247 = tpu.memref_slice %arg4[%add3A_235, %dma_wait3A_245, %dma_wait3A_246] : memref<1024x65x256xf32, #tpu.memory_space<hbm>> -> memref<1x1x256xf32, #tpu.memory_space<hbm>>
      %dma_wait3A_248 = tpu.memref_squeeze %dma_wait3A_247 : memref<1x1x256xf32, #tpu.memory_space<hbm>> -> memref<1x256xf32, #tpu.memory_space<hbm>>
      %dma_wait3A_249 = arith.constant 0 : i32
      %dma_wait3A_250 = arith.constant 0 : i32
      %dma_wait3A_251 = tpu.memref_slice %arg7[%dma_wait3A_236, %dma_wait3A_249, %dma_wait3A_250] : memref<2x1x256xf32, #tpu.memory_space<vmem>> -> memref<1x1x256xf32, #tpu.memory_space<vmem>>
      %dma_wait3A_252 = tpu.memref_squeeze %dma_wait3A_251 : memref<1x1x256xf32, #tpu.memory_space<vmem>> -> memref<1x256xf32, #tpu.memory_space<vmem>>
      tpu.wait_dma2 semaphore(%arg11 : memref<!tpu.dma_semaphore, #tpu.memory_space<semaphore_mem>>) src(%dma_wait3A_252 : memref<1x256xf32, #tpu.memory_space<vmem>>) dst(%dma_wait3A_248 : memref<1x256xf32, #tpu.memory_space<hbm>>)
      %convert_element_type3A_253 = arith.extui %lt3A_54 : i1 to i32
      %cond3A_254 = arith.constant 0 : i32
      %cond3A_255 = arith.cmpi ne, %convert_element_type3A_253, %cond3A_254 : i32
      scf.if %cond3A_255 {
        %add3A_256 = arith.constant 3 : i32
        %add3A_257 = arith.addi %mul3A_51, %add3A_256 : i32
        %mul3A_258 = arith.constant 80 : i32
        %mul3A_259 = arith.muli %add3A_257, %mul3A_258 : i32
        %dma_start3A_260 = arith.constant 1 : i32
        %dma_start3A_261 = arith.constant 0 : i32
        %dma_start3A_262 = arith.constant 0 : i32
        %dma_start3A_263 = tpu.memref_slice %arg6[%dma_start3A_260, %dma_start3A_261, %dma_start3A_262] : memref<2x64x256xf32, #tpu.memory_space<vmem>> -> memref<1x64x256xf32, #tpu.memory_space<vmem>>
        %dma_start3A_264 = tpu.memref_squeeze %dma_start3A_263 : memref<1x64x256xf32, #tpu.memory_space<vmem>> -> memref<64x256xf32, #tpu.memory_space<vmem>>
        %dma_start3A_265 = tpu.memref_slice %arg5[%mul3A_259] : memref<2560xi32, #tpu.memory_space<vmem>> -> memref<64xi32, #tpu.memory_space<vmem>>
        %dma_start3A_266 = arith.constant 0 : i32
        %dma_start3A_267 = arith.constant 0 : i32
        %dma_start3A_268 = tpu.memref_slice %arg2[%dma_start3A_266, %dma_start3A_267] : memref<1560x256xf32, #tpu.memory_space<hbm>> -> memref<1560x256xf32, #tpu.memory_space<hbm>>
        tpu.enqueue_indirect_dma source(%dma_start3A_268 : memref<1560x256xf32, #tpu.memory_space<hbm>>) target(%dma_start3A_264 : memref<64x256xf32, #tpu.memory_space<vmem>>) offsets(%dma_start3A_265 : memref<64xi32, #tpu.memory_space<vmem>>) semaphore(%arg9 : memref<!tpu.dma_semaphore, #tpu.memory_space<semaphore_mem>>)
        %mul3A_269 = arith.constant 80 : i32
        %mul3A_270 = arith.muli %add3A_257, %mul3A_269 : i32
        %add3A_271 = arith.constant 64 : i32
        %add3A_272 = arith.addi %mul3A_270, %add3A_271 : i32
        %dma_start3A_273 = arith.constant 1 : i32
        %dma_start3A_274 = arith.constant 0 : i32
        %dma_start3A_275 = arith.constant 0 : i32
        %dma_start3A_276 = tpu.memref_slice %arg7[%dma_start3A_273, %dma_start3A_274, %dma_start3A_275] : memref<2x1x256xf32, #tpu.memory_space<vmem>> -> memref<1x1x256xf32, #tpu.memory_space<vmem>>
        %dma_start3A_277 = tpu.memref_squeeze %dma_start3A_276 : memref<1x1x256xf32, #tpu.memory_space<vmem>> -> memref<1x256xf32, #tpu.memory_space<vmem>>
        %dma_start3A_278 = tpu.memref_slice %arg5[%add3A_272] : memref<2560xi32, #tpu.memory_space<vmem>> -> memref<1xi32, #tpu.memory_space<vmem>>
        %dma_start3A_279 = arith.constant 0 : i32
        %dma_start3A_280 = arith.constant 0 : i32
        %dma_start3A_281 = tpu.memref_slice %arg2[%dma_start3A_279, %dma_start3A_280] : memref<1560x256xf32, #tpu.memory_space<hbm>> -> memref<1560x256xf32, #tpu.memory_space<hbm>>
        tpu.enqueue_indirect_dma source(%dma_start3A_281 : memref<1560x256xf32, #tpu.memory_space<hbm>>) target(%dma_start3A_277 : memref<1x256xf32, #tpu.memory_space<vmem>>) offsets(%dma_start3A_278 : memref<1xi32, #tpu.memory_space<vmem>>) semaphore(%arg9 : memref<!tpu.dma_semaphore, #tpu.memory_space<semaphore_mem>>)
      } else {
      }
    }
    %scan3A_48 = arith.constant 16 : i32
    return
  }
}

#map = affine_map<(d0, d1) -> (0, 0)>
#map1 = affine_map<(d0, d1) -> (0)>
#map2 = affine_map<(d0, d1) -> (0, 0, 0)>
module attributes {stable_mosaic.version = 14 : i64} {
  func.func @gather(%arg0: i32, %arg1: i32, %arg2: memref<1560x256xf32, #tpu.memory_space<hbm>>, %arg3: memref<81920xi32, #tpu.memory_space<hbm>>, %arg4: memref<1024x65x256xf32, #tpu.memory_space<hbm>>, %arg5: memref<2560xi32, #tpu.memory_space<vmem>>, %arg6: memref<2x64x256xf32, #tpu.memory_space<vmem>>, %arg7: memref<2x1x256xf32, #tpu.memory_space<vmem>>, %arg8: memref<!tpu.dma_semaphore, #tpu.memory_space<semaphore_mem>>, %arg9: memref<!tpu.dma_semaphore, #tpu.memory_space<semaphore_mem>>, %arg10: memref<!tpu.dma_semaphore, #tpu.memory_space<semaphore_mem>>, %arg11: memref<!tpu.dma_semaphore, #tpu.memory_space<semaphore_mem>>) attributes {dimension_semantics = [#tpu.dimension_semantics<core_parallel>, #tpu.dimension_semantics<subcore_parallel>], iteration_bounds = array<i64: 2, 16>, scalar_prefetch = 0 : i64, scratch_operands = 7 : i64, tpu.core_type = #tpu.core_type<sc_vector_subcore>, window_params = [{transform_indices = #map}, {transform_indices = #map1}, {transform_indices = #map2}]} {
    %mul3A = arith.constant 2 : i32
    %mul3A_0 = arith.muli %arg1, %mul3A : i32
    %add3A = arith.addi %mul3A_0, %arg0 : i32
    %mul3A_1 = arith.constant 32 : i32
    %mul3A_2 = arith.muli %add3A, %mul3A_1 : i32
    %mul3A_3 = arith.constant 80 : i32
    %mul3A_4 = arith.muli %mul3A_2, %mul3A_3 : i32
    "tpu.region"() ({
      %run_scoped3A = tpu.sem_alloc : memref<!tpu.dma_semaphore, #tpu.memory_space<semaphore_mem>>
      %dma_start3A_49 = tpu.memref_slice %arg3[%mul3A_4] : memref<81920xi32, #tpu.memory_space<hbm>> -> memref<2560xi32, #tpu.memory_space<hbm>>
      %dma_start3A_50 = tpu.memref_slice %arg3[%mul3A_4] : memref<81920xi32, #tpu.memory_space<hbm>> -> memref<2560xi32, #tpu.memory_space<hbm>>
      tpu.enqueue_dma source(%dma_start3A_50 : memref<2560xi32, #tpu.memory_space<hbm>>) target(%arg5 : memref<2560xi32, #tpu.memory_space<vmem>>) target_semaphore(%run_scoped3A : memref<!tpu.dma_semaphore, #tpu.memory_space<semaphore_mem>>)
      %dma_wait3A = tpu.memref_slice %arg3[%mul3A_4] : memref<81920xi32, #tpu.memory_space<hbm>> -> memref<2560xi32, #tpu.memory_space<hbm>>
      %dma_wait3A_51 = tpu.memref_slice %arg3[%mul3A_4] : memref<81920xi32, #tpu.memory_space<hbm>> -> memref<2560xi32, #tpu.memory_space<hbm>>
      tpu.wait_dma2 semaphore(%run_scoped3A : memref<!tpu.dma_semaphore, #tpu.memory_space<semaphore_mem>>) src(%dma_wait3A_51 : memref<2560xi32, #tpu.memory_space<hbm>>) dst(%arg5 : memref<2560xi32, #tpu.memory_space<vmem>>)
      tpu.yield
    }) : () -> ()
    %dma_start3A = arith.constant 0 : i32
    %dma_start3A_5 = arith.constant 0 : i32
    %dma_start3A_6 = arith.constant 0 : i32
    %dma_start3A_7 = tpu.memref_slice %arg6[%dma_start3A, %dma_start3A_5, %dma_start3A_6] : memref<2x64x256xf32, #tpu.memory_space<vmem>> -> memref<1x64x256xf32, #tpu.memory_space<vmem>>
    %dma_start3A_8 = tpu.memref_squeeze %dma_start3A_7 : memref<1x64x256xf32, #tpu.memory_space<vmem>> -> memref<64x256xf32, #tpu.memory_space<vmem>>
    %dma_start3A_9 = arith.constant 0 : i32
    %dma_start3A_10 = tpu.memref_slice %arg5[%dma_start3A_9] : memref<2560xi32, #tpu.memory_space<vmem>> -> memref<64xi32, #tpu.memory_space<vmem>>
    %dma_start3A_11 = arith.constant 0 : i32
    %dma_start3A_12 = arith.constant 0 : i32
    %dma_start3A_13 = tpu.memref_slice %arg2[%dma_start3A_11, %dma_start3A_12] : memref<1560x256xf32, #tpu.memory_space<hbm>> -> memref<1560x256xf32, #tpu.memory_space<hbm>>
    tpu.enqueue_indirect_dma source(%dma_start3A_13 : memref<1560x256xf32, #tpu.memory_space<hbm>>) target(%dma_start3A_8 : memref<64x256xf32, #tpu.memory_space<vmem>>) offsets(%dma_start3A_10 : memref<64xi32, #tpu.memory_space<vmem>>) semaphore(%arg8 : memref<!tpu.dma_semaphore, #tpu.memory_space<semaphore_mem>>)
    %dma_start3A_14 = arith.constant 0 : i32
    %dma_start3A_15 = arith.constant 0 : i32
    %dma_start3A_16 = arith.constant 0 : i32
    %dma_start3A_17 = tpu.memref_slice %arg7[%dma_start3A_14, %dma_start3A_15, %dma_start3A_16] : memref<2x1x256xf32, #tpu.memory_space<vmem>> -> memref<1x1x256xf32, #tpu.memory_space<vmem>>
    %dma_start3A_18 = tpu.memref_squeeze %dma_start3A_17 : memref<1x1x256xf32, #tpu.memory_space<vmem>> -> memref<1x256xf32, #tpu.memory_space<vmem>>
    %dma_start3A_19 = arith.constant 64 : i32
    %dma_start3A_20 = tpu.memref_slice %arg5[%dma_start3A_19] : memref<2560xi32, #tpu.memory_space<vmem>> -> memref<1xi32, #tpu.memory_space<vmem>>
    %dma_start3A_21 = arith.constant 0 : i32
    %dma_start3A_22 = arith.constant 0 : i32
    %dma_start3A_23 = tpu.memref_slice %arg2[%dma_start3A_21, %dma_start3A_22] : memref<1560x256xf32, #tpu.memory_space<hbm>> -> memref<1560x256xf32, #tpu.memory_space<hbm>>
    tpu.enqueue_indirect_dma source(%dma_start3A_23 : memref<1560x256xf32, #tpu.memory_space<hbm>>) target(%dma_start3A_18 : memref<1x256xf32, #tpu.memory_space<vmem>>) offsets(%dma_start3A_20 : memref<1xi32, #tpu.memory_space<vmem>>) semaphore(%arg8 : memref<!tpu.dma_semaphore, #tpu.memory_space<semaphore_mem>>)
    %dma_start3A_24 = arith.constant 1 : i32
    %dma_start3A_25 = arith.constant 0 : i32
    %dma_start3A_26 = arith.constant 0 : i32
    %dma_start3A_27 = tpu.memref_slice %arg6[%dma_start3A_24, %dma_start3A_25, %dma_start3A_26] : memref<2x64x256xf32, #tpu.memory_space<vmem>> -> memref<1x64x256xf32, #tpu.memory_space<vmem>>
    %dma_start3A_28 = tpu.memref_squeeze %dma_start3A_27 : memref<1x64x256xf32, #tpu.memory_space<vmem>> -> memref<64x256xf32, #tpu.memory_space<vmem>>
    %dma_start3A_29 = arith.constant 80 : i32
    %dma_start3A_30 = tpu.memref_slice %arg5[%dma_start3A_29] : memref<2560xi32, #tpu.memory_space<vmem>> -> memref<64xi32, #tpu.memory_space<vmem>>
    %dma_start3A_31 = arith.constant 0 : i32
    %dma_start3A_32 = arith.constant 0 : i32
    %dma_start3A_33 = tpu.memref_slice %arg2[%dma_start3A_31, %dma_start3A_32] : memref<1560x256xf32, #tpu.memory_space<hbm>> -> memref<1560x256xf32, #tpu.memory_space<hbm>>
    tpu.enqueue_indirect_dma source(%dma_start3A_33 : memref<1560x256xf32, #tpu.memory_space<hbm>>) target(%dma_start3A_28 : memref<64x256xf32, #tpu.memory_space<vmem>>) offsets(%dma_start3A_30 : memref<64xi32, #tpu.memory_space<vmem>>) semaphore(%arg9 : memref<!tpu.dma_semaphore, #tpu.memory_space<semaphore_mem>>)
    %dma_start3A_34 = arith.constant 1 : i32
    %dma_start3A_35 = arith.constant 0 : i32
    %dma_start3A_36 = arith.constant 0 : i32
    %dma_start3A_37 = tpu.memref_slice %arg7[%dma_start3A_34, %dma_start3A_35, %dma_start3A_36] : memref<2x1x256xf32, #tpu.memory_space<vmem>> -> memref<1x1x256xf32, #tpu.memory_space<vmem>>
    %dma_start3A_38 = tpu.memref_squeeze %dma_start3A_37 : memref<1x1x256xf32, #tpu.memory_space<vmem>> -> memref<1x256xf32, #tpu.memory_space<vmem>>
    %dma_start3A_39 = arith.constant 144 : i32
    %dma_start3A_40 = tpu.memref_slice %arg5[%dma_start3A_39] : memref<2560xi32, #tpu.memory_space<vmem>> -> memref<1xi32, #tpu.memory_space<vmem>>
    %dma_start3A_41 = arith.constant 0 : i32
    %dma_start3A_42 = arith.constant 0 : i32
    %dma_start3A_43 = tpu.memref_slice %arg2[%dma_start3A_41, %dma_start3A_42] : memref<1560x256xf32, #tpu.memory_space<hbm>> -> memref<1560x256xf32, #tpu.memory_space<hbm>>
    tpu.enqueue_indirect_dma source(%dma_start3A_43 : memref<1560x256xf32, #tpu.memory_space<hbm>>) target(%dma_start3A_38 : memref<1x256xf32, #tpu.memory_space<vmem>>) offsets(%dma_start3A_40 : memref<1xi32, #tpu.memory_space<vmem>>) semaphore(%arg9 : memref<!tpu.dma_semaphore, #tpu.memory_space<semaphore_mem>>)
    %scan3A = arith.constant 0 : i32
    %scan3A_44 = arith.constant 0 : i32
    %scan3A_45 = arith.constant 16 : i32
    %scan3A_46 = arith.addi %scan3A_44, %scan3A_45 : i32
    %scan3A_47 = arith.constant 1 : i32
    scf.for %scan3A_49 = %scan3A_44 to %scan3A_46 step %scan3A_47  : i32 {
      %mul3A_50 = arith.constant 2 : i32
      %mul3A_51 = arith.muli %mul3A_50, %scan3A_49 : i32
      %add3A_52 = arith.constant 2 : i32
      %add3A_53 = arith.addi %mul3A_51, %add3A_52 : i32
      %lt3A = arith.constant 32 : i32
      %lt3A_54 = arith.cmpi slt, %add3A_53, %lt3A : i32
      %mul3A_55 = arith.constant 80 : i32
      %mul3A_56 = arith.muli %mul3A_51, %mul3A_55 : i32
      %dma_wait3A = arith.constant 0 : i32
      %dma_wait3A_57 = arith.constant 0 : i32
      %dma_wait3A_58 = arith.constant 0 : i32
      %dma_wait3A_59 = tpu.memref_slice %arg6[%dma_wait3A, %dma_wait3A_57, %dma_wait3A_58] : memref<2x64x256xf32, #tpu.memory_space<vmem>> -> memref<1x64x256xf32, #tpu.memory_space<vmem>>
      %dma_wait3A_60 = tpu.memref_squeeze %dma_wait3A_59 : memref<1x64x256xf32, #tpu.memory_space<vmem>> -> memref<64x256xf32, #tpu.memory_space<vmem>>
      %dma_wait3A_61 = tpu.memref_slice %arg5[%mul3A_56] : memref<2560xi32, #tpu.memory_space<vmem>> -> memref<64xi32, #tpu.memory_space<vmem>>
      %dma_wait3A_62 = arith.constant 0 : i32
      %dma_wait3A_63 = arith.constant 0 : i32
      %dma_wait3A_64 = tpu.memref_slice %arg2[%dma_wait3A_62, %dma_wait3A_63] : memref<1560x256xf32, #tpu.memory_space<hbm>> -> memref<1560x256xf32, #tpu.memory_space<hbm>>
      tpu.wait_indirect_dma semaphore(%arg8 : memref<!tpu.dma_semaphore, #tpu.memory_space<semaphore_mem>>) src(%dma_wait3A_64 : memref<1560x256xf32, #tpu.memory_space<hbm>>) dst(%dma_wait3A_60 : memref<64x256xf32, #tpu.memory_space<vmem>>)
      %mul3A_65 = arith.constant 80 : i32
      %mul3A_66 = arith.muli %mul3A_51, %mul3A_65 : i32
      %add3A_67 = arith.constant 64 : i32
      %add3A_68 = arith.addi %mul3A_66, %add3A_67 : i32
      %dma_wait3A_69 = arith.constant 0 : i32
      %dma_wait3A_70 = arith.constant 0 : i32
      %dma_wait3A_71 = arith.constant 0 : i32
      %dma_wait3A_72 = tpu.memref_slice %arg7[%dma_wait3A_69, %dma_wait3A_70, %dma_wait3A_71] : memref<2x1x256xf32, #tpu.memory_space<vmem>> -> memref<1x1x256xf32, #tpu.memory_space<vmem>>
      %dma_wait3A_73 = tpu.memref_squeeze %dma_wait3A_72 : memref<1x1x256xf32, #tpu.memory_space<vmem>> -> memref<1x256xf32, #tpu.memory_space<vmem>>
      %dma_wait3A_74 = tpu.memref_slice %arg5[%add3A_68] : memref<2560xi32, #tpu.memory_space<vmem>> -> memref<1xi32, #tpu.memory_space<vmem>>
      %dma_wait3A_75 = arith.constant 0 : i32
      %dma_wait3A_76 = arith.constant 0 : i32
      %dma_wait3A_77 = tpu.memref_slice %arg2[%dma_wait3A_75, %dma_wait3A_76] : memref<1560x256xf32, #tpu.memory_space<hbm>> -> memref<1560x256xf32, #tpu.memory_space<hbm>>
      tpu.wait_indirect_dma semaphore(%arg8 : memref<!tpu.dma_semaphore, #tpu.memory_space<semaphore_mem>>) src(%dma_wait3A_77 : memref<1560x256xf32, #tpu.memory_space<hbm>>) dst(%dma_wait3A_73 : memref<1x256xf32, #tpu.memory_space<vmem>>)
      %add3A_78 = arith.addi %mul3A_2, %mul3A_51 : i32
      %dma_start3A_79 = arith.constant 0 : i32
      %dma_start3A_80 = arith.constant 0 : i32
      %dma_start3A_81 = arith.constant 0 : i32
      %dma_start3A_82 = tpu.memref_slice %arg6[%dma_start3A_79, %dma_start3A_80, %dma_start3A_81] : memref<2x64x256xf32, #tpu.memory_space<vmem>> -> memref<1x64x256xf32, #tpu.memory_space<vmem>>
      %dma_start3A_83 = tpu.memref_squeeze %dma_start3A_82 : memref<1x64x256xf32, #tpu.memory_space<vmem>> -> memref<64x256xf32, #tpu.memory_space<vmem>>
      %dma_start3A_84 = arith.constant 0 : i32
      %dma_start3A_85 = arith.constant 0 : i32
      %dma_start3A_86 = tpu.memref_slice %arg4[%add3A_78, %dma_start3A_84, %dma_start3A_85] : memref<1024x65x256xf32, #tpu.memory_space<hbm>> -> memref<1x64x256xf32, #tpu.memory_space<hbm>>
      %dma_start3A_87 = tpu.memref_squeeze %dma_start3A_86 : memref<1x64x256xf32, #tpu.memory_space<hbm>> -> memref<64x256xf32, #tpu.memory_space<hbm>>
      %dma_start3A_88 = arith.constant 0 : i32
      %dma_start3A_89 = arith.constant 0 : i32
      %dma_start3A_90 = tpu.memref_slice %arg4[%add3A_78, %dma_start3A_88, %dma_start3A_89] : memref<1024x65x256xf32, #tpu.memory_space<hbm>> -> memref<1x64x256xf32, #tpu.memory_space<hbm>>
      %dma_start3A_91 = tpu.memref_squeeze %dma_start3A_90 : memref<1x64x256xf32, #tpu.memory_space<hbm>> -> memref<64x256xf32, #tpu.memory_space<hbm>>
      %dma_start3A_92 = arith.constant 0 : i32
      %dma_start3A_93 = arith.constant 0 : i32
      %dma_start3A_94 = tpu.memref_slice %arg6[%dma_start3A_79, %dma_start3A_92, %dma_start3A_93] : memref<2x64x256xf32, #tpu.memory_space<vmem>> -> memref<1x64x256xf32, #tpu.memory_space<vmem>>
      %dma_start3A_95 = tpu.memref_squeeze %dma_start3A_94 : memref<1x64x256xf32, #tpu.memory_space<vmem>> -> memref<64x256xf32, #tpu.memory_space<vmem>>
      tpu.enqueue_dma source(%dma_start3A_95 : memref<64x256xf32, #tpu.memory_space<vmem>>) target(%dma_start3A_91 : memref<64x256xf32, #tpu.memory_space<hbm>>) target_semaphore(%arg10 : memref<!tpu.dma_semaphore, #tpu.memory_space<semaphore_mem>>)
      %add3A_96 = arith.addi %mul3A_2, %mul3A_51 : i32
      %dma_start3A_97 = arith.constant 0 : i32
      %dma_start3A_98 = arith.constant 0 : i32
      %dma_start3A_99 = arith.constant 0 : i32
      %dma_start3A_100 = tpu.memref_slice %arg7[%dma_start3A_97, %dma_start3A_98, %dma_start3A_99] : memref<2x1x256xf32, #tpu.memory_space<vmem>> -> memref<1x1x256xf32, #tpu.memory_space<vmem>>
      %dma_start3A_101 = tpu.memref_squeeze %dma_start3A_100 : memref<1x1x256xf32, #tpu.memory_space<vmem>> -> memref<1x256xf32, #tpu.memory_space<vmem>>
      %dma_start3A_102 = arith.constant 64 : i32
      %dma_start3A_103 = arith.constant 0 : i32
      %dma_start3A_104 = tpu.memref_slice %arg4[%add3A_96, %dma_start3A_102, %dma_start3A_103] : memref<1024x65x256xf32, #tpu.memory_space<hbm>> -> memref<1x1x256xf32, #tpu.memory_space<hbm>>
      %dma_start3A_105 = tpu.memref_squeeze %dma_start3A_104 : memref<1x1x256xf32, #tpu.memory_space<hbm>> -> memref<1x256xf32, #tpu.memory_space<hbm>>
      %dma_start3A_106 = arith.constant 64 : i32
      %dma_start3A_107 = arith.constant 0 : i32
      %dma_start3A_108 = tpu.memref_slice %arg4[%add3A_96, %dma_start3A_106, %dma_start3A_107] : memref<1024x65x256xf32, #tpu.memory_space<hbm>> -> memref<1x1x256xf32, #tpu.memory_space<hbm>>
      %dma_start3A_109 = tpu.memref_squeeze %dma_start3A_108 : memref<1x1x256xf32, #tpu.memory_space<hbm>> -> memref<1x256xf32, #tpu.memory_space<hbm>>
      %dma_start3A_110 = arith.constant 0 : i32
      %dma_start3A_111 = arith.constant 0 : i32
      %dma_start3A_112 = tpu.memref_slice %arg7[%dma_start3A_97, %dma_start3A_110, %dma_start3A_111] : memref<2x1x256xf32, #tpu.memory_space<vmem>> -> memref<1x1x256xf32, #tpu.memory_space<vmem>>
      %dma_start3A_113 = tpu.memref_squeeze %dma_start3A_112 : memref<1x1x256xf32, #tpu.memory_space<vmem>> -> memref<1x256xf32, #tpu.memory_space<vmem>>
      tpu.enqueue_dma source(%dma_start3A_113 : memref<1x256xf32, #tpu.memory_space<vmem>>) target(%dma_start3A_109 : memref<1x256xf32, #tpu.memory_space<hbm>>) target_semaphore(%arg10 : memref<!tpu.dma_semaphore, #tpu.memory_space<semaphore_mem>>)
      %add3A_114 = arith.constant 1 : i32
      %add3A_115 = arith.addi %mul3A_51, %add3A_114 : i32
      %mul3A_116 = arith.constant 80 : i32
      %mul3A_117 = arith.muli %add3A_115, %mul3A_116 : i32
      %dma_wait3A_118 = arith.constant 1 : i32
      %dma_wait3A_119 = arith.constant 0 : i32
      %dma_wait3A_120 = arith.constant 0 : i32
      %dma_wait3A_121 = tpu.memref_slice %arg6[%dma_wait3A_118, %dma_wait3A_119, %dma_wait3A_120] : memref<2x64x256xf32, #tpu.memory_space<vmem>> -> memref<1x64x256xf32, #tpu.memory_space<vmem>>
      %dma_wait3A_122 = tpu.memref_squeeze %dma_wait3A_121 : memref<1x64x256xf32, #tpu.memory_space<vmem>> -> memref<64x256xf32, #tpu.memory_space<vmem>>
      %dma_wait3A_123 = tpu.memref_slice %arg5[%mul3A_117] : memref<2560xi32, #tpu.memory_space<vmem>> -> memref<64xi32, #tpu.memory_space<vmem>>
      %dma_wait3A_124 = arith.constant 0 : i32
      %dma_wait3A_125 = arith.constant 0 : i32
      %dma_wait3A_126 = tpu.memref_slice %arg2[%dma_wait3A_124, %dma_wait3A_125] : memref<1560x256xf32, #tpu.memory_space<hbm>> -> memref<1560x256xf32, #tpu.memory_space<hbm>>
      tpu.wait_indirect_dma semaphore(%arg9 : memref<!tpu.dma_semaphore, #tpu.memory_space<semaphore_mem>>) src(%dma_wait3A_126 : memref<1560x256xf32, #tpu.memory_space<hbm>>) dst(%dma_wait3A_122 : memref<64x256xf32, #tpu.memory_space<vmem>>)
      %mul3A_127 = arith.constant 80 : i32
      %mul3A_128 = arith.muli %add3A_115, %mul3A_127 : i32
      %add3A_129 = arith.constant 64 : i32
      %add3A_130 = arith.addi %mul3A_128, %add3A_129 : i32
      %dma_wait3A_131 = arith.constant 1 : i32
      %dma_wait3A_132 = arith.constant 0 : i32
      %dma_wait3A_133 = arith.constant 0 : i32
      %dma_wait3A_134 = tpu.memref_slice %arg7[%dma_wait3A_131, %dma_wait3A_132, %dma_wait3A_133] : memref<2x1x256xf32, #tpu.memory_space<vmem>> -> memref<1x1x256xf32, #tpu.memory_space<vmem>>
      %dma_wait3A_135 = tpu.memref_squeeze %dma_wait3A_134 : memref<1x1x256xf32, #tpu.memory_space<vmem>> -> memref<1x256xf32, #tpu.memory_space<vmem>>
      %dma_wait3A_136 = tpu.memref_slice %arg5[%add3A_130] : memref<2560xi32, #tpu.memory_space<vmem>> -> memref<1xi32, #tpu.memory_space<vmem>>
      %dma_wait3A_137 = arith.constant 0 : i32
      %dma_wait3A_138 = arith.constant 0 : i32
      %dma_wait3A_139 = tpu.memref_slice %arg2[%dma_wait3A_137, %dma_wait3A_138] : memref<1560x256xf32, #tpu.memory_space<hbm>> -> memref<1560x256xf32, #tpu.memory_space<hbm>>
      tpu.wait_indirect_dma semaphore(%arg9 : memref<!tpu.dma_semaphore, #tpu.memory_space<semaphore_mem>>) src(%dma_wait3A_139 : memref<1560x256xf32, #tpu.memory_space<hbm>>) dst(%dma_wait3A_135 : memref<1x256xf32, #tpu.memory_space<vmem>>)
      %add3A_140 = arith.constant 1 : i32
      %add3A_141 = arith.addi %mul3A_51, %add3A_140 : i32
      %add3A_142 = arith.addi %mul3A_2, %add3A_141 : i32
      %dma_start3A_143 = arith.constant 1 : i32
      %dma_start3A_144 = arith.constant 0 : i32
      %dma_start3A_145 = arith.constant 0 : i32
      %dma_start3A_146 = tpu.memref_slice %arg6[%dma_start3A_143, %dma_start3A_144, %dma_start3A_145] : memref<2x64x256xf32, #tpu.memory_space<vmem>> -> memref<1x64x256xf32, #tpu.memory_space<vmem>>
      %dma_start3A_147 = tpu.memref_squeeze %dma_start3A_146 : memref<1x64x256xf32, #tpu.memory_space<vmem>> -> memref<64x256xf32, #tpu.memory_space<vmem>>
      %dma_start3A_148 = arith.constant 0 : i32
      %dma_start3A_149 = arith.constant 0 : i32
      %dma_start3A_150 = tpu.memref_slice %arg4[%add3A_142, %dma_start3A_148, %dma_start3A_149] : memref<1024x65x256xf32, #tpu.memory_space<hbm>> -> memref<1x64x256xf32, #tpu.memory_space<hbm>>
      %dma_start3A_151 = tpu.memref_squeeze %dma_start3A_150 : memref<1x64x256xf32, #tpu.memory_space<hbm>> -> memref<64x256xf32, #tpu.memory_space<hbm>>
      %dma_start3A_152 = arith.constant 0 : i32
      %dma_start3A_153 = arith.constant 0 : i32
      %dma_start3A_154 = tpu.memref_slice %arg4[%add3A_142, %dma_start3A_152, %dma_start3A_153] : memref<1024x65x256xf32, #tpu.memory_space<hbm>> -> memref<1x64x256xf32, #tpu.memory_space<hbm>>
      %dma_start3A_155 = tpu.memref_squeeze %dma_start3A_154 : memref<1x64x256xf32, #tpu.memory_space<hbm>> -> memref<64x256xf32, #tpu.memory_space<hbm>>
      %dma_start3A_156 = arith.constant 0 : i32
      %dma_start3A_157 = arith.constant 0 : i32
      %dma_start3A_158 = tpu.memref_slice %arg6[%dma_start3A_143, %dma_start3A_156, %dma_start3A_157] : memref<2x64x256xf32, #tpu.memory_space<vmem>> -> memref<1x64x256xf32, #tpu.memory_space<vmem>>
      %dma_start3A_159 = tpu.memref_squeeze %dma_start3A_158 : memref<1x64x256xf32, #tpu.memory_space<vmem>> -> memref<64x256xf32, #tpu.memory_space<vmem>>
      tpu.enqueue_dma source(%dma_start3A_159 : memref<64x256xf32, #tpu.memory_space<vmem>>) target(%dma_start3A_155 : memref<64x256xf32, #tpu.memory_space<hbm>>) target_semaphore(%arg11 : memref<!tpu.dma_semaphore, #tpu.memory_space<semaphore_mem>>)
      %add3A_160 = arith.addi %mul3A_2, %add3A_141 : i32
      %dma_start3A_161 = arith.constant 1 : i32
      %dma_start3A_162 = arith.constant 0 : i32
      %dma_start3A_163 = arith.constant 0 : i32
      %dma_start3A_164 = tpu.memref_slice %arg7[%dma_start3A_161, %dma_start3A_162, %dma_start3A_163] : memref<2x1x256xf32, #tpu.memory_space<vmem>> -> memref<1x1x256xf32, #tpu.memory_space<vmem>>
      %dma_start3A_165 = tpu.memref_squeeze %dma_start3A_164 : memref<1x1x256xf32, #tpu.memory_space<vmem>> -> memref<1x256xf32, #tpu.memory_space<vmem>>
      %dma_start3A_166 = arith.constant 64 : i32
      %dma_start3A_167 = arith.constant 0 : i32
      %dma_start3A_168 = tpu.memref_slice %arg4[%add3A_160, %dma_start3A_166, %dma_start3A_167] : memref<1024x65x256xf32, #tpu.memory_space<hbm>> -> memref<1x1x256xf32, #tpu.memory_space<hbm>>
      %dma_start3A_169 = tpu.memref_squeeze %dma_start3A_168 : memref<1x1x256xf32, #tpu.memory_space<hbm>> -> memref<1x256xf32, #tpu.memory_space<hbm>>
      %dma_start3A_170 = arith.constant 64 : i32
      %dma_start3A_171 = arith.constant 0 : i32
      %dma_start3A_172 = tpu.memref_slice %arg4[%add3A_160, %dma_start3A_170, %dma_start3A_171] : memref<1024x65x256xf32, #tpu.memory_space<hbm>> -> memref<1x1x256xf32, #tpu.memory_space<hbm>>
      %dma_start3A_173 = tpu.memref_squeeze %dma_start3A_172 : memref<1x1x256xf32, #tpu.memory_space<hbm>> -> memref<1x256xf32, #tpu.memory_space<hbm>>
      %dma_start3A_174 = arith.constant 0 : i32
      %dma_start3A_175 = arith.constant 0 : i32
      %dma_start3A_176 = tpu.memref_slice %arg7[%dma_start3A_161, %dma_start3A_174, %dma_start3A_175] : memref<2x1x256xf32, #tpu.memory_space<vmem>> -> memref<1x1x256xf32, #tpu.memory_space<vmem>>
      %dma_start3A_177 = tpu.memref_squeeze %dma_start3A_176 : memref<1x1x256xf32, #tpu.memory_space<vmem>> -> memref<1x256xf32, #tpu.memory_space<vmem>>
      tpu.enqueue_dma source(%dma_start3A_177 : memref<1x256xf32, #tpu.memory_space<vmem>>) target(%dma_start3A_173 : memref<1x256xf32, #tpu.memory_space<hbm>>) target_semaphore(%arg11 : memref<!tpu.dma_semaphore, #tpu.memory_space<semaphore_mem>>)
      %add3A_178 = arith.addi %mul3A_2, %mul3A_51 : i32
      %dma_wait3A_179 = arith.constant 0 : i32
      %dma_wait3A_180 = arith.constant 0 : i32
      %dma_wait3A_181 = arith.constant 0 : i32
      %dma_wait3A_182 = tpu.memref_slice %arg6[%dma_wait3A_179, %dma_wait3A_180, %dma_wait3A_181] : memref<2x64x256xf32, #tpu.memory_space<vmem>> -> memref<1x64x256xf32, #tpu.memory_space<vmem>>
      %dma_wait3A_183 = tpu.memref_squeeze %dma_wait3A_182 : memref<1x64x256xf32, #tpu.memory_space<vmem>> -> memref<64x256xf32, #tpu.memory_space<vmem>>
      %dma_wait3A_184 = arith.constant 0 : i32
      %dma_wait3A_185 = arith.constant 0 : i32
      %dma_wait3A_186 = tpu.memref_slice %arg4[%add3A_178, %dma_wait3A_184, %dma_wait3A_185] : memref<1024x65x256xf32, #tpu.memory_space<hbm>> -> memref<1x64x256xf32, #tpu.memory_space<hbm>>
      %dma_wait3A_187 = tpu.memref_squeeze %dma_wait3A_186 : memref<1x64x256xf32, #tpu.memory_space<hbm>> -> memref<64x256xf32, #tpu.memory_space<hbm>>
      %dma_wait3A_188 = arith.constant 0 : i32
      %dma_wait3A_189 = arith.constant 0 : i32
      %dma_wait3A_190 = tpu.memref_slice %arg4[%add3A_178, %dma_wait3A_188, %dma_wait3A_189] : memref<1024x65x256xf32, #tpu.memory_space<hbm>> -> memref<1x64x256xf32, #tpu.memory_space<hbm>>
      %dma_wait3A_191 = tpu.memref_squeeze %dma_wait3A_190 : memref<1x64x256xf32, #tpu.memory_space<hbm>> -> memref<64x256xf32, #tpu.memory_space<hbm>>
      %dma_wait3A_192 = arith.constant 0 : i32
      %dma_wait3A_193 = arith.constant 0 : i32
      %dma_wait3A_194 = tpu.memref_slice %arg6[%dma_wait3A_179, %dma_wait3A_192, %dma_wait3A_193] : memref<2x64x256xf32, #tpu.memory_space<vmem>> -> memref<1x64x256xf32, #tpu.memory_space<vmem>>
      %dma_wait3A_195 = tpu.memref_squeeze %dma_wait3A_194 : memref<1x64x256xf32, #tpu.memory_space<vmem>> -> memref<64x256xf32, #tpu.memory_space<vmem>>
      tpu.wait_dma2 semaphore(%arg10 : memref<!tpu.dma_semaphore, #tpu.memory_space<semaphore_mem>>) src(%dma_wait3A_195 : memref<64x256xf32, #tpu.memory_space<vmem>>) dst(%dma_wait3A_191 : memref<64x256xf32, #tpu.memory_space<hbm>>)
      %add3A_196 = arith.addi %mul3A_2, %mul3A_51 : i32
      %dma_wait3A_197 = arith.constant 0 : i32
      %dma_wait3A_198 = arith.constant 0 : i32
      %dma_wait3A_199 = arith.constant 0 : i32
      %dma_wait3A_200 = tpu.memref_slice %arg7[%dma_wait3A_197, %dma_wait3A_198, %dma_wait3A_199] : memref<2x1x256xf32, #tpu.memory_space<vmem>> -> memref<1x1x256xf32, #tpu.memory_space<vmem>>
      %dma_wait3A_201 = tpu.memref_squeeze %dma_wait3A_200 : memref<1x1x256xf32, #tpu.memory_space<vmem>> -> memref<1x256xf32, #tpu.memory_space<vmem>>
      %dma_wait3A_202 = arith.constant 64 : i32
      %dma_wait3A_203 = arith.constant 0 : i32
      %dma_wait3A_204 = tpu.memref_slice %arg4[%add3A_196, %dma_wait3A_202, %dma_wait3A_203] : memref<1024x65x256xf32, #tpu.memory_space<hbm>> -> memref<1x1x256xf32, #tpu.memory_space<hbm>>
      %dma_wait3A_205 = tpu.memref_squeeze %dma_wait3A_204 : memref<1x1x256xf32, #tpu.memory_space<hbm>> -> memref<1x256xf32, #tpu.memory_space<hbm>>
      %dma_wait3A_206 = arith.constant 64 : i32
      %dma_wait3A_207 = arith.constant 0 : i32
      %dma_wait3A_208 = tpu.memref_slice %arg4[%add3A_196, %dma_wait3A_206, %dma_wait3A_207] : memref<1024x65x256xf32, #tpu.memory_space<hbm>> -> memref<1x1x256xf32, #tpu.memory_space<hbm>>
      %dma_wait3A_209 = tpu.memref_squeeze %dma_wait3A_208 : memref<1x1x256xf32, #tpu.memory_space<hbm>> -> memref<1x256xf32, #tpu.memory_space<hbm>>
      %dma_wait3A_210 = arith.constant 0 : i32
      %dma_wait3A_211 = arith.constant 0 : i32
      %dma_wait3A_212 = tpu.memref_slice %arg7[%dma_wait3A_197, %dma_wait3A_210, %dma_wait3A_211] : memref<2x1x256xf32, #tpu.memory_space<vmem>> -> memref<1x1x256xf32, #tpu.memory_space<vmem>>
      %dma_wait3A_213 = tpu.memref_squeeze %dma_wait3A_212 : memref<1x1x256xf32, #tpu.memory_space<vmem>> -> memref<1x256xf32, #tpu.memory_space<vmem>>
      tpu.wait_dma2 semaphore(%arg10 : memref<!tpu.dma_semaphore, #tpu.memory_space<semaphore_mem>>) src(%dma_wait3A_213 : memref<1x256xf32, #tpu.memory_space<vmem>>) dst(%dma_wait3A_209 : memref<1x256xf32, #tpu.memory_space<hbm>>)
      %convert_element_type3A = arith.extui %lt3A_54 : i1 to i32
      %cond3A = arith.constant 0 : i32
      %cond3A_214 = arith.cmpi ne, %convert_element_type3A, %cond3A : i32
      scf.if %cond3A_214 {
        %add3A_256 = arith.constant 2 : i32
        %add3A_257 = arith.addi %mul3A_51, %add3A_256 : i32
        %mul3A_258 = arith.constant 80 : i32
        %mul3A_259 = arith.muli %add3A_257, %mul3A_258 : i32
        %dma_start3A_260 = arith.constant 0 : i32
        %dma_start3A_261 = arith.constant 0 : i32
        %dma_start3A_262 = arith.constant 0 : i32
        %dma_start3A_263 = tpu.memref_slice %arg6[%dma_start3A_260, %dma_start3A_261, %dma_start3A_262] : memref<2x64x256xf32, #tpu.memory_space<vmem>> -> memref<1x64x256xf32, #tpu.memory_space<vmem>>
        %dma_start3A_264 = tpu.memref_squeeze %dma_start3A_263 : memref<1x64x256xf32, #tpu.memory_space<vmem>> -> memref<64x256xf32, #tpu.memory_space<vmem>>
        %dma_start3A_265 = tpu.memref_slice %arg5[%mul3A_259] : memref<2560xi32, #tpu.memory_space<vmem>> -> memref<64xi32, #tpu.memory_space<vmem>>
        %dma_start3A_266 = arith.constant 0 : i32
        %dma_start3A_267 = arith.constant 0 : i32
        %dma_start3A_268 = tpu.memref_slice %arg2[%dma_start3A_266, %dma_start3A_267] : memref<1560x256xf32, #tpu.memory_space<hbm>> -> memref<1560x256xf32, #tpu.memory_space<hbm>>
        tpu.enqueue_indirect_dma source(%dma_start3A_268 : memref<1560x256xf32, #tpu.memory_space<hbm>>) target(%dma_start3A_264 : memref<64x256xf32, #tpu.memory_space<vmem>>) offsets(%dma_start3A_265 : memref<64xi32, #tpu.memory_space<vmem>>) semaphore(%arg8 : memref<!tpu.dma_semaphore, #tpu.memory_space<semaphore_mem>>)
        %mul3A_269 = arith.constant 80 : i32
        %mul3A_270 = arith.muli %add3A_257, %mul3A_269 : i32
        %add3A_271 = arith.constant 64 : i32
        %add3A_272 = arith.addi %mul3A_270, %add3A_271 : i32
        %dma_start3A_273 = arith.constant 0 : i32
        %dma_start3A_274 = arith.constant 0 : i32
        %dma_start3A_275 = arith.constant 0 : i32
        %dma_start3A_276 = tpu.memref_slice %arg7[%dma_start3A_273, %dma_start3A_274, %dma_start3A_275] : memref<2x1x256xf32, #tpu.memory_space<vmem>> -> memref<1x1x256xf32, #tpu.memory_space<vmem>>
        %dma_start3A_277 = tpu.memref_squeeze %dma_start3A_276 : memref<1x1x256xf32, #tpu.memory_space<vmem>> -> memref<1x256xf32, #tpu.memory_space<vmem>>
        %dma_start3A_278 = tpu.memref_slice %arg5[%add3A_272] : memref<2560xi32, #tpu.memory_space<vmem>> -> memref<1xi32, #tpu.memory_space<vmem>>
        %dma_start3A_279 = arith.constant 0 : i32
        %dma_start3A_280 = arith.constant 0 : i32
        %dma_start3A_281 = tpu.memref_slice %arg2[%dma_start3A_279, %dma_start3A_280] : memref<1560x256xf32, #tpu.memory_space<hbm>> -> memref<1560x256xf32, #tpu.memory_space<hbm>>
        tpu.enqueue_indirect_dma source(%dma_start3A_281 : memref<1560x256xf32, #tpu.memory_space<hbm>>) target(%dma_start3A_277 : memref<1x256xf32, #tpu.memory_space<vmem>>) offsets(%dma_start3A_278 : memref<1xi32, #tpu.memory_space<vmem>>) semaphore(%arg8 : memref<!tpu.dma_semaphore, #tpu.memory_space<semaphore_mem>>)
      } else {
      }
      %add3A_215 = arith.constant 1 : i32
      %add3A_216 = arith.addi %mul3A_51, %add3A_215 : i32
      %add3A_217 = arith.addi %mul3A_2, %add3A_216 : i32
      %dma_wait3A_218 = arith.constant 1 : i32
      %dma_wait3A_219 = arith.constant 0 : i32
      %dma_wait3A_220 = arith.constant 0 : i32
      %dma_wait3A_221 = tpu.memref_slice %arg6[%dma_wait3A_218, %dma_wait3A_219, %dma_wait3A_220] : memref<2x64x256xf32, #tpu.memory_space<vmem>> -> memref<1x64x256xf32, #tpu.memory_space<vmem>>
      %dma_wait3A_222 = tpu.memref_squeeze %dma_wait3A_221 : memref<1x64x256xf32, #tpu.memory_space<vmem>> -> memref<64x256xf32, #tpu.memory_space<vmem>>
      %dma_wait3A_223 = arith.constant 0 : i32
      %dma_wait3A_224 = arith.constant 0 : i32
      %dma_wait3A_225 = tpu.memref_slice %arg4[%add3A_217, %dma_wait3A_223, %dma_wait3A_224] : memref<1024x65x256xf32, #tpu.memory_space<hbm>> -> memref<1x64x256xf32, #tpu.memory_space<hbm>>
      %dma_wait3A_226 = tpu.memref_squeeze %dma_wait3A_225 : memref<1x64x256xf32, #tpu.memory_space<hbm>> -> memref<64x256xf32, #tpu.memory_space<hbm>>
      %dma_wait3A_227 = arith.constant 0 : i32
      %dma_wait3A_228 = arith.constant 0 : i32
      %dma_wait3A_229 = tpu.memref_slice %arg4[%add3A_217, %dma_wait3A_227, %dma_wait3A_228] : memref<1024x65x256xf32, #tpu.memory_space<hbm>> -> memref<1x64x256xf32, #tpu.memory_space<hbm>>
      %dma_wait3A_230 = tpu.memref_squeeze %dma_wait3A_229 : memref<1x64x256xf32, #tpu.memory_space<hbm>> -> memref<64x256xf32, #tpu.memory_space<hbm>>
      %dma_wait3A_231 = arith.constant 0 : i32
      %dma_wait3A_232 = arith.constant 0 : i32
      %dma_wait3A_233 = tpu.memref_slice %arg6[%dma_wait3A_218, %dma_wait3A_231, %dma_wait3A_232] : memref<2x64x256xf32, #tpu.memory_space<vmem>> -> memref<1x64x256xf32, #tpu.memory_space<vmem>>
      %dma_wait3A_234 = tpu.memref_squeeze %dma_wait3A_233 : memref<1x64x256xf32, #tpu.memory_space<vmem>> -> memref<64x256xf32, #tpu.memory_space<vmem>>
      tpu.wait_dma2 semaphore(%arg11 : memref<!tpu.dma_semaphore, #tpu.memory_space<semaphore_mem>>) src(%dma_wait3A_234 : memref<64x256xf32, #tpu.memory_space<vmem>>) dst(%dma_wait3A_230 : memref<64x256xf32, #tpu.memory_space<hbm>>)
      %add3A_235 = arith.addi %mul3A_2, %add3A_216 : i32
      %dma_wait3A_236 = arith.constant 1 : i32
      %dma_wait3A_237 = arith.constant 0 : i32
      %dma_wait3A_238 = arith.constant 0 : i32
      %dma_wait3A_239 = tpu.memref_slice %arg7[%dma_wait3A_236, %dma_wait3A_237, %dma_wait3A_238] : memref<2x1x256xf32, #tpu.memory_space<vmem>> -> memref<1x1x256xf32, #tpu.memory_space<vmem>>
      %dma_wait3A_240 = tpu.memref_squeeze %dma_wait3A_239 : memref<1x1x256xf32, #tpu.memory_space<vmem>> -> memref<1x256xf32, #tpu.memory_space<vmem>>
      %dma_wait3A_241 = arith.constant 64 : i32
      %dma_wait3A_242 = arith.constant 0 : i32
      %dma_wait3A_243 = tpu.memref_slice %arg4[%add3A_235, %dma_wait3A_241, %dma_wait3A_242] : memref<1024x65x256xf32, #tpu.memory_space<hbm>> -> memref<1x1x256xf32, #tpu.memory_space<hbm>>
      %dma_wait3A_244 = tpu.memref_squeeze %dma_wait3A_243 : memref<1x1x256xf32, #tpu.memory_space<hbm>> -> memref<1x256xf32, #tpu.memory_space<hbm>>
      %dma_wait3A_245 = arith.constant 64 : i32
      %dma_wait3A_246 = arith.constant 0 : i32
      %dma_wait3A_247 = tpu.memref_slice %arg4[%add3A_235, %dma_wait3A_245, %dma_wait3A_246] : memref<1024x65x256xf32, #tpu.memory_space<hbm>> -> memref<1x1x256xf32, #tpu.memory_space<hbm>>
      %dma_wait3A_248 = tpu.memref_squeeze %dma_wait3A_247 : memref<1x1x256xf32, #tpu.memory_space<hbm>> -> memref<1x256xf32, #tpu.memory_space<hbm>>
      %dma_wait3A_249 = arith.constant 0 : i32
      %dma_wait3A_250 = arith.constant 0 : i32
      %dma_wait3A_251 = tpu.memref_slice %arg7[%dma_wait3A_236, %dma_wait3A_249, %dma_wait3A_250] : memref<2x1x256xf32, #tpu.memory_space<vmem>> -> memref<1x1x256xf32, #tpu.memory_space<vmem>>
      %dma_wait3A_252 = tpu.memref_squeeze %dma_wait3A_251 : memref<1x1x256xf32, #tpu.memory_space<vmem>> -> memref<1x256xf32, #tpu.memory_space<vmem>>
      tpu.wait_dma2 semaphore(%arg11 : memref<!tpu.dma_semaphore, #tpu.memory_space<semaphore_mem>>) src(%dma_wait3A_252 : memref<1x256xf32, #tpu.memory_space<vmem>>) dst(%dma_wait3A_248 : memref<1x256xf32, #tpu.memory_space<hbm>>)
      %convert_element_type3A_253 = arith.extui %lt3A_54 : i1 to i32
      %cond3A_254 = arith.constant 0 : i32
      %cond3A_255 = arith.cmpi ne, %convert_element_type3A_253, %cond3A_254 : i32
      scf.if %cond3A_255 {
        %add3A_256 = arith.constant 3 : i32
        %add3A_257 = arith.addi %mul3A_51, %add3A_256 : i32
        %mul3A_258 = arith.constant 80 : i32
        %mul3A_259 = arith.muli %add3A_257, %mul3A_258 : i32
        %dma_start3A_260 = arith.constant 1 : i32
        %dma_start3A_261 = arith.constant 0 : i32
        %dma_start3A_262 = arith.constant 0 : i32
        %dma_start3A_263 = tpu.memref_slice %arg6[%dma_start3A_260, %dma_start3A_261, %dma_start3A_262] : memref<2x64x256xf32, #tpu.memory_space<vmem>> -> memref<1x64x256xf32, #tpu.memory_space<vmem>>
        %dma_start3A_264 = tpu.memref_squeeze %dma_start3A_263 : memref<1x64x256xf32, #tpu.memory_space<vmem>> -> memref<64x256xf32, #tpu.memory_space<vmem>>
        %dma_start3A_265 = tpu.memref_slice %arg5[%mul3A_259] : memref<2560xi32, #tpu.memory_space<vmem>> -> memref<64xi32, #tpu.memory_space<vmem>>
        %dma_start3A_266 = arith.constant 0 : i32
        %dma_start3A_267 = arith.constant 0 : i32
        %dma_start3A_268 = tpu.memref_slice %arg2[%dma_start3A_266, %dma_start3A_267] : memref<1560x256xf32, #tpu.memory_space<hbm>> -> memref<1560x256xf32, #tpu.memory_space<hbm>>
        tpu.enqueue_indirect_dma source(%dma_start3A_268 : memref<1560x256xf32, #tpu.memory_space<hbm>>) target(%dma_start3A_264 : memref<64x256xf32, #tpu.memory_space<vmem>>) offsets(%dma_start3A_265 : memref<64xi32, #tpu.memory_space<vmem>>) semaphore(%arg9 : memref<!tpu.dma_semaphore, #tpu.memory_space<semaphore_mem>>)
        %mul3A_269 = arith.constant 80 : i32
        %mul3A_270 = arith.muli %add3A_257, %mul3A_269 : i32
        %add3A_271 = arith.constant 64 : i32
        %add3A_272 = arith.addi %mul3A_270, %add3A_271 : i32
        %dma_start3A_273 = arith.constant 1 : i32
        %dma_start3A_274 = arith.constant 0 : i32
        %dma_start3A_275 = arith.constant 0 : i32
        %dma_start3A_276 = tpu.memref_slice %arg7[%dma_start3A_273, %dma_start3A_274, %dma_start3A_275] : memref<2x1x256xf32, #tpu.memory_space<vmem>> -> memref<1x1x256xf32, #tpu.memory_space<vmem>>
        %dma_start3A_277 = tpu.memref_squeeze %dma_start3A_276 : memref<1x1x256xf32, #tpu.memory_space<vmem>> -> memref<1x256xf32, #tpu.memory_space<vmem>>
        %dma_start3A_278 = tpu.memref_slice %arg5[%add3A_272] : memref<2560xi32, #tpu.memory_space<vmem>> -> memref<1xi32, #tpu.memory_space<vmem>>
        %dma_start3A_279 = arith.constant 0 : i32
        %dma_start3A_280 = arith.constant 0 : i32
        %dma_start3A_281 = tpu.memref_slice %arg2[%dma_start3A_279, %dma_start3A_280] : memref<1560x256xf32, #tpu.memory_space<hbm>> -> memref<1560x256xf32, #tpu.memory_space<hbm>>
        tpu.enqueue_indirect_dma source(%dma_start3A_281 : memref<1560x256xf32, #tpu.memory_space<hbm>>) target(%dma_start3A_277 : memref<1x256xf32, #tpu.memory_space<vmem>>) offsets(%dma_start3A_278 : memref<1xi32, #tpu.memory_space<vmem>>) semaphore(%arg9 : memref<!tpu.dma_semaphore, #tpu.memory_space<semaphore_mem>>)
      } else {
      }
    }
    %scan3A_48 = arith.constant 16 : i32
    return
  }
}

#map = affine_map<(d0, d1) -> (0, 0)>
#map1 = affine_map<(d0, d1) -> (0)>
#map2 = affine_map<(d0, d1) -> (0, 0, 0)>
module attributes {stable_mosaic.version = 14 : i64} {
  func.func @gather(%arg0: i32, %arg1: i32, %arg2: memref<1560x256xf32, #tpu.memory_space<hbm>>, %arg3: memref<81920xi32, #tpu.memory_space<hbm>>, %arg4: memref<1024x65x256xf32, #tpu.memory_space<hbm>>, %arg5: memref<2560xi32, #tpu.memory_space<vmem>>, %arg6: memref<2x64x256xf32, #tpu.memory_space<vmem>>, %arg7: memref<2x1x256xf32, #tpu.memory_space<vmem>>, %arg8: memref<!tpu.dma_semaphore, #tpu.memory_space<semaphore_mem>>, %arg9: memref<!tpu.dma_semaphore, #tpu.memory_space<semaphore_mem>>, %arg10: memref<!tpu.dma_semaphore, #tpu.memory_space<semaphore_mem>>, %arg11: memref<!tpu.dma_semaphore, #tpu.memory_space<semaphore_mem>>) attributes {dimension_semantics = [#tpu.dimension_semantics<core_parallel>, #tpu.dimension_semantics<subcore_parallel>], iteration_bounds = array<i64: 2, 16>, scalar_prefetch = 0 : i64, scratch_operands = 7 : i64, tpu.core_type = #tpu.core_type<sc_vector_subcore>, window_params = [{transform_indices = #map}, {transform_indices = #map1}, {transform_indices = #map2}]} {
    %mul3A = arith.constant 2 : i32
    %mul3A_0 = arith.muli %arg1, %mul3A : i32
    %add3A = arith.addi %mul3A_0, %arg0 : i32
    %mul3A_1 = arith.constant 32 : i32
    %mul3A_2 = arith.muli %add3A, %mul3A_1 : i32
    %mul3A_3 = arith.constant 80 : i32
    %mul3A_4 = arith.muli %mul3A_2, %mul3A_3 : i32
    "tpu.region"() ({
      %run_scoped3A = tpu.sem_alloc : memref<!tpu.dma_semaphore, #tpu.memory_space<semaphore_mem>>
      %dma_start3A_49 = tpu.memref_slice %arg3[%mul3A_4] : memref<81920xi32, #tpu.memory_space<hbm>> -> memref<2560xi32, #tpu.memory_space<hbm>>
      %dma_start3A_50 = tpu.memref_slice %arg3[%mul3A_4] : memref<81920xi32, #tpu.memory_space<hbm>> -> memref<2560xi32, #tpu.memory_space<hbm>>
      tpu.enqueue_dma source(%dma_start3A_50 : memref<2560xi32, #tpu.memory_space<hbm>>) target(%arg5 : memref<2560xi32, #tpu.memory_space<vmem>>) target_semaphore(%run_scoped3A : memref<!tpu.dma_semaphore, #tpu.memory_space<semaphore_mem>>)
      %dma_wait3A = tpu.memref_slice %arg3[%mul3A_4] : memref<81920xi32, #tpu.memory_space<hbm>> -> memref<2560xi32, #tpu.memory_space<hbm>>
      %dma_wait3A_51 = tpu.memref_slice %arg3[%mul3A_4] : memref<81920xi32, #tpu.memory_space<hbm>> -> memref<2560xi32, #tpu.memory_space<hbm>>
      tpu.wait_dma2 semaphore(%run_scoped3A : memref<!tpu.dma_semaphore, #tpu.memory_space<semaphore_mem>>) src(%dma_wait3A_51 : memref<2560xi32, #tpu.memory_space<hbm>>) dst(%arg5 : memref<2560xi32, #tpu.memory_space<vmem>>)
      tpu.yield
    }) : () -> ()
    %dma_start3A = arith.constant 0 : i32
    %dma_start3A_5 = arith.constant 0 : i32
    %dma_start3A_6 = arith.constant 0 : i32
    %dma_start3A_7 = tpu.memref_slice %arg6[%dma_start3A, %dma_start3A_5, %dma_start3A_6] : memref<2x64x256xf32, #tpu.memory_space<vmem>> -> memref<1x64x256xf32, #tpu.memory_space<vmem>>
    %dma_start3A_8 = tpu.memref_squeeze %dma_start3A_7 : memref<1x64x256xf32, #tpu.memory_space<vmem>> -> memref<64x256xf32, #tpu.memory_space<vmem>>
    %dma_start3A_9 = arith.constant 0 : i32
    %dma_start3A_10 = tpu.memref_slice %arg5[%dma_start3A_9] : memref<2560xi32, #tpu.memory_space<vmem>> -> memref<64xi32, #tpu.memory_space<vmem>>
    %dma_start3A_11 = arith.constant 0 : i32
    %dma_start3A_12 = arith.constant 0 : i32
    %dma_start3A_13 = tpu.memref_slice %arg2[%dma_start3A_11, %dma_start3A_12] : memref<1560x256xf32, #tpu.memory_space<hbm>> -> memref<1560x256xf32, #tpu.memory_space<hbm>>
    tpu.enqueue_indirect_dma source(%dma_start3A_13 : memref<1560x256xf32, #tpu.memory_space<hbm>>) target(%dma_start3A_8 : memref<64x256xf32, #tpu.memory_space<vmem>>) offsets(%dma_start3A_10 : memref<64xi32, #tpu.memory_space<vmem>>) semaphore(%arg8 : memref<!tpu.dma_semaphore, #tpu.memory_space<semaphore_mem>>)
    %dma_start3A_14 = arith.constant 0 : i32
    %dma_start3A_15 = arith.constant 0 : i32
    %dma_start3A_16 = arith.constant 0 : i32
    %dma_start3A_17 = tpu.memref_slice %arg7[%dma_start3A_14, %dma_start3A_15, %dma_start3A_16] : memref<2x1x256xf32, #tpu.memory_space<vmem>> -> memref<1x1x256xf32, #tpu.memory_space<vmem>>
    %dma_start3A_18 = tpu.memref_squeeze %dma_start3A_17 : memref<1x1x256xf32, #tpu.memory_space<vmem>> -> memref<1x256xf32, #tpu.memory_space<vmem>>
    %dma_start3A_19 = arith.constant 64 : i32
    %dma_start3A_20 = tpu.memref_slice %arg5[%dma_start3A_19] : memref<2560xi32, #tpu.memory_space<vmem>> -> memref<1xi32, #tpu.memory_space<vmem>>
    %dma_start3A_21 = arith.constant 0 : i32
    %dma_start3A_22 = arith.constant 0 : i32
    %dma_start3A_23 = tpu.memref_slice %arg2[%dma_start3A_21, %dma_start3A_22] : memref<1560x256xf32, #tpu.memory_space<hbm>> -> memref<1560x256xf32, #tpu.memory_space<hbm>>
    tpu.enqueue_indirect_dma source(%dma_start3A_23 : memref<1560x256xf32, #tpu.memory_space<hbm>>) target(%dma_start3A_18 : memref<1x256xf32, #tpu.memory_space<vmem>>) offsets(%dma_start3A_20 : memref<1xi32, #tpu.memory_space<vmem>>) semaphore(%arg8 : memref<!tpu.dma_semaphore, #tpu.memory_space<semaphore_mem>>)
    %dma_start3A_24 = arith.constant 1 : i32
    %dma_start3A_25 = arith.constant 0 : i32
    %dma_start3A_26 = arith.constant 0 : i32
    %dma_start3A_27 = tpu.memref_slice %arg6[%dma_start3A_24, %dma_start3A_25, %dma_start3A_26] : memref<2x64x256xf32, #tpu.memory_space<vmem>> -> memref<1x64x256xf32, #tpu.memory_space<vmem>>
    %dma_start3A_28 = tpu.memref_squeeze %dma_start3A_27 : memref<1x64x256xf32, #tpu.memory_space<vmem>> -> memref<64x256xf32, #tpu.memory_space<vmem>>
    %dma_start3A_29 = arith.constant 80 : i32
    %dma_start3A_30 = tpu.memref_slice %arg5[%dma_start3A_29] : memref<2560xi32, #tpu.memory_space<vmem>> -> memref<64xi32, #tpu.memory_space<vmem>>
    %dma_start3A_31 = arith.constant 0 : i32
    %dma_start3A_32 = arith.constant 0 : i32
    %dma_start3A_33 = tpu.memref_slice %arg2[%dma_start3A_31, %dma_start3A_32] : memref<1560x256xf32, #tpu.memory_space<hbm>> -> memref<1560x256xf32, #tpu.memory_space<hbm>>
    tpu.enqueue_indirect_dma source(%dma_start3A_33 : memref<1560x256xf32, #tpu.memory_space<hbm>>) target(%dma_start3A_28 : memref<64x256xf32, #tpu.memory_space<vmem>>) offsets(%dma_start3A_30 : memref<64xi32, #tpu.memory_space<vmem>>) semaphore(%arg9 : memref<!tpu.dma_semaphore, #tpu.memory_space<semaphore_mem>>)
    %dma_start3A_34 = arith.constant 1 : i32
    %dma_start3A_35 = arith.constant 0 : i32
    %dma_start3A_36 = arith.constant 0 : i32
    %dma_start3A_37 = tpu.memref_slice %arg7[%dma_start3A_34, %dma_start3A_35, %dma_start3A_36] : memref<2x1x256xf32, #tpu.memory_space<vmem>> -> memref<1x1x256xf32, #tpu.memory_space<vmem>>
    %dma_start3A_38 = tpu.memref_squeeze %dma_start3A_37 : memref<1x1x256xf32, #tpu.memory_space<vmem>> -> memref<1x256xf32, #tpu.memory_space<vmem>>
    %dma_start3A_39 = arith.constant 144 : i32
    %dma_start3A_40 = tpu.memref_slice %arg5[%dma_start3A_39] : memref<2560xi32, #tpu.memory_space<vmem>> -> memref<1xi32, #tpu.memory_space<vmem>>
    %dma_start3A_41 = arith.constant 0 : i32
    %dma_start3A_42 = arith.constant 0 : i32
    %dma_start3A_43 = tpu.memref_slice %arg2[%dma_start3A_41, %dma_start3A_42] : memref<1560x256xf32, #tpu.memory_space<hbm>> -> memref<1560x256xf32, #tpu.memory_space<hbm>>
    tpu.enqueue_indirect_dma source(%dma_start3A_43 : memref<1560x256xf32, #tpu.memory_space<hbm>>) target(%dma_start3A_38 : memref<1x256xf32, #tpu.memory_space<vmem>>) offsets(%dma_start3A_40 : memref<1xi32, #tpu.memory_space<vmem>>) semaphore(%arg9 : memref<!tpu.dma_semaphore, #tpu.memory_space<semaphore_mem>>)
    %scan3A = arith.constant 0 : i32
    %scan3A_44 = arith.constant 0 : i32
    %scan3A_45 = arith.constant 16 : i32
    %scan3A_46 = arith.addi %scan3A_44, %scan3A_45 : i32
    %scan3A_47 = arith.constant 1 : i32
    scf.for %scan3A_49 = %scan3A_44 to %scan3A_46 step %scan3A_47  : i32 {
      %mul3A_50 = arith.constant 2 : i32
      %mul3A_51 = arith.muli %mul3A_50, %scan3A_49 : i32
      %add3A_52 = arith.constant 2 : i32
      %add3A_53 = arith.addi %mul3A_51, %add3A_52 : i32
      %lt3A = arith.constant 32 : i32
      %lt3A_54 = arith.cmpi slt, %add3A_53, %lt3A : i32
      %mul3A_55 = arith.constant 80 : i32
      %mul3A_56 = arith.muli %mul3A_51, %mul3A_55 : i32
      %dma_wait3A = arith.constant 0 : i32
      %dma_wait3A_57 = arith.constant 0 : i32
      %dma_wait3A_58 = arith.constant 0 : i32
      %dma_wait3A_59 = tpu.memref_slice %arg6[%dma_wait3A, %dma_wait3A_57, %dma_wait3A_58] : memref<2x64x256xf32, #tpu.memory_space<vmem>> -> memref<1x64x256xf32, #tpu.memory_space<vmem>>
      %dma_wait3A_60 = tpu.memref_squeeze %dma_wait3A_59 : memref<1x64x256xf32, #tpu.memory_space<vmem>> -> memref<64x256xf32, #tpu.memory_space<vmem>>
      %dma_wait3A_61 = tpu.memref_slice %arg5[%mul3A_56] : memref<2560xi32, #tpu.memory_space<vmem>> -> memref<64xi32, #tpu.memory_space<vmem>>
      %dma_wait3A_62 = arith.constant 0 : i32
      %dma_wait3A_63 = arith.constant 0 : i32
      %dma_wait3A_64 = tpu.memref_slice %arg2[%dma_wait3A_62, %dma_wait3A_63] : memref<1560x256xf32, #tpu.memory_space<hbm>> -> memref<1560x256xf32, #tpu.memory_space<hbm>>
      tpu.wait_indirect_dma semaphore(%arg8 : memref<!tpu.dma_semaphore, #tpu.memory_space<semaphore_mem>>) src(%dma_wait3A_64 : memref<1560x256xf32, #tpu.memory_space<hbm>>) dst(%dma_wait3A_60 : memref<64x256xf32, #tpu.memory_space<vmem>>)
      %mul3A_65 = arith.constant 80 : i32
      %mul3A_66 = arith.muli %mul3A_51, %mul3A_65 : i32
      %add3A_67 = arith.constant 64 : i32
      %add3A_68 = arith.addi %mul3A_66, %add3A_67 : i32
      %dma_wait3A_69 = arith.constant 0 : i32
      %dma_wait3A_70 = arith.constant 0 : i32
      %dma_wait3A_71 = arith.constant 0 : i32
      %dma_wait3A_72 = tpu.memref_slice %arg7[%dma_wait3A_69, %dma_wait3A_70, %dma_wait3A_71] : memref<2x1x256xf32, #tpu.memory_space<vmem>> -> memref<1x1x256xf32, #tpu.memory_space<vmem>>
      %dma_wait3A_73 = tpu.memref_squeeze %dma_wait3A_72 : memref<1x1x256xf32, #tpu.memory_space<vmem>> -> memref<1x256xf32, #tpu.memory_space<vmem>>
      %dma_wait3A_74 = tpu.memref_slice %arg5[%add3A_68] : memref<2560xi32, #tpu.memory_space<vmem>> -> memref<1xi32, #tpu.memory_space<vmem>>
      %dma_wait3A_75 = arith.constant 0 : i32
      %dma_wait3A_76 = arith.constant 0 : i32
      %dma_wait3A_77 = tpu.memref_slice %arg2[%dma_wait3A_75, %dma_wait3A_76] : memref<1560x256xf32, #tpu.memory_space<hbm>> -> memref<1560x256xf32, #tpu.memory_space<hbm>>
      tpu.wait_indirect_dma semaphore(%arg8 : memref<!tpu.dma_semaphore, #tpu.memory_space<semaphore_mem>>) src(%dma_wait3A_77 : memref<1560x256xf32, #tpu.memory_space<hbm>>) dst(%dma_wait3A_73 : memref<1x256xf32, #tpu.memory_space<vmem>>)
      %add3A_78 = arith.addi %mul3A_2, %mul3A_51 : i32
      %dma_start3A_79 = arith.constant 0 : i32
      %dma_start3A_80 = arith.constant 0 : i32
      %dma_start3A_81 = arith.constant 0 : i32
      %dma_start3A_82 = tpu.memref_slice %arg6[%dma_start3A_79, %dma_start3A_80, %dma_start3A_81] : memref<2x64x256xf32, #tpu.memory_space<vmem>> -> memref<1x64x256xf32, #tpu.memory_space<vmem>>
      %dma_start3A_83 = tpu.memref_squeeze %dma_start3A_82 : memref<1x64x256xf32, #tpu.memory_space<vmem>> -> memref<64x256xf32, #tpu.memory_space<vmem>>
      %dma_start3A_84 = arith.constant 0 : i32
      %dma_start3A_85 = arith.constant 0 : i32
      %dma_start3A_86 = tpu.memref_slice %arg4[%add3A_78, %dma_start3A_84, %dma_start3A_85] : memref<1024x65x256xf32, #tpu.memory_space<hbm>> -> memref<1x64x256xf32, #tpu.memory_space<hbm>>
      %dma_start3A_87 = tpu.memref_squeeze %dma_start3A_86 : memref<1x64x256xf32, #tpu.memory_space<hbm>> -> memref<64x256xf32, #tpu.memory_space<hbm>>
      %dma_start3A_88 = arith.constant 0 : i32
      %dma_start3A_89 = arith.constant 0 : i32
      %dma_start3A_90 = tpu.memref_slice %arg4[%add3A_78, %dma_start3A_88, %dma_start3A_89] : memref<1024x65x256xf32, #tpu.memory_space<hbm>> -> memref<1x64x256xf32, #tpu.memory_space<hbm>>
      %dma_start3A_91 = tpu.memref_squeeze %dma_start3A_90 : memref<1x64x256xf32, #tpu.memory_space<hbm>> -> memref<64x256xf32, #tpu.memory_space<hbm>>
      %dma_start3A_92 = arith.constant 0 : i32
      %dma_start3A_93 = arith.constant 0 : i32
      %dma_start3A_94 = tpu.memref_slice %arg6[%dma_start3A_79, %dma_start3A_92, %dma_start3A_93] : memref<2x64x256xf32, #tpu.memory_space<vmem>> -> memref<1x64x256xf32, #tpu.memory_space<vmem>>
      %dma_start3A_95 = tpu.memref_squeeze %dma_start3A_94 : memref<1x64x256xf32, #tpu.memory_space<vmem>> -> memref<64x256xf32, #tpu.memory_space<vmem>>
      tpu.enqueue_dma source(%dma_start3A_95 : memref<64x256xf32, #tpu.memory_space<vmem>>) target(%dma_start3A_91 : memref<64x256xf32, #tpu.memory_space<hbm>>) target_semaphore(%arg10 : memref<!tpu.dma_semaphore, #tpu.memory_space<semaphore_mem>>)
      %add3A_96 = arith.addi %mul3A_2, %mul3A_51 : i32
      %dma_start3A_97 = arith.constant 0 : i32
      %dma_start3A_98 = arith.constant 0 : i32
      %dma_start3A_99 = arith.constant 0 : i32
      %dma_start3A_100 = tpu.memref_slice %arg7[%dma_start3A_97, %dma_start3A_98, %dma_start3A_99] : memref<2x1x256xf32, #tpu.memory_space<vmem>> -> memref<1x1x256xf32, #tpu.memory_space<vmem>>
      %dma_start3A_101 = tpu.memref_squeeze %dma_start3A_100 : memref<1x1x256xf32, #tpu.memory_space<vmem>> -> memref<1x256xf32, #tpu.memory_space<vmem>>
      %dma_start3A_102 = arith.constant 64 : i32
      %dma_start3A_103 = arith.constant 0 : i32
      %dma_start3A_104 = tpu.memref_slice %arg4[%add3A_96, %dma_start3A_102, %dma_start3A_103] : memref<1024x65x256xf32, #tpu.memory_space<hbm>> -> memref<1x1x256xf32, #tpu.memory_space<hbm>>
      %dma_start3A_105 = tpu.memref_squeeze %dma_start3A_104 : memref<1x1x256xf32, #tpu.memory_space<hbm>> -> memref<1x256xf32, #tpu.memory_space<hbm>>
      %dma_start3A_106 = arith.constant 64 : i32
      %dma_start3A_107 = arith.constant 0 : i32
      %dma_start3A_108 = tpu.memref_slice %arg4[%add3A_96, %dma_start3A_106, %dma_start3A_107] : memref<1024x65x256xf32, #tpu.memory_space<hbm>> -> memref<1x1x256xf32, #tpu.memory_space<hbm>>
      %dma_start3A_109 = tpu.memref_squeeze %dma_start3A_108 : memref<1x1x256xf32, #tpu.memory_space<hbm>> -> memref<1x256xf32, #tpu.memory_space<hbm>>
      %dma_start3A_110 = arith.constant 0 : i32
      %dma_start3A_111 = arith.constant 0 : i32
      %dma_start3A_112 = tpu.memref_slice %arg7[%dma_start3A_97, %dma_start3A_110, %dma_start3A_111] : memref<2x1x256xf32, #tpu.memory_space<vmem>> -> memref<1x1x256xf32, #tpu.memory_space<vmem>>
      %dma_start3A_113 = tpu.memref_squeeze %dma_start3A_112 : memref<1x1x256xf32, #tpu.memory_space<vmem>> -> memref<1x256xf32, #tpu.memory_space<vmem>>
      tpu.enqueue_dma source(%dma_start3A_113 : memref<1x256xf32, #tpu.memory_space<vmem>>) target(%dma_start3A_109 : memref<1x256xf32, #tpu.memory_space<hbm>>) target_semaphore(%arg10 : memref<!tpu.dma_semaphore, #tpu.memory_space<semaphore_mem>>)
      %add3A_114 = arith.constant 1 : i32
      %add3A_115 = arith.addi %mul3A_51, %add3A_114 : i32
      %mul3A_116 = arith.constant 80 : i32
      %mul3A_117 = arith.muli %add3A_115, %mul3A_116 : i32
      %dma_wait3A_118 = arith.constant 1 : i32
      %dma_wait3A_119 = arith.constant 0 : i32
      %dma_wait3A_120 = arith.constant 0 : i32
      %dma_wait3A_121 = tpu.memref_slice %arg6[%dma_wait3A_118, %dma_wait3A_119, %dma_wait3A_120] : memref<2x64x256xf32, #tpu.memory_space<vmem>> -> memref<1x64x256xf32, #tpu.memory_space<vmem>>
      %dma_wait3A_122 = tpu.memref_squeeze %dma_wait3A_121 : memref<1x64x256xf32, #tpu.memory_space<vmem>> -> memref<64x256xf32, #tpu.memory_space<vmem>>
      %dma_wait3A_123 = tpu.memref_slice %arg5[%mul3A_117] : memref<2560xi32, #tpu.memory_space<vmem>> -> memref<64xi32, #tpu.memory_space<vmem>>
      %dma_wait3A_124 = arith.constant 0 : i32
      %dma_wait3A_125 = arith.constant 0 : i32
      %dma_wait3A_126 = tpu.memref_slice %arg2[%dma_wait3A_124, %dma_wait3A_125] : memref<1560x256xf32, #tpu.memory_space<hbm>> -> memref<1560x256xf32, #tpu.memory_space<hbm>>
      tpu.wait_indirect_dma semaphore(%arg9 : memref<!tpu.dma_semaphore, #tpu.memory_space<semaphore_mem>>) src(%dma_wait3A_126 : memref<1560x256xf32, #tpu.memory_space<hbm>>) dst(%dma_wait3A_122 : memref<64x256xf32, #tpu.memory_space<vmem>>)
      %mul3A_127 = arith.constant 80 : i32
      %mul3A_128 = arith.muli %add3A_115, %mul3A_127 : i32
      %add3A_129 = arith.constant 64 : i32
      %add3A_130 = arith.addi %mul3A_128, %add3A_129 : i32
      %dma_wait3A_131 = arith.constant 1 : i32
      %dma_wait3A_132 = arith.constant 0 : i32
      %dma_wait3A_133 = arith.constant 0 : i32
      %dma_wait3A_134 = tpu.memref_slice %arg7[%dma_wait3A_131, %dma_wait3A_132, %dma_wait3A_133] : memref<2x1x256xf32, #tpu.memory_space<vmem>> -> memref<1x1x256xf32, #tpu.memory_space<vmem>>
      %dma_wait3A_135 = tpu.memref_squeeze %dma_wait3A_134 : memref<1x1x256xf32, #tpu.memory_space<vmem>> -> memref<1x256xf32, #tpu.memory_space<vmem>>
      %dma_wait3A_136 = tpu.memref_slice %arg5[%add3A_130] : memref<2560xi32, #tpu.memory_space<vmem>> -> memref<1xi32, #tpu.memory_space<vmem>>
      %dma_wait3A_137 = arith.constant 0 : i32
      %dma_wait3A_138 = arith.constant 0 : i32
      %dma_wait3A_139 = tpu.memref_slice %arg2[%dma_wait3A_137, %dma_wait3A_138] : memref<1560x256xf32, #tpu.memory_space<hbm>> -> memref<1560x256xf32, #tpu.memory_space<hbm>>
      tpu.wait_indirect_dma semaphore(%arg9 : memref<!tpu.dma_semaphore, #tpu.memory_space<semaphore_mem>>) src(%dma_wait3A_139 : memref<1560x256xf32, #tpu.memory_space<hbm>>) dst(%dma_wait3A_135 : memref<1x256xf32, #tpu.memory_space<vmem>>)
      %add3A_140 = arith.constant 1 : i32
      %add3A_141 = arith.addi %mul3A_51, %add3A_140 : i32
      %add3A_142 = arith.addi %mul3A_2, %add3A_141 : i32
      %dma_start3A_143 = arith.constant 1 : i32
      %dma_start3A_144 = arith.constant 0 : i32
      %dma_start3A_145 = arith.constant 0 : i32
      %dma_start3A_146 = tpu.memref_slice %arg6[%dma_start3A_143, %dma_start3A_144, %dma_start3A_145] : memref<2x64x256xf32, #tpu.memory_space<vmem>> -> memref<1x64x256xf32, #tpu.memory_space<vmem>>
      %dma_start3A_147 = tpu.memref_squeeze %dma_start3A_146 : memref<1x64x256xf32, #tpu.memory_space<vmem>> -> memref<64x256xf32, #tpu.memory_space<vmem>>
      %dma_start3A_148 = arith.constant 0 : i32
      %dma_start3A_149 = arith.constant 0 : i32
      %dma_start3A_150 = tpu.memref_slice %arg4[%add3A_142, %dma_start3A_148, %dma_start3A_149] : memref<1024x65x256xf32, #tpu.memory_space<hbm>> -> memref<1x64x256xf32, #tpu.memory_space<hbm>>
      %dma_start3A_151 = tpu.memref_squeeze %dma_start3A_150 : memref<1x64x256xf32, #tpu.memory_space<hbm>> -> memref<64x256xf32, #tpu.memory_space<hbm>>
      %dma_start3A_152 = arith.constant 0 : i32
      %dma_start3A_153 = arith.constant 0 : i32
      %dma_start3A_154 = tpu.memref_slice %arg4[%add3A_142, %dma_start3A_152, %dma_start3A_153] : memref<1024x65x256xf32, #tpu.memory_space<hbm>> -> memref<1x64x256xf32, #tpu.memory_space<hbm>>
      %dma_start3A_155 = tpu.memref_squeeze %dma_start3A_154 : memref<1x64x256xf32, #tpu.memory_space<hbm>> -> memref<64x256xf32, #tpu.memory_space<hbm>>
      %dma_start3A_156 = arith.constant 0 : i32
      %dma_start3A_157 = arith.constant 0 : i32
      %dma_start3A_158 = tpu.memref_slice %arg6[%dma_start3A_143, %dma_start3A_156, %dma_start3A_157] : memref<2x64x256xf32, #tpu.memory_space<vmem>> -> memref<1x64x256xf32, #tpu.memory_space<vmem>>
      %dma_start3A_159 = tpu.memref_squeeze %dma_start3A_158 : memref<1x64x256xf32, #tpu.memory_space<vmem>> -> memref<64x256xf32, #tpu.memory_space<vmem>>
      tpu.enqueue_dma source(%dma_start3A_159 : memref<64x256xf32, #tpu.memory_space<vmem>>) target(%dma_start3A_155 : memref<64x256xf32, #tpu.memory_space<hbm>>) target_semaphore(%arg11 : memref<!tpu.dma_semaphore, #tpu.memory_space<semaphore_mem>>)
      %add3A_160 = arith.addi %mul3A_2, %add3A_141 : i32
      %dma_start3A_161 = arith.constant 1 : i32
      %dma_start3A_162 = arith.constant 0 : i32
      %dma_start3A_163 = arith.constant 0 : i32
      %dma_start3A_164 = tpu.memref_slice %arg7[%dma_start3A_161, %dma_start3A_162, %dma_start3A_163] : memref<2x1x256xf32, #tpu.memory_space<vmem>> -> memref<1x1x256xf32, #tpu.memory_space<vmem>>
      %dma_start3A_165 = tpu.memref_squeeze %dma_start3A_164 : memref<1x1x256xf32, #tpu.memory_space<vmem>> -> memref<1x256xf32, #tpu.memory_space<vmem>>
      %dma_start3A_166 = arith.constant 64 : i32
      %dma_start3A_167 = arith.constant 0 : i32
      %dma_start3A_168 = tpu.memref_slice %arg4[%add3A_160, %dma_start3A_166, %dma_start3A_167] : memref<1024x65x256xf32, #tpu.memory_space<hbm>> -> memref<1x1x256xf32, #tpu.memory_space<hbm>>
      %dma_start3A_169 = tpu.memref_squeeze %dma_start3A_168 : memref<1x1x256xf32, #tpu.memory_space<hbm>> -> memref<1x256xf32, #tpu.memory_space<hbm>>
      %dma_start3A_170 = arith.constant 64 : i32
      %dma_start3A_171 = arith.constant 0 : i32
      %dma_start3A_172 = tpu.memref_slice %arg4[%add3A_160, %dma_start3A_170, %dma_start3A_171] : memref<1024x65x256xf32, #tpu.memory_space<hbm>> -> memref<1x1x256xf32, #tpu.memory_space<hbm>>
      %dma_start3A_173 = tpu.memref_squeeze %dma_start3A_172 : memref<1x1x256xf32, #tpu.memory_space<hbm>> -> memref<1x256xf32, #tpu.memory_space<hbm>>
      %dma_start3A_174 = arith.constant 0 : i32
      %dma_start3A_175 = arith.constant 0 : i32
      %dma_start3A_176 = tpu.memref_slice %arg7[%dma_start3A_161, %dma_start3A_174, %dma_start3A_175] : memref<2x1x256xf32, #tpu.memory_space<vmem>> -> memref<1x1x256xf32, #tpu.memory_space<vmem>>
      %dma_start3A_177 = tpu.memref_squeeze %dma_start3A_176 : memref<1x1x256xf32, #tpu.memory_space<vmem>> -> memref<1x256xf32, #tpu.memory_space<vmem>>
      tpu.enqueue_dma source(%dma_start3A_177 : memref<1x256xf32, #tpu.memory_space<vmem>>) target(%dma_start3A_173 : memref<1x256xf32, #tpu.memory_space<hbm>>) target_semaphore(%arg11 : memref<!tpu.dma_semaphore, #tpu.memory_space<semaphore_mem>>)
      %add3A_178 = arith.addi %mul3A_2, %mul3A_51 : i32
      %dma_wait3A_179 = arith.constant 0 : i32
      %dma_wait3A_180 = arith.constant 0 : i32
      %dma_wait3A_181 = arith.constant 0 : i32
      %dma_wait3A_182 = tpu.memref_slice %arg6[%dma_wait3A_179, %dma_wait3A_180, %dma_wait3A_181] : memref<2x64x256xf32, #tpu.memory_space<vmem>> -> memref<1x64x256xf32, #tpu.memory_space<vmem>>
      %dma_wait3A_183 = tpu.memref_squeeze %dma_wait3A_182 : memref<1x64x256xf32, #tpu.memory_space<vmem>> -> memref<64x256xf32, #tpu.memory_space<vmem>>
      %dma_wait3A_184 = arith.constant 0 : i32
      %dma_wait3A_185 = arith.constant 0 : i32
      %dma_wait3A_186 = tpu.memref_slice %arg4[%add3A_178, %dma_wait3A_184, %dma_wait3A_185] : memref<1024x65x256xf32, #tpu.memory_space<hbm>> -> memref<1x64x256xf32, #tpu.memory_space<hbm>>
      %dma_wait3A_187 = tpu.memref_squeeze %dma_wait3A_186 : memref<1x64x256xf32, #tpu.memory_space<hbm>> -> memref<64x256xf32, #tpu.memory_space<hbm>>
      %dma_wait3A_188 = arith.constant 0 : i32
      %dma_wait3A_189 = arith.constant 0 : i32
      %dma_wait3A_190 = tpu.memref_slice %arg4[%add3A_178, %dma_wait3A_188, %dma_wait3A_189] : memref<1024x65x256xf32, #tpu.memory_space<hbm>> -> memref<1x64x256xf32, #tpu.memory_space<hbm>>
      %dma_wait3A_191 = tpu.memref_squeeze %dma_wait3A_190 : memref<1x64x256xf32, #tpu.memory_space<hbm>> -> memref<64x256xf32, #tpu.memory_space<hbm>>
      %dma_wait3A_192 = arith.constant 0 : i32
      %dma_wait3A_193 = arith.constant 0 : i32
      %dma_wait3A_194 = tpu.memref_slice %arg6[%dma_wait3A_179, %dma_wait3A_192, %dma_wait3A_193] : memref<2x64x256xf32, #tpu.memory_space<vmem>> -> memref<1x64x256xf32, #tpu.memory_space<vmem>>
      %dma_wait3A_195 = tpu.memref_squeeze %dma_wait3A_194 : memref<1x64x256xf32, #tpu.memory_space<vmem>> -> memref<64x256xf32, #tpu.memory_space<vmem>>
      tpu.wait_dma2 semaphore(%arg10 : memref<!tpu.dma_semaphore, #tpu.memory_space<semaphore_mem>>) src(%dma_wait3A_195 : memref<64x256xf32, #tpu.memory_space<vmem>>) dst(%dma_wait3A_191 : memref<64x256xf32, #tpu.memory_space<hbm>>)
      %add3A_196 = arith.addi %mul3A_2, %mul3A_51 : i32
      %dma_wait3A_197 = arith.constant 0 : i32
      %dma_wait3A_198 = arith.constant 0 : i32
      %dma_wait3A_199 = arith.constant 0 : i32
      %dma_wait3A_200 = tpu.memref_slice %arg7[%dma_wait3A_197, %dma_wait3A_198, %dma_wait3A_199] : memref<2x1x256xf32, #tpu.memory_space<vmem>> -> memref<1x1x256xf32, #tpu.memory_space<vmem>>
      %dma_wait3A_201 = tpu.memref_squeeze %dma_wait3A_200 : memref<1x1x256xf32, #tpu.memory_space<vmem>> -> memref<1x256xf32, #tpu.memory_space<vmem>>
      %dma_wait3A_202 = arith.constant 64 : i32
      %dma_wait3A_203 = arith.constant 0 : i32
      %dma_wait3A_204 = tpu.memref_slice %arg4[%add3A_196, %dma_wait3A_202, %dma_wait3A_203] : memref<1024x65x256xf32, #tpu.memory_space<hbm>> -> memref<1x1x256xf32, #tpu.memory_space<hbm>>
      %dma_wait3A_205 = tpu.memref_squeeze %dma_wait3A_204 : memref<1x1x256xf32, #tpu.memory_space<hbm>> -> memref<1x256xf32, #tpu.memory_space<hbm>>
      %dma_wait3A_206 = arith.constant 64 : i32
      %dma_wait3A_207 = arith.constant 0 : i32
      %dma_wait3A_208 = tpu.memref_slice %arg4[%add3A_196, %dma_wait3A_206, %dma_wait3A_207] : memref<1024x65x256xf32, #tpu.memory_space<hbm>> -> memref<1x1x256xf32, #tpu.memory_space<hbm>>
      %dma_wait3A_209 = tpu.memref_squeeze %dma_wait3A_208 : memref<1x1x256xf32, #tpu.memory_space<hbm>> -> memref<1x256xf32, #tpu.memory_space<hbm>>
      %dma_wait3A_210 = arith.constant 0 : i32
      %dma_wait3A_211 = arith.constant 0 : i32
      %dma_wait3A_212 = tpu.memref_slice %arg7[%dma_wait3A_197, %dma_wait3A_210, %dma_wait3A_211] : memref<2x1x256xf32, #tpu.memory_space<vmem>> -> memref<1x1x256xf32, #tpu.memory_space<vmem>>
      %dma_wait3A_213 = tpu.memref_squeeze %dma_wait3A_212 : memref<1x1x256xf32, #tpu.memory_space<vmem>> -> memref<1x256xf32, #tpu.memory_space<vmem>>
      tpu.wait_dma2 semaphore(%arg10 : memref<!tpu.dma_semaphore, #tpu.memory_space<semaphore_mem>>) src(%dma_wait3A_213 : memref<1x256xf32, #tpu.memory_space<vmem>>) dst(%dma_wait3A_209 : memref<1x256xf32, #tpu.memory_space<hbm>>)
      %convert_element_type3A = arith.extui %lt3A_54 : i1 to i32
      %cond3A = arith.constant 0 : i32
      %cond3A_214 = arith.cmpi ne, %convert_element_type3A, %cond3A : i32
      scf.if %cond3A_214 {
        %add3A_256 = arith.constant 2 : i32
        %add3A_257 = arith.addi %mul3A_51, %add3A_256 : i32
        %mul3A_258 = arith.constant 80 : i32
        %mul3A_259 = arith.muli %add3A_257, %mul3A_258 : i32
        %dma_start3A_260 = arith.constant 0 : i32
        %dma_start3A_261 = arith.constant 0 : i32
        %dma_start3A_262 = arith.constant 0 : i32
        %dma_start3A_263 = tpu.memref_slice %arg6[%dma_start3A_260, %dma_start3A_261, %dma_start3A_262] : memref<2x64x256xf32, #tpu.memory_space<vmem>> -> memref<1x64x256xf32, #tpu.memory_space<vmem>>
        %dma_start3A_264 = tpu.memref_squeeze %dma_start3A_263 : memref<1x64x256xf32, #tpu.memory_space<vmem>> -> memref<64x256xf32, #tpu.memory_space<vmem>>
        %dma_start3A_265 = tpu.memref_slice %arg5[%mul3A_259] : memref<2560xi32, #tpu.memory_space<vmem>> -> memref<64xi32, #tpu.memory_space<vmem>>
        %dma_start3A_266 = arith.constant 0 : i32
        %dma_start3A_267 = arith.constant 0 : i32
        %dma_start3A_268 = tpu.memref_slice %arg2[%dma_start3A_266, %dma_start3A_267] : memref<1560x256xf32, #tpu.memory_space<hbm>> -> memref<1560x256xf32, #tpu.memory_space<hbm>>
        tpu.enqueue_indirect_dma source(%dma_start3A_268 : memref<1560x256xf32, #tpu.memory_space<hbm>>) target(%dma_start3A_264 : memref<64x256xf32, #tpu.memory_space<vmem>>) offsets(%dma_start3A_265 : memref<64xi32, #tpu.memory_space<vmem>>) semaphore(%arg8 : memref<!tpu.dma_semaphore, #tpu.memory_space<semaphore_mem>>)
        %mul3A_269 = arith.constant 80 : i32
        %mul3A_270 = arith.muli %add3A_257, %mul3A_269 : i32
        %add3A_271 = arith.constant 64 : i32
        %add3A_272 = arith.addi %mul3A_270, %add3A_271 : i32
        %dma_start3A_273 = arith.constant 0 : i32
        %dma_start3A_274 = arith.constant 0 : i32
        %dma_start3A_275 = arith.constant 0 : i32
        %dma_start3A_276 = tpu.memref_slice %arg7[%dma_start3A_273, %dma_start3A_274, %dma_start3A_275] : memref<2x1x256xf32, #tpu.memory_space<vmem>> -> memref<1x1x256xf32, #tpu.memory_space<vmem>>
        %dma_start3A_277 = tpu.memref_squeeze %dma_start3A_276 : memref<1x1x256xf32, #tpu.memory_space<vmem>> -> memref<1x256xf32, #tpu.memory_space<vmem>>
        %dma_start3A_278 = tpu.memref_slice %arg5[%add3A_272] : memref<2560xi32, #tpu.memory_space<vmem>> -> memref<1xi32, #tpu.memory_space<vmem>>
        %dma_start3A_279 = arith.constant 0 : i32
        %dma_start3A_280 = arith.constant 0 : i32
        %dma_start3A_281 = tpu.memref_slice %arg2[%dma_start3A_279, %dma_start3A_280] : memref<1560x256xf32, #tpu.memory_space<hbm>> -> memref<1560x256xf32, #tpu.memory_space<hbm>>
        tpu.enqueue_indirect_dma source(%dma_start3A_281 : memref<1560x256xf32, #tpu.memory_space<hbm>>) target(%dma_start3A_277 : memref<1x256xf32, #tpu.memory_space<vmem>>) offsets(%dma_start3A_278 : memref<1xi32, #tpu.memory_space<vmem>>) semaphore(%arg8 : memref<!tpu.dma_semaphore, #tpu.memory_space<semaphore_mem>>)
      } else {
      }
      %add3A_215 = arith.constant 1 : i32
      %add3A_216 = arith.addi %mul3A_51, %add3A_215 : i32
      %add3A_217 = arith.addi %mul3A_2, %add3A_216 : i32
      %dma_wait3A_218 = arith.constant 1 : i32
      %dma_wait3A_219 = arith.constant 0 : i32
      %dma_wait3A_220 = arith.constant 0 : i32
      %dma_wait3A_221 = tpu.memref_slice %arg6[%dma_wait3A_218, %dma_wait3A_219, %dma_wait3A_220] : memref<2x64x256xf32, #tpu.memory_space<vmem>> -> memref<1x64x256xf32, #tpu.memory_space<vmem>>
      %dma_wait3A_222 = tpu.memref_squeeze %dma_wait3A_221 : memref<1x64x256xf32, #tpu.memory_space<vmem>> -> memref<64x256xf32, #tpu.memory_space<vmem>>
      %dma_wait3A_223 = arith.constant 0 : i32
      %dma_wait3A_224 = arith.constant 0 : i32
      %dma_wait3A_225 = tpu.memref_slice %arg4[%add3A_217, %dma_wait3A_223, %dma_wait3A_224] : memref<1024x65x256xf32, #tpu.memory_space<hbm>> -> memref<1x64x256xf32, #tpu.memory_space<hbm>>
      %dma_wait3A_226 = tpu.memref_squeeze %dma_wait3A_225 : memref<1x64x256xf32, #tpu.memory_space<hbm>> -> memref<64x256xf32, #tpu.memory_space<hbm>>
      %dma_wait3A_227 = arith.constant 0 : i32
      %dma_wait3A_228 = arith.constant 0 : i32
      %dma_wait3A_229 = tpu.memref_slice %arg4[%add3A_217, %dma_wait3A_227, %dma_wait3A_228] : memref<1024x65x256xf32, #tpu.memory_space<hbm>> -> memref<1x64x256xf32, #tpu.memory_space<hbm>>
      %dma_wait3A_230 = tpu.memref_squeeze %dma_wait3A_229 : memref<1x64x256xf32, #tpu.memory_space<hbm>> -> memref<64x256xf32, #tpu.memory_space<hbm>>
      %dma_wait3A_231 = arith.constant 0 : i32
      %dma_wait3A_232 = arith.constant 0 : i32
      %dma_wait3A_233 = tpu.memref_slice %arg6[%dma_wait3A_218, %dma_wait3A_231, %dma_wait3A_232] : memref<2x64x256xf32, #tpu.memory_space<vmem>> -> memref<1x64x256xf32, #tpu.memory_space<vmem>>
      %dma_wait3A_234 = tpu.memref_squeeze %dma_wait3A_233 : memref<1x64x256xf32, #tpu.memory_space<vmem>> -> memref<64x256xf32, #tpu.memory_space<vmem>>
      tpu.wait_dma2 semaphore(%arg11 : memref<!tpu.dma_semaphore, #tpu.memory_space<semaphore_mem>>) src(%dma_wait3A_234 : memref<64x256xf32, #tpu.memory_space<vmem>>) dst(%dma_wait3A_230 : memref<64x256xf32, #tpu.memory_space<hbm>>)
      %add3A_235 = arith.addi %mul3A_2, %add3A_216 : i32
      %dma_wait3A_236 = arith.constant 1 : i32
      %dma_wait3A_237 = arith.constant 0 : i32
      %dma_wait3A_238 = arith.constant 0 : i32
      %dma_wait3A_239 = tpu.memref_slice %arg7[%dma_wait3A_236, %dma_wait3A_237, %dma_wait3A_238] : memref<2x1x256xf32, #tpu.memory_space<vmem>> -> memref<1x1x256xf32, #tpu.memory_space<vmem>>
      %dma_wait3A_240 = tpu.memref_squeeze %dma_wait3A_239 : memref<1x1x256xf32, #tpu.memory_space<vmem>> -> memref<1x256xf32, #tpu.memory_space<vmem>>
      %dma_wait3A_241 = arith.constant 64 : i32
      %dma_wait3A_242 = arith.constant 0 : i32
      %dma_wait3A_243 = tpu.memref_slice %arg4[%add3A_235, %dma_wait3A_241, %dma_wait3A_242] : memref<1024x65x256xf32, #tpu.memory_space<hbm>> -> memref<1x1x256xf32, #tpu.memory_space<hbm>>
      %dma_wait3A_244 = tpu.memref_squeeze %dma_wait3A_243 : memref<1x1x256xf32, #tpu.memory_space<hbm>> -> memref<1x256xf32, #tpu.memory_space<hbm>>
      %dma_wait3A_245 = arith.constant 64 : i32
      %dma_wait3A_246 = arith.constant 0 : i32
      %dma_wait3A_247 = tpu.memref_slice %arg4[%add3A_235, %dma_wait3A_245, %dma_wait3A_246] : memref<1024x65x256xf32, #tpu.memory_space<hbm>> -> memref<1x1x256xf32, #tpu.memory_space<hbm>>
      %dma_wait3A_248 = tpu.memref_squeeze %dma_wait3A_247 : memref<1x1x256xf32, #tpu.memory_space<hbm>> -> memref<1x256xf32, #tpu.memory_space<hbm>>
      %dma_wait3A_249 = arith.constant 0 : i32
      %dma_wait3A_250 = arith.constant 0 : i32
      %dma_wait3A_251 = tpu.memref_slice %arg7[%dma_wait3A_236, %dma_wait3A_249, %dma_wait3A_250] : memref<2x1x256xf32, #tpu.memory_space<vmem>> -> memref<1x1x256xf32, #tpu.memory_space<vmem>>
      %dma_wait3A_252 = tpu.memref_squeeze %dma_wait3A_251 : memref<1x1x256xf32, #tpu.memory_space<vmem>> -> memref<1x256xf32, #tpu.memory_space<vmem>>
      tpu.wait_dma2 semaphore(%arg11 : memref<!tpu.dma_semaphore, #tpu.memory_space<semaphore_mem>>) src(%dma_wait3A_252 : memref<1x256xf32, #tpu.memory_space<vmem>>) dst(%dma_wait3A_248 : memref<1x256xf32, #tpu.memory_space<hbm>>)
      %convert_element_type3A_253 = arith.extui %lt3A_54 : i1 to i32
      %cond3A_254 = arith.constant 0 : i32
      %cond3A_255 = arith.cmpi ne, %convert_element_type3A_253, %cond3A_254 : i32
      scf.if %cond3A_255 {
        %add3A_256 = arith.constant 3 : i32
        %add3A_257 = arith.addi %mul3A_51, %add3A_256 : i32
        %mul3A_258 = arith.constant 80 : i32
        %mul3A_259 = arith.muli %add3A_257, %mul3A_258 : i32
        %dma_start3A_260 = arith.constant 1 : i32
        %dma_start3A_261 = arith.constant 0 : i32
        %dma_start3A_262 = arith.constant 0 : i32
        %dma_start3A_263 = tpu.memref_slice %arg6[%dma_start3A_260, %dma_start3A_261, %dma_start3A_262] : memref<2x64x256xf32, #tpu.memory_space<vmem>> -> memref<1x64x256xf32, #tpu.memory_space<vmem>>
        %dma_start3A_264 = tpu.memref_squeeze %dma_start3A_263 : memref<1x64x256xf32, #tpu.memory_space<vmem>> -> memref<64x256xf32, #tpu.memory_space<vmem>>
        %dma_start3A_265 = tpu.memref_slice %arg5[%mul3A_259] : memref<2560xi32, #tpu.memory_space<vmem>> -> memref<64xi32, #tpu.memory_space<vmem>>
        %dma_start3A_266 = arith.constant 0 : i32
        %dma_start3A_267 = arith.constant 0 : i32
        %dma_start3A_268 = tpu.memref_slice %arg2[%dma_start3A_266, %dma_start3A_267] : memref<1560x256xf32, #tpu.memory_space<hbm>> -> memref<1560x256xf32, #tpu.memory_space<hbm>>
        tpu.enqueue_indirect_dma source(%dma_start3A_268 : memref<1560x256xf32, #tpu.memory_space<hbm>>) target(%dma_start3A_264 : memref<64x256xf32, #tpu.memory_space<vmem>>) offsets(%dma_start3A_265 : memref<64xi32, #tpu.memory_space<vmem>>) semaphore(%arg9 : memref<!tpu.dma_semaphore, #tpu.memory_space<semaphore_mem>>)
        %mul3A_269 = arith.constant 80 : i32
        %mul3A_270 = arith.muli %add3A_257, %mul3A_269 : i32
        %add3A_271 = arith.constant 64 : i32
        %add3A_272 = arith.addi %mul3A_270, %add3A_271 : i32
        %dma_start3A_273 = arith.constant 1 : i32
        %dma_start3A_274 = arith.constant 0 : i32
        %dma_start3A_275 = arith.constant 0 : i32
        %dma_start3A_276 = tpu.memref_slice %arg7[%dma_start3A_273, %dma_start3A_274, %dma_start3A_275] : memref<2x1x256xf32, #tpu.memory_space<vmem>> -> memref<1x1x256xf32, #tpu.memory_space<vmem>>
        %dma_start3A_277 = tpu.memref_squeeze %dma_start3A_276 : memref<1x1x256xf32, #tpu.memory_space<vmem>> -> memref<1x256xf32, #tpu.memory_space<vmem>>
        %dma_start3A_278 = tpu.memref_slice %arg5[%add3A_272] : memref<2560xi32, #tpu.memory_space<vmem>> -> memref<1xi32, #tpu.memory_space<vmem>>
        %dma_start3A_279 = arith.constant 0 : i32
        %dma_start3A_280 = arith.constant 0 : i32
        %dma_start3A_281 = tpu.memref_slice %arg2[%dma_start3A_279, %dma_start3A_280] : memref<1560x256xf32, #tpu.memory_space<hbm>> -> memref<1560x256xf32, #tpu.memory_space<hbm>>
        tpu.enqueue_indirect_dma source(%dma_start3A_281 : memref<1560x256xf32, #tpu.memory_space<hbm>>) target(%dma_start3A_277 : memref<1x256xf32, #tpu.memory_space<vmem>>) offsets(%dma_start3A_278 : memref<1xi32, #tpu.memory_space<vmem>>) semaphore(%arg9 : memref<!tpu.dma_semaphore, #tpu.memory_space<semaphore_mem>>)
      } else {
      }
    }
    %scan3A_48 = arith.constant 16 : i32
    return
  }
}

#map = affine_map<(d0, d1) -> (0, 0)>
#map1 = affine_map<(d0, d1) -> (0)>
#map2 = affine_map<(d0, d1) -> (0, 0, 0)>
module attributes {stable_mosaic.version = 14 : i64} {
  func.func @gather(%arg0: i32, %arg1: i32, %arg2: memref<1560x256xf32, #tpu.memory_space<hbm>>, %arg3: memref<81920xi32, #tpu.memory_space<hbm>>, %arg4: memref<1024x65x256xf32, #tpu.memory_space<hbm>>, %arg5: memref<2560xi32, #tpu.memory_space<vmem>>, %arg6: memref<2x64x256xf32, #tpu.memory_space<vmem>>, %arg7: memref<2x1x256xf32, #tpu.memory_space<vmem>>, %arg8: memref<!tpu.dma_semaphore, #tpu.memory_space<semaphore_mem>>, %arg9: memref<!tpu.dma_semaphore, #tpu.memory_space<semaphore_mem>>, %arg10: memref<!tpu.dma_semaphore, #tpu.memory_space<semaphore_mem>>, %arg11: memref<!tpu.dma_semaphore, #tpu.memory_space<semaphore_mem>>) attributes {dimension_semantics = [#tpu.dimension_semantics<core_parallel>, #tpu.dimension_semantics<subcore_parallel>], iteration_bounds = array<i64: 2, 16>, scalar_prefetch = 0 : i64, scratch_operands = 7 : i64, tpu.core_type = #tpu.core_type<sc_vector_subcore>, window_params = [{transform_indices = #map}, {transform_indices = #map1}, {transform_indices = #map2}]} {
    %mul3A = arith.constant 2 : i32
    %mul3A_0 = arith.muli %arg1, %mul3A : i32
    %add3A = arith.addi %mul3A_0, %arg0 : i32
    %mul3A_1 = arith.constant 32 : i32
    %mul3A_2 = arith.muli %add3A, %mul3A_1 : i32
    %mul3A_3 = arith.constant 80 : i32
    %mul3A_4 = arith.muli %mul3A_2, %mul3A_3 : i32
    "tpu.region"() ({
      %run_scoped3A = tpu.sem_alloc : memref<!tpu.dma_semaphore, #tpu.memory_space<semaphore_mem>>
      %dma_start3A_49 = tpu.memref_slice %arg3[%mul3A_4] : memref<81920xi32, #tpu.memory_space<hbm>> -> memref<2560xi32, #tpu.memory_space<hbm>>
      %dma_start3A_50 = tpu.memref_slice %arg3[%mul3A_4] : memref<81920xi32, #tpu.memory_space<hbm>> -> memref<2560xi32, #tpu.memory_space<hbm>>
      tpu.enqueue_dma source(%dma_start3A_50 : memref<2560xi32, #tpu.memory_space<hbm>>) target(%arg5 : memref<2560xi32, #tpu.memory_space<vmem>>) target_semaphore(%run_scoped3A : memref<!tpu.dma_semaphore, #tpu.memory_space<semaphore_mem>>)
      %dma_wait3A = tpu.memref_slice %arg3[%mul3A_4] : memref<81920xi32, #tpu.memory_space<hbm>> -> memref<2560xi32, #tpu.memory_space<hbm>>
      %dma_wait3A_51 = tpu.memref_slice %arg3[%mul3A_4] : memref<81920xi32, #tpu.memory_space<hbm>> -> memref<2560xi32, #tpu.memory_space<hbm>>
      tpu.wait_dma2 semaphore(%run_scoped3A : memref<!tpu.dma_semaphore, #tpu.memory_space<semaphore_mem>>) src(%dma_wait3A_51 : memref<2560xi32, #tpu.memory_space<hbm>>) dst(%arg5 : memref<2560xi32, #tpu.memory_space<vmem>>)
      tpu.yield
    }) : () -> ()
    %dma_start3A = arith.constant 0 : i32
    %dma_start3A_5 = arith.constant 0 : i32
    %dma_start3A_6 = arith.constant 0 : i32
    %dma_start3A_7 = tpu.memref_slice %arg6[%dma_start3A, %dma_start3A_5, %dma_start3A_6] : memref<2x64x256xf32, #tpu.memory_space<vmem>> -> memref<1x64x256xf32, #tpu.memory_space<vmem>>
    %dma_start3A_8 = tpu.memref_squeeze %dma_start3A_7 : memref<1x64x256xf32, #tpu.memory_space<vmem>> -> memref<64x256xf32, #tpu.memory_space<vmem>>
    %dma_start3A_9 = arith.constant 0 : i32
    %dma_start3A_10 = tpu.memref_slice %arg5[%dma_start3A_9] : memref<2560xi32, #tpu.memory_space<vmem>> -> memref<64xi32, #tpu.memory_space<vmem>>
    %dma_start3A_11 = arith.constant 0 : i32
    %dma_start3A_12 = arith.constant 0 : i32
    %dma_start3A_13 = tpu.memref_slice %arg2[%dma_start3A_11, %dma_start3A_12] : memref<1560x256xf32, #tpu.memory_space<hbm>> -> memref<1560x256xf32, #tpu.memory_space<hbm>>
    tpu.enqueue_indirect_dma source(%dma_start3A_13 : memref<1560x256xf32, #tpu.memory_space<hbm>>) target(%dma_start3A_8 : memref<64x256xf32, #tpu.memory_space<vmem>>) offsets(%dma_start3A_10 : memref<64xi32, #tpu.memory_space<vmem>>) semaphore(%arg8 : memref<!tpu.dma_semaphore, #tpu.memory_space<semaphore_mem>>)
    %dma_start3A_14 = arith.constant 0 : i32
    %dma_start3A_15 = arith.constant 0 : i32
    %dma_start3A_16 = arith.constant 0 : i32
    %dma_start3A_17 = tpu.memref_slice %arg7[%dma_start3A_14, %dma_start3A_15, %dma_start3A_16] : memref<2x1x256xf32, #tpu.memory_space<vmem>> -> memref<1x1x256xf32, #tpu.memory_space<vmem>>
    %dma_start3A_18 = tpu.memref_squeeze %dma_start3A_17 : memref<1x1x256xf32, #tpu.memory_space<vmem>> -> memref<1x256xf32, #tpu.memory_space<vmem>>
    %dma_start3A_19 = arith.constant 64 : i32
    %dma_start3A_20 = tpu.memref_slice %arg5[%dma_start3A_19] : memref<2560xi32, #tpu.memory_space<vmem>> -> memref<1xi32, #tpu.memory_space<vmem>>
    %dma_start3A_21 = arith.constant 0 : i32
    %dma_start3A_22 = arith.constant 0 : i32
    %dma_start3A_23 = tpu.memref_slice %arg2[%dma_start3A_21, %dma_start3A_22] : memref<1560x256xf32, #tpu.memory_space<hbm>> -> memref<1560x256xf32, #tpu.memory_space<hbm>>
    tpu.enqueue_indirect_dma source(%dma_start3A_23 : memref<1560x256xf32, #tpu.memory_space<hbm>>) target(%dma_start3A_18 : memref<1x256xf32, #tpu.memory_space<vmem>>) offsets(%dma_start3A_20 : memref<1xi32, #tpu.memory_space<vmem>>) semaphore(%arg8 : memref<!tpu.dma_semaphore, #tpu.memory_space<semaphore_mem>>)
    %dma_start3A_24 = arith.constant 1 : i32
    %dma_start3A_25 = arith.constant 0 : i32
    %dma_start3A_26 = arith.constant 0 : i32
    %dma_start3A_27 = tpu.memref_slice %arg6[%dma_start3A_24, %dma_start3A_25, %dma_start3A_26] : memref<2x64x256xf32, #tpu.memory_space<vmem>> -> memref<1x64x256xf32, #tpu.memory_space<vmem>>
    %dma_start3A_28 = tpu.memref_squeeze %dma_start3A_27 : memref<1x64x256xf32, #tpu.memory_space<vmem>> -> memref<64x256xf32, #tpu.memory_space<vmem>>
    %dma_start3A_29 = arith.constant 80 : i32
    %dma_start3A_30 = tpu.memref_slice %arg5[%dma_start3A_29] : memref<2560xi32, #tpu.memory_space<vmem>> -> memref<64xi32, #tpu.memory_space<vmem>>
    %dma_start3A_31 = arith.constant 0 : i32
    %dma_start3A_32 = arith.constant 0 : i32
    %dma_start3A_33 = tpu.memref_slice %arg2[%dma_start3A_31, %dma_start3A_32] : memref<1560x256xf32, #tpu.memory_space<hbm>> -> memref<1560x256xf32, #tpu.memory_space<hbm>>
    tpu.enqueue_indirect_dma source(%dma_start3A_33 : memref<1560x256xf32, #tpu.memory_space<hbm>>) target(%dma_start3A_28 : memref<64x256xf32, #tpu.memory_space<vmem>>) offsets(%dma_start3A_30 : memref<64xi32, #tpu.memory_space<vmem>>) semaphore(%arg9 : memref<!tpu.dma_semaphore, #tpu.memory_space<semaphore_mem>>)
    %dma_start3A_34 = arith.constant 1 : i32
    %dma_start3A_35 = arith.constant 0 : i32
    %dma_start3A_36 = arith.constant 0 : i32
    %dma_start3A_37 = tpu.memref_slice %arg7[%dma_start3A_34, %dma_start3A_35, %dma_start3A_36] : memref<2x1x256xf32, #tpu.memory_space<vmem>> -> memref<1x1x256xf32, #tpu.memory_space<vmem>>
    %dma_start3A_38 = tpu.memref_squeeze %dma_start3A_37 : memref<1x1x256xf32, #tpu.memory_space<vmem>> -> memref<1x256xf32, #tpu.memory_space<vmem>>
    %dma_start3A_39 = arith.constant 144 : i32
    %dma_start3A_40 = tpu.memref_slice %arg5[%dma_start3A_39] : memref<2560xi32, #tpu.memory_space<vmem>> -> memref<1xi32, #tpu.memory_space<vmem>>
    %dma_start3A_41 = arith.constant 0 : i32
    %dma_start3A_42 = arith.constant 0 : i32
    %dma_start3A_43 = tpu.memref_slice %arg2[%dma_start3A_41, %dma_start3A_42] : memref<1560x256xf32, #tpu.memory_space<hbm>> -> memref<1560x256xf32, #tpu.memory_space<hbm>>
    tpu.enqueue_indirect_dma source(%dma_start3A_43 : memref<1560x256xf32, #tpu.memory_space<hbm>>) target(%dma_start3A_38 : memref<1x256xf32, #tpu.memory_space<vmem>>) offsets(%dma_start3A_40 : memref<1xi32, #tpu.memory_space<vmem>>) semaphore(%arg9 : memref<!tpu.dma_semaphore, #tpu.memory_space<semaphore_mem>>)
    %scan3A = arith.constant 0 : i32
    %scan3A_44 = arith.constant 0 : i32
    %scan3A_45 = arith.constant 16 : i32
    %scan3A_46 = arith.addi %scan3A_44, %scan3A_45 : i32
    %scan3A_47 = arith.constant 1 : i32
    scf.for %scan3A_49 = %scan3A_44 to %scan3A_46 step %scan3A_47  : i32 {
      %mul3A_50 = arith.constant 2 : i32
      %mul3A_51 = arith.muli %mul3A_50, %scan3A_49 : i32
      %add3A_52 = arith.constant 2 : i32
      %add3A_53 = arith.addi %mul3A_51, %add3A_52 : i32
      %lt3A = arith.constant 32 : i32
      %lt3A_54 = arith.cmpi slt, %add3A_53, %lt3A : i32
      %mul3A_55 = arith.constant 80 : i32
      %mul3A_56 = arith.muli %mul3A_51, %mul3A_55 : i32
      %dma_wait3A = arith.constant 0 : i32
      %dma_wait3A_57 = arith.constant 0 : i32
      %dma_wait3A_58 = arith.constant 0 : i32
      %dma_wait3A_59 = tpu.memref_slice %arg6[%dma_wait3A, %dma_wait3A_57, %dma_wait3A_58] : memref<2x64x256xf32, #tpu.memory_space<vmem>> -> memref<1x64x256xf32, #tpu.memory_space<vmem>>
      %dma_wait3A_60 = tpu.memref_squeeze %dma_wait3A_59 : memref<1x64x256xf32, #tpu.memory_space<vmem>> -> memref<64x256xf32, #tpu.memory_space<vmem>>
      %dma_wait3A_61 = tpu.memref_slice %arg5[%mul3A_56] : memref<2560xi32, #tpu.memory_space<vmem>> -> memref<64xi32, #tpu.memory_space<vmem>>
      %dma_wait3A_62 = arith.constant 0 : i32
      %dma_wait3A_63 = arith.constant 0 : i32
      %dma_wait3A_64 = tpu.memref_slice %arg2[%dma_wait3A_62, %dma_wait3A_63] : memref<1560x256xf32, #tpu.memory_space<hbm>> -> memref<1560x256xf32, #tpu.memory_space<hbm>>
      tpu.wait_indirect_dma semaphore(%arg8 : memref<!tpu.dma_semaphore, #tpu.memory_space<semaphore_mem>>) src(%dma_wait3A_64 : memref<1560x256xf32, #tpu.memory_space<hbm>>) dst(%dma_wait3A_60 : memref<64x256xf32, #tpu.memory_space<vmem>>)
      %mul3A_65 = arith.constant 80 : i32
      %mul3A_66 = arith.muli %mul3A_51, %mul3A_65 : i32
      %add3A_67 = arith.constant 64 : i32
      %add3A_68 = arith.addi %mul3A_66, %add3A_67 : i32
      %dma_wait3A_69 = arith.constant 0 : i32
      %dma_wait3A_70 = arith.constant 0 : i32
      %dma_wait3A_71 = arith.constant 0 : i32
      %dma_wait3A_72 = tpu.memref_slice %arg7[%dma_wait3A_69, %dma_wait3A_70, %dma_wait3A_71] : memref<2x1x256xf32, #tpu.memory_space<vmem>> -> memref<1x1x256xf32, #tpu.memory_space<vmem>>
      %dma_wait3A_73 = tpu.memref_squeeze %dma_wait3A_72 : memref<1x1x256xf32, #tpu.memory_space<vmem>> -> memref<1x256xf32, #tpu.memory_space<vmem>>
      %dma_wait3A_74 = tpu.memref_slice %arg5[%add3A_68] : memref<2560xi32, #tpu.memory_space<vmem>> -> memref<1xi32, #tpu.memory_space<vmem>>
      %dma_wait3A_75 = arith.constant 0 : i32
      %dma_wait3A_76 = arith.constant 0 : i32
      %dma_wait3A_77 = tpu.memref_slice %arg2[%dma_wait3A_75, %dma_wait3A_76] : memref<1560x256xf32, #tpu.memory_space<hbm>> -> memref<1560x256xf32, #tpu.memory_space<hbm>>
      tpu.wait_indirect_dma semaphore(%arg8 : memref<!tpu.dma_semaphore, #tpu.memory_space<semaphore_mem>>) src(%dma_wait3A_77 : memref<1560x256xf32, #tpu.memory_space<hbm>>) dst(%dma_wait3A_73 : memref<1x256xf32, #tpu.memory_space<vmem>>)
      %add3A_78 = arith.addi %mul3A_2, %mul3A_51 : i32
      %dma_start3A_79 = arith.constant 0 : i32
      %dma_start3A_80 = arith.constant 0 : i32
      %dma_start3A_81 = arith.constant 0 : i32
      %dma_start3A_82 = tpu.memref_slice %arg6[%dma_start3A_79, %dma_start3A_80, %dma_start3A_81] : memref<2x64x256xf32, #tpu.memory_space<vmem>> -> memref<1x64x256xf32, #tpu.memory_space<vmem>>
      %dma_start3A_83 = tpu.memref_squeeze %dma_start3A_82 : memref<1x64x256xf32, #tpu.memory_space<vmem>> -> memref<64x256xf32, #tpu.memory_space<vmem>>
      %dma_start3A_84 = arith.constant 0 : i32
      %dma_start3A_85 = arith.constant 0 : i32
      %dma_start3A_86 = tpu.memref_slice %arg4[%add3A_78, %dma_start3A_84, %dma_start3A_85] : memref<1024x65x256xf32, #tpu.memory_space<hbm>> -> memref<1x64x256xf32, #tpu.memory_space<hbm>>
      %dma_start3A_87 = tpu.memref_squeeze %dma_start3A_86 : memref<1x64x256xf32, #tpu.memory_space<hbm>> -> memref<64x256xf32, #tpu.memory_space<hbm>>
      %dma_start3A_88 = arith.constant 0 : i32
      %dma_start3A_89 = arith.constant 0 : i32
      %dma_start3A_90 = tpu.memref_slice %arg4[%add3A_78, %dma_start3A_88, %dma_start3A_89] : memref<1024x65x256xf32, #tpu.memory_space<hbm>> -> memref<1x64x256xf32, #tpu.memory_space<hbm>>
      %dma_start3A_91 = tpu.memref_squeeze %dma_start3A_90 : memref<1x64x256xf32, #tpu.memory_space<hbm>> -> memref<64x256xf32, #tpu.memory_space<hbm>>
      %dma_start3A_92 = arith.constant 0 : i32
      %dma_start3A_93 = arith.constant 0 : i32
      %dma_start3A_94 = tpu.memref_slice %arg6[%dma_start3A_79, %dma_start3A_92, %dma_start3A_93] : memref<2x64x256xf32, #tpu.memory_space<vmem>> -> memref<1x64x256xf32, #tpu.memory_space<vmem>>
      %dma_start3A_95 = tpu.memref_squeeze %dma_start3A_94 : memref<1x64x256xf32, #tpu.memory_space<vmem>> -> memref<64x256xf32, #tpu.memory_space<vmem>>
      tpu.enqueue_dma source(%dma_start3A_95 : memref<64x256xf32, #tpu.memory_space<vmem>>) target(%dma_start3A_91 : memref<64x256xf32, #tpu.memory_space<hbm>>) target_semaphore(%arg10 : memref<!tpu.dma_semaphore, #tpu.memory_space<semaphore_mem>>)
      %add3A_96 = arith.addi %mul3A_2, %mul3A_51 : i32
      %dma_start3A_97 = arith.constant 0 : i32
      %dma_start3A_98 = arith.constant 0 : i32
      %dma_start3A_99 = arith.constant 0 : i32
      %dma_start3A_100 = tpu.memref_slice %arg7[%dma_start3A_97, %dma_start3A_98, %dma_start3A_99] : memref<2x1x256xf32, #tpu.memory_space<vmem>> -> memref<1x1x256xf32, #tpu.memory_space<vmem>>
      %dma_start3A_101 = tpu.memref_squeeze %dma_start3A_100 : memref<1x1x256xf32, #tpu.memory_space<vmem>> -> memref<1x256xf32, #tpu.memory_space<vmem>>
      %dma_start3A_102 = arith.constant 64 : i32
      %dma_start3A_103 = arith.constant 0 : i32
      %dma_start3A_104 = tpu.memref_slice %arg4[%add3A_96, %dma_start3A_102, %dma_start3A_103] : memref<1024x65x256xf32, #tpu.memory_space<hbm>> -> memref<1x1x256xf32, #tpu.memory_space<hbm>>
      %dma_start3A_105 = tpu.memref_squeeze %dma_start3A_104 : memref<1x1x256xf32, #tpu.memory_space<hbm>> -> memref<1x256xf32, #tpu.memory_space<hbm>>
      %dma_start3A_106 = arith.constant 64 : i32
      %dma_start3A_107 = arith.constant 0 : i32
      %dma_start3A_108 = tpu.memref_slice %arg4[%add3A_96, %dma_start3A_106, %dma_start3A_107] : memref<1024x65x256xf32, #tpu.memory_space<hbm>> -> memref<1x1x256xf32, #tpu.memory_space<hbm>>
      %dma_start3A_109 = tpu.memref_squeeze %dma_start3A_108 : memref<1x1x256xf32, #tpu.memory_space<hbm>> -> memref<1x256xf32, #tpu.memory_space<hbm>>
      %dma_start3A_110 = arith.constant 0 : i32
      %dma_start3A_111 = arith.constant 0 : i32
      %dma_start3A_112 = tpu.memref_slice %arg7[%dma_start3A_97, %dma_start3A_110, %dma_start3A_111] : memref<2x1x256xf32, #tpu.memory_space<vmem>> -> memref<1x1x256xf32, #tpu.memory_space<vmem>>
      %dma_start3A_113 = tpu.memref_squeeze %dma_start3A_112 : memref<1x1x256xf32, #tpu.memory_space<vmem>> -> memref<1x256xf32, #tpu.memory_space<vmem>>
      tpu.enqueue_dma source(%dma_start3A_113 : memref<1x256xf32, #tpu.memory_space<vmem>>) target(%dma_start3A_109 : memref<1x256xf32, #tpu.memory_space<hbm>>) target_semaphore(%arg10 : memref<!tpu.dma_semaphore, #tpu.memory_space<semaphore_mem>>)
      %add3A_114 = arith.constant 1 : i32
      %add3A_115 = arith.addi %mul3A_51, %add3A_114 : i32
      %mul3A_116 = arith.constant 80 : i32
      %mul3A_117 = arith.muli %add3A_115, %mul3A_116 : i32
      %dma_wait3A_118 = arith.constant 1 : i32
      %dma_wait3A_119 = arith.constant 0 : i32
      %dma_wait3A_120 = arith.constant 0 : i32
      %dma_wait3A_121 = tpu.memref_slice %arg6[%dma_wait3A_118, %dma_wait3A_119, %dma_wait3A_120] : memref<2x64x256xf32, #tpu.memory_space<vmem>> -> memref<1x64x256xf32, #tpu.memory_space<vmem>>
      %dma_wait3A_122 = tpu.memref_squeeze %dma_wait3A_121 : memref<1x64x256xf32, #tpu.memory_space<vmem>> -> memref<64x256xf32, #tpu.memory_space<vmem>>
      %dma_wait3A_123 = tpu.memref_slice %arg5[%mul3A_117] : memref<2560xi32, #tpu.memory_space<vmem>> -> memref<64xi32, #tpu.memory_space<vmem>>
      %dma_wait3A_124 = arith.constant 0 : i32
      %dma_wait3A_125 = arith.constant 0 : i32
      %dma_wait3A_126 = tpu.memref_slice %arg2[%dma_wait3A_124, %dma_wait3A_125] : memref<1560x256xf32, #tpu.memory_space<hbm>> -> memref<1560x256xf32, #tpu.memory_space<hbm>>
      tpu.wait_indirect_dma semaphore(%arg9 : memref<!tpu.dma_semaphore, #tpu.memory_space<semaphore_mem>>) src(%dma_wait3A_126 : memref<1560x256xf32, #tpu.memory_space<hbm>>) dst(%dma_wait3A_122 : memref<64x256xf32, #tpu.memory_space<vmem>>)
      %mul3A_127 = arith.constant 80 : i32
      %mul3A_128 = arith.muli %add3A_115, %mul3A_127 : i32
      %add3A_129 = arith.constant 64 : i32
      %add3A_130 = arith.addi %mul3A_128, %add3A_129 : i32
      %dma_wait3A_131 = arith.constant 1 : i32
      %dma_wait3A_132 = arith.constant 0 : i32
      %dma_wait3A_133 = arith.constant 0 : i32
      %dma_wait3A_134 = tpu.memref_slice %arg7[%dma_wait3A_131, %dma_wait3A_132, %dma_wait3A_133] : memref<2x1x256xf32, #tpu.memory_space<vmem>> -> memref<1x1x256xf32, #tpu.memory_space<vmem>>
      %dma_wait3A_135 = tpu.memref_squeeze %dma_wait3A_134 : memref<1x1x256xf32, #tpu.memory_space<vmem>> -> memref<1x256xf32, #tpu.memory_space<vmem>>
      %dma_wait3A_136 = tpu.memref_slice %arg5[%add3A_130] : memref<2560xi32, #tpu.memory_space<vmem>> -> memref<1xi32, #tpu.memory_space<vmem>>
      %dma_wait3A_137 = arith.constant 0 : i32
      %dma_wait3A_138 = arith.constant 0 : i32
      %dma_wait3A_139 = tpu.memref_slice %arg2[%dma_wait3A_137, %dma_wait3A_138] : memref<1560x256xf32, #tpu.memory_space<hbm>> -> memref<1560x256xf32, #tpu.memory_space<hbm>>
      tpu.wait_indirect_dma semaphore(%arg9 : memref<!tpu.dma_semaphore, #tpu.memory_space<semaphore_mem>>) src(%dma_wait3A_139 : memref<1560x256xf32, #tpu.memory_space<hbm>>) dst(%dma_wait3A_135 : memref<1x256xf32, #tpu.memory_space<vmem>>)
      %add3A_140 = arith.constant 1 : i32
      %add3A_141 = arith.addi %mul3A_51, %add3A_140 : i32
      %add3A_142 = arith.addi %mul3A_2, %add3A_141 : i32
      %dma_start3A_143 = arith.constant 1 : i32
      %dma_start3A_144 = arith.constant 0 : i32
      %dma_start3A_145 = arith.constant 0 : i32
      %dma_start3A_146 = tpu.memref_slice %arg6[%dma_start3A_143, %dma_start3A_144, %dma_start3A_145] : memref<2x64x256xf32, #tpu.memory_space<vmem>> -> memref<1x64x256xf32, #tpu.memory_space<vmem>>
      %dma_start3A_147 = tpu.memref_squeeze %dma_start3A_146 : memref<1x64x256xf32, #tpu.memory_space<vmem>> -> memref<64x256xf32, #tpu.memory_space<vmem>>
      %dma_start3A_148 = arith.constant 0 : i32
      %dma_start3A_149 = arith.constant 0 : i32
      %dma_start3A_150 = tpu.memref_slice %arg4[%add3A_142, %dma_start3A_148, %dma_start3A_149] : memref<1024x65x256xf32, #tpu.memory_space<hbm>> -> memref<1x64x256xf32, #tpu.memory_space<hbm>>
      %dma_start3A_151 = tpu.memref_squeeze %dma_start3A_150 : memref<1x64x256xf32, #tpu.memory_space<hbm>> -> memref<64x256xf32, #tpu.memory_space<hbm>>
      %dma_start3A_152 = arith.constant 0 : i32
      %dma_start3A_153 = arith.constant 0 : i32
      %dma_start3A_154 = tpu.memref_slice %arg4[%add3A_142, %dma_start3A_152, %dma_start3A_153] : memref<1024x65x256xf32, #tpu.memory_space<hbm>> -> memref<1x64x256xf32, #tpu.memory_space<hbm>>
      %dma_start3A_155 = tpu.memref_squeeze %dma_start3A_154 : memref<1x64x256xf32, #tpu.memory_space<hbm>> -> memref<64x256xf32, #tpu.memory_space<hbm>>
      %dma_start3A_156 = arith.constant 0 : i32
      %dma_start3A_157 = arith.constant 0 : i32
      %dma_start3A_158 = tpu.memref_slice %arg6[%dma_start3A_143, %dma_start3A_156, %dma_start3A_157] : memref<2x64x256xf32, #tpu.memory_space<vmem>> -> memref<1x64x256xf32, #tpu.memory_space<vmem>>
      %dma_start3A_159 = tpu.memref_squeeze %dma_start3A_158 : memref<1x64x256xf32, #tpu.memory_space<vmem>> -> memref<64x256xf32, #tpu.memory_space<vmem>>
      tpu.enqueue_dma source(%dma_start3A_159 : memref<64x256xf32, #tpu.memory_space<vmem>>) target(%dma_start3A_155 : memref<64x256xf32, #tpu.memory_space<hbm>>) target_semaphore(%arg11 : memref<!tpu.dma_semaphore, #tpu.memory_space<semaphore_mem>>)
      %add3A_160 = arith.addi %mul3A_2, %add3A_141 : i32
      %dma_start3A_161 = arith.constant 1 : i32
      %dma_start3A_162 = arith.constant 0 : i32
      %dma_start3A_163 = arith.constant 0 : i32
      %dma_start3A_164 = tpu.memref_slice %arg7[%dma_start3A_161, %dma_start3A_162, %dma_start3A_163] : memref<2x1x256xf32, #tpu.memory_space<vmem>> -> memref<1x1x256xf32, #tpu.memory_space<vmem>>
      %dma_start3A_165 = tpu.memref_squeeze %dma_start3A_164 : memref<1x1x256xf32, #tpu.memory_space<vmem>> -> memref<1x256xf32, #tpu.memory_space<vmem>>
      %dma_start3A_166 = arith.constant 64 : i32
      %dma_start3A_167 = arith.constant 0 : i32
      %dma_start3A_168 = tpu.memref_slice %arg4[%add3A_160, %dma_start3A_166, %dma_start3A_167] : memref<1024x65x256xf32, #tpu.memory_space<hbm>> -> memref<1x1x256xf32, #tpu.memory_space<hbm>>
      %dma_start3A_169 = tpu.memref_squeeze %dma_start3A_168 : memref<1x1x256xf32, #tpu.memory_space<hbm>> -> memref<1x256xf32, #tpu.memory_space<hbm>>
      %dma_start3A_170 = arith.constant 64 : i32
      %dma_start3A_171 = arith.constant 0 : i32
      %dma_start3A_172 = tpu.memref_slice %arg4[%add3A_160, %dma_start3A_170, %dma_start3A_171] : memref<1024x65x256xf32, #tpu.memory_space<hbm>> -> memref<1x1x256xf32, #tpu.memory_space<hbm>>
      %dma_start3A_173 = tpu.memref_squeeze %dma_start3A_172 : memref<1x1x256xf32, #tpu.memory_space<hbm>> -> memref<1x256xf32, #tpu.memory_space<hbm>>
      %dma_start3A_174 = arith.constant 0 : i32
      %dma_start3A_175 = arith.constant 0 : i32
      %dma_start3A_176 = tpu.memref_slice %arg7[%dma_start3A_161, %dma_start3A_174, %dma_start3A_175] : memref<2x1x256xf32, #tpu.memory_space<vmem>> -> memref<1x1x256xf32, #tpu.memory_space<vmem>>
      %dma_start3A_177 = tpu.memref_squeeze %dma_start3A_176 : memref<1x1x256xf32, #tpu.memory_space<vmem>> -> memref<1x256xf32, #tpu.memory_space<vmem>>
      tpu.enqueue_dma source(%dma_start3A_177 : memref<1x256xf32, #tpu.memory_space<vmem>>) target(%dma_start3A_173 : memref<1x256xf32, #tpu.memory_space<hbm>>) target_semaphore(%arg11 : memref<!tpu.dma_semaphore, #tpu.memory_space<semaphore_mem>>)
      %add3A_178 = arith.addi %mul3A_2, %mul3A_51 : i32
      %dma_wait3A_179 = arith.constant 0 : i32
      %dma_wait3A_180 = arith.constant 0 : i32
      %dma_wait3A_181 = arith.constant 0 : i32
      %dma_wait3A_182 = tpu.memref_slice %arg6[%dma_wait3A_179, %dma_wait3A_180, %dma_wait3A_181] : memref<2x64x256xf32, #tpu.memory_space<vmem>> -> memref<1x64x256xf32, #tpu.memory_space<vmem>>
      %dma_wait3A_183 = tpu.memref_squeeze %dma_wait3A_182 : memref<1x64x256xf32, #tpu.memory_space<vmem>> -> memref<64x256xf32, #tpu.memory_space<vmem>>
      %dma_wait3A_184 = arith.constant 0 : i32
      %dma_wait3A_185 = arith.constant 0 : i32
      %dma_wait3A_186 = tpu.memref_slice %arg4[%add3A_178, %dma_wait3A_184, %dma_wait3A_185] : memref<1024x65x256xf32, #tpu.memory_space<hbm>> -> memref<1x64x256xf32, #tpu.memory_space<hbm>>
      %dma_wait3A_187 = tpu.memref_squeeze %dma_wait3A_186 : memref<1x64x256xf32, #tpu.memory_space<hbm>> -> memref<64x256xf32, #tpu.memory_space<hbm>>
      %dma_wait3A_188 = arith.constant 0 : i32
      %dma_wait3A_189 = arith.constant 0 : i32
      %dma_wait3A_190 = tpu.memref_slice %arg4[%add3A_178, %dma_wait3A_188, %dma_wait3A_189] : memref<1024x65x256xf32, #tpu.memory_space<hbm>> -> memref<1x64x256xf32, #tpu.memory_space<hbm>>
      %dma_wait3A_191 = tpu.memref_squeeze %dma_wait3A_190 : memref<1x64x256xf32, #tpu.memory_space<hbm>> -> memref<64x256xf32, #tpu.memory_space<hbm>>
      %dma_wait3A_192 = arith.constant 0 : i32
      %dma_wait3A_193 = arith.constant 0 : i32
      %dma_wait3A_194 = tpu.memref_slice %arg6[%dma_wait3A_179, %dma_wait3A_192, %dma_wait3A_193] : memref<2x64x256xf32, #tpu.memory_space<vmem>> -> memref<1x64x256xf32, #tpu.memory_space<vmem>>
      %dma_wait3A_195 = tpu.memref_squeeze %dma_wait3A_194 : memref<1x64x256xf32, #tpu.memory_space<vmem>> -> memref<64x256xf32, #tpu.memory_space<vmem>>
      tpu.wait_dma2 semaphore(%arg10 : memref<!tpu.dma_semaphore, #tpu.memory_space<semaphore_mem>>) src(%dma_wait3A_195 : memref<64x256xf32, #tpu.memory_space<vmem>>) dst(%dma_wait3A_191 : memref<64x256xf32, #tpu.memory_space<hbm>>)
      %add3A_196 = arith.addi %mul3A_2, %mul3A_51 : i32
      %dma_wait3A_197 = arith.constant 0 : i32
      %dma_wait3A_198 = arith.constant 0 : i32
      %dma_wait3A_199 = arith.constant 0 : i32
      %dma_wait3A_200 = tpu.memref_slice %arg7[%dma_wait3A_197, %dma_wait3A_198, %dma_wait3A_199] : memref<2x1x256xf32, #tpu.memory_space<vmem>> -> memref<1x1x256xf32, #tpu.memory_space<vmem>>
      %dma_wait3A_201 = tpu.memref_squeeze %dma_wait3A_200 : memref<1x1x256xf32, #tpu.memory_space<vmem>> -> memref<1x256xf32, #tpu.memory_space<vmem>>
      %dma_wait3A_202 = arith.constant 64 : i32
      %dma_wait3A_203 = arith.constant 0 : i32
      %dma_wait3A_204 = tpu.memref_slice %arg4[%add3A_196, %dma_wait3A_202, %dma_wait3A_203] : memref<1024x65x256xf32, #tpu.memory_space<hbm>> -> memref<1x1x256xf32, #tpu.memory_space<hbm>>
      %dma_wait3A_205 = tpu.memref_squeeze %dma_wait3A_204 : memref<1x1x256xf32, #tpu.memory_space<hbm>> -> memref<1x256xf32, #tpu.memory_space<hbm>>
      %dma_wait3A_206 = arith.constant 64 : i32
      %dma_wait3A_207 = arith.constant 0 : i32
      %dma_wait3A_208 = tpu.memref_slice %arg4[%add3A_196, %dma_wait3A_206, %dma_wait3A_207] : memref<1024x65x256xf32, #tpu.memory_space<hbm>> -> memref<1x1x256xf32, #tpu.memory_space<hbm>>
      %dma_wait3A_209 = tpu.memref_squeeze %dma_wait3A_208 : memref<1x1x256xf32, #tpu.memory_space<hbm>> -> memref<1x256xf32, #tpu.memory_space<hbm>>
      %dma_wait3A_210 = arith.constant 0 : i32
      %dma_wait3A_211 = arith.constant 0 : i32
      %dma_wait3A_212 = tpu.memref_slice %arg7[%dma_wait3A_197, %dma_wait3A_210, %dma_wait3A_211] : memref<2x1x256xf32, #tpu.memory_space<vmem>> -> memref<1x1x256xf32, #tpu.memory_space<vmem>>
      %dma_wait3A_213 = tpu.memref_squeeze %dma_wait3A_212 : memref<1x1x256xf32, #tpu.memory_space<vmem>> -> memref<1x256xf32, #tpu.memory_space<vmem>>
      tpu.wait_dma2 semaphore(%arg10 : memref<!tpu.dma_semaphore, #tpu.memory_space<semaphore_mem>>) src(%dma_wait3A_213 : memref<1x256xf32, #tpu.memory_space<vmem>>) dst(%dma_wait3A_209 : memref<1x256xf32, #tpu.memory_space<hbm>>)
      %convert_element_type3A = arith.extui %lt3A_54 : i1 to i32
      %cond3A = arith.constant 0 : i32
      %cond3A_214 = arith.cmpi ne, %convert_element_type3A, %cond3A : i32
      scf.if %cond3A_214 {
        %add3A_256 = arith.constant 2 : i32
        %add3A_257 = arith.addi %mul3A_51, %add3A_256 : i32
        %mul3A_258 = arith.constant 80 : i32
        %mul3A_259 = arith.muli %add3A_257, %mul3A_258 : i32
        %dma_start3A_260 = arith.constant 0 : i32
        %dma_start3A_261 = arith.constant 0 : i32
        %dma_start3A_262 = arith.constant 0 : i32
        %dma_start3A_263 = tpu.memref_slice %arg6[%dma_start3A_260, %dma_start3A_261, %dma_start3A_262] : memref<2x64x256xf32, #tpu.memory_space<vmem>> -> memref<1x64x256xf32, #tpu.memory_space<vmem>>
        %dma_start3A_264 = tpu.memref_squeeze %dma_start3A_263 : memref<1x64x256xf32, #tpu.memory_space<vmem>> -> memref<64x256xf32, #tpu.memory_space<vmem>>
        %dma_start3A_265 = tpu.memref_slice %arg5[%mul3A_259] : memref<2560xi32, #tpu.memory_space<vmem>> -> memref<64xi32, #tpu.memory_space<vmem>>
        %dma_start3A_266 = arith.constant 0 : i32
        %dma_start3A_267 = arith.constant 0 : i32
        %dma_start3A_268 = tpu.memref_slice %arg2[%dma_start3A_266, %dma_start3A_267] : memref<1560x256xf32, #tpu.memory_space<hbm>> -> memref<1560x256xf32, #tpu.memory_space<hbm>>
        tpu.enqueue_indirect_dma source(%dma_start3A_268 : memref<1560x256xf32, #tpu.memory_space<hbm>>) target(%dma_start3A_264 : memref<64x256xf32, #tpu.memory_space<vmem>>) offsets(%dma_start3A_265 : memref<64xi32, #tpu.memory_space<vmem>>) semaphore(%arg8 : memref<!tpu.dma_semaphore, #tpu.memory_space<semaphore_mem>>)
        %mul3A_269 = arith.constant 80 : i32
        %mul3A_270 = arith.muli %add3A_257, %mul3A_269 : i32
        %add3A_271 = arith.constant 64 : i32
        %add3A_272 = arith.addi %mul3A_270, %add3A_271 : i32
        %dma_start3A_273 = arith.constant 0 : i32
        %dma_start3A_274 = arith.constant 0 : i32
        %dma_start3A_275 = arith.constant 0 : i32
        %dma_start3A_276 = tpu.memref_slice %arg7[%dma_start3A_273, %dma_start3A_274, %dma_start3A_275] : memref<2x1x256xf32, #tpu.memory_space<vmem>> -> memref<1x1x256xf32, #tpu.memory_space<vmem>>
        %dma_start3A_277 = tpu.memref_squeeze %dma_start3A_276 : memref<1x1x256xf32, #tpu.memory_space<vmem>> -> memref<1x256xf32, #tpu.memory_space<vmem>>
        %dma_start3A_278 = tpu.memref_slice %arg5[%add3A_272] : memref<2560xi32, #tpu.memory_space<vmem>> -> memref<1xi32, #tpu.memory_space<vmem>>
        %dma_start3A_279 = arith.constant 0 : i32
        %dma_start3A_280 = arith.constant 0 : i32
        %dma_start3A_281 = tpu.memref_slice %arg2[%dma_start3A_279, %dma_start3A_280] : memref<1560x256xf32, #tpu.memory_space<hbm>> -> memref<1560x256xf32, #tpu.memory_space<hbm>>
        tpu.enqueue_indirect_dma source(%dma_start3A_281 : memref<1560x256xf32, #tpu.memory_space<hbm>>) target(%dma_start3A_277 : memref<1x256xf32, #tpu.memory_space<vmem>>) offsets(%dma_start3A_278 : memref<1xi32, #tpu.memory_space<vmem>>) semaphore(%arg8 : memref<!tpu.dma_semaphore, #tpu.memory_space<semaphore_mem>>)
      } else {
      }
      %add3A_215 = arith.constant 1 : i32
      %add3A_216 = arith.addi %mul3A_51, %add3A_215 : i32
      %add3A_217 = arith.addi %mul3A_2, %add3A_216 : i32
      %dma_wait3A_218 = arith.constant 1 : i32
      %dma_wait3A_219 = arith.constant 0 : i32
      %dma_wait3A_220 = arith.constant 0 : i32
      %dma_wait3A_221 = tpu.memref_slice %arg6[%dma_wait3A_218, %dma_wait3A_219, %dma_wait3A_220] : memref<2x64x256xf32, #tpu.memory_space<vmem>> -> memref<1x64x256xf32, #tpu.memory_space<vmem>>
      %dma_wait3A_222 = tpu.memref_squeeze %dma_wait3A_221 : memref<1x64x256xf32, #tpu.memory_space<vmem>> -> memref<64x256xf32, #tpu.memory_space<vmem>>
      %dma_wait3A_223 = arith.constant 0 : i32
      %dma_wait3A_224 = arith.constant 0 : i32
      %dma_wait3A_225 = tpu.memref_slice %arg4[%add3A_217, %dma_wait3A_223, %dma_wait3A_224] : memref<1024x65x256xf32, #tpu.memory_space<hbm>> -> memref<1x64x256xf32, #tpu.memory_space<hbm>>
      %dma_wait3A_226 = tpu.memref_squeeze %dma_wait3A_225 : memref<1x64x256xf32, #tpu.memory_space<hbm>> -> memref<64x256xf32, #tpu.memory_space<hbm>>
      %dma_wait3A_227 = arith.constant 0 : i32
      %dma_wait3A_228 = arith.constant 0 : i32
      %dma_wait3A_229 = tpu.memref_slice %arg4[%add3A_217, %dma_wait3A_227, %dma_wait3A_228] : memref<1024x65x256xf32, #tpu.memory_space<hbm>> -> memref<1x64x256xf32, #tpu.memory_space<hbm>>
      %dma_wait3A_230 = tpu.memref_squeeze %dma_wait3A_229 : memref<1x64x256xf32, #tpu.memory_space<hbm>> -> memref<64x256xf32, #tpu.memory_space<hbm>>
      %dma_wait3A_231 = arith.constant 0 : i32
      %dma_wait3A_232 = arith.constant 0 : i32
      %dma_wait3A_233 = tpu.memref_slice %arg6[%dma_wait3A_218, %dma_wait3A_231, %dma_wait3A_232] : memref<2x64x256xf32, #tpu.memory_space<vmem>> -> memref<1x64x256xf32, #tpu.memory_space<vmem>>
      %dma_wait3A_234 = tpu.memref_squeeze %dma_wait3A_233 : memref<1x64x256xf32, #tpu.memory_space<vmem>> -> memref<64x256xf32, #tpu.memory_space<vmem>>
      tpu.wait_dma2 semaphore(%arg11 : memref<!tpu.dma_semaphore, #tpu.memory_space<semaphore_mem>>) src(%dma_wait3A_234 : memref<64x256xf32, #tpu.memory_space<vmem>>) dst(%dma_wait3A_230 : memref<64x256xf32, #tpu.memory_space<hbm>>)
      %add3A_235 = arith.addi %mul3A_2, %add3A_216 : i32
      %dma_wait3A_236 = arith.constant 1 : i32
      %dma_wait3A_237 = arith.constant 0 : i32
      %dma_wait3A_238 = arith.constant 0 : i32
      %dma_wait3A_239 = tpu.memref_slice %arg7[%dma_wait3A_236, %dma_wait3A_237, %dma_wait3A_238] : memref<2x1x256xf32, #tpu.memory_space<vmem>> -> memref<1x1x256xf32, #tpu.memory_space<vmem>>
      %dma_wait3A_240 = tpu.memref_squeeze %dma_wait3A_239 : memref<1x1x256xf32, #tpu.memory_space<vmem>> -> memref<1x256xf32, #tpu.memory_space<vmem>>
      %dma_wait3A_241 = arith.constant 64 : i32
      %dma_wait3A_242 = arith.constant 0 : i32
      %dma_wait3A_243 = tpu.memref_slice %arg4[%add3A_235, %dma_wait3A_241, %dma_wait3A_242] : memref<1024x65x256xf32, #tpu.memory_space<hbm>> -> memref<1x1x256xf32, #tpu.memory_space<hbm>>
      %dma_wait3A_244 = tpu.memref_squeeze %dma_wait3A_243 : memref<1x1x256xf32, #tpu.memory_space<hbm>> -> memref<1x256xf32, #tpu.memory_space<hbm>>
      %dma_wait3A_245 = arith.constant 64 : i32
      %dma_wait3A_246 = arith.constant 0 : i32
      %dma_wait3A_247 = tpu.memref_slice %arg4[%add3A_235, %dma_wait3A_245, %dma_wait3A_246] : memref<1024x65x256xf32, #tpu.memory_space<hbm>> -> memref<1x1x256xf32, #tpu.memory_space<hbm>>
      %dma_wait3A_248 = tpu.memref_squeeze %dma_wait3A_247 : memref<1x1x256xf32, #tpu.memory_space<hbm>> -> memref<1x256xf32, #tpu.memory_space<hbm>>
      %dma_wait3A_249 = arith.constant 0 : i32
      %dma_wait3A_250 = arith.constant 0 : i32
      %dma_wait3A_251 = tpu.memref_slice %arg7[%dma_wait3A_236, %dma_wait3A_249, %dma_wait3A_250] : memref<2x1x256xf32, #tpu.memory_space<vmem>> -> memref<1x1x256xf32, #tpu.memory_space<vmem>>
      %dma_wait3A_252 = tpu.memref_squeeze %dma_wait3A_251 : memref<1x1x256xf32, #tpu.memory_space<vmem>> -> memref<1x256xf32, #tpu.memory_space<vmem>>
      tpu.wait_dma2 semaphore(%arg11 : memref<!tpu.dma_semaphore, #tpu.memory_space<semaphore_mem>>) src(%dma_wait3A_252 : memref<1x256xf32, #tpu.memory_space<vmem>>) dst(%dma_wait3A_248 : memref<1x256xf32, #tpu.memory_space<hbm>>)
      %convert_element_type3A_253 = arith.extui %lt3A_54 : i1 to i32
      %cond3A_254 = arith.constant 0 : i32
      %cond3A_255 = arith.cmpi ne, %convert_element_type3A_253, %cond3A_254 : i32
      scf.if %cond3A_255 {
        %add3A_256 = arith.constant 3 : i32
        %add3A_257 = arith.addi %mul3A_51, %add3A_256 : i32
        %mul3A_258 = arith.constant 80 : i32
        %mul3A_259 = arith.muli %add3A_257, %mul3A_258 : i32
        %dma_start3A_260 = arith.constant 1 : i32
        %dma_start3A_261 = arith.constant 0 : i32
        %dma_start3A_262 = arith.constant 0 : i32
        %dma_start3A_263 = tpu.memref_slice %arg6[%dma_start3A_260, %dma_start3A_261, %dma_start3A_262] : memref<2x64x256xf32, #tpu.memory_space<vmem>> -> memref<1x64x256xf32, #tpu.memory_space<vmem>>
        %dma_start3A_264 = tpu.memref_squeeze %dma_start3A_263 : memref<1x64x256xf32, #tpu.memory_space<vmem>> -> memref<64x256xf32, #tpu.memory_space<vmem>>
        %dma_start3A_265 = tpu.memref_slice %arg5[%mul3A_259] : memref<2560xi32, #tpu.memory_space<vmem>> -> memref<64xi32, #tpu.memory_space<vmem>>
        %dma_start3A_266 = arith.constant 0 : i32
        %dma_start3A_267 = arith.constant 0 : i32
        %dma_start3A_268 = tpu.memref_slice %arg2[%dma_start3A_266, %dma_start3A_267] : memref<1560x256xf32, #tpu.memory_space<hbm>> -> memref<1560x256xf32, #tpu.memory_space<hbm>>
        tpu.enqueue_indirect_dma source(%dma_start3A_268 : memref<1560x256xf32, #tpu.memory_space<hbm>>) target(%dma_start3A_264 : memref<64x256xf32, #tpu.memory_space<vmem>>) offsets(%dma_start3A_265 : memref<64xi32, #tpu.memory_space<vmem>>) semaphore(%arg9 : memref<!tpu.dma_semaphore, #tpu.memory_space<semaphore_mem>>)
        %mul3A_269 = arith.constant 80 : i32
        %mul3A_270 = arith.muli %add3A_257, %mul3A_269 : i32
        %add3A_271 = arith.constant 64 : i32
        %add3A_272 = arith.addi %mul3A_270, %add3A_271 : i32
        %dma_start3A_273 = arith.constant 1 : i32
        %dma_start3A_274 = arith.constant 0 : i32
        %dma_start3A_275 = arith.constant 0 : i32
        %dma_start3A_276 = tpu.memref_slice %arg7[%dma_start3A_273, %dma_start3A_274, %dma_start3A_275] : memref<2x1x256xf32, #tpu.memory_space<vmem>> -> memref<1x1x256xf32, #tpu.memory_space<vmem>>
        %dma_start3A_277 = tpu.memref_squeeze %dma_start3A_276 : memref<1x1x256xf32, #tpu.memory_space<vmem>> -> memref<1x256xf32, #tpu.memory_space<vmem>>
        %dma_start3A_278 = tpu.memref_slice %arg5[%add3A_272] : memref<2560xi32, #tpu.memory_space<vmem>> -> memref<1xi32, #tpu.memory_space<vmem>>
        %dma_start3A_279 = arith.constant 0 : i32
        %dma_start3A_280 = arith.constant 0 : i32
        %dma_start3A_281 = tpu.memref_slice %arg2[%dma_start3A_279, %dma_start3A_280] : memref<1560x256xf32, #tpu.memory_space<hbm>> -> memref<1560x256xf32, #tpu.memory_space<hbm>>
        tpu.enqueue_indirect_dma source(%dma_start3A_281 : memref<1560x256xf32, #tpu.memory_space<hbm>>) target(%dma_start3A_277 : memref<1x256xf32, #tpu.memory_space<vmem>>) offsets(%dma_start3A_278 : memref<1xi32, #tpu.memory_space<vmem>>) semaphore(%arg9 : memref<!tpu.dma_semaphore, #tpu.memory_space<semaphore_mem>>)
      } else {
      }
    }
    %scan3A_48 = arith.constant 16 : i32
    return
  }
}

module attributes {stable_mosaic.version = 14 : i64} {
  func.func @_table_and_idx_body(%arg0: memref<8x256xf32, #tpu.memory_space<vmem>>, %arg1: memref<3x256xf32, #tpu.memory_space<vmem>>, %arg2: memref<65x256xf32, #tpu.memory_space<vmem>>, %arg3: memref<1x256xf32, #tpu.memory_space<vmem>>, %arg4: memref<1x256xf32, #tpu.memory_space<vmem>>, %arg5: memref<4096x65xi32, #tpu.memory_space<vmem>>, %arg6: memref<4096x65xi32, #tpu.memory_space<vmem>>, %arg7: memref<24x65x256xf32, #tpu.memory_space<vmem>>, %arg8: memref<4096x80xi32, #tpu.memory_space<vmem>>) attributes {dimension_semantics = [], scalar_prefetch = 0 : i64, scratch_operands = 0 : i64, tpu.core_type = #tpu.core_type<tc>} {
    %get3A = arith.constant 0 : index
    %get3A_0 = arith.constant 0 : index
    %get3A_1 = vector.load %arg0[%get3A, %get3A_0] : memref<8x256xf32, #tpu.memory_space<vmem>>, vector<8x256xf32>
    %get3A_2 = arith.constant 0 : index
    %get3A_3 = arith.constant 0 : index
    %get3A_4 = vector.load %arg1[%get3A_2, %get3A_3] : memref<3x256xf32, #tpu.memory_space<vmem>>, vector<3x256xf32>
    %get3A_5 = arith.constant 0 : index
    %get3A_6 = arith.constant 0 : index
    %get3A_7 = vector.load %arg2[%get3A_5, %get3A_6] : memref<65x256xf32, #tpu.memory_space<vmem>>, vector<65x256xf32>
    %iota3A = tpu.iota {dimensions = array<i32: 0>} : vector<24x1xi32>
    %jit3A = arith.constant 3 : i32
    %div3A = vector.broadcast %jit3A : i32 to vector<24x1xi32>
    %div3A_8 = arith.divsi %iota3A, %div3A : vector<24x1xi32>
    %sign3A = arith.constant 0 : i32
    %sign3A_9 = vector.broadcast %sign3A : i32 to vector<24x1xi32>
    %sign3A_10 = arith.cmpi sgt, %iota3A, %sign3A_9 : vector<24x1xi32>
    %sign3A_11 = arith.extui %sign3A_10 : vector<24x1xi1> to vector<24x1xi32>
    %sign3A_12 = arith.constant 0 : i32
    %sign3A_13 = vector.broadcast %sign3A_12 : i32 to vector<24x1xi32>
    %sign3A_14 = arith.cmpi slt, %iota3A, %sign3A_13 : vector<24x1xi32>
    %sign3A_15 = arith.extui %sign3A_14 : vector<24x1xi1> to vector<24x1xi32>
    %sign3A_16 = arith.subi %sign3A_11, %sign3A_15 : vector<24x1xi32>
    %sign3A_17 = arith.constant 0 : i32
    %sign3A_18 = arith.cmpi sgt, %jit3A, %sign3A_17 : i32
    %sign3A_19 = arith.extui %sign3A_18 : i1 to i32
    %sign3A_20 = arith.constant 0 : i32
    %sign3A_21 = arith.cmpi slt, %jit3A, %sign3A_20 : i32
    %sign3A_22 = arith.extui %sign3A_21 : i1 to i32
    %sign3A_23 = arith.subi %sign3A_19, %sign3A_22 : i32
    %ne3A = vector.broadcast %sign3A_23 : i32 to vector<24x1xi32>
    %ne3A_24 = arith.cmpi ne, %sign3A_16, %ne3A : vector<24x1xi32>
    %rem3A = vector.broadcast %jit3A : i32 to vector<24x1xi32>
    %rem3A_25 = arith.remsi %iota3A, %rem3A : vector<24x1xi32>
    %ne3A_26 = arith.constant 0 : i32
    %ne3A_27 = vector.broadcast %ne3A_26 : i32 to vector<24x1xi32>
    %ne3A_28 = arith.cmpi ne, %rem3A_25, %ne3A_27 : vector<24x1xi32>
    %and3A = arith.andi %ne3A_24, %ne3A_28 : vector<24x1xi1>
    %sub3A = arith.constant 1 : i32
    %sub3A_29 = vector.broadcast %sub3A : i32 to vector<24x1xi32>
    %sub3A_30 = arith.subi %div3A_8, %sub3A_29 : vector<24x1xi32>
    %select_n3A = arith.select %and3A, %sub3A_30, %div3A_8 : vector<24x1xi1>, vector<24x1xi32>
    %mul3A = arith.constant 3 : i32
    %mul3A_31 = vector.broadcast %mul3A : i32 to vector<24x1xi32>
    %mul3A_32 = arith.muli %select_n3A, %mul3A_31 : vector<24x1xi32>
    %sub3A_33 = arith.subi %iota3A, %mul3A_32 : vector<24x1xi32>
    %broadcast_in_dim3A = arith.constant 0.000000e+00 : f32
    %broadcast_in_dim3A_34 = vector.broadcast %broadcast_in_dim3A : f32 to vector<24x256xf32>
    %eq3A = arith.constant 0 : i32
    %eq3A_35 = vector.broadcast %eq3A : i32 to vector<24x1xi32>
    %eq3A_36 = arith.cmpi eq, %select_n3A, %eq3A_35 : vector<24x1xi32>
    %jit3A_37 = arith.constant 1.000000e+00 : f32
    %jit3A_38 = arith.constant 0.000000e+00 : f32
    %broadcast_in_dim3A_39 = vector.broadcast %jit3A_37 : f32 to vector<24x1xf32>
    %broadcast_in_dim3A_40 = vector.broadcast %jit3A_38 : f32 to vector<24x1xf32>
    %select_n3A_41 = arith.select %eq3A_36, %broadcast_in_dim3A_39, %broadcast_in_dim3A_40 : vector<24x1xi1>, vector<24x1xf32>
    %slice3A = vector.extract_strided_slice %get3A_1 {offsets = [0, 0], sizes = [1, 256], strides = [1, 1]} : vector<8x256xf32> to vector<1x256xf32>
    %mul3A_42 = vector.broadcast %select_n3A_41 : vector<24x1xf32> to vector<24x256xf32>
    %mul3A_43 = vector.broadcast %slice3A : vector<1x256xf32> to vector<24x256xf32>
    %mul3A_44 = arith.mulf %mul3A_42, %mul3A_43 : vector<24x256xf32>
    %add3A = arith.addf %broadcast_in_dim3A_34, %mul3A_44 : vector<24x256xf32>
    %eq3A_45 = arith.constant 1 : i32
    %eq3A_46 = vector.broadcast %eq3A_45 : i32 to vector<24x1xi32>
    %eq3A_47 = arith.cmpi eq, %select_n3A, %eq3A_46 : vector<24x1xi32>
    %jit3A_48 = arith.constant 1.000000e+00 : f32
    %jit3A_49 = arith.constant 0.000000e+00 : f32
    %broadcast_in_dim3A_50 = vector.broadcast %jit3A_48 : f32 to vector<24x1xf32>
    %broadcast_in_dim3A_51 = vector.broadcast %jit3A_49 : f32 to vector<24x1xf32>
    %select_n3A_52 = arith.select %eq3A_47, %broadcast_in_dim3A_50, %broadcast_in_dim3A_51 : vector<24x1xi1>, vector<24x1xf32>
    %slice3A_53 = vector.extract_strided_slice %get3A_1 {offsets = [1, 0], sizes = [1, 256], strides = [1, 1]} : vector<8x256xf32> to vector<1x256xf32>
    %mul3A_54 = vector.broadcast %select_n3A_52 : vector<24x1xf32> to vector<24x256xf32>
    %mul3A_55 = vector.broadcast %slice3A_53 : vector<1x256xf32> to vector<24x256xf32>
    %mul3A_56 = arith.mulf %mul3A_54, %mul3A_55 : vector<24x256xf32>
    %add3A_57 = arith.addf %add3A, %mul3A_56 : vector<24x256xf32>
    %eq3A_58 = arith.constant 2 : i32
    %eq3A_59 = vector.broadcast %eq3A_58 : i32 to vector<24x1xi32>
    %eq3A_60 = arith.cmpi eq, %select_n3A, %eq3A_59 : vector<24x1xi32>
    %jit3A_61 = arith.constant 1.000000e+00 : f32
    %jit3A_62 = arith.constant 0.000000e+00 : f32
    %broadcast_in_dim3A_63 = vector.broadcast %jit3A_61 : f32 to vector<24x1xf32>
    %broadcast_in_dim3A_64 = vector.broadcast %jit3A_62 : f32 to vector<24x1xf32>
    %select_n3A_65 = arith.select %eq3A_60, %broadcast_in_dim3A_63, %broadcast_in_dim3A_64 : vector<24x1xi1>, vector<24x1xf32>
    %slice3A_66 = vector.extract_strided_slice %get3A_1 {offsets = [2, 0], sizes = [1, 256], strides = [1, 1]} : vector<8x256xf32> to vector<1x256xf32>
    %mul3A_67 = vector.broadcast %select_n3A_65 : vector<24x1xf32> to vector<24x256xf32>
    %mul3A_68 = vector.broadcast %slice3A_66 : vector<1x256xf32> to vector<24x256xf32>
    %mul3A_69 = arith.mulf %mul3A_67, %mul3A_68 : vector<24x256xf32>
    %add3A_70 = arith.addf %add3A_57, %mul3A_69 : vector<24x256xf32>
    %eq3A_71 = arith.constant 3 : i32
    %eq3A_72 = vector.broadcast %eq3A_71 : i32 to vector<24x1xi32>
    %eq3A_73 = arith.cmpi eq, %select_n3A, %eq3A_72 : vector<24x1xi32>
    %jit3A_74 = arith.constant 1.000000e+00 : f32
    %jit3A_75 = arith.constant 0.000000e+00 : f32
    %broadcast_in_dim3A_76 = vector.broadcast %jit3A_74 : f32 to vector<24x1xf32>
    %broadcast_in_dim3A_77 = vector.broadcast %jit3A_75 : f32 to vector<24x1xf32>
    %select_n3A_78 = arith.select %eq3A_73, %broadcast_in_dim3A_76, %broadcast_in_dim3A_77 : vector<24x1xi1>, vector<24x1xf32>
    %slice3A_79 = vector.extract_strided_slice %get3A_1 {offsets = [3, 0], sizes = [1, 256], strides = [1, 1]} : vector<8x256xf32> to vector<1x256xf32>
    %mul3A_80 = vector.broadcast %select_n3A_78 : vector<24x1xf32> to vector<24x256xf32>
    %mul3A_81 = vector.broadcast %slice3A_79 : vector<1x256xf32> to vector<24x256xf32>
    %mul3A_82 = arith.mulf %mul3A_80, %mul3A_81 : vector<24x256xf32>
    %add3A_83 = arith.addf %add3A_70, %mul3A_82 : vector<24x256xf32>
    %eq3A_84 = arith.constant 4 : i32
    %eq3A_85 = vector.broadcast %eq3A_84 : i32 to vector<24x1xi32>
    %eq3A_86 = arith.cmpi eq, %select_n3A, %eq3A_85 : vector<24x1xi32>
    %jit3A_87 = arith.constant 1.000000e+00 : f32
    %jit3A_88 = arith.constant 0.000000e+00 : f32
    %broadcast_in_dim3A_89 = vector.broadcast %jit3A_87 : f32 to vector<24x1xf32>
    %broadcast_in_dim3A_90 = vector.broadcast %jit3A_88 : f32 to vector<24x1xf32>
    %select_n3A_91 = arith.select %eq3A_86, %broadcast_in_dim3A_89, %broadcast_in_dim3A_90 : vector<24x1xi1>, vector<24x1xf32>
    %slice3A_92 = vector.extract_strided_slice %get3A_1 {offsets = [4, 0], sizes = [1, 256], strides = [1, 1]} : vector<8x256xf32> to vector<1x256xf32>
    %mul3A_93 = vector.broadcast %select_n3A_91 : vector<24x1xf32> to vector<24x256xf32>
    %mul3A_94 = vector.broadcast %slice3A_92 : vector<1x256xf32> to vector<24x256xf32>
    %mul3A_95 = arith.mulf %mul3A_93, %mul3A_94 : vector<24x256xf32>
    %add3A_96 = arith.addf %add3A_83, %mul3A_95 : vector<24x256xf32>
    %eq3A_97 = arith.constant 5 : i32
    %eq3A_98 = vector.broadcast %eq3A_97 : i32 to vector<24x1xi32>
    %eq3A_99 = arith.cmpi eq, %select_n3A, %eq3A_98 : vector<24x1xi32>
    %jit3A_100 = arith.constant 1.000000e+00 : f32
    %jit3A_101 = arith.constant 0.000000e+00 : f32
    %broadcast_in_dim3A_102 = vector.broadcast %jit3A_100 : f32 to vector<24x1xf32>
    %broadcast_in_dim3A_103 = vector.broadcast %jit3A_101 : f32 to vector<24x1xf32>
    %select_n3A_104 = arith.select %eq3A_99, %broadcast_in_dim3A_102, %broadcast_in_dim3A_103 : vector<24x1xi1>, vector<24x1xf32>
    %slice3A_105 = vector.extract_strided_slice %get3A_1 {offsets = [5, 0], sizes = [1, 256], strides = [1, 1]} : vector<8x256xf32> to vector<1x256xf32>
    %mul3A_106 = vector.broadcast %select_n3A_104 : vector<24x1xf32> to vector<24x256xf32>
    %mul3A_107 = vector.broadcast %slice3A_105 : vector<1x256xf32> to vector<24x256xf32>
    %mul3A_108 = arith.mulf %mul3A_106, %mul3A_107 : vector<24x256xf32>
    %add3A_109 = arith.addf %add3A_96, %mul3A_108 : vector<24x256xf32>
    %eq3A_110 = arith.constant 6 : i32
    %eq3A_111 = vector.broadcast %eq3A_110 : i32 to vector<24x1xi32>
    %eq3A_112 = arith.cmpi eq, %select_n3A, %eq3A_111 : vector<24x1xi32>
    %jit3A_113 = arith.constant 1.000000e+00 : f32
    %jit3A_114 = arith.constant 0.000000e+00 : f32
    %broadcast_in_dim3A_115 = vector.broadcast %jit3A_113 : f32 to vector<24x1xf32>
    %broadcast_in_dim3A_116 = vector.broadcast %jit3A_114 : f32 to vector<24x1xf32>
    %select_n3A_117 = arith.select %eq3A_112, %broadcast_in_dim3A_115, %broadcast_in_dim3A_116 : vector<24x1xi1>, vector<24x1xf32>
    %slice3A_118 = vector.extract_strided_slice %get3A_1 {offsets = [6, 0], sizes = [1, 256], strides = [1, 1]} : vector<8x256xf32> to vector<1x256xf32>
    %mul3A_119 = vector.broadcast %select_n3A_117 : vector<24x1xf32> to vector<24x256xf32>
    %mul3A_120 = vector.broadcast %slice3A_118 : vector<1x256xf32> to vector<24x256xf32>
    %mul3A_121 = arith.mulf %mul3A_119, %mul3A_120 : vector<24x256xf32>
    %add3A_122 = arith.addf %add3A_109, %mul3A_121 : vector<24x256xf32>
    %eq3A_123 = arith.constant 7 : i32
    %eq3A_124 = vector.broadcast %eq3A_123 : i32 to vector<24x1xi32>
    %eq3A_125 = arith.cmpi eq, %select_n3A, %eq3A_124 : vector<24x1xi32>
    %jit3A_126 = arith.constant 1.000000e+00 : f32
    %jit3A_127 = arith.constant 0.000000e+00 : f32
    %broadcast_in_dim3A_128 = vector.broadcast %jit3A_126 : f32 to vector<24x1xf32>
    %broadcast_in_dim3A_129 = vector.broadcast %jit3A_127 : f32 to vector<24x1xf32>
    %select_n3A_130 = arith.select %eq3A_125, %broadcast_in_dim3A_128, %broadcast_in_dim3A_129 : vector<24x1xi1>, vector<24x1xf32>
    %slice3A_131 = vector.extract_strided_slice %get3A_1 {offsets = [7, 0], sizes = [1, 256], strides = [1, 1]} : vector<8x256xf32> to vector<1x256xf32>
    %mul3A_132 = vector.broadcast %select_n3A_130 : vector<24x1xf32> to vector<24x256xf32>
    %mul3A_133 = vector.broadcast %slice3A_131 : vector<1x256xf32> to vector<24x256xf32>
    %mul3A_134 = arith.mulf %mul3A_132, %mul3A_133 : vector<24x256xf32>
    %add3A_135 = arith.addf %add3A_122, %mul3A_134 : vector<24x256xf32>
    %eq3A_136 = arith.constant 0 : i32
    %eq3A_137 = vector.broadcast %eq3A_136 : i32 to vector<24x1xi32>
    %eq3A_138 = arith.cmpi eq, %sub3A_33, %eq3A_137 : vector<24x1xi32>
    %jit3A_139 = arith.constant 1.000000e+00 : f32
    %jit3A_140 = arith.constant 0.000000e+00 : f32
    %broadcast_in_dim3A_141 = vector.broadcast %jit3A_139 : f32 to vector<24x1xf32>
    %broadcast_in_dim3A_142 = vector.broadcast %jit3A_140 : f32 to vector<24x1xf32>
    %select_n3A_143 = arith.select %eq3A_138, %broadcast_in_dim3A_141, %broadcast_in_dim3A_142 : vector<24x1xi1>, vector<24x1xf32>
    %slice3A_144 = vector.extract_strided_slice %get3A_4 {offsets = [0, 0], sizes = [1, 256], strides = [1, 1]} : vector<3x256xf32> to vector<1x256xf32>
    %mul3A_145 = vector.broadcast %select_n3A_143 : vector<24x1xf32> to vector<24x256xf32>
    %mul3A_146 = vector.broadcast %slice3A_144 : vector<1x256xf32> to vector<24x256xf32>
    %mul3A_147 = arith.mulf %mul3A_145, %mul3A_146 : vector<24x256xf32>
    %add3A_148 = arith.addf %add3A_135, %mul3A_147 : vector<24x256xf32>
    %eq3A_149 = arith.constant 1 : i32
    %eq3A_150 = vector.broadcast %eq3A_149 : i32 to vector<24x1xi32>
    %eq3A_151 = arith.cmpi eq, %sub3A_33, %eq3A_150 : vector<24x1xi32>
    %jit3A_152 = arith.constant 1.000000e+00 : f32
    %jit3A_153 = arith.constant 0.000000e+00 : f32
    %broadcast_in_dim3A_154 = vector.broadcast %jit3A_152 : f32 to vector<24x1xf32>
    %broadcast_in_dim3A_155 = vector.broadcast %jit3A_153 : f32 to vector<24x1xf32>
    %select_n3A_156 = arith.select %eq3A_151, %broadcast_in_dim3A_154, %broadcast_in_dim3A_155 : vector<24x1xi1>, vector<24x1xf32>
    %slice3A_157 = vector.extract_strided_slice %get3A_4 {offsets = [1, 0], sizes = [1, 256], strides = [1, 1]} : vector<3x256xf32> to vector<1x256xf32>
    %mul3A_158 = vector.broadcast %select_n3A_156 : vector<24x1xf32> to vector<24x256xf32>
    %mul3A_159 = vector.broadcast %slice3A_157 : vector<1x256xf32> to vector<24x256xf32>
    %mul3A_160 = arith.mulf %mul3A_158, %mul3A_159 : vector<24x256xf32>
    %add3A_161 = arith.addf %add3A_148, %mul3A_160 : vector<24x256xf32>
    %eq3A_162 = arith.constant 2 : i32
    %eq3A_163 = vector.broadcast %eq3A_162 : i32 to vector<24x1xi32>
    %eq3A_164 = arith.cmpi eq, %sub3A_33, %eq3A_163 : vector<24x1xi32>
    %jit3A_165 = arith.constant 1.000000e+00 : f32
    %jit3A_166 = arith.constant 0.000000e+00 : f32
    %broadcast_in_dim3A_167 = vector.broadcast %jit3A_165 : f32 to vector<24x1xf32>
    %broadcast_in_dim3A_168 = vector.broadcast %jit3A_166 : f32 to vector<24x1xf32>
    %select_n3A_169 = arith.select %eq3A_164, %broadcast_in_dim3A_167, %broadcast_in_dim3A_168 : vector<24x1xi1>, vector<24x1xf32>
    %slice3A_170 = vector.extract_strided_slice %get3A_4 {offsets = [2, 0], sizes = [1, 256], strides = [1, 1]} : vector<3x256xf32> to vector<1x256xf32>
    %mul3A_171 = vector.broadcast %select_n3A_169 : vector<24x1xf32> to vector<24x256xf32>
    %mul3A_172 = vector.broadcast %slice3A_170 : vector<1x256xf32> to vector<24x256xf32>
    %mul3A_173 = arith.mulf %mul3A_171, %mul3A_172 : vector<24x256xf32>
    %add3A_174 = arith.addf %add3A_161, %mul3A_173 : vector<24x256xf32>
    %broadcast_in_dim3A_175 = vector.shape_cast %add3A_174 : vector<24x256xf32> to vector<24x1x256xf32>
    %broadcast_in_dim3A_176 = vector.shape_cast %get3A_7 : vector<65x256xf32> to vector<1x65x256xf32>
    %add3A_177 = vector.broadcast %broadcast_in_dim3A_175 : vector<24x1x256xf32> to vector<24x65x256xf32>
    %add3A_178 = vector.broadcast %broadcast_in_dim3A_176 : vector<1x65x256xf32> to vector<24x65x256xf32>
    %add3A_179 = arith.addf %add3A_177, %add3A_178 : vector<24x65x256xf32>
    %reduce_sum3A = arith.constant dense<0.000000e+00> : vector<24x65xf32>
    %reduce_sum3A_180 = vector.multi_reduction <add>, %add3A_179, %reduce_sum3A [2] : vector<24x65x256xf32> to vector<24x65xf32>
    %broadcast_in_dim3A_181 = vector.shape_cast %reduce_sum3A_180 : vector<24x65xf32> to vector<24x65x1xf32>
    %div3A_182 = arith.constant 2.560000e+02 : f32
    %div3A_183 = vector.broadcast %div3A_182 : f32 to vector<24x65x1xf32>
    %div3A_184 = arith.divf %broadcast_in_dim3A_181, %div3A_183 : vector<24x65x1xf32>
    %sub3A_185 = vector.broadcast %div3A_184 : vector<24x65x1xf32> to vector<24x65x256xf32>
    %sub3A_186 = arith.subf %add3A_179, %sub3A_185 : vector<24x65x256xf32>
    %mul3A_187 = arith.mulf %sub3A_186, %sub3A_186 : vector<24x65x256xf32>
    %reduce_sum3A_188 = arith.constant dense<0.000000e+00> : vector<24x65xf32>
    %reduce_sum3A_189 = vector.multi_reduction <add>, %mul3A_187, %reduce_sum3A_188 [2] : vector<24x65x256xf32> to vector<24x65xf32>
    %broadcast_in_dim3A_190 = vector.shape_cast %reduce_sum3A_189 : vector<24x65xf32> to vector<24x65x1xf32>
    %div3A_191 = arith.constant 2.560000e+02 : f32
    %div3A_192 = vector.broadcast %div3A_191 : f32 to vector<24x65x1xf32>
    %div3A_193 = arith.divf %broadcast_in_dim3A_190, %div3A_192 : vector<24x65x1xf32>
    %add3A_194 = arith.constant 9.99999974E-6 : f32
    %add3A_195 = vector.broadcast %add3A_194 : f32 to vector<24x65x1xf32>
    %add3A_196 = arith.addf %div3A_193, %add3A_195 : vector<24x65x1xf32>
    %rsqrt3A = math.rsqrt %add3A_196 : vector<24x65x1xf32>
    %mul3A_197 = vector.broadcast %rsqrt3A : vector<24x65x1xf32> to vector<24x65x256xf32>
    %mul3A_198 = arith.mulf %sub3A_186, %mul3A_197 : vector<24x65x256xf32>
    %get3A_199 = arith.constant 0 : index
    %get3A_200 = arith.constant 0 : index
    %get3A_201 = vector.load %arg3[%get3A_199, %get3A_200] : memref<1x256xf32, #tpu.memory_space<vmem>>, vector<1x256xf32>
    %broadcast_in_dim3A_202 = vector.shape_cast %get3A_201 : vector<1x256xf32> to vector<1x1x256xf32>
    %mul3A_203 = vector.broadcast %broadcast_in_dim3A_202 : vector<1x1x256xf32> to vector<24x65x256xf32>
    %mul3A_204 = arith.mulf %mul3A_198, %mul3A_203 : vector<24x65x256xf32>
    %get3A_205 = arith.constant 0 : index
    %get3A_206 = arith.constant 0 : index
    %get3A_207 = vector.load %arg4[%get3A_205, %get3A_206] : memref<1x256xf32, #tpu.memory_space<vmem>>, vector<1x256xf32>
    %broadcast_in_dim3A_208 = vector.shape_cast %get3A_207 : vector<1x256xf32> to vector<1x1x256xf32>
    %add3A_209 = vector.broadcast %broadcast_in_dim3A_208 : vector<1x1x256xf32> to vector<24x65x256xf32>
    %add3A_210 = arith.addf %mul3A_204, %add3A_209 : vector<24x65x256xf32>
    %swap3A = arith.constant 0 : index
    %swap3A_211 = arith.constant 0 : index
    %swap3A_212 = arith.constant 0 : index
    %swap3A_213 = vector.load %arg7[%swap3A, %swap3A_211, %swap3A_212] : memref<24x65x256xf32, #tpu.memory_space<vmem>>, vector<24x65x256xf32>
    tpu.vector_store %arg7[%swap3A, %swap3A_211, %swap3A_212], %add3A_210 {strides = array<i32>} : memref<24x65x256xf32, #tpu.memory_space<vmem>>, vector<24x65x256xf32>,
    %iota3A_214 = tpu.iota {dimensions = array<i32: 1>} : vector<4096x65xi32>
    %get3A_215 = arith.constant 0 : index
    %get3A_216 = arith.constant 0 : index
    %get3A_217 = vector.load %arg5[%get3A_215, %get3A_216] : memref<4096x65xi32, #tpu.memory_space<vmem>>, vector<4096x65xi32>
    %mul3A_218 = arith.constant 195 : i32
    %mul3A_219 = vector.broadcast %mul3A_218 : i32 to vector<4096x65xi32>
    %mul3A_220 = arith.muli %get3A_217, %mul3A_219 : vector<4096x65xi32>
    %get3A_221 = arith.constant 0 : index
    %get3A_222 = arith.constant 0 : index
    %get3A_223 = vector.load %arg6[%get3A_221, %get3A_222] : memref<4096x65xi32, #tpu.memory_space<vmem>>, vector<4096x65xi32>
    %mul3A_224 = arith.constant 65 : i32
    %mul3A_225 = vector.broadcast %mul3A_224 : i32 to vector<4096x65xi32>
    %mul3A_226 = arith.muli %get3A_223, %mul3A_225 : vector<4096x65xi32>
    %add3A_227 = arith.addi %mul3A_220, %mul3A_226 : vector<4096x65xi32>
    %add3A_228 = arith.addi %add3A_227, %iota3A_214 : vector<4096x65xi32>
    %broadcast_in_dim3A_229 = arith.constant 0 : i32
    %broadcast_in_dim3A_230 = vector.broadcast %broadcast_in_dim3A_229 : i32 to vector<4096x15xi32>
    %concatenate3A = tpu.concatenate %add3A_228, %broadcast_in_dim3A_230 in 1 : vector<4096x65xi32>, vector<4096x15xi32> -> vector<4096x80xi32>
    %swap3A_231 = arith.constant 0 : index
    %swap3A_232 = arith.constant 0 : index
    %swap3A_233 = vector.load %arg8[%swap3A_231, %swap3A_232] : memref<4096x80xi32, #tpu.memory_space<vmem>>, vector<4096x80xi32>
    tpu.vector_store %arg8[%swap3A_231, %swap3A_232], %concatenate3A {strides = array<i32>} : memref<4096x80xi32, #tpu.memory_space<vmem>>, vector<4096x80xi32>,
    return
  }
}

</mosaic_0001>

<sc_bundles>
// kernel: kernel.10.cloned.1.call-start
scs
__scs_entry_jumppad:
0x0: {  	(pc) =	sbr.rel $0x88, $3  }
0x1: {  	(tag) =	ssettag $0x0;
	lr =	simm.s32 $0x1  }
0x2: {  	[smem:$0x3F9A] =	sst lr;
	_ =	strace $0xD0000000  }
0x3: {  	_ = 	snop  }
0x4: {  	_ = 	snop  }
0x5: {  	_ = 	snop  }
0x6: {  	_ = 	snop  }
0x7: {  	_ = 	snop  }
__scs_overlays_trampoline_lowered:
0x8: {  	[smem:$0x3FA9] =	sst s0  }
0x9: {  	[smem:$0x3FAA] =	sst s1  }
0xa: {  	[smem:$0x3FAB] =	sst s2  }
0xb: {  	[smem:$0x3FAC] =	sst s3  }
0xc: {  	[smem:$0x3FAD] =	sst s4  }
0xd: {  	[smem:$0x3FAE] =	sst s5  }
0xe: {  	[smem:$0x3FAF] =	sst s6  }
0xf: {  	[smem:$0x3FB0] =	sst s7  }
0x10: {  	[smem:$0x3FB1] =	sst s8  }
0x11: {  	[smem:$0x3FB2] =	sst s9;
	s0 =	simm.s32 @!p0 $0x0  }
0x12: {  	s1 =	sld [smem:$0x3F98];
	s0 =	simm.s32 @p0 $0x1  }
0x13: {  	[smem:$0x3FB3] =	sst s0;
	s0 =	simm.s32 @!p1 $0x0  }
0x14: {  	s2 =	sld [smem:$0x3F97];
	s0 =	simm.s32 @p1 $0x1  }
0x15: {  	[smem:$0x3FB4] =	sst s0;
	s0 =	simm.s32 @!p2 $0x0  }
0x16: {  	s3 =	sld [smem:$0x3FDB];
	s0 =	simm.s32 @p2 $0x1  }
0x17: {  	s4 =	simm.s32 $0x1BF5;
	[smem:$0x3FB6] =	sst s0  }
0x18: {  	s0 =	sld [smem:$0x3F99];
	_ =	swait.ge [sflag:s4], $0x0  }
0x19: {  	s7 =	sld [smem:$0x3F9A]  }
0x1a: {  	s8 =	sadd.s32 $0xFFFFE003, lr  }
0x1b: {  	s9 =	sadd.s32 $0xFFFFFEF7, lr;
	s5 =	simm.s32 $0xFFFFFFFF;
	p2 =	slt.u32 s8, $0xFFFFF086  }
0x1c: {  	p1 =	slt.u32 s9, $0xF7A;
	s5 =	simm.s32 @!p2 $0x0  }
0x1d: {  	s5 =	simm.s32 @p1 $0x1;
	p0 =	seq.s32 s7, s2  }
0x1e: {  	s7 =	smul.u32 @!p0 $0xF7A, s2;
	p2 =	seq.s32 @!p0 s5, $0x0  }
0x1f: {  	s9 =	smul.u32 $0xF7A, s1;
	s8 =	simm.s32 @!p0 $0x1BF5;
	p2 =	por !p2, p0  }
0x20: {  	[sflag:s8] =	ssyncset.s32 @!p0 $0xFFFFF086;
	s6 =	sadd.s32 @!p0 s3, s7;
	s7 =	simm.s32 @!p0 $0x108  }
0x21: {  	s3 =	sadd.s32 s3, s9;
	s6 =	sadd.s32 @!p0 $0x88, s6;
	s7 =	simm.s32 @p2 $0x1082  }
0x22: {  	[simem:s7], [sflag:s8] =	dma.local @!p0 [hbm:s6], $0xF7A  }
0x23: {  	s9 =	sor.u32 $0xD0000000, s2;
	s6 =	simm.s32 $0x108;
	_ =	swait.ge @!p0 [sflag:s8], $0x0  }
0x24: {  	s3 =	sadd.s32 $0x88, s3;
	s6 =	simm.s32 @!p1 $0x1082;
	[sflag:s4] =	ssyncset.s32 $0xFFFFF086  }
0x25: {  	[simem:s6], [sflag:s4] =	dma.local [hbm:s3], $0xF7A  }
0x26: {  	[smem:$0x3F9A] =	sst s1;
	(tag) =	ssettag s2;
	_ =	strace s9  }
0x27: {  	s1 =	sld [smem:$0x3FAA]  }
0x28: {  	s2 =	sld [smem:$0x3FAB]  }
0x29: {  	s4 =	sld [smem:$0x3FAD]  }
0x2a: {  	p0 =	seq.s32 s5, $0x0;
	s5 =	sld [smem:$0x3FAE]  }
0x2b: {  	s6 =	sld [smem:$0x3FAF]  }
0x2c: {  	s7 =	sld [smem:$0x3FB0]  }
0x2d: {  	s3 =	simm.s32 $0x108;
	s8 =	sld [smem:$0x3FB1]  }
0x2e: {  	s3 =	simm.s32 @!p0 $0x1082;
	s9 =	sld [smem:$0x3FB2]  }
0x2f: {  	lr =	sadd.s32 s0, s3;
	s0 =	sld [smem:$0x3FA9]  }
0x30: {  	s3 =	sld [smem:$0x3FAC]  }
0x31: {  	[smem:$0x3FB5] =	sst s10  }
0x32: {  	s10 =	sld [smem:$0x3FB3];
	_ =	sdelay $0x3  }
0x33: {  	p0 =	seq.s32 s10, $0x1;
	s10 =	sld [smem:$0x3FB5];
	_ =	sdelay $0x3  }
0x34: {  	[smem:$0x3FB5] =	sst s10  }
0x35: {  	s10 =	sld [smem:$0x3FB4];
	_ =	sdelay $0x3  }
0x36: {  	p1 =	seq.s32 s10, $0x1;
	s10 =	sld [smem:$0x3FB5];
	_ =	sdelay $0x3  }
0x37: {  	[smem:$0x3FB5] =	sst s10  }
0x38: {  	s10 =	sld [smem:$0x3FB6]  }
0x39: {  	_ = 	snop;
	(pc) =	sbr.ind lr, $3  }
0x3a: {  	_ = 	snop  }
0x3b: {  	_ = 	snop  }
0x3c: {  	p2 =	seq.s32 s10, $0x1;
	s10 =	sld [smem:$0x3FB5]  }
0x3d: {  	_ =	shalt  }
0x3e: {  	_ =	shalt  }
0x3f: {  	_ =	shalt  }
0x40: {  	_ =	shalt  }
0x41: {  	_ =	shalt  }
0x42: {  	_ =	shalt  }
0x43: {  	_ =	shalt  }
0x44: {  	_ =	shalt  }
0x45: {  	_ =	shalt  }
0x46: {  	_ =	shalt  }
0x47: {  	_ =	shalt  }
0x48: {  	_ =	shalt  }
0x49: {  	_ =	shalt  }
0x4a: {  	_ =	shalt  }
0x4b: {  	_ =	shalt  }
0x4c: {  	_ =	shalt  }
0x4d: {  	_ =	shalt  }
0x4e: {  	_ =	shalt  }
0x4f: {  	_ =	shalt  }
0x50: {  	_ =	shalt  }
0x51: {  	_ =	shalt  }
0x52: {  	_ =	shalt  }
0x53: {  	_ =	shalt  }
0x54: {  	_ =	shalt  }
0x55: {  	_ =	shalt  }
0x56: {  	_ =	shalt  }
0x57: {  	_ =	shalt  }
0x58: {  	_ =	shalt  }
0x59: {  	_ =	shalt  }
0x5a: {  	_ =	shalt  }
0x5b: {  	_ =	shalt  }
0x5c: {  	_ =	shalt  }
0x5d: {  	_ =	shalt  }
0x5e: {  	_ =	shalt  }
0x5f: {  	_ =	shalt  }
0x60: {  	_ =	shalt  }
0x61: {  	_ =	shalt  }
0x62: {  	_ =	shalt  }
0x63: {  	_ =	shalt  }
0x64: {  	_ =	shalt  }
0x65: {  	_ =	shalt  }
0x66: {  	_ =	shalt  }
0x67: {  	_ =	shalt  }
0x68: {  	_ =	shalt  }
0x69: {  	_ =	shalt  }
0x6a: {  	_ =	shalt  }
0x6b: {  	_ =	shalt  }
0x6c: {  	_ =	shalt  }
0x6d: {  	_ =	shalt  }
0x6e: {  	_ =	shalt  }
0x6f: {  	_ =	shalt  }
0x70: {  	_ =	shalt  }
0x71: {  	_ =	shalt  }
0x72: {  	_ =	shalt  }
0x73: {  	_ =	shalt  }
0x74: {  	_ =	shalt  }
0x75: {  	_ =	shalt  }
0x76: {  	_ =	shalt  }
0x77: {  	_ =	shalt  }
0x78: {  	_ =	shalt  }
0x79: {  	_ =	shalt  }
0x7a: {  	_ =	shalt  }
0x7b: {  	_ =	shalt  }
0x7c: {  	_ =	shalt  }
0x7d: {  	_ =	shalt  }
0x7e: {  	_ =	shalt  }
0x7f: {  	_ =	shalt  }
0x80: {  	_ =	shalt  }
0x81: {  	_ =	shalt  }
0x82: {  	_ =	shalt  }
0x83: {  	_ =	shalt  }
0x84: {  	_ =	shalt  }
0x85: {  	_ =	shalt  }
0x86: {  	_ =	shalt  }
0x87: {  	_ =	shalt  }
.Lfunc_end0:
.L_simem_size_0:
called_computation.2_lowered:
.L_overlay_start_0:
0x88: {  	s2 =	sld [smem:$0x3FD9]  }
0x89: {  	s3 =	sld [smem:$0x3FFE];
	_ =	sdelay $0x1  }
0x8a: {  	s1 =	srdreg.scid  }
0x8b: {  	s0 =	sand.u32 $0x1, s1  }
0x8c: {  	s16 =	sshll.u32 s0, $0xA;
	s2 =	sadd.s32 s3, s2  }
0x8d: {  	s2 =	sadd.s32 s2, s16  }
0x8e: {  	[smem:$0x3FC1] =	sst s2  }
0x8f: {  	_ = 	snop  }
0x90: {  	(tm) =	ssettm $0x1  }
0x91: {  	s17 =	sld [smem:$0x3FFB];
	_ =	sdelay $0x3  }
0x92: {  	_ =	strace s17  }
0x93: {  	s2 =	sld [smem:$0x3FFC];
	_ =	sdelay $0x3  }
0x94: {  	_ =	strace s2  }
0x95: {  	s2 =	sld [smem:$0x3FFD];
	_ =	sdelay $0x3  }
0x96: {  	_ =	strace s2  }
0x97: {  	_ =	strace $0x8FFFFFFF  }
0x98: {  	s18 =	sld [smem:$0x3FDB];
	_ =	sdelay $0x1  }
0x99: {  	s19 =	simm.s32 $_scs_section_size  }
0x9a: {  	s4 =	simm.s32 $_size__tile_overlayer_lowered;
	s5 =	simm.s32 $_tile_overlayer_lowered  }
0x9b: {  	s22 =	simm.s32 $0x1BFF;
	s21 =	sshll.u32 s5, $0x1;
	s2 =	sadd.s32 s19, s18  }
0x9c: {  	s6 =	simm.s32 $0x0;
	s20 =	sshll.u32 s4, $0x1;
	s4 =	sadd.s32 s21, s2  }
0x9d: {  	[timem:s6], [sflag:s22] =	dma.local [hbm:s4], s20  }
0x9e: {  	_ =	swait.ge [sflag:s22], s20  }
0x9f: {  	s3 =	ssub.s32 $0x0, s20;
	[sflag:s22] =	ssyncset.done $0x0  }
0xa0: {  	[sflag:s22] =	ssyncadd.s32 s3;
	_ =	sdelay $0x1  }
0xa1: {  	s23 =	simm.s32 $0x1B8B  }
0xa2: {  	_ =	swait.ge [sflag:s23], $0x1  }
0xa3: {  	[sflag:s23] =	ssyncset.done $0x0  }
0xa4: {  	s25 =	simm.s32 $0x1B8E;
	s24 =	sld [smem:$0x3FFE];
	[sflag:s23] =	ssyncadd.s32 $0xFFFFFFFF  }
0xa5: {  	s26 =	simm.s32 $execute0_lowered;
	[smem:$0x3FD2] =	sst s25  }
0xa6: {  	s4 =	sshll.u32 s26, $0x1;
	_ =	strace $0x80000046;
	[dreg:$0x1] =	wrdreg $0xFFFFFFFF  }
0xa7: {  	s28 =	simm.s32 $_size_execute0_lowered;
	s2 =	sadd.s32 s2, s4;
	[dreg:$0x0] =	wrdreg $0x0  }
0xa8: {  	s4 =	sshll.u32 s28, $0x1;
	[dreg:$0x2] =	wrdreg s2  }
0xa9: {  	[dreg:$0x3] =	wrdreg s4  }
0xaa: {  	[dreg:$0x4] =	wrdreg $0xC0  }
0xab: {  	_ =	task [dreg:s6], $0x5FFFF  }
0xac: {  	[dreg:$0x1] =	wrdreg $0xFFFFFFFF  }
0xad: {  	[dreg:$0x0] =	wrdreg $0x60  }
0xae: {  	[dreg:$0x2] =	wrdreg s24  }
0xaf: {  	[dreg:$0x3] =	wrdreg $0xA  }
0xb0: {  	_ =	task.clear_ibuf [dreg:s6], $0x4FFFF;
	_ =	strace $0x90000046  }
0xb1: {  	s29 =	simm.s32 $0xA;
	_ =	strace $0x80000048  }
0xb2: {  	_ =	swait.ge [sflag:s29], $0x1  }
0xb3: {  	[sflag:s29] =	ssyncadd.s32 $0xFFFFFFFF  }
0xb4: {  	_ =	strace $0x90000048  }
0xb5: {  	_ =	sfence  }
0xb6: {  	s30 =	sld [smem:$0x0];
	_ =	sdelay $0x2  }
0xb7: {  	s31 =	sshll.u32 s1, $0xD;
	s1 =	sshrl.u32 s1, $0x2  }
0xb8: {  	s3 =	sand.u32 $0x4000, s31;
	s1 =	sadd.s32 s1, s30  }
0xb9: {  	s0 =	sor.u32 s3, s0;
	s1 =	sshll.u32 s1, $0x11  }
0xba: {  	s0 =	sor.u32 s1, s0  }
0xbb: {  	s0 =	sadd.s32 $0x8F2B, s0  }
0xbc: {  	[sflag:s0] =	ssyncadd.remote.s32 $0x1  }
0xbd: {  	_ =	sfence.sel $0xFFFF  }
0xbe: {  	[dreg:$0x0] =	wrdreg $0xFFFFFFFF;
	(pc) =	sbr.abs _section_cstart, $3  }
0xbf: {  	[dreg:$0x1] =	wrdreg $0xFFFFFFFF  }
0xc0: {  	_ =	task.clear_ibuf [dreg:s6], $0x2FFFF;
	_ =	strace $0x9FFFFFFF  }
0xc1: {  	(tm) =	ssettm $0x7FFFFFFF  }
tec
execute0_lowered:
.L_overlay_start_1:
0x0: {  	(tag) =	ssettag $0x1  }
0x1: {  	s0 =	srdreg.scid  }
0x2: {  	s3 =	stileid.u32;
	s4 =	rddreg [dreg:$0x0];
	s2 =	simm.s32 $0x0  }
0x3: {  	s11 =	simm.s32 $0xA00;
	s14 =	simm.s32 $0x2200;
	s15 =	simm.s32 $0x2A00  }
0x4: {  	s16 =	simm.s32 $0x3200;
	s17 =	simm.s32 $0x3A00;
	s18 =	simm.s32 $0x4200  }
0x5: {  	s19 =	simm.s32 $0x8A00;
	s20 =	simm.s32 $0x4A00;
	s21 =	simm.s32 $0x5200  }
0x6: {  	s22 =	simm.s32 $0x5A00;
	s23 =	simm.s32 $0x6200;
	s28 =	simm.s32 $0x8200  }
0x7: {  	s29 =	simm.s32 $0x8B00;
	s30 =	simm.s32 $0x1;
	s31 =	simm.s32 $0x80  }
0x8: {  	s0 =	sand.u32 $0x1, s0;
	s1 =	sshll.u32 s3, $0x1;
	s5 =	smul.u32 $0x120000, s3  }
0x9: {  	s1 =	sor.u32 s0, s1;
	s6 =	ssub.s32 $0x2, s0;
	s0 =	smul.u32 $0x90000, s0  }
0xa: {  	s12 =	simm.s32 $0x0;
	[smem:$0x7FF] =	sst s2;
	s1 =	smul.u32 $0x140, s1  }
0xb: {  	s3 =	sadd.s32 $0x2400, s4;
	_ =	strace $0x80000047;
	s7 =	sshrl.u32 s6, $0x1  }
0xc: {  	s6 =	ssub.s32 s6, s7;
	s0 =	sadd.s32 s0, s5;
	s1 =	sadd.s32 s1, s4  }
0xd: {  	s4 =	sadd.s32 $0x16000, s4;
	s24 =	smax.u32 s6, $0x1;
	s25 =	sshrl.u32 s0, $0x3  }
0xe: {  	s26 =	sor.u32 $0x4000, s0;
	s5 =	sor.u32 $0x8800, s0;
	s0 =	sor.u32 $0x4800, s0  }
0xf: {  	s1 =	sadd.s32 $0xE800, s1;
	[dreg:$0x3] =	wrdreg s24;
	s6 =	sadd.s32 s25, s4  }
.Ltmp0:
0x10: {  	s5 =	sshrl.u32 s5, $0x3;
	s0 =	sshrl.u32 s0, $0x3;
	(pc) =	sbr.rel .LBB2_1-.Ltmp0, $4  }
0x11: {  	s24 =	simm.s32 $0x6A00;
	s25 =	simm.s32 $0x7200;
	[dreg:$0x2] =	wrdreg s1  }
0x12: {  	v4 =	vlaneseq.u32;
	vm0 =	vmmov $0xffff;
	v3 =	vimm.s32 $0x0;
	s1 =	sshrl.u32 s26, $0x3;
	s8 =	sadd.s32 s5, s4;
	s9 =	sadd.s32 s0, s4  }
0x13: {  	vm1 =	vmmov $0x3;
	v0 =	vand.u32 $0x7, v4;
	v1 =	vshrl.u32 v4, $0x3;
	s26 =	simm.s32 $0x7A00;
	s0 =	simm.s32 $0x2;
	s5 =	simm.s32 $0x4  }
0x14: {  	v2 =	vor.u32 $0x8, v4;
	v4 =	vmul.u32 $0x8, v4;
	v1 =	vmul.u32 $0x8, v1;
	s7 =	sadd.s32 s1, s4;
	s1 =	simm.s32 $0x400;
	s4 =	simm.s32 $0x3  }
.LBB2_4:
0x15: {  	_ =	swait.ge [sflag:s5], $0x4000  }
0x16: {  	[sflag:s5] =	ssyncset.done $0x0  }
0x17: {  	[sflag:s5] =	ssyncadd.s32 $0xFFFFC000  }
0x18: {  	_ =	swait.ge [sflag:s5], $0x100  }
0x19: {  	s12 =	rddreg [dreg:$0x4]  }
0x1a: {  	s10 =	rddreg [dreg:$0x3];
	s12 =	sadd.s32 $0x1, s12  }
0x1b: {  	p0 =	sne.s32 s12, s10  }
.Ltmp1:
0x1c: {  	_ = 	snop;
	(pc) =	sbr.rel @!p0 .LBB2_5-.Ltmp1, $3  }
0x1d: {  	_ =	sdelay $0x1  }
0x1e: {  	[sflag:s5] =	ssyncset.done $0x0  }
0x1f: {  	[sflag:s5] =	ssyncadd.s32 $0xFFFFFF00  }
.LBB2_1:
0x20: {  	[dreg:$0x4] =	wrdreg s12  }
0x21: {  	s10 =	rddreg [dreg:$0x2];
	s13 =	simm.s32 $0x5  }
0x22: {  	[tilespmem:s2], [sflag:$0x5] =	stream.linear.gather [hbm4b:s10+s2], $0xA00, $0x38;
	[tilespmem:$0x8C00] =	vst v63  }
0x23: {  	_ =	swait.ge [sflag:s13], $0xA00  }
0x24: {  	[sflag:s13] =	ssyncset.done $0x0  }
0x25: {  	[sflag:s13] =	ssyncadd.s32 $0xFFFFF600  }
0x26: {  	v5 =	vld [tilespmem:$0x0];
	_ =	sdelay $0x4  }
0x27: {  	v6 =	vshll.u32 v5, $0x1  }
0x28: {  	v5 =	vand.u32 $0x7, v5;
	v6 =	vand.u32 $0xFFFFFFF0, v6  }
0x29: {  	v5 =	vor.u32 v5, v6  }
0x2a: {  	v6 =	vperm.xlane v5, v0;
	_ =	sdelay $0x1  }
0x2b: {  	v5 =	vperm.xlane v5, v2;
	v6 =	vadd.s32 v1, v6;
	_ =	sdelay $0x1  }
0x2c: {  	v5 =	vadd.s32 v1, v5;
	_ =	sdelay $0x2  }
0x2d: {  	[tilespmem:s11], [sflag:$0x1] =	stream.indirect_vreg.gather [hbm4b:s3+s2], $0x80, v6, vm0, $0xb8;
	[tilespmem:$0x8C00] =	vst v63  }
0x2e: {  	s12 =	simm.s32 $0x1200  }
0x2f: {  	[tilespmem:s12], [sflag:$0x1] =	stream.indirect_vreg.gather [hbm4b:s3+s2], $0x80, v5, vm0, $0xb8;
	[tilespmem:$0x8C00] =	vst v63  }
0x30: {  	v5 =	vld [tilespmem:$0x10];
	_ =	sdelay $0x4  }
0x31: {  	v6 =	vshll.u32 v5, $0x1  }
0x32: {  	v5 =	vand.u32 $0x7, v5;
	v6 =	vand.u32 $0xFFFFFFF0, v6  }
0x33: {  	v5 =	vor.u32 v5, v6  }
0x34: {  	v6 =	vperm.xlane v5, v0;
	_ =	sdelay $0x1  }
0x35: {  	v5 =	vperm.xlane v5, v2;
	v6 =	vadd.s32 v1, v6;
	_ =	sdelay $0x1  }
0x36: {  	v5 =	vadd.s32 v1, v5;
	_ =	sdelay $0x1  }
0x37: {  	s13 =	simm.s32 $0x1A00  }
0x38: {  	[tilespmem:s13], [sflag:$0x1] =	stream.indirect_vreg.gather [hbm4b:s3+s2], $0x80, v6, vm0, $0xb8;
	[tilespmem:$0x8C00] =	vst v63  }
0x39: {  	_ = 	snop  }
0x3a: {  	[tilespmem:s14], [sflag:$0x1] =	stream.indirect_vreg.gather [hbm4b:s3+s2], $0x80, v5, vm0, $0xb8;
	[tilespmem:$0x8C00] =	vst v63  }
0x3b: {  	v5 =	vld [tilespmem:$0x20];
	_ =	sdelay $0x4  }
0x3c: {  	v6 =	vshll.u32 v5, $0x1  }
0x3d: {  	v5 =	vand.u32 $0x7, v5;
	v6 =	vand.u32 $0xFFFFFFF0, v6  }
0x3e: {  	v5 =	vor.u32 v5, v6  }
0x3f: {  	v6 =	vperm.xlane v5, v0;
	_ =	sdelay $0x1  }
0x40: {  	v5 =	vperm.xlane v5, v2;
	v6 =	vadd.s32 v1, v6;
	_ =	sdelay $0x1  }
0x41: {  	v5 =	vadd.s32 v1, v5;
	_ =	sdelay $0x2  }
0x42: {  	[tilespmem:s15], [sflag:$0x1] =	stream.indirect_vreg.gather [hbm4b:s3+s2], $0x80, v6, vm0, $0xb8;
	[tilespmem:$0x8C00] =	vst v63  }
0x43: {  	_ = 	snop  }
0x44: {  	[tilespmem:s16], [sflag:$0x1] =	stream.indirect_vreg.gather [hbm4b:s3+s2], $0x80, v5, vm0, $0xb8;
	[tilespmem:$0x8C00] =	vst v63  }
0x45: {  	v5 =	vld [tilespmem:$0x30];
	_ =	sdelay $0x4  }
0x46: {  	v6 =	vshll.u32 v5, $0x1  }
0x47: {  	v5 =	vand.u32 $0x7, v5;
	v6 =	vand.u32 $0xFFFFFFF0, v6  }
0x48: {  	v5 =	vor.u32 v5, v6  }
0x49: {  	v6 =	vperm.xlane v5, v0;
	_ =	sdelay $0x1  }
0x4a: {  	v5 =	vperm.xlane v5, v2;
	v6 =	vadd.s32 v1, v6;
	_ =	sdelay $0x1  }
0x4b: {  	v5 =	vadd.s32 v1, v5;
	_ =	sdelay $0x2  }
0x4c: {  	[tilespmem:s17], [sflag:$0x1] =	stream.indirect_vreg.gather [hbm4b:s3+s2], $0x80, v6, vm0, $0xb8;
	[tilespmem:$0x8C00] =	vst v63  }
0x4d: {  	_ = 	snop  }
0x4e: {  	[tilespmem:s18], [sflag:$0x1] =	stream.indirect_vreg.gather [hbm4b:s3+s2], $0x80, v5, vm0, $0xb8;
	[tilespmem:$0x8C00] =	vst v63  }
0x4f: {  	v5 =	vld.msk [tilespmem:$0x40], $0x1;
	_ =	sdelay $0x4  }
0x50: {  	v6 =	vshll.u32 v5, $0x1  }
0x51: {  	v5 =	vand.u32 $0x7, v5;
	v6 =	vand.u32 $0xFFFFFFF0, v6  }
0x52: {  	v5 =	vor.u32 v5, v6  }
0x53: {  	v5 =	vperm.xlane v5, v3;
	_ =	sdelay $0x1  }
0x54: {  	v5 =	vadd.s32 v4, v5;
	_ =	sdelay $0x4  }
0x55: {  	[tilespmem:s19], [sflag:$0x1] =	stream.indirect_vreg.gather [hbm4b:s3+s2], $0x80, v5, vm1, $0xb8;
	[tilespmem:$0x8C00] =	vst v63  }
0x56: {  	v5 =	vld [tilespmem:$0x50];
	_ =	sdelay $0x4  }
0x57: {  	v6 =	vshll.u32 v5, $0x1  }
0x58: {  	v5 =	vand.u32 $0x7, v5;
	v6 =	vand.u32 $0xFFFFFFF0, v6  }
0x59: {  	v5 =	vor.u32 v5, v6  }
0x5a: {  	v6 =	vperm.xlane v5, v0;
	_ =	sdelay $0x1  }
0x5b: {  	v5 =	vperm.xlane v5, v2;
	v6 =	vadd.s32 v1, v6;
	_ =	sdelay $0x1  }
0x5c: {  	v5 =	vadd.s32 v1, v5;
	_ =	sdelay $0x2  }
0x5d: {  	[tilespmem:s20], [sflag:$0x2] =	stream.indirect_vreg.gather [hbm4b:s3+s2], $0x80, v6, vm0, $0xb8;
	[tilespmem:$0x8C00] =	vst v63  }
0x5e: {  	_ = 	snop  }
0x5f: {  	[tilespmem:s21], [sflag:$0x2] =	stream.indirect_vreg.gather [hbm4b:s3+s2], $0x80, v5, vm0, $0xb8;
	[tilespmem:$0x8C00] =	vst v63  }
0x60: {  	v5 =	vld [tilespmem:$0x60];
	_ =	sdelay $0x4  }
0x61: {  	v6 =	vshll.u32 v5, $0x1  }
0x62: {  	v5 =	vand.u32 $0x7, v5;
	v6 =	vand.u32 $0xFFFFFFF0, v6  }
0x63: {  	v5 =	vor.u32 v5, v6  }
0x64: {  	v6 =	vperm.xlane v5, v0;
	_ =	sdelay $0x1  }
0x65: {  	v5 =	vperm.xlane v5, v2;
	v6 =	vadd.s32 v1, v6;
	_ =	sdelay $0x1  }
0x66: {  	v5 =	vadd.s32 v1, v5;
	_ =	sdelay $0x2  }
0x67: {  	[tilespmem:s22], [sflag:$0x2] =	stream.indirect_vreg.gather [hbm4b:s3+s2], $0x80, v6, vm0, $0xb8;
	[tilespmem:$0x8C00] =	vst v63  }
0x68: {  	_ = 	snop  }
0x69: {  	[tilespmem:s23], [sflag:$0x2] =	stream.indirect_vreg.gather [hbm4b:s3+s2], $0x80, v5, vm0, $0xb8;
	[tilespmem:$0x8C00] =	vst v63  }
0x6a: {  	v5 =	vld [tilespmem:$0x70];
	_ =	sdelay $0x4  }
0x6b: {  	v6 =	vshll.u32 v5, $0x1  }
0x6c: {  	v5 =	vand.u32 $0x7, v5;
	v6 =	vand.u32 $0xFFFFFFF0, v6  }
0x6d: {  	v5 =	vor.u32 v5, v6  }
0x6e: {  	v6 =	vperm.xlane v5, v0;
	_ =	sdelay $0x1  }
0x6f: {  	v5 =	vperm.xlane v5, v2;
	v6 =	vadd.s32 v1, v6;
	_ =	sdelay $0x1  }
0x70: {  	v5 =	vadd.s32 v1, v5;
	_ =	sdelay $0x2  }
0x71: {  	[tilespmem:s24], [sflag:$0x2] =	stream.indirect_vreg.gather [hbm4b:s3+s2], $0x80, v6, vm0, $0xb8;
	[tilespmem:$0x8C00] =	vst v63  }
0x72: {  	_ = 	snop  }
0x73: {  	[tilespmem:s25], [sflag:$0x2] =	stream.indirect_vreg.gather [hbm4b:s3+s2], $0x80, v5, vm0, $0xb8;
	[tilespmem:$0x8C00] =	vst v63  }
0x74: {  	v5 =	vld [tilespmem:$0x80];
	_ =	sdelay $0x4  }
0x75: {  	v6 =	vshll.u32 v5, $0x1  }
0x76: {  	v5 =	vand.u32 $0x7, v5;
	v6 =	vand.u32 $0xFFFFFFF0, v6  }
0x77: {  	v5 =	vor.u32 v5, v6  }
0x78: {  	v6 =	vperm.xlane v5, v0;
	_ =	sdelay $0x1  }
0x79: {  	v5 =	vperm.xlane v5, v2;
	v6 =	vadd.s32 v1, v6;
	_ =	sdelay $0x1  }
0x7a: {  	v5 =	vadd.s32 v1, v5;
	_ =	sdelay $0x2  }
0x7b: {  	[tilespmem:s26], [sflag:$0x2] =	stream.indirect_vreg.gather [hbm4b:s3+s2], $0x80, v6, vm0, $0xb8;
	[tilespmem:$0x8C00] =	vst v63  }
0x7c: {  	_ = 	snop  }
0x7d: {  	[tilespmem:s28], [sflag:$0x2] =	stream.indirect_vreg.gather [hbm4b:s3+s2], $0x80, v5, vm0, $0xb8;
	[tilespmem:$0x8C00] =	vst v63  }
0x7e: {  	v5 =	vld.msk [tilespmem:$0x90], $0x1;
	_ =	sdelay $0x4  }
0x7f: {  	v6 =	vshll.u32 v5, $0x1  }
0x80: {  	v5 =	vand.u32 $0x7, v5;
	v6 =	vand.u32 $0xFFFFFFF0, v6  }
0x81: {  	v5 =	vor.u32 v5, v6  }
0x82: {  	v5 =	vperm.xlane v5, v3;
	_ =	sdelay $0x1  }
0x83: {  	v5 =	vadd.s32 v4, v5;
	_ =	sdelay $0x3  }
0x84: {  	s10 =	simm.s32 $0x130;
	s12 =	simm.s32 $0x0  }
0x85: {  	[tilespmem:s29], [sflag:$0x2] =	stream.indirect_vreg.gather [hbm4b:s3+s2], $0x80, v5, vm1, $0xb8;
	[tilespmem:$0x8C00] =	vst v63  }
.LBB2_2:
0x86: {  	_ =	swait.ge [sflag:s30], $0x4000  }
0x87: {  	[sflag:s30] =	ssyncset.done $0x0  }
0x88: {  	[sflag:s30] =	ssyncadd.s32 $0xFFFFC000  }
0x89: {  	_ =	swait.ge [sflag:s30], $0x100  }
0x8a: {  	[sflag:s30] =	ssyncset.done $0x0  }
0x8b: {  	s13 =	sadd.s32 s12, s6;
	[sflag:s30] =	ssyncadd.s32 $0xFFFFFF00  }
0x8c: {  	[hbm4b:s13+s2] =	stream.linear.scatter [tilespmem:s11], [sflag:$0x3], $0x4000, $0x38;
	[tilespmem:$0x8C00] =	vst v63  }
0x8d: {  	s13 =	sadd.s32 s12, s7  }
0x8e: {  	[hbm4b:s13+s31] =	stream.strided.scatter [tilespmem:s19], [sflag:$0x3], $0x100, s1, s31, $0x38;
	[tilespmem:$0x8C00] =	vst v63  }
0x8f: {  	_ =	swait.ge [sflag:s0], $0x4000  }
0x90: {  	[sflag:s0] =	ssyncset.done $0x0  }
0x91: {  	[sflag:s0] =	ssyncadd.s32 $0xFFFFC000  }
0x92: {  	_ =	swait.ge [sflag:s0], $0x100  }
0x93: {  	[sflag:s0] =	ssyncset.done $0x0  }
0x94: {  	s13 =	sadd.s32 s12, s9;
	[sflag:s0] =	ssyncadd.s32 $0xFFFFFF00  }
0x95: {  	[hbm4b:s13+s2] =	stream.linear.scatter [tilespmem:s20], [sflag:$0x4], $0x4000, $0x38;
	[tilespmem:$0x8C00] =	vst v63  }
0x96: {  	s13 =	sadd.s32 s12, s8  }
0x97: {  	[hbm4b:s13+s31] =	stream.strided.scatter [tilespmem:s29], [sflag:$0x4], $0x100, s1, s31, $0x38;
	[tilespmem:$0x8C00] =	vst v63  }
0x98: {  	p0 =	seq.s32 s12, $0x10E00;
	_ =	swait.ge [sflag:s4], $0x4000  }
.Ltmp2:
0x99: {  	[sflag:s4] =	ssyncset.done $0x0;
	(pc) =	sbr.rel @p0 .LBB2_4-.Ltmp2, $4  }
0x9a: {  	[sflag:s4] =	ssyncadd.s32 $0xFFFFC000  }
0x9b: {  	_ =	swait.ge [sflag:s4], $0x100  }
0x9c: {  	[sflag:s4] =	ssyncset.done $0x0  }
0x9d: {  	[sflag:s4] =	ssyncadd.s32 $0xFFFFFF00  }
0x9e: {  	v5 =	vld [tilespmem:s10+$0xFFFFFF70];
	_ =	sdelay $0x4  }
0x9f: {  	v6 =	vshll.u32 v5, $0x1  }
0xa0: {  	v5 =	vand.u32 $0x7, v5;
	v6 =	vand.u32 $0xFFFFFFF0, v6  }
0xa1: {  	v5 =	vor.u32 v5, v6  }
0xa2: {  	v6 =	vperm.xlane v5, v0;
	_ =	sdelay $0x1  }
0xa3: {  	v5 =	vperm.xlane v5, v2;
	v6 =	vadd.s32 v1, v6;
	_ =	sdelay $0x1  }
0xa4: {  	v5 =	vadd.s32 v1, v5;
	_ =	sdelay $0x2  }
0xa5: {  	[tilespmem:s11], [sflag:$0x1] =	stream.indirect_vreg.gather [hbm4b:s3+s2], $0x80, v6, vm0, $0xb8;
	[tilespmem:$0x8C00] =	vst v63  }
0xa6: {  	s13 =	simm.s32 $0x1200  }
0xa7: {  	[tilespmem:s13], [sflag:$0x1] =	stream.indirect_vreg.gather [hbm4b:s3+s2], $0x80, v5, vm0, $0xb8;
	[tilespmem:$0x8C00] =	vst v63  }
0xa8: {  	v5 =	vld [tilespmem:s10+$0xFFFFFF80];
	_ =	sdelay $0x4  }
0xa9: {  	v6 =	vshll.u32 v5, $0x1  }
0xaa: {  	v5 =	vand.u32 $0x7, v5;
	v6 =	vand.u32 $0xFFFFFFF0, v6  }
0xab: {  	v5 =	vor.u32 v5, v6  }
0xac: {  	v6 =	vperm.xlane v5, v0;
	_ =	sdelay $0x1  }
0xad: {  	v5 =	vperm.xlane v5, v2;
	v6 =	vadd.s32 v1, v6;
	_ =	sdelay $0x1  }
0xae: {  	v5 =	vadd.s32 v1, v5;
	_ =	sdelay $0x1  }
0xaf: {  	s13 =	simm.s32 $0x1A00  }
0xb0: {  	[tilespmem:s13], [sflag:$0x1] =	stream.indirect_vreg.gather [hbm4b:s3+s2], $0x80, v6, vm0, $0xb8;
	[tilespmem:$0x8C00] =	vst v63  }
0xb1: {  	_ = 	snop  }
0xb2: {  	[tilespmem:s14], [sflag:$0x1] =	stream.indirect_vreg.gather [hbm4b:s3+s2], $0x80, v5, vm0, $0xb8;
	[tilespmem:$0x8C00] =	vst v63  }
0xb3: {  	v5 =	vld [tilespmem:s10+$0xFFFFFF90];
	_ =	sdelay $0x4  }
0xb4: {  	v6 =	vshll.u32 v5, $0x1  }
0xb5: {  	v5 =	vand.u32 $0x7, v5;
	v6 =	vand.u32 $0xFFFFFFF0, v6  }
0xb6: {  	v5 =	vor.u32 v5, v6  }
0xb7: {  	v6 =	vperm.xlane v5, v0;
	_ =	sdelay $0x1  }
0xb8: {  	v5 =	vperm.xlane v5, v2;
	v6 =	vadd.s32 v1, v6;
	_ =	sdelay $0x1  }
0xb9: {  	v5 =	vadd.s32 v1, v5;
	_ =	sdelay $0x2  }
0xba: {  	[tilespmem:s15], [sflag:$0x1] =	stream.indirect_vreg.gather [hbm4b:s3+s2], $0x80, v6, vm0, $0xb8;
	[tilespmem:$0x8C00] =	vst v63  }
0xbb: {  	_ = 	snop  }
0xbc: {  	[tilespmem:s16], [sflag:$0x1] =	stream.indirect_vreg.gather [hbm4b:s3+s2], $0x80, v5, vm0, $0xb8;
	[tilespmem:$0x8C00] =	vst v63  }
0xbd: {  	v5 =	vld [tilespmem:s10+$0xFFFFFFA0];
	_ =	sdelay $0x4  }
0xbe: {  	v6 =	vshll.u32 v5, $0x1  }
0xbf: {  	v5 =	vand.u32 $0x7, v5;
	v6 =	vand.u32 $0xFFFFFFF0, v6  }
0xc0: {  	v5 =	vor.u32 v5, v6  }
0xc1: {  	v6 =	vperm.xlane v5, v0;
	_ =	sdelay $0x1  }
0xc2: {  	v5 =	vperm.xlane v5, v2;
	v6 =	vadd.s32 v1, v6;
	_ =	sdelay $0x1  }
0xc3: {  	v5 =	vadd.s32 v1, v5;
	_ =	sdelay $0x2  }
0xc4: {  	[tilespmem:s17], [sflag:$0x1] =	stream.indirect_vreg.gather [hbm4b:s3+s2], $0x80, v6, vm0, $0xb8;
	[tilespmem:$0x8C00] =	vst v63  }
0xc5: {  	_ = 	snop  }
0xc6: {  	[tilespmem:s18], [sflag:$0x1] =	stream.indirect_vreg.gather [hbm4b:s3+s2], $0x80, v5, vm0, $0xb8;
	[tilespmem:$0x8C00] =	vst v63  }
0xc7: {  	v5 =	vld.msk [tilespmem:s10+$0xFFFFFFB0], $0x1;
	_ =	sdelay $0x4  }
0xc8: {  	v6 =	vshll.u32 v5, $0x1  }
0xc9: {  	v5 =	vand.u32 $0x7, v5;
	v6 =	vand.u32 $0xFFFFFFF0, v6  }
0xca: {  	v5 =	vor.u32 v5, v6  }
0xcb: {  	v5 =	vperm.xlane v5, v3;
	_ =	sdelay $0x1  }
0xcc: {  	v5 =	vadd.s32 v4, v5;
	_ =	sdelay $0x4  }
0xcd: {  	[tilespmem:s19], [sflag:$0x1] =	stream.indirect_vreg.gather [hbm4b:s3+s2], $0x80, v5, vm1, $0xb8;
	[tilespmem:$0x8C00] =	vst v63  }
0xce: {  	_ =	swait.ge [sflag:s5], $0x4000  }
0xcf: {  	[sflag:s5] =	ssyncset.done $0x0  }
0xd0: {  	[sflag:s5] =	ssyncadd.s32 $0xFFFFC000  }
0xd1: {  	_ =	swait.ge [sflag:s5], $0x100  }
0xd2: {  	[sflag:s5] =	ssyncset.done $0x0  }
0xd3: {  	[sflag:s5] =	ssyncadd.s32 $0xFFFFFF00  }
0xd4: {  	v5 =	vld [tilespmem:s10+$0xFFFFFFC0];
	_ =	sdelay $0x4  }
0xd5: {  	v6 =	vshll.u32 v5, $0x1  }
0xd6: {  	v5 =	vand.u32 $0x7, v5;
	v6 =	vand.u32 $0xFFFFFFF0, v6  }
0xd7: {  	v5 =	vor.u32 v5, v6  }
0xd8: {  	v6 =	vperm.xlane v5, v0;
	_ =	sdelay $0x1  }
0xd9: {  	v5 =	vperm.xlane v5, v2;
	v6 =	vadd.s32 v1, v6;
	_ =	sdelay $0x1  }
0xda: {  	v5 =	vadd.s32 v1, v5;
	_ =	sdelay $0x2  }
0xdb: {  	[tilespmem:s20], [sflag:$0x2] =	stream.indirect_vreg.gather [hbm4b:s3+s2], $0x80, v6, vm0, $0xb8;
	[tilespmem:$0x8C00] =	vst v63  }
0xdc: {  	_ = 	snop  }
0xdd: {  	[tilespmem:s21], [sflag:$0x2] =	stream.indirect_vreg.gather [hbm4b:s3+s2], $0x80, v5, vm0, $0xb8;
	[tilespmem:$0x8C00] =	vst v63  }
0xde: {  	v5 =	vld [tilespmem:s10+$0xFFFFFFD0];
	_ =	sdelay $0x4  }
0xdf: {  	v6 =	vshll.u32 v5, $0x1  }
0xe0: {  	v5 =	vand.u32 $0x7, v5;
	v6 =	vand.u32 $0xFFFFFFF0, v6  }
0xe1: {  	v5 =	vor.u32 v5, v6  }
0xe2: {  	v6 =	vperm.xlane v5, v0;
	_ =	sdelay $0x1  }
0xe3: {  	v5 =	vperm.xlane v5, v2;
	v6 =	vadd.s32 v1, v6;
	_ =	sdelay $0x1  }
0xe4: {  	v5 =	vadd.s32 v1, v5;
	_ =	sdelay $0x2  }
0xe5: {  	[tilespmem:s22], [sflag:$0x2] =	stream.indirect_vreg.gather [hbm4b:s3+s2], $0x80, v6, vm0, $0xb8;
	[tilespmem:$0x8C00] =	vst v63  }
0xe6: {  	_ = 	snop  }
0xe7: {  	[tilespmem:s23], [sflag:$0x2] =	stream.indirect_vreg.gather [hbm4b:s3+s2], $0x80, v5, vm0, $0xb8;
	[tilespmem:$0x8C00] =	vst v63  }
0xe8: {  	v5 =	vld [tilespmem:s10+$0xFFFFFFE0];
	_ =	sdelay $0x4  }
0xe9: {  	v6 =	vshll.u32 v5, $0x1  }
0xea: {  	v5 =	vand.u32 $0x7, v5;
	v6 =	vand.u32 $0xFFFFFFF0, v6  }
0xeb: {  	v5 =	vor.u32 v5, v6  }
0xec: {  	v6 =	vperm.xlane v5, v0;
	_ =	sdelay $0x1  }
0xed: {  	v5 =	vperm.xlane v5, v2;
	v6 =	vadd.s32 v1, v6;
	_ =	sdelay $0x1  }
0xee: {  	v5 =	vadd.s32 v1, v5;
	_ =	sdelay $0x2  }
0xef: {  	[tilespmem:s24], [sflag:$0x2] =	stream.indirect_vreg.gather [hbm4b:s3+s2], $0x80, v6, vm0, $0xb8;
	[tilespmem:$0x8C00] =	vst v63  }
0xf0: {  	_ = 	snop  }
0xf1: {  	[tilespmem:s25], [sflag:$0x2] =	stream.indirect_vreg.gather [hbm4b:s3+s2], $0x80, v5, vm0, $0xb8;
	[tilespmem:$0x8C00] =	vst v63  }
0xf2: {  	v5 =	vld [tilespmem:s10+$0xFFFFFFF0];
	_ =	sdelay $0x4  }
0xf3: {  	v6 =	vshll.u32 v5, $0x1  }
0xf4: {  	v5 =	vand.u32 $0x7, v5;
	v6 =	vand.u32 $0xFFFFFFF0, v6  }
0xf5: {  	v5 =	vor.u32 v5, v6  }
0xf6: {  	v6 =	vperm.xlane v5, v0;
	_ =	sdelay $0x1  }
0xf7: {  	v5 =	vperm.xlane v5, v2;
	v6 =	vadd.s32 v1, v6;
	_ =	sdelay $0x1  }
0xf8: {  	v5 =	vadd.s32 v1, v5;
	_ =	sdelay $0x2  }
0xf9: {  	[tilespmem:s26], [sflag:$0x2] =	stream.indirect_vreg.gather [hbm4b:s3+s2], $0x80, v6, vm0, $0xb8;
	[tilespmem:$0x8C00] =	vst v63  }
0xfa: {  	_ = 	snop  }
0xfb: {  	[tilespmem:s28], [sflag:$0x2] =	stream.indirect_vreg.gather [hbm4b:s3+s2], $0x80, v5, vm0, $0xb8;
	[tilespmem:$0x8C00] =	vst v63  }
0xfc: {  	v5 =	vld.msk [tilespmem:s10+$0x0], $0x1;
	_ =	sdelay $0x4  }
0xfd: {  	v6 =	vshll.u32 v5, $0x1  }
0xfe: {  	v5 =	vand.u32 $0x7, v5;
	v6 =	vand.u32 $0xFFFFFFF0, v6  }
0xff: {  	v5 =	vor.u32 v5, v6  }
0x100: {  	v5 =	vperm.xlane v5, v3;
	_ =	sdelay $0x1  }
0x101: {  	v5 =	vadd.s32 v4, v5  }
.Ltmp3:
0x102: {  	_ = 	snop;
	(pc) =	sbr.rel .LBB2_2-.Ltmp3, $3  }
0x103: {  	_ =	sdelay $0x1  }
0x104: {  	s12 =	sadd.s32 $0x1200, s12;
	s10 =	sadd.s32 $0xA0, s10  }
0x105: {  	[tilespmem:s29], [sflag:$0x2] =	stream.indirect_vreg.gather [hbm4b:s3+s2], $0x80, v5, vm1, $0xb8;
	[tilespmem:$0x8C00] =	vst v63  }
.LBB2_5:
0x106: {  	_ =	sfence.sel $0x180000  }
0x107: {  	[bflag:$0x0] =	sbarrier.arrive $0xFFFF  }
0x108: {  	_ =	strace $0x90000047  }
0x109: {  	s0 =	stileid.u32;
	[bflag:$0x2] =	sbarrier.arrive $0xFFFF  }
0x10a: {  	p0 =	sne.s32 s0, $0x0;
	s0 =	rddreg [dreg:$0x1]  }
0x10b: {  	s0 =	sadd.s32 @!p0 $0x100000, s0  }
0x10c: {  	[sflag:s0] =	ssyncadd.tile.s32 @!p0 $0x1;
	_ =	shalt  }
.Lfunc_end2:
_tile_overlayer_lowered:
.L_overlay_start_2:
0x10d: {  	(tag) =	ssettag $0x2  }
0x10e: {  	s0 =	rddreg [dreg:$0x0];
	s2 =	stileid.u32  }
0x10f: {  	s1 =	rddreg [dreg:$0x1];
	p0 =	sne.s32 s2, $0x0  }
0x110: {  	s3 =	rddreg [dreg:$0x2];
	[bflag:$0x3] =	sbarrier.arrive $0xFFFF;
	s2 =	simm.s32 @!p0 $0x1C05  }
0x111: {  	[timem:s3], [sflag:s2] =	dma.local @!p0 [hbm:s0], s1  }
0x112: {  	s0 =	simm.s32 @!p0 $0x5  }
0x113: {  	_ =	swait.ge @!p0 [sflag:s0], s1  }
0x114: {  	s1 =	ssub.s32 @!p0 $0x0, s1;
	[sflag:s0] =	ssyncset.done @!p0 $0x0  }
0x115: {  	[sflag:s0] =	ssyncadd.s32 @!p0 s1  }
0x116: {  	[bflag:$0x3] =	sbarrier.arrive $0xFFFF  }
0x117: {  	_ =	shalt  }

// kernel: kernel.13.cloned.1.call-start
scs
__scs_entry_jumppad:
0x0: {  	(pc) =	sbr.rel $0x88, $3  }
0x1: {  	(tag) =	ssettag $0x0;
	lr =	simm.s32 $0x1  }
0x2: {  	[smem:$0x3F9A] =	sst lr;
	_ =	strace $0xD0000000  }
0x3: {  	_ = 	snop  }
0x4: {  	_ = 	snop  }
0x5: {  	_ = 	snop  }
0x6: {  	_ = 	snop  }
0x7: {  	_ = 	snop  }
__scs_overlays_trampoline_lowered:
0x8: {  	[smem:$0x3FA9] =	sst s0  }
0x9: {  	[smem:$0x3FAA] =	sst s1  }
0xa: {  	[smem:$0x3FAB] =	sst s2  }
0xb: {  	[smem:$0x3FAC] =	sst s3  }
0xc: {  	[smem:$0x3FAD] =	sst s4  }
0xd: {  	[smem:$0x3FAE] =	sst s5  }
0xe: {  	[smem:$0x3FAF] =	sst s6  }
0xf: {  	[smem:$0x3FB0] =	sst s7  }
0x10: {  	[smem:$0x3FB1] =	sst s8  }
0x11: {  	[smem:$0x3FB2] =	sst s9;
	s0 =	simm.s32 @!p0 $0x0  }
0x12: {  	s1 =	sld [smem:$0x3F98];
	s0 =	simm.s32 @p0 $0x1  }
0x13: {  	[smem:$0x3FB3] =	sst s0;
	s0 =	simm.s32 @!p1 $0x0  }
0x14: {  	s2 =	sld [smem:$0x3F97];
	s0 =	simm.s32 @p1 $0x1  }
0x15: {  	[smem:$0x3FB4] =	sst s0;
	s0 =	simm.s32 @!p2 $0x0  }
0x16: {  	s3 =	sld [smem:$0x3FDB];
	s0 =	simm.s32 @p2 $0x1  }
0x17: {  	s4 =	simm.s32 $0x1BF5;
	[smem:$0x3FB6] =	sst s0  }
0x18: {  	s0 =	sld [smem:$0x3F99];
	_ =	swait.ge [sflag:s4], $0x0  }
0x19: {  	s7 =	sld [smem:$0x3F9A]  }
0x1a: {  	s8 =	sadd.s32 $0xFFFFE003, lr  }
0x1b: {  	s9 =	sadd.s32 $0xFFFFFEF7, lr;
	s5 =	simm.s32 $0xFFFFFFFF;
	p2 =	slt.u32 s8, $0xFFFFF086  }
0x1c: {  	p1 =	slt.u32 s9, $0xF7A;
	s5 =	simm.s32 @!p2 $0x0  }
0x1d: {  	s5 =	simm.s32 @p1 $0x1;
	p0 =	seq.s32 s7, s2  }
0x1e: {  	s7 =	smul.u32 @!p0 $0xF7A, s2;
	p2 =	seq.s32 @!p0 s5, $0x0  }
0x1f: {  	s9 =	smul.u32 $0xF7A, s1;
	s8 =	simm.s32 @!p0 $0x1BF5;
	p2 =	por !p2, p0  }
0x20: {  	[sflag:s8] =	ssyncset.s32 @!p0 $0xFFFFF086;
	s6 =	sadd.s32 @!p0 s3, s7;
	s7 =	simm.s32 @!p0 $0x108  }
0x21: {  	s3 =	sadd.s32 s3, s9;
	s6 =	sadd.s32 @!p0 $0x88, s6;
	s7 =	simm.s32 @p2 $0x1082  }
0x22: {  	[simem:s7], [sflag:s8] =	dma.local @!p0 [hbm:s6], $0xF7A  }
0x23: {  	s9 =	sor.u32 $0xD0000000, s2;
	s6 =	simm.s32 $0x108;
	_ =	swait.ge @!p0 [sflag:s8], $0x0  }
0x24: {  	s3 =	sadd.s32 $0x88, s3;
	s6 =	simm.s32 @!p1 $0x1082;
	[sflag:s4] =	ssyncset.s32 $0xFFFFF086  }
0x25: {  	[simem:s6], [sflag:s4] =	dma.local [hbm:s3], $0xF7A  }
0x26: {  	[smem:$0x3F9A] =	sst s1;
	(tag) =	ssettag s2;
	_ =	strace s9  }
0x27: {  	s1 =	sld [smem:$0x3FAA]  }
0x28: {  	s2 =	sld [smem:$0x3FAB]  }
0x29: {  	s4 =	sld [smem:$0x3FAD]  }
0x2a: {  	p0 =	seq.s32 s5, $0x0;
	s5 =	sld [smem:$0x3FAE]  }
0x2b: {  	s6 =	sld [smem:$0x3FAF]  }
0x2c: {  	s7 =	sld [smem:$0x3FB0]  }
0x2d: {  	s3 =	simm.s32 $0x108;
	s8 =	sld [smem:$0x3FB1]  }
0x2e: {  	s3 =	simm.s32 @!p0 $0x1082;
	s9 =	sld [smem:$0x3FB2]  }
0x2f: {  	lr =	sadd.s32 s0, s3;
	s0 =	sld [smem:$0x3FA9]  }
0x30: {  	s3 =	sld [smem:$0x3FAC]  }
0x31: {  	[smem:$0x3FB5] =	sst s10  }
0x32: {  	s10 =	sld [smem:$0x3FB3];
	_ =	sdelay $0x3  }
0x33: {  	p0 =	seq.s32 s10, $0x1;
	s10 =	sld [smem:$0x3FB5];
	_ =	sdelay $0x3  }
0x34: {  	[smem:$0x3FB5] =	sst s10  }
0x35: {  	s10 =	sld [smem:$0x3FB4];
	_ =	sdelay $0x3  }
0x36: {  	p1 =	seq.s32 s10, $0x1;
	s10 =	sld [smem:$0x3FB5];
	_ =	sdelay $0x3  }
0x37: {  	[smem:$0x3FB5] =	sst s10  }
0x38: {  	s10 =	sld [smem:$0x3FB6]  }
0x39: {  	_ = 	snop;
	(pc) =	sbr.ind lr, $3  }
0x3a: {  	_ = 	snop  }
0x3b: {  	_ = 	snop  }
0x3c: {  	p2 =	seq.s32 s10, $0x1;
	s10 =	sld [smem:$0x3FB5]  }
0x3d: {  	_ =	shalt  }
0x3e: {  	_ =	shalt  }
0x3f: {  	_ =	shalt  }
0x40: {  	_ =	shalt  }
0x41: {  	_ =	shalt  }
0x42: {  	_ =	shalt  }
0x43: {  	_ =	shalt  }
0x44: {  	_ =	shalt  }
0x45: {  	_ =	shalt  }
0x46: {  	_ =	shalt  }
0x47: {  	_ =	shalt  }
0x48: {  	_ =	shalt  }
0x49: {  	_ =	shalt  }
0x4a: {  	_ =	shalt  }
0x4b: {  	_ =	shalt  }
0x4c: {  	_ =	shalt  }
0x4d: {  	_ =	shalt  }
0x4e: {  	_ =	shalt  }
0x4f: {  	_ =	shalt  }
0x50: {  	_ =	shalt  }
0x51: {  	_ =	shalt  }
0x52: {  	_ =	shalt  }
0x53: {  	_ =	shalt  }
0x54: {  	_ =	shalt  }
0x55: {  	_ =	shalt  }
0x56: {  	_ =	shalt  }
0x57: {  	_ =	shalt  }
0x58: {  	_ =	shalt  }
0x59: {  	_ =	shalt  }
0x5a: {  	_ =	shalt  }
0x5b: {  	_ =	shalt  }
0x5c: {  	_ =	shalt  }
0x5d: {  	_ =	shalt  }
0x5e: {  	_ =	shalt  }
0x5f: {  	_ =	shalt  }
0x60: {  	_ =	shalt  }
0x61: {  	_ =	shalt  }
0x62: {  	_ =	shalt  }
0x63: {  	_ =	shalt  }
0x64: {  	_ =	shalt  }
0x65: {  	_ =	shalt  }
0x66: {  	_ =	shalt  }
0x67: {  	_ =	shalt  }
0x68: {  	_ =	shalt  }
0x69: {  	_ =	shalt  }
0x6a: {  	_ =	shalt  }
0x6b: {  	_ =	shalt  }
0x6c: {  	_ =	shalt  }
0x6d: {  	_ =	shalt  }
0x6e: {  	_ =	shalt  }
0x6f: {  	_ =	shalt  }
0x70: {  	_ =	shalt  }
0x71: {  	_ =	shalt  }
0x72: {  	_ =	shalt  }
0x73: {  	_ =	shalt  }
0x74: {  	_ =	shalt  }
0x75: {  	_ =	shalt  }
0x76: {  	_ =	shalt  }
0x77: {  	_ =	shalt  }
0x78: {  	_ =	shalt  }
0x79: {  	_ =	shalt  }
0x7a: {  	_ =	shalt  }
0x7b: {  	_ =	shalt  }
0x7c: {  	_ =	shalt  }
0x7d: {  	_ =	shalt  }
0x7e: {  	_ =	shalt  }
0x7f: {  	_ =	shalt  }
0x80: {  	_ =	shalt  }
0x81: {  	_ =	shalt  }
0x82: {  	_ =	shalt  }
0x83: {  	_ =	shalt  }
0x84: {  	_ =	shalt  }
0x85: {  	_ =	shalt  }
0x86: {  	_ =	shalt  }
0x87: {  	_ =	shalt  }
.Lfunc_end0:
.L_simem_size_0:
called_computation.3_lowered:
.L_overlay_start_0:
0x88: {  	s2 =	sld [smem:$0x3FD9]  }
0x89: {  	s3 =	sld [smem:$0x3FFE];
	_ =	sdelay $0x1  }
0x8a: {  	s1 =	srdreg.scid  }
0x8b: {  	s0 =	sand.u32 $0x1, s1  }
0x8c: {  	s17 =	sshll.u32 s0, $0xA;
	s2 =	sadd.s32 s3, s2  }
0x8d: {  	s2 =	sadd.s32 s2, s17  }
0x8e: {  	[smem:$0x3FC1] =	sst s2  }
0x8f: {  	_ = 	snop  }
0x90: {  	(tm) =	ssettm $0x1  }
0x91: {  	s18 =	sld [smem:$0x3FFB];
	_ =	sdelay $0x3  }
0x92: {  	_ =	strace s18  }
0x93: {  	s2 =	sld [smem:$0x3FFC];
	_ =	sdelay $0x3  }
0x94: {  	_ =	strace s2  }
0x95: {  	s2 =	sld [smem:$0x3FFD];
	_ =	sdelay $0x3  }
0x96: {  	_ =	strace s2  }
0x97: {  	_ =	strace $0x8FFFFFFF  }
0x98: {  	s19 =	sld [smem:$0x3FDB];
	_ =	sdelay $0x1  }
0x99: {  	s20 =	simm.s32 $_scs_section_size  }
0x9a: {  	s4 =	simm.s32 $_size__tile_overlayer_lowered;
	s5 =	simm.s32 $_tile_overlayer_lowered  }
0x9b: {  	s6 =	simm.s32 $0x1BFF;
	s21 =	sshll.u32 s5, $0x1;
	s3 =	sadd.s32 s20, s19  }
0x9c: {  	s22 =	simm.s32 $0x0;
	s4 =	sshll.u32 s4, $0x1;
	s5 =	sadd.s32 s21, s3  }
0x9d: {  	[timem:s22], [sflag:s6] =	dma.local [hbm:s5], s4  }
0x9e: {  	_ =	swait.ge [sflag:s6], s4  }
0x9f: {  	s4 =	ssub.s32 $0x0, s4;
	[sflag:s6] =	ssyncset.done $0x0  }
0xa0: {  	[sflag:s6] =	ssyncadd.s32 s4;
	_ =	sdelay $0x1  }
0xa1: {  	s23 =	simm.s32 $0x1B8B  }
0xa2: {  	_ =	swait.ge [sflag:s23], $0x1  }
0xa3: {  	[sflag:s23] =	ssyncset.done $0x0  }
0xa4: {  	[sflag:s23] =	ssyncadd.s32 $0xFFFFFFFF  }
0xa5: {  	s4 =	sld [smem:$0x0]  }
0xa6: {  	s5 =	sand.u32 $0xFFFFFFFE, s1  }
0xa7: {  	p0 =	sne.s32 s1, s5  }
0xa8: {  	s5 =	sshll.u32 @p0 s5, $0xE  }
0xa9: {  	s5 =	sadd.s32 @p0 $0x11B8D, s5;
	s6 =	sshll.u32 @p0 s4, $0x11  }
0xaa: {  	s5 =	sor.u32 @p0 s6, s5  }
0xab: {  	[sflag:s5] =	ssyncadd.remote.s32 @p0 $0x1;
	_ =	sdelay $0x1  }
0xac: {  	s5 =	simm.s32 @p0 $0x1B8D  }
0xad: {  	_ =	swait.eq @p0 [sflag:s5], $0x1  }
0xae: {  	[sflag:s5] =	ssyncadd.s32 @p0 $0xFFFFFFFF  }
0xaf: {  	s6 =	sshll.u32 @!p0 s1, $0xE  }
0xb0: {  	s6 =	sor.u32 @!p0 $0x4000, s6;
	s5 =	simm.s32 @!p0 $0x1B8D  }
0xb1: {  	s4 =	sshll.u32 @!p0 s4, $0x11;
	s6 =	sadd.s32 @!p0 $0x11B8D, s6;
	_ =	swait.eq @!p0 [sflag:s5], $0x1  }
0xb2: {  	s4 =	sor.u32 @!p0 s4, s6;
	[sflag:s5] =	ssyncadd.s32 @!p0 $0xFFFFFFFF  }
0xb3: {  	s25 =	simm.s32 $0x1B8E;
	s24 =	sld [smem:$0x3FFE];
	[sflag:s4] =	ssyncadd.remote.s32 @!p0 $0x1  }
0xb4: {  	s26 =	simm.s32 $execute0_lowered;
	[smem:$0x3FD2] =	sst s25  }
0xb5: {  	s5 =	sshll.u32 s26, $0x1;
	_ =	strace $0x80000049;
	[dreg:$0x1] =	wrdreg $0xFFFFFFFF  }
0xb6: {  	s28 =	simm.s32 $_size_execute0_lowered;
	s3 =	sadd.s32 s3, s5;
	[dreg:$0x0] =	wrdreg $0x0  }
0xb7: {  	s5 =	sshll.u32 s28, $0x1;
	[dreg:$0x2] =	wrdreg s3  }
0xb8: {  	[dreg:$0x3] =	wrdreg s5  }
0xb9: {  	[dreg:$0x4] =	wrdreg $0xC0  }
0xba: {  	_ =	task [dreg:s22], $0x5FFFF  }
0xbb: {  	[dreg:$0x1] =	wrdreg $0xFFFFFFFF  }
0xbc: {  	[dreg:$0x0] =	wrdreg $0x60  }
0xbd: {  	[dreg:$0x2] =	wrdreg s24  }
0xbe: {  	[dreg:$0x3] =	wrdreg $0xB  }
0xbf: {  	_ =	task.clear_ibuf [dreg:s22], $0x4FFFF;
	_ =	strace $0x90000049  }
0xc0: {  	s29 =	simm.s32 $0xB;
	_ =	strace $0x8000004B  }
0xc1: {  	_ =	swait.ge [sflag:s29], $0x1  }
0xc2: {  	[sflag:s29] =	ssyncadd.s32 $0xFFFFFFFF  }
0xc3: {  	_ =	strace $0x9000004B  }
0xc4: {  	_ =	sfence  }
0xc5: {  	s30 =	sld [smem:$0x0];
	_ =	sdelay $0x2  }
0xc6: {  	s31 =	sshll.u32 s1, $0xD;
	s1 =	sshrl.u32 s1, $0x2  }
0xc7: {  	s4 =	sand.u32 $0x4000, s31;
	s1 =	sadd.s32 s1, s30  }
0xc8: {  	s0 =	sor.u32 s4, s0;
	s1 =	sshll.u32 s1, $0x11  }
0xc9: {  	s0 =	sor.u32 s1, s0  }
0xca: {  	s0 =	sadd.s32 $0x8F2B, s0  }
0xcb: {  	[sflag:s0] =	ssyncadd.remote.s32 $0x1  }
0xcc: {  	_ =	sfence.sel $0xFFFF  }
0xcd: {  	[dreg:$0x0] =	wrdreg $0xFFFFFFFF;
	(pc) =	sbr.abs _section_cstart, $3  }
0xce: {  	[dreg:$0x1] =	wrdreg $0xFFFFFFFF  }
0xcf: {  	_ =	task.clear_ibuf [dreg:s22], $0x2FFFF;
	_ =	strace $0x9FFFFFFF  }
0xd0: {  	(tm) =	ssettm $0x7FFFFFFF  }
0xd1: {  	_ =	shalt  }
tec
execute0_lowered:
.L_overlay_start_1:
0x0: {  	(tag) =	ssettag $0x1  }
0x1: {  	s0 =	srdreg.scid  }
0x2: {  	s3 =	stileid.u32;
	s4 =	rddreg [dreg:$0x0];
	s2 =	simm.s32 $0x0  }
0x3: {  	s11 =	simm.s32 $0xA00;
	s14 =	simm.s32 $0x2200;
	s15 =	simm.s32 $0x2A00  }
0x4: {  	s16 =	simm.s32 $0x3200;
	s17 =	simm.s32 $0x3A00;
	s18 =	simm.s32 $0x4200  }
0x5: {  	s19 =	simm.s32 $0x8A00;
	s20 =	simm.s32 $0x4A00;
	s21 =	simm.s32 $0x5200  }
0x6: {  	s22 =	simm.s32 $0x5A00;
	s23 =	simm.s32 $0x6200;
	s28 =	simm.s32 $0x8200  }
0x7: {  	s29 =	simm.s32 $0x8B00;
	s30 =	simm.s32 $0x1;
	s31 =	simm.s32 $0x80  }
0x8: {  	s0 =	sand.u32 $0x1, s0;
	s1 =	sshll.u32 s3, $0x1;
	s5 =	smul.u32 $0x120000, s3  }
0x9: {  	s1 =	sor.u32 s0, s1;
	s6 =	ssub.s32 $0x2, s0;
	s0 =	smul.u32 $0x90000, s0  }
0xa: {  	s12 =	simm.s32 $0x0;
	[smem:$0x7FF] =	sst s2;
	s1 =	smul.u32 $0x140, s1  }
0xb: {  	s3 =	sadd.s32 $0x2400, s4;
	_ =	strace $0x8000004A;
	s7 =	sshrl.u32 s6, $0x1  }
0xc: {  	s6 =	ssub.s32 s6, s7;
	s0 =	sadd.s32 s0, s5;
	s1 =	sadd.s32 s1, s4  }
0xd: {  	s4 =	sadd.s32 $0x256000, s4;
	s24 =	smax.u32 s6, $0x1;
	s25 =	sshrl.u32 s0, $0x3  }
0xe: {  	s26 =	sor.u32 $0x4000, s0;
	s5 =	sor.u32 $0x8800, s0;
	s0 =	sor.u32 $0x4800, s0  }
0xf: {  	s1 =	sadd.s32 $0x11000, s1;
	[dreg:$0x3] =	wrdreg s24;
	s6 =	sadd.s32 s25, s4  }
.Ltmp0:
0x10: {  	s5 =	sshrl.u32 s5, $0x3;
	s0 =	sshrl.u32 s0, $0x3;
	(pc) =	sbr.rel .LBB2_1-.Ltmp0, $4  }
0x11: {  	s24 =	simm.s32 $0x6A00;
	s25 =	simm.s32 $0x7200;
	[dreg:$0x2] =	wrdreg s1  }
0x12: {  	v4 =	vlaneseq.u32;
	vm0 =	vmmov $0xffff;
	v3 =	vimm.s32 $0x0;
	s1 =	sshrl.u32 s26, $0x3;
	s8 =	sadd.s32 s5, s4;
	s9 =	sadd.s32 s0, s4  }
0x13: {  	vm1 =	vmmov $0x3;
	v0 =	vand.u32 $0x7, v4;
	v1 =	vshrl.u32 v4, $0x3;
	s26 =	simm.s32 $0x7A00;
	s0 =	simm.s32 $0x2;
	s5 =	simm.s32 $0x4  }
0x14: {  	v2 =	vor.u32 $0x8, v4;
	v4 =	vmul.u32 $0x8, v4;
	v1 =	vmul.u32 $0x8, v1;
	s7 =	sadd.s32 s1, s4;
	s1 =	simm.s32 $0x400;
	s4 =	simm.s32 $0x3  }
.LBB2_4:
0x15: {  	_ =	swait.ge [sflag:s5], $0x4000  }
0x16: {  	[sflag:s5] =	ssyncset.done $0x0  }
0x17: {  	[sflag:s5] =	ssyncadd.s32 $0xFFFFC000  }
0x18: {  	_ =	swait.ge [sflag:s5], $0x100  }
0x19: {  	s12 =	rddreg [dreg:$0x4]  }
0x1a: {  	s10 =	rddreg [dreg:$0x3];
	s12 =	sadd.s32 $0x1, s12  }
0x1b: {  	p0 =	sne.s32 s12, s10  }
.Ltmp1:
0x1c: {  	_ = 	snop;
	(pc) =	sbr.rel @!p0 .LBB2_5-.Ltmp1, $3  }
0x1d: {  	_ =	sdelay $0x1  }
0x1e: {  	[sflag:s5] =	ssyncset.done $0x0  }
0x1f: {  	[sflag:s5] =	ssyncadd.s32 $0xFFFFFF00  }
.LBB2_1:
0x20: {  	[dreg:$0x4] =	wrdreg s12  }
0x21: {  	s10 =	rddreg [dreg:$0x2];
	s13 =	simm.s32 $0x5  }
0x22: {  	[tilespmem:s2], [sflag:$0x5] =	stream.linear.gather [hbm4b:s10+s2], $0xA00, $0x38;
	[tilespmem:$0x8C00] =	vst v63  }
0x23: {  	_ =	swait.ge [sflag:s13], $0xA00  }
0x24: {  	[sflag:s13] =	ssyncset.done $0x0  }
0x25: {  	[sflag:s13] =	ssyncadd.s32 $0xFFFFF600  }
0x26: {  	v5 =	vld [tilespmem:$0x0];
	_ =	sdelay $0x4  }
0x27: {  	v6 =	vshll.u32 v5, $0x1  }
0x28: {  	v5 =	vand.u32 $0x7, v5;
	v6 =	vand.u32 $0xFFFFFFF0, v6  }
0x29: {  	v5 =	vor.u32 v5, v6  }
0x2a: {  	v6 =	vperm.xlane v5, v0;
	_ =	sdelay $0x1  }
0x2b: {  	v5 =	vperm.xlane v5, v2;
	v6 =	vadd.s32 v1, v6;
	_ =	sdelay $0x1  }
0x2c: {  	v5 =	vadd.s32 v1, v5;
	_ =	sdelay $0x2  }
0x2d: {  	[tilespmem:s11], [sflag:$0x1] =	stream.indirect_vreg.gather [hbm4b:s3+s2], $0x80, v6, vm0, $0xb8;
	[tilespmem:$0x8C00] =	vst v63  }
0x2e: {  	s12 =	simm.s32 $0x1200  }
0x2f: {  	[tilespmem:s12], [sflag:$0x1] =	stream.indirect_vreg.gather [hbm4b:s3+s2], $0x80, v5, vm0, $0xb8;
	[tilespmem:$0x8C00] =	vst v63  }
0x30: {  	v5 =	vld [tilespmem:$0x10];
	_ =	sdelay $0x4  }
0x31: {  	v6 =	vshll.u32 v5, $0x1  }
0x32: {  	v5 =	vand.u32 $0x7, v5;
	v6 =	vand.u32 $0xFFFFFFF0, v6  }
0x33: {  	v5 =	vor.u32 v5, v6  }
0x34: {  	v6 =	vperm.xlane v5, v0;
	_ =	sdelay $0x1  }
0x35: {  	v5 =	vperm.xlane v5, v2;
	v6 =	vadd.s32 v1, v6;
	_ =	sdelay $0x1  }
0x36: {  	v5 =	vadd.s32 v1, v5;
	_ =	sdelay $0x1  }
0x37: {  	s13 =	simm.s32 $0x1A00  }
0x38: {  	[tilespmem:s13], [sflag:$0x1] =	stream.indirect_vreg.gather [hbm4b:s3+s2], $0x80, v6, vm0, $0xb8;
	[tilespmem:$0x8C00] =	vst v63  }
0x39: {  	_ = 	snop  }
0x3a: {  	[tilespmem:s14], [sflag:$0x1] =	stream.indirect_vreg.gather [hbm4b:s3+s2], $0x80, v5, vm0, $0xb8;
	[tilespmem:$0x8C00] =	vst v63  }
0x3b: {  	v5 =	vld [tilespmem:$0x20];
	_ =	sdelay $0x4  }
0x3c: {  	v6 =	vshll.u32 v5, $0x1  }
0x3d: {  	v5 =	vand.u32 $0x7, v5;
	v6 =	vand.u32 $0xFFFFFFF0, v6  }
0x3e: {  	v5 =	vor.u32 v5, v6  }
0x3f: {  	v6 =	vperm.xlane v5, v0;
	_ =	sdelay $0x1  }
0x40: {  	v5 =	vperm.xlane v5, v2;
	v6 =	vadd.s32 v1, v6;
	_ =	sdelay $0x1  }
0x41: {  	v5 =	vadd.s32 v1, v5;
	_ =	sdelay $0x2  }
0x42: {  	[tilespmem:s15], [sflag:$0x1] =	stream.indirect_vreg.gather [hbm4b:s3+s2], $0x80, v6, vm0, $0xb8;
	[tilespmem:$0x8C00] =	vst v63  }
0x43: {  	_ = 	snop  }
0x44: {  	[tilespmem:s16], [sflag:$0x1] =	stream.indirect_vreg.gather [hbm4b:s3+s2], $0x80, v5, vm0, $0xb8;
	[tilespmem:$0x8C00] =	vst v63  }
0x45: {  	v5 =	vld [tilespmem:$0x30];
	_ =	sdelay $0x4  }
0x46: {  	v6 =	vshll.u32 v5, $0x1  }
0x47: {  	v5 =	vand.u32 $0x7, v5;
	v6 =	vand.u32 $0xFFFFFFF0, v6  }
0x48: {  	v5 =	vor.u32 v5, v6  }
0x49: {  	v6 =	vperm.xlane v5, v0;
	_ =	sdelay $0x1  }
0x4a: {  	v5 =	vperm.xlane v5, v2;
	v6 =	vadd.s32 v1, v6;
	_ =	sdelay $0x1  }
0x4b: {  	v5 =	vadd.s32 v1, v5;
	_ =	sdelay $0x2  }
0x4c: {  	[tilespmem:s17], [sflag:$0x1] =	stream.indirect_vreg.gather [hbm4b:s3+s2], $0x80, v6, vm0, $0xb8;
	[tilespmem:$0x8C00] =	vst v63  }
0x4d: {  	_ = 	snop  }
0x4e: {  	[tilespmem:s18], [sflag:$0x1] =	stream.indirect_vreg.gather [hbm4b:s3+s2], $0x80, v5, vm0, $0xb8;
	[tilespmem:$0x8C00] =	vst v63  }
0x4f: {  	v5 =	vld.msk [tilespmem:$0x40], $0x1;
	_ =	sdelay $0x4  }
0x50: {  	v6 =	vshll.u32 v5, $0x1  }
0x51: {  	v5 =	vand.u32 $0x7, v5;
	v6 =	vand.u32 $0xFFFFFFF0, v6  }
0x52: {  	v5 =	vor.u32 v5, v6  }
0x53: {  	v5 =	vperm.xlane v5, v3;
	_ =	sdelay $0x1  }
0x54: {  	v5 =	vadd.s32 v4, v5;
	_ =	sdelay $0x4  }
0x55: {  	[tilespmem:s19], [sflag:$0x1] =	stream.indirect_vreg.gather [hbm4b:s3+s2], $0x80, v5, vm1, $0xb8;
	[tilespmem:$0x8C00] =	vst v63  }
0x56: {  	v5 =	vld [tilespmem:$0x50];
	_ =	sdelay $0x4  }
0x57: {  	v6 =	vshll.u32 v5, $0x1  }
0x58: {  	v5 =	vand.u32 $0x7, v5;
	v6 =	vand.u32 $0xFFFFFFF0, v6  }
0x59: {  	v5 =	vor.u32 v5, v6  }
0x5a: {  	v6 =	vperm.xlane v5, v0;
	_ =	sdelay $0x1  }
0x5b: {  	v5 =	vperm.xlane v5, v2;
	v6 =	vadd.s32 v1, v6;
	_ =	sdelay $0x1  }
0x5c: {  	v5 =	vadd.s32 v1, v5;
	_ =	sdelay $0x2  }
0x5d: {  	[tilespmem:s20], [sflag:$0x2] =	stream.indirect_vreg.gather [hbm4b:s3+s2], $0x80, v6, vm0, $0xb8;
	[tilespmem:$0x8C00] =	vst v63  }
0x5e: {  	_ = 	snop  }
0x5f: {  	[tilespmem:s21], [sflag:$0x2] =	stream.indirect_vreg.gather [hbm4b:s3+s2], $0x80, v5, vm0, $0xb8;
	[tilespmem:$0x8C00] =	vst v63  }
0x60: {  	v5 =	vld [tilespmem:$0x60];
	_ =	sdelay $0x4  }
0x61: {  	v6 =	vshll.u32 v5, $0x1  }
0x62: {  	v5 =	vand.u32 $0x7, v5;
	v6 =	vand.u32 $0xFFFFFFF0, v6  }
0x63: {  	v5 =	vor.u32 v5, v6  }
0x64: {  	v6 =	vperm.xlane v5, v0;
	_ =	sdelay $0x1  }
0x65: {  	v5 =	vperm.xlane v5, v2;
	v6 =	vadd.s32 v1, v6;
	_ =	sdelay $0x1  }
0x66: {  	v5 =	vadd.s32 v1, v5;
	_ =	sdelay $0x2  }
0x67: {  	[tilespmem:s22], [sflag:$0x2] =	stream.indirect_vreg.gather [hbm4b:s3+s2], $0x80, v6, vm0, $0xb8;
	[tilespmem:$0x8C00] =	vst v63  }
0x68: {  	_ = 	snop  }
0x69: {  	[tilespmem:s23], [sflag:$0x2] =	stream.indirect_vreg.gather [hbm4b:s3+s2], $0x80, v5, vm0, $0xb8;
	[tilespmem:$0x8C00] =	vst v63  }
0x6a: {  	v5 =	vld [tilespmem:$0x70];
	_ =	sdelay $0x4  }
0x6b: {  	v6 =	vshll.u32 v5, $0x1  }
0x6c: {  	v5 =	vand.u32 $0x7, v5;
	v6 =	vand.u32 $0xFFFFFFF0, v6  }
0x6d: {  	v5 =	vor.u32 v5, v6  }
0x6e: {  	v6 =	vperm.xlane v5, v0;
	_ =	sdelay $0x1  }
0x6f: {  	v5 =	vperm.xlane v5, v2;
	v6 =	vadd.s32 v1, v6;
	_ =	sdelay $0x1  }
0x70: {  	v5 =	vadd.s32 v1, v5;
	_ =	sdelay $0x2  }
0x71: {  	[tilespmem:s24], [sflag:$0x2] =	stream.indirect_vreg.gather [hbm4b:s3+s2], $0x80, v6, vm0, $0xb8;
	[tilespmem:$0x8C00] =	vst v63  }
0x72: {  	_ = 	snop  }
0x73: {  	[tilespmem:s25], [sflag:$0x2] =	stream.indirect_vreg.gather [hbm4b:s3+s2], $0x80, v5, vm0, $0xb8;
	[tilespmem:$0x8C00] =	vst v63  }
0x74: {  	v5 =	vld [tilespmem:$0x80];
	_ =	sdelay $0x4  }
0x75: {  	v6 =	vshll.u32 v5, $0x1  }
0x76: {  	v5 =	vand.u32 $0x7, v5;
	v6 =	vand.u32 $0xFFFFFFF0, v6  }
0x77: {  	v5 =	vor.u32 v5, v6  }
0x78: {  	v6 =	vperm.xlane v5, v0;
	_ =	sdelay $0x1  }
0x79: {  	v5 =	vperm.xlane v5, v2;
	v6 =	vadd.s32 v1, v6;
	_ =	sdelay $0x1  }
0x7a: {  	v5 =	vadd.s32 v1, v5;
	_ =	sdelay $0x2  }
0x7b: {  	[tilespmem:s26], [sflag:$0x2] =	stream.indirect_vreg.gather [hbm4b:s3+s2], $0x80, v6, vm0, $0xb8;
	[tilespmem:$0x8C00] =	vst v63  }
0x7c: {  	_ = 	snop  }
0x7d: {  	[tilespmem:s28], [sflag:$0x2] =	stream.indirect_vreg.gather [hbm4b:s3+s2], $0x80, v5, vm0, $0xb8;
	[tilespmem:$0x8C00] =	vst v63  }
0x7e: {  	v5 =	vld.msk [tilespmem:$0x90], $0x1;
	_ =	sdelay $0x4  }
0x7f: {  	v6 =	vshll.u32 v5, $0x1  }
0x80: {  	v5 =	vand.u32 $0x7, v5;
	v6 =	vand.u32 $0xFFFFFFF0, v6  }
0x81: {  	v5 =	vor.u32 v5, v6  }
0x82: {  	v5 =	vperm.xlane v5, v3;
	_ =	sdelay $0x1  }
0x83: {  	v5 =	vadd.s32 v4, v5;
	_ =	sdelay $0x3  }
0x84: {  	s10 =	simm.s32 $0x130;
	s12 =	simm.s32 $0x0  }
0x85: {  	[tilespmem:s29], [sflag:$0x2] =	stream.indirect_vreg.gather [hbm4b:s3+s2], $0x80, v5, vm1, $0xb8;
	[tilespmem:$0x8C00] =	vst v63  }
.LBB2_2:
0x86: {  	_ =	swait.ge [sflag:s30], $0x4000  }
0x87: {  	[sflag:s30] =	ssyncset.done $0x0  }
0x88: {  	[sflag:s30] =	ssyncadd.s32 $0xFFFFC000  }
0x89: {  	_ =	swait.ge [sflag:s30], $0x100  }
0x8a: {  	[sflag:s30] =	ssyncset.done $0x0  }
0x8b: {  	s13 =	sadd.s32 s12, s6;
	[sflag:s30] =	ssyncadd.s32 $0xFFFFFF00  }
0x8c: {  	[hbm4b:s13+s2] =	stream.linear.scatter [tilespmem:s11], [sflag:$0x3], $0x4000, $0x38;
	[tilespmem:$0x8C00] =	vst v63  }
0x8d: {  	s13 =	sadd.s32 s12, s7  }
0x8e: {  	[hbm4b:s13+s31] =	stream.strided.scatter [tilespmem:s19], [sflag:$0x3], $0x100, s1, s31, $0x38;
	[tilespmem:$0x8C00] =	vst v63  }
0x8f: {  	_ =	swait.ge [sflag:s0], $0x4000  }
0x90: {  	[sflag:s0] =	ssyncset.done $0x0  }
0x91: {  	[sflag:s0] =	ssyncadd.s32 $0xFFFFC000  }
0x92: {  	_ =	swait.ge [sflag:s0], $0x100  }
0x93: {  	[sflag:s0] =	ssyncset.done $0x0  }
0x94: {  	s13 =	sadd.s32 s12, s9;
	[sflag:s0] =	ssyncadd.s32 $0xFFFFFF00  }
0x95: {  	[hbm4b:s13+s2] =	stream.linear.scatter [tilespmem:s20], [sflag:$0x4], $0x4000, $0x38;
	[tilespmem:$0x8C00] =	vst v63  }
0x96: {  	s13 =	sadd.s32 s12, s8  }
0x97: {  	[hbm4b:s13+s31] =	stream.strided.scatter [tilespmem:s29], [sflag:$0x4], $0x100, s1, s31, $0x38;
	[tilespmem:$0x8C00] =	vst v63  }
0x98: {  	p0 =	seq.s32 s12, $0x10E00;
	_ =	swait.ge [sflag:s4], $0x4000  }
.Ltmp2:
0x99: {  	[sflag:s4] =	ssyncset.done $0x0;
	(pc) =	sbr.rel @p0 .LBB2_4-.Ltmp2, $4  }
0x9a: {  	[sflag:s4] =	ssyncadd.s32 $0xFFFFC000  }
0x9b: {  	_ =	swait.ge [sflag:s4], $0x100  }
0x9c: {  	[sflag:s4] =	ssyncset.done $0x0  }
0x9d: {  	[sflag:s4] =	ssyncadd.s32 $0xFFFFFF00  }
0x9e: {  	v5 =	vld [tilespmem:s10+$0xFFFFFF70];
	_ =	sdelay $0x4  }
0x9f: {  	v6 =	vshll.u32 v5, $0x1  }
0xa0: {  	v5 =	vand.u32 $0x7, v5;
	v6 =	vand.u32 $0xFFFFFFF0, v6  }
0xa1: {  	v5 =	vor.u32 v5, v6  }
0xa2: {  	v6 =	vperm.xlane v5, v0;
	_ =	sdelay $0x1  }
0xa3: {  	v5 =	vperm.xlane v5, v2;
	v6 =	vadd.s32 v1, v6;
	_ =	sdelay $0x1  }
0xa4: {  	v5 =	vadd.s32 v1, v5;
	_ =	sdelay $0x2  }
0xa5: {  	[tilespmem:s11], [sflag:$0x1] =	stream.indirect_vreg.gather [hbm4b:s3+s2], $0x80, v6, vm0, $0xb8;
	[tilespmem:$0x8C00] =	vst v63  }
0xa6: {  	s13 =	simm.s32 $0x1200  }
0xa7: {  	[tilespmem:s13], [sflag:$0x1] =	stream.indirect_vreg.gather [hbm4b:s3+s2], $0x80, v5, vm0, $0xb8;
	[tilespmem:$0x8C00] =	vst v63  }
0xa8: {  	v5 =	vld [tilespmem:s10+$0xFFFFFF80];
	_ =	sdelay $0x4  }
0xa9: {  	v6 =	vshll.u32 v5, $0x1  }
0xaa: {  	v5 =	vand.u32 $0x7, v5;
	v6 =	vand.u32 $0xFFFFFFF0, v6  }
0xab: {  	v5 =	vor.u32 v5, v6  }
0xac: {  	v6 =	vperm.xlane v5, v0;
	_ =	sdelay $0x1  }
0xad: {  	v5 =	vperm.xlane v5, v2;
	v6 =	vadd.s32 v1, v6;
	_ =	sdelay $0x1  }
0xae: {  	v5 =	vadd.s32 v1, v5;
	_ =	sdelay $0x1  }
0xaf: {  	s13 =	simm.s32 $0x1A00  }
0xb0: {  	[tilespmem:s13], [sflag:$0x1] =	stream.indirect_vreg.gather [hbm4b:s3+s2], $0x80, v6, vm0, $0xb8;
	[tilespmem:$0x8C00] =	vst v63  }
0xb1: {  	_ = 	snop  }
0xb2: {  	[tilespmem:s14], [sflag:$0x1] =	stream.indirect_vreg.gather [hbm4b:s3+s2], $0x80, v5, vm0, $0xb8;
	[tilespmem:$0x8C00] =	vst v63  }
0xb3: {  	v5 =	vld [tilespmem:s10+$0xFFFFFF90];
	_ =	sdelay $0x4  }
0xb4: {  	v6 =	vshll.u32 v5, $0x1  }
0xb5: {  	v5 =	vand.u32 $0x7, v5;
	v6 =	vand.u32 $0xFFFFFFF0, v6  }
0xb6: {  	v5 =	vor.u32 v5, v6  }
0xb7: {  	v6 =	vperm.xlane v5, v0;
	_ =	sdelay $0x1  }
0xb8: {  	v5 =	vperm.xlane v5, v2;
	v6 =	vadd.s32 v1, v6;
	_ =	sdelay $0x1  }
0xb9: {  	v5 =	vadd.s32 v1, v5;
	_ =	sdelay $0x2  }
0xba: {  	[tilespmem:s15], [sflag:$0x1] =	stream.indirect_vreg.gather [hbm4b:s3+s2], $0x80, v6, vm0, $0xb8;
	[tilespmem:$0x8C00] =	vst v63  }
0xbb: {  	_ = 	snop  }
0xbc: {  	[tilespmem:s16], [sflag:$0x1] =	stream.indirect_vreg.gather [hbm4b:s3+s2], $0x80, v5, vm0, $0xb8;
	[tilespmem:$0x8C00] =	vst v63  }
0xbd: {  	v5 =	vld [tilespmem:s10+$0xFFFFFFA0];
	_ =	sdelay $0x4  }
0xbe: {  	v6 =	vshll.u32 v5, $0x1  }
0xbf: {  	v5 =	vand.u32 $0x7, v5;
	v6 =	vand.u32 $0xFFFFFFF0, v6  }
0xc0: {  	v5 =	vor.u32 v5, v6  }
0xc1: {  	v6 =	vperm.xlane v5, v0;
	_ =	sdelay $0x1  }
0xc2: {  	v5 =	vperm.xlane v5, v2;
	v6 =	vadd.s32 v1, v6;
	_ =	sdelay $0x1  }
0xc3: {  	v5 =	vadd.s32 v1, v5;
	_ =	sdelay $0x2  }
0xc4: {  	[tilespmem:s17], [sflag:$0x1] =	stream.indirect_vreg.gather [hbm4b:s3+s2], $0x80, v6, vm0, $0xb8;
	[tilespmem:$0x8C00] =	vst v63  }
0xc5: {  	_ = 	snop  }
0xc6: {  	[tilespmem:s18], [sflag:$0x1] =	stream.indirect_vreg.gather [hbm4b:s3+s2], $0x80, v5, vm0, $0xb8;
	[tilespmem:$0x8C00] =	vst v63  }
0xc7: {  	v5 =	vld.msk [tilespmem:s10+$0xFFFFFFB0], $0x1;
	_ =	sdelay $0x4  }
0xc8: {  	v6 =	vshll.u32 v5, $0x1  }
0xc9: {  	v5 =	vand.u32 $0x7, v5;
	v6 =	vand.u32 $0xFFFFFFF0, v6  }
0xca: {  	v5 =	vor.u32 v5, v6  }
0xcb: {  	v5 =	vperm.xlane v5, v3;
	_ =	sdelay $0x1  }
0xcc: {  	v5 =	vadd.s32 v4, v5;
	_ =	sdelay $0x4  }
0xcd: {  	[tilespmem:s19], [sflag:$0x1] =	stream.indirect_vreg.gather [hbm4b:s3+s2], $0x80, v5, vm1, $0xb8;
	[tilespmem:$0x8C00] =	vst v63  }
0xce: {  	_ =	swait.ge [sflag:s5], $0x4000  }
0xcf: {  	[sflag:s5] =	ssyncset.done $0x0  }
0xd0: {  	[sflag:s5] =	ssyncadd.s32 $0xFFFFC000  }
0xd1: {  	_ =	swait.ge [sflag:s5], $0x100  }
0xd2: {  	[sflag:s5] =	ssyncset.done $0x0  }
0xd3: {  	[sflag:s5] =	ssyncadd.s32 $0xFFFFFF00  }
0xd4: {  	v5 =	vld [tilespmem:s10+$0xFFFFFFC0];
	_ =	sdelay $0x4  }
0xd5: {  	v6 =	vshll.u32 v5, $0x1  }
0xd6: {  	v5 =	vand.u32 $0x7, v5;
	v6 =	vand.u32 $0xFFFFFFF0, v6  }
0xd7: {  	v5 =	vor.u32 v5, v6  }
0xd8: {  	v6 =	vperm.xlane v5, v0;
	_ =	sdelay $0x1  }
0xd9: {  	v5 =	vperm.xlane v5, v2;
	v6 =	vadd.s32 v1, v6;
	_ =	sdelay $0x1  }
0xda: {  	v5 =	vadd.s32 v1, v5;
	_ =	sdelay $0x2  }
0xdb: {  	[tilespmem:s20], [sflag:$0x2] =	stream.indirect_vreg.gather [hbm4b:s3+s2], $0x80, v6, vm0, $0xb8;
	[tilespmem:$0x8C00] =	vst v63  }
0xdc: {  	_ = 	snop  }
0xdd: {  	[tilespmem:s21], [sflag:$0x2] =	stream.indirect_vreg.gather [hbm4b:s3+s2], $0x80, v5, vm0, $0xb8;
	[tilespmem:$0x8C00] =	vst v63  }
0xde: {  	v5 =	vld [tilespmem:s10+$0xFFFFFFD0];
	_ =	sdelay $0x4  }
0xdf: {  	v6 =	vshll.u32 v5, $0x1  }
0xe0: {  	v5 =	vand.u32 $0x7, v5;
	v6 =	vand.u32 $0xFFFFFFF0, v6  }
0xe1: {  	v5 =	vor.u32 v5, v6  }
0xe2: {  	v6 =	vperm.xlane v5, v0;
	_ =	sdelay $0x1  }
0xe3: {  	v5 =	vperm.xlane v5, v2;
	v6 =	vadd.s32 v1, v6;
	_ =	sdelay $0x1  }
0xe4: {  	v5 =	vadd.s32 v1, v5;
	_ =	sdelay $0x2  }
0xe5: {  	[tilespmem:s22], [sflag:$0x2] =	stream.indirect_vreg.gather [hbm4b:s3+s2], $0x80, v6, vm0, $0xb8;
	[tilespmem:$0x8C00] =	vst v63  }
0xe6: {  	_ = 	snop  }
0xe7: {  	[tilespmem:s23], [sflag:$0x2] =	stream.indirect_vreg.gather [hbm4b:s3+s2], $0x80, v5, vm0, $0xb8;
	[tilespmem:$0x8C00] =	vst v63  }
0xe8: {  	v5 =	vld [tilespmem:s10+$0xFFFFFFE0];
	_ =	sdelay $0x4  }
0xe9: {  	v6 =	vshll.u32 v5, $0x1  }
0xea: {  	v5 =	vand.u32 $0x7, v5;
	v6 =	vand.u32 $0xFFFFFFF0, v6  }
0xeb: {  	v5 =	vor.u32 v5, v6  }
0xec: {  	v6 =	vperm.xlane v5, v0;
	_ =	sdelay $0x1  }
0xed: {  	v5 =	vperm.xlane v5, v2;
	v6 =	vadd.s32 v1, v6;
	_ =	sdelay $0x1  }
0xee: {  	v5 =	vadd.s32 v1, v5;
	_ =	sdelay $0x2  }
0xef: {  	[tilespmem:s24], [sflag:$0x2] =	stream.indirect_vreg.gather [hbm4b:s3+s2], $0x80, v6, vm0, $0xb8;
	[tilespmem:$0x8C00] =	vst v63  }
0xf0: {  	_ = 	snop  }
0xf1: {  	[tilespmem:s25], [sflag:$0x2] =	stream.indirect_vreg.gather [hbm4b:s3+s2], $0x80, v5, vm0, $0xb8;
	[tilespmem:$0x8C00] =	vst v63  }
0xf2: {  	v5 =	vld [tilespmem:s10+$0xFFFFFFF0];
	_ =	sdelay $0x4  }
0xf3: {  	v6 =	vshll.u32 v5, $0x1  }
0xf4: {  	v5 =	vand.u32 $0x7, v5;
	v6 =	vand.u32 $0xFFFFFFF0, v6  }
0xf5: {  	v5 =	vor.u32 v5, v6  }
0xf6: {  	v6 =	vperm.xlane v5, v0;
	_ =	sdelay $0x1  }
0xf7: {  	v5 =	vperm.xlane v5, v2;
	v6 =	vadd.s32 v1, v6;
	_ =	sdelay $0x1  }
0xf8: {  	v5 =	vadd.s32 v1, v5;
	_ =	sdelay $0x2  }
0xf9: {  	[tilespmem:s26], [sflag:$0x2] =	stream.indirect_vreg.gather [hbm4b:s3+s2], $0x80, v6, vm0, $0xb8;
	[tilespmem:$0x8C00] =	vst v63  }
0xfa: {  	_ = 	snop  }
0xfb: {  	[tilespmem:s28], [sflag:$0x2] =	stream.indirect_vreg.gather [hbm4b:s3+s2], $0x80, v5, vm0, $0xb8;
	[tilespmem:$0x8C00] =	vst v63  }
0xfc: {  	v5 =	vld.msk [tilespmem:s10+$0x0], $0x1;
	_ =	sdelay $0x4  }
0xfd: {  	v6 =	vshll.u32 v5, $0x1  }
0xfe: {  	v5 =	vand.u32 $0x7, v5;
	v6 =	vand.u32 $0xFFFFFFF0, v6  }
0xff: {  	v5 =	vor.u32 v5, v6  }
0x100: {  	v5 =	vperm.xlane v5, v3;
	_ =	sdelay $0x1  }
0x101: {  	v5 =	vadd.s32 v4, v5  }
.Ltmp3:
0x102: {  	_ = 	snop;
	(pc) =	sbr.rel .LBB2_2-.Ltmp3, $3  }
0x103: {  	_ =	sdelay $0x1  }
0x104: {  	s12 =	sadd.s32 $0x1200, s12;
	s10 =	sadd.s32 $0xA0, s10  }
0x105: {  	[tilespmem:s29], [sflag:$0x2] =	stream.indirect_vreg.gather [hbm4b:s3+s2], $0x80, v5, vm1, $0xb8;
	[tilespmem:$0x8C00] =	vst v63  }
.LBB2_5:
0x106: {  	_ =	sfence.sel $0x180000  }
0x107: {  	[bflag:$0x0] =	sbarrier.arrive $0xFFFF  }
0x108: {  	_ =	strace $0x9000004A  }
0x109: {  	s0 =	stileid.u32;
	[bflag:$0x2] =	sbarrier.arrive $0xFFFF  }
0x10a: {  	p0 =	sne.s32 s0, $0x0;
	s0 =	rddreg [dreg:$0x1]  }
0x10b: {  	s0 =	sadd.s32 @!p0 $0x100000, s0  }
0x10c: {  	[sflag:s0] =	ssyncadd.tile.s32 @!p0 $0x1;
	_ =	shalt  }
.Lfunc_end2:
_tile_overlayer_lowered:
.L_overlay_start_2:
0x10d: {  	(tag) =	ssettag $0x2  }
0x10e: {  	s0 =	rddreg [dreg:$0x0];
	s2 =	stileid.u32  }
0x10f: {  	s1 =	rddreg [dreg:$0x1];
	p0 =	sne.s32 s2, $0x0  }
0x110: {  	s3 =	rddreg [dreg:$0x2];
	[bflag:$0x3] =	sbarrier.arrive $0xFFFF;
	s2 =	simm.s32 @!p0 $0x1C05  }
0x111: {  	[timem:s3], [sflag:s2] =	dma.local @!p0 [hbm:s0], s1  }
0x112: {  	s0 =	simm.s32 @!p0 $0x5  }
0x113: {  	_ =	swait.ge @!p0 [sflag:s0], s1  }
0x114: {  	s1 =	ssub.s32 @!p0 $0x0, s1;
	[sflag:s0] =	ssyncset.done @!p0 $0x0  }
0x115: {  	[sflag:s0] =	ssyncadd.s32 @!p0 s1  }
0x116: {  	[bflag:$0x3] =	sbarrier.arrive $0xFFFF  }
0x117: {  	_ =	shalt  }

// kernel: kernel.16.cloned.1.call-start
scs
__scs_entry_jumppad:
0x0: {  	(pc) =	sbr.rel $0x88, $3  }
0x1: {  	(tag) =	ssettag $0x0;
	lr =	simm.s32 $0x1  }
0x2: {  	[smem:$0x3F9A] =	sst lr;
	_ =	strace $0xD0000000  }
0x3: {  	_ = 	snop  }
0x4: {  	_ = 	snop  }
0x5: {  	_ = 	snop  }
0x6: {  	_ = 	snop  }
0x7: {  	_ = 	snop  }
__scs_overlays_trampoline_lowered:
0x8: {  	[smem:$0x3FA9] =	sst s0  }
0x9: {  	[smem:$0x3FAA] =	sst s1  }
0xa: {  	[smem:$0x3FAB] =	sst s2  }
0xb: {  	[smem:$0x3FAC] =	sst s3  }
0xc: {  	[smem:$0x3FAD] =	sst s4  }
0xd: {  	[smem:$0x3FAE] =	sst s5  }
0xe: {  	[smem:$0x3FAF] =	sst s6  }
0xf: {  	[smem:$0x3FB0] =	sst s7  }
0x10: {  	[smem:$0x3FB1] =	sst s8  }
0x11: {  	[smem:$0x3FB2] =	sst s9;
	s0 =	simm.s32 @!p0 $0x0  }
0x12: {  	s1 =	sld [smem:$0x3F98];
	s0 =	simm.s32 @p0 $0x1  }
0x13: {  	[smem:$0x3FB3] =	sst s0;
	s0 =	simm.s32 @!p1 $0x0  }
0x14: {  	s2 =	sld [smem:$0x3F97];
	s0 =	simm.s32 @p1 $0x1  }
0x15: {  	[smem:$0x3FB4] =	sst s0;
	s0 =	simm.s32 @!p2 $0x0  }
0x16: {  	s3 =	sld [smem:$0x3FDB];
	s0 =	simm.s32 @p2 $0x1  }
0x17: {  	s4 =	simm.s32 $0x1BF5;
	[smem:$0x3FB6] =	sst s0  }
0x18: {  	s0 =	sld [smem:$0x3F99];
	_ =	swait.ge [sflag:s4], $0x0  }
0x19: {  	s7 =	sld [smem:$0x3F9A]  }
0x1a: {  	s8 =	sadd.s32 $0xFFFFE003, lr  }
0x1b: {  	s9 =	sadd.s32 $0xFFFFFEF7, lr;
	s5 =	simm.s32 $0xFFFFFFFF;
	p2 =	slt.u32 s8, $0xFFFFF086  }
0x1c: {  	p1 =	slt.u32 s9, $0xF7A;
	s5 =	simm.s32 @!p2 $0x0  }
0x1d: {  	s5 =	simm.s32 @p1 $0x1;
	p0 =	seq.s32 s7, s2  }
0x1e: {  	s7 =	smul.u32 @!p0 $0xF7A, s2;
	p2 =	seq.s32 @!p0 s5, $0x0  }
0x1f: {  	s9 =	smul.u32 $0xF7A, s1;
	s8 =	simm.s32 @!p0 $0x1BF5;
	p2 =	por !p2, p0  }
0x20: {  	[sflag:s8] =	ssyncset.s32 @!p0 $0xFFFFF086;
	s6 =	sadd.s32 @!p0 s3, s7;
	s7 =	simm.s32 @!p0 $0x108  }
0x21: {  	s3 =	sadd.s32 s3, s9;
	s6 =	sadd.s32 @!p0 $0x88, s6;
	s7 =	simm.s32 @p2 $0x1082  }
0x22: {  	[simem:s7], [sflag:s8] =	dma.local @!p0 [hbm:s6], $0xF7A  }
0x23: {  	s9 =	sor.u32 $0xD0000000, s2;
	s6 =	simm.s32 $0x108;
	_ =	swait.ge @!p0 [sflag:s8], $0x0  }
0x24: {  	s3 =	sadd.s32 $0x88, s3;
	s6 =	simm.s32 @!p1 $0x1082;
	[sflag:s4] =	ssyncset.s32 $0xFFFFF086  }
0x25: {  	[simem:s6], [sflag:s4] =	dma.local [hbm:s3], $0xF7A  }
0x26: {  	[smem:$0x3F9A] =	sst s1;
	(tag) =	ssettag s2;
	_ =	strace s9  }
0x27: {  	s1 =	sld [smem:$0x3FAA]  }
0x28: {  	s2 =	sld [smem:$0x3FAB]  }
0x29: {  	s4 =	sld [smem:$0x3FAD]  }
0x2a: {  	p0 =	seq.s32 s5, $0x0;
	s5 =	sld [smem:$0x3FAE]  }
0x2b: {  	s6 =	sld [smem:$0x3FAF]  }
0x2c: {  	s7 =	sld [smem:$0x3FB0]  }
0x2d: {  	s3 =	simm.s32 $0x108;
	s8 =	sld [smem:$0x3FB1]  }
0x2e: {  	s3 =	simm.s32 @!p0 $0x1082;
	s9 =	sld [smem:$0x3FB2]  }
0x2f: {  	lr =	sadd.s32 s0, s3;
	s0 =	sld [smem:$0x3FA9]  }
0x30: {  	s3 =	sld [smem:$0x3FAC]  }
0x31: {  	[smem:$0x3FB5] =	sst s10  }
0x32: {  	s10 =	sld [smem:$0x3FB3];
	_ =	sdelay $0x3  }
0x33: {  	p0 =	seq.s32 s10, $0x1;
	s10 =	sld [smem:$0x3FB5];
	_ =	sdelay $0x3  }
0x34: {  	[smem:$0x3FB5] =	sst s10  }
0x35: {  	s10 =	sld [smem:$0x3FB4];
	_ =	sdelay $0x3  }
0x36: {  	p1 =	seq.s32 s10, $0x1;
	s10 =	sld [smem:$0x3FB5];
	_ =	sdelay $0x3  }
0x37: {  	[smem:$0x3FB5] =	sst s10  }
0x38: {  	s10 =	sld [smem:$0x3FB6]  }
0x39: {  	_ = 	snop;
	(pc) =	sbr.ind lr, $3  }
0x3a: {  	_ = 	snop  }
0x3b: {  	_ = 	snop  }
0x3c: {  	p2 =	seq.s32 s10, $0x1;
	s10 =	sld [smem:$0x3FB5]  }
0x3d: {  	_ =	shalt  }
0x3e: {  	_ =	shalt  }
0x3f: {  	_ =	shalt  }
0x40: {  	_ =	shalt  }
0x41: {  	_ =	shalt  }
0x42: {  	_ =	shalt  }
0x43: {  	_ =	shalt  }
0x44: {  	_ =	shalt  }
0x45: {  	_ =	shalt  }
0x46: {  	_ =	shalt  }
0x47: {  	_ =	shalt  }
0x48: {  	_ =	shalt  }
0x49: {  	_ =	shalt  }
0x4a: {  	_ =	shalt  }
0x4b: {  	_ =	shalt  }
0x4c: {  	_ =	shalt  }
0x4d: {  	_ =	shalt  }
0x4e: {  	_ =	shalt  }
0x4f: {  	_ =	shalt  }
0x50: {  	_ =	shalt  }
0x51: {  	_ =	shalt  }
0x52: {  	_ =	shalt  }
0x53: {  	_ =	shalt  }
0x54: {  	_ =	shalt  }
0x55: {  	_ =	shalt  }
0x56: {  	_ =	shalt  }
0x57: {  	_ =	shalt  }
0x58: {  	_ =	shalt  }
0x59: {  	_ =	shalt  }
0x5a: {  	_ =	shalt  }
0x5b: {  	_ =	shalt  }
0x5c: {  	_ =	shalt  }
0x5d: {  	_ =	shalt  }
0x5e: {  	_ =	shalt  }
0x5f: {  	_ =	shalt  }
0x60: {  	_ =	shalt  }
0x61: {  	_ =	shalt  }
0x62: {  	_ =	shalt  }
0x63: {  	_ =	shalt  }
0x64: {  	_ =	shalt  }
0x65: {  	_ =	shalt  }
0x66: {  	_ =	shalt  }
0x67: {  	_ =	shalt  }
0x68: {  	_ =	shalt  }
0x69: {  	_ =	shalt  }
0x6a: {  	_ =	shalt  }
0x6b: {  	_ =	shalt  }
0x6c: {  	_ =	shalt  }
0x6d: {  	_ =	shalt  }
0x6e: {  	_ =	shalt  }
0x6f: {  	_ =	shalt  }
0x70: {  	_ =	shalt  }
0x71: {  	_ =	shalt  }
0x72: {  	_ =	shalt  }
0x73: {  	_ =	shalt  }
0x74: {  	_ =	shalt  }
0x75: {  	_ =	shalt  }
0x76: {  	_ =	shalt  }
0x77: {  	_ =	shalt  }
0x78: {  	_ =	shalt  }
0x79: {  	_ =	shalt  }
0x7a: {  	_ =	shalt  }
0x7b: {  	_ =	shalt  }
0x7c: {  	_ =	shalt  }
0x7d: {  	_ =	shalt  }
0x7e: {  	_ =	shalt  }
0x7f: {  	_ =	shalt  }
0x80: {  	_ =	shalt  }
0x81: {  	_ =	shalt  }
0x82: {  	_ =	shalt  }
0x83: {  	_ =	shalt  }
0x84: {  	_ =	shalt  }
0x85: {  	_ =	shalt  }
0x86: {  	_ =	shalt  }
0x87: {  	_ =	shalt  }
.Lfunc_end0:
.L_simem_size_0:
called_computation.4_lowered:
.L_overlay_start_0:
0x88: {  	s2 =	sld [smem:$0x3FD9]  }
0x89: {  	s3 =	sld [smem:$0x3FFE];
	_ =	sdelay $0x1  }
0x8a: {  	s1 =	srdreg.scid  }
0x8b: {  	s0 =	sand.u32 $0x1, s1  }
0x8c: {  	s17 =	sshll.u32 s0, $0xA;
	s2 =	sadd.s32 s3, s2  }
0x8d: {  	s2 =	sadd.s32 s2, s17  }
0x8e: {  	[smem:$0x3FC1] =	sst s2  }
0x8f: {  	_ = 	snop  }
0x90: {  	(tm) =	ssettm $0x1  }
0x91: {  	s18 =	sld [smem:$0x3FFB];
	_ =	sdelay $0x3  }
0x92: {  	_ =	strace s18  }
0x93: {  	s2 =	sld [smem:$0x3FFC];
	_ =	sdelay $0x3  }
0x94: {  	_ =	strace s2  }
0x95: {  	s2 =	sld [smem:$0x3FFD];
	_ =	sdelay $0x3  }
0x96: {  	_ =	strace s2  }
0x97: {  	_ =	strace $0x8FFFFFFF  }
0x98: {  	s19 =	sld [smem:$0x3FDB];
	_ =	sdelay $0x1  }
0x99: {  	s20 =	simm.s32 $_scs_section_size  }
0x9a: {  	s4 =	simm.s32 $_size__tile_overlayer_lowered;
	s5 =	simm.s32 $_tile_overlayer_lowered  }
0x9b: {  	s6 =	simm.s32 $0x1BFF;
	s21 =	sshll.u32 s5, $0x1;
	s3 =	sadd.s32 s20, s19  }
0x9c: {  	s22 =	simm.s32 $0x0;
	s4 =	sshll.u32 s4, $0x1;
	s5 =	sadd.s32 s21, s3  }
0x9d: {  	[timem:s22], [sflag:s6] =	dma.local [hbm:s5], s4  }
0x9e: {  	_ =	swait.ge [sflag:s6], s4  }
0x9f: {  	s4 =	ssub.s32 $0x0, s4;
	[sflag:s6] =	ssyncset.done $0x0  }
0xa0: {  	[sflag:s6] =	ssyncadd.s32 s4;
	_ =	sdelay $0x1  }
0xa1: {  	s23 =	simm.s32 $0x1B8B  }
0xa2: {  	_ =	swait.ge [sflag:s23], $0x1  }
0xa3: {  	[sflag:s23] =	ssyncset.done $0x0  }
0xa4: {  	[sflag:s23] =	ssyncadd.s32 $0xFFFFFFFF  }
0xa5: {  	s4 =	sld [smem:$0x0]  }
0xa6: {  	s5 =	sand.u32 $0xFFFFFFFE, s1  }
0xa7: {  	p0 =	sne.s32 s1, s5  }
0xa8: {  	s5 =	sshll.u32 @p0 s5, $0xE  }
0xa9: {  	s5 =	sadd.s32 @p0 $0x11B8D, s5;
	s6 =	sshll.u32 @p0 s4, $0x11  }
0xaa: {  	s5 =	sor.u32 @p0 s6, s5  }
0xab: {  	[sflag:s5] =	ssyncadd.remote.s32 @p0 $0x1;
	_ =	sdelay $0x1  }
0xac: {  	s5 =	simm.s32 @p0 $0x1B8D  }
0xad: {  	_ =	swait.eq @p0 [sflag:s5], $0x1  }
0xae: {  	[sflag:s5] =	ssyncadd.s32 @p0 $0xFFFFFFFF  }
0xaf: {  	s6 =	sshll.u32 @!p0 s1, $0xE  }
0xb0: {  	s6 =	sor.u32 @!p0 $0x4000, s6;
	s5 =	simm.s32 @!p0 $0x1B8D  }
0xb1: {  	s4 =	sshll.u32 @!p0 s4, $0x11;
	s6 =	sadd.s32 @!p0 $0x11B8D, s6;
	_ =	swait.eq @!p0 [sflag:s5], $0x1  }
0xb2: {  	s4 =	sor.u32 @!p0 s4, s6;
	[sflag:s5] =	ssyncadd.s32 @!p0 $0xFFFFFFFF  }
0xb3: {  	s25 =	simm.s32 $0x1B8E;
	s24 =	sld [smem:$0x3FFE];
	[sflag:s4] =	ssyncadd.remote.s32 @!p0 $0x1  }
0xb4: {  	s26 =	simm.s32 $execute0_lowered;
	[smem:$0x3FD2] =	sst s25  }
0xb5: {  	s5 =	sshll.u32 s26, $0x1;
	_ =	strace $0x8000004C;
	[dreg:$0x1] =	wrdreg $0xFFFFFFFF  }
0xb6: {  	s28 =	simm.s32 $_size_execute0_lowered;
	s3 =	sadd.s32 s3, s5;
	[dreg:$0x0] =	wrdreg $0x0  }
0xb7: {  	s5 =	sshll.u32 s28, $0x1;
	[dreg:$0x2] =	wrdreg s3  }
0xb8: {  	[dreg:$0x3] =	wrdreg s5  }
0xb9: {  	[dreg:$0x4] =	wrdreg $0xC0  }
0xba: {  	_ =	task [dreg:s22], $0x5FFFF  }
0xbb: {  	[dreg:$0x1] =	wrdreg $0xFFFFFFFF  }
0xbc: {  	[dreg:$0x0] =	wrdreg $0x60  }
0xbd: {  	[dreg:$0x2] =	wrdreg s24  }
0xbe: {  	[dreg:$0x3] =	wrdreg $0xC  }
0xbf: {  	_ =	task.clear_ibuf [dreg:s22], $0x4FFFF;
	_ =	strace $0x9000004C  }
0xc0: {  	s29 =	simm.s32 $0xC;
	_ =	strace $0x8000004E  }
0xc1: {  	_ =	swait.ge [sflag:s29], $0x1  }
0xc2: {  	[sflag:s29] =	ssyncadd.s32 $0xFFFFFFFF  }
0xc3: {  	_ =	strace $0x9000004E  }
0xc4: {  	_ =	sfence  }
0xc5: {  	s30 =	sld [smem:$0x0];
	_ =	sdelay $0x2  }
0xc6: {  	s31 =	sshll.u32 s1, $0xD;
	s1 =	sshrl.u32 s1, $0x2  }
0xc7: {  	s4 =	sand.u32 $0x4000, s31;
	s1 =	sadd.s32 s1, s30  }
0xc8: {  	s0 =	sor.u32 s4, s0;
	s1 =	sshll.u32 s1, $0x11  }
0xc9: {  	s0 =	sor.u32 s1, s0  }
0xca: {  	s0 =	sadd.s32 $0x8F2B, s0  }
0xcb: {  	[sflag:s0] =	ssyncadd.remote.s32 $0x1  }
0xcc: {  	_ =	sfence.sel $0xFFFF  }
0xcd: {  	[dreg:$0x0] =	wrdreg $0xFFFFFFFF;
	(pc) =	sbr.abs _section_cstart, $3  }
0xce: {  	[dreg:$0x1] =	wrdreg $0xFFFFFFFF  }
0xcf: {  	_ =	task.clear_ibuf [dreg:s22], $0x2FFFF;
	_ =	strace $0x9FFFFFFF  }
0xd0: {  	(tm) =	ssettm $0x7FFFFFFF  }
0xd1: {  	_ =	shalt  }
tec
execute0_lowered:
.L_overlay_start_1:
0x0: {  	(tag) =	ssettag $0x1  }
0x1: {  	s0 =	srdreg.scid  }
0x2: {  	s3 =	stileid.u32;
	s4 =	rddreg [dreg:$0x0];
	s2 =	simm.s32 $0x0  }
0x3: {  	s11 =	simm.s32 $0xA00;
	s14 =	simm.s32 $0x2200;
	s15 =	simm.s32 $0x2A00  }
0x4: {  	s16 =	simm.s32 $0x3200;
	s17 =	simm.s32 $0x3A00;
	s18 =	simm.s32 $0x4200  }
0x5: {  	s19 =	simm.s32 $0x8A00;
	s20 =	simm.s32 $0x4A00;
	s21 =	simm.s32 $0x5200  }
0x6: {  	s22 =	simm.s32 $0x5A00;
	s23 =	simm.s32 $0x6200;
	s28 =	simm.s32 $0x8200  }
0x7: {  	s29 =	simm.s32 $0x8B00;
	s30 =	simm.s32 $0x1;
	s31 =	simm.s32 $0x80  }
0x8: {  	s0 =	sand.u32 $0x1, s0;
	s1 =	sshll.u32 s3, $0x1;
	s5 =	smul.u32 $0x120000, s3  }
0x9: {  	s1 =	sor.u32 s0, s1;
	s6 =	ssub.s32 $0x2, s0;
	s0 =	smul.u32 $0x90000, s0  }
0xa: {  	s12 =	simm.s32 $0x0;
	[smem:$0x7FF] =	sst s2;
	s1 =	smul.u32 $0x140, s1  }
0xb: {  	s3 =	sadd.s32 $0x2400, s4;
	_ =	strace $0x8000004D;
	s7 =	sshrl.u32 s6, $0x1  }
0xc: {  	s6 =	ssub.s32 s6, s7;
	s0 =	sadd.s32 s0, s5;
	s1 =	sadd.s32 s1, s4  }
0xd: {  	s4 =	sadd.s32 $0x496000, s4;
	s24 =	smax.u32 s6, $0x1;
	s25 =	sshrl.u32 s0, $0x3  }
0xe: {  	s26 =	sor.u32 $0x4000, s0;
	s5 =	sor.u32 $0x8800, s0;
	s0 =	sor.u32 $0x4800, s0  }
0xf: {  	s1 =	sadd.s32 $0x13800, s1;
	[dreg:$0x3] =	wrdreg s24;
	s6 =	sadd.s32 s25, s4  }
.Ltmp0:
0x10: {  	s5 =	sshrl.u32 s5, $0x3;
	s0 =	sshrl.u32 s0, $0x3;
	(pc) =	sbr.rel .LBB2_1-.Ltmp0, $4  }
0x11: {  	s24 =	simm.s32 $0x6A00;
	s25 =	simm.s32 $0x7200;
	[dreg:$0x2] =	wrdreg s1  }
0x12: {  	v4 =	vlaneseq.u32;
	vm0 =	vmmov $0xffff;
	v3 =	vimm.s32 $0x0;
	s1 =	sshrl.u32 s26, $0x3;
	s8 =	sadd.s32 s5, s4;
	s9 =	sadd.s32 s0, s4  }
0x13: {  	vm1 =	vmmov $0x3;
	v0 =	vand.u32 $0x7, v4;
	v1 =	vshrl.u32 v4, $0x3;
	s26 =	simm.s32 $0x7A00;
	s0 =	simm.s32 $0x2;
	s5 =	simm.s32 $0x4  }
0x14: {  	v2 =	vor.u32 $0x8, v4;
	v4 =	vmul.u32 $0x8, v4;
	v1 =	vmul.u32 $0x8, v1;
	s7 =	sadd.s32 s1, s4;
	s1 =	simm.s32 $0x400;
	s4 =	simm.s32 $0x3  }
.LBB2_4:
0x15: {  	_ =	swait.ge [sflag:s5], $0x4000  }
0x16: {  	[sflag:s5] =	ssyncset.done $0x0  }
0x17: {  	[sflag:s5] =	ssyncadd.s32 $0xFFFFC000  }
0x18: {  	_ =	swait.ge [sflag:s5], $0x100  }
0x19: {  	s12 =	rddreg [dreg:$0x4]  }
0x1a: {  	s10 =	rddreg [dreg:$0x3];
	s12 =	sadd.s32 $0x1, s12  }
0x1b: {  	p0 =	sne.s32 s12, s10  }
.Ltmp1:
0x1c: {  	_ = 	snop;
	(pc) =	sbr.rel @!p0 .LBB2_5-.Ltmp1, $3  }
0x1d: {  	_ =	sdelay $0x1  }
0x1e: {  	[sflag:s5] =	ssyncset.done $0x0  }
0x1f: {  	[sflag:s5] =	ssyncadd.s32 $0xFFFFFF00  }
.LBB2_1:
0x20: {  	[dreg:$0x4] =	wrdreg s12  }
0x21: {  	s10 =	rddreg [dreg:$0x2];
	s13 =	simm.s32 $0x5  }
0x22: {  	[tilespmem:s2], [sflag:$0x5] =	stream.linear.gather [hbm4b:s10+s2], $0xA00, $0x38;
	[tilespmem:$0x8C00] =	vst v63  }
0x23: {  	_ =	swait.ge [sflag:s13], $0xA00  }
0x24: {  	[sflag:s13] =	ssyncset.done $0x0  }
0x25: {  	[sflag:s13] =	ssyncadd.s32 $0xFFFFF600  }
0x26: {  	v5 =	vld [tilespmem:$0x0];
	_ =	sdelay $0x4  }
0x27: {  	v6 =	vshll.u32 v5, $0x1  }
0x28: {  	v5 =	vand.u32 $0x7, v5;
	v6 =	vand.u32 $0xFFFFFFF0, v6  }
0x29: {  	v5 =	vor.u32 v5, v6  }
0x2a: {  	v6 =	vperm.xlane v5, v0;
	_ =	sdelay $0x1  }
0x2b: {  	v5 =	vperm.xlane v5, v2;
	v6 =	vadd.s32 v1, v6;
	_ =	sdelay $0x1  }
0x2c: {  	v5 =	vadd.s32 v1, v5;
	_ =	sdelay $0x2  }
0x2d: {  	[tilespmem:s11], [sflag:$0x1] =	stream.indirect_vreg.gather [hbm4b:s3+s2], $0x80, v6, vm0, $0xb8;
	[tilespmem:$0x8C00] =	vst v63  }
0x2e: {  	s12 =	simm.s32 $0x1200  }
0x2f: {  	[tilespmem:s12], [sflag:$0x1] =	stream.indirect_vreg.gather [hbm4b:s3+s2], $0x80, v5, vm0, $0xb8;
	[tilespmem:$0x8C00] =	vst v63  }
0x30: {  	v5 =	vld [tilespmem:$0x10];
	_ =	sdelay $0x4  }
0x31: {  	v6 =	vshll.u32 v5, $0x1  }
0x32: {  	v5 =	vand.u32 $0x7, v5;
	v6 =	vand.u32 $0xFFFFFFF0, v6  }
0x33: {  	v5 =	vor.u32 v5, v6  }
0x34: {  	v6 =	vperm.xlane v5, v0;
	_ =	sdelay $0x1  }
0x35: {  	v5 =	vperm.xlane v5, v2;
	v6 =	vadd.s32 v1, v6;
	_ =	sdelay $0x1  }
0x36: {  	v5 =	vadd.s32 v1, v5;
	_ =	sdelay $0x1  }
0x37: {  	s13 =	simm.s32 $0x1A00  }
0x38: {  	[tilespmem:s13], [sflag:$0x1] =	stream.indirect_vreg.gather [hbm4b:s3+s2], $0x80, v6, vm0, $0xb8;
	[tilespmem:$0x8C00] =	vst v63  }
0x39: {  	_ = 	snop  }
0x3a: {  	[tilespmem:s14], [sflag:$0x1] =	stream.indirect_vreg.gather [hbm4b:s3+s2], $0x80, v5, vm0, $0xb8;
	[tilespmem:$0x8C00] =	vst v63  }
0x3b: {  	v5 =	vld [tilespmem:$0x20];
	_ =	sdelay $0x4  }
0x3c: {  	v6 =	vshll.u32 v5, $0x1  }
0x3d: {  	v5 =	vand.u32 $0x7, v5;
	v6 =	vand.u32 $0xFFFFFFF0, v6  }
0x3e: {  	v5 =	vor.u32 v5, v6  }
0x3f: {  	v6 =	vperm.xlane v5, v0;
	_ =	sdelay $0x1  }
0x40: {  	v5 =	vperm.xlane v5, v2;
	v6 =	vadd.s32 v1, v6;
	_ =	sdelay $0x1  }
0x41: {  	v5 =	vadd.s32 v1, v5;
	_ =	sdelay $0x2  }
0x42: {  	[tilespmem:s15], [sflag:$0x1] =	stream.indirect_vreg.gather [hbm4b:s3+s2], $0x80, v6, vm0, $0xb8;
	[tilespmem:$0x8C00] =	vst v63  }
0x43: {  	_ = 	snop  }
0x44: {  	[tilespmem:s16], [sflag:$0x1] =	stream.indirect_vreg.gather [hbm4b:s3+s2], $0x80, v5, vm0, $0xb8;
	[tilespmem:$0x8C00] =	vst v63  }
0x45: {  	v5 =	vld [tilespmem:$0x30];
	_ =	sdelay $0x4  }
0x46: {  	v6 =	vshll.u32 v5, $0x1  }
0x47: {  	v5 =	vand.u32 $0x7, v5;
	v6 =	vand.u32 $0xFFFFFFF0, v6  }
0x48: {  	v5 =	vor.u32 v5, v6  }
0x49: {  	v6 =	vperm.xlane v5, v0;
	_ =	sdelay $0x1  }
0x4a: {  	v5 =	vperm.xlane v5, v2;
	v6 =	vadd.s32 v1, v6;
	_ =	sdelay $0x1  }
0x4b: {  	v5 =	vadd.s32 v1, v5;
	_ =	sdelay $0x2  }
0x4c: {  	[tilespmem:s17], [sflag:$0x1] =	stream.indirect_vreg.gather [hbm4b:s3+s2], $0x80, v6, vm0, $0xb8;
	[tilespmem:$0x8C00] =	vst v63  }
0x4d: {  	_ = 	snop  }
0x4e: {  	[tilespmem:s18], [sflag:$0x1] =	stream.indirect_vreg.gather [hbm4b:s3+s2], $0x80, v5, vm0, $0xb8;
	[tilespmem:$0x8C00] =	vst v63  }
0x4f: {  	v5 =	vld.msk [tilespmem:$0x40], $0x1;
	_ =	sdelay $0x4  }
0x50: {  	v6 =	vshll.u32 v5, $0x1  }
0x51: {  	v5 =	vand.u32 $0x7, v5;
	v6 =	vand.u32 $0xFFFFFFF0, v6  }
0x52: {  	v5 =	vor.u32 v5, v6  }
0x53: {  	v5 =	vperm.xlane v5, v3;
	_ =	sdelay $0x1  }
0x54: {  	v5 =	vadd.s32 v4, v5;
	_ =	sdelay $0x4  }
0x55: {  	[tilespmem:s19], [sflag:$0x1] =	stream.indirect_vreg.gather [hbm4b:s3+s2], $0x80, v5, vm1, $0xb8;
	[tilespmem:$0x8C00] =	vst v63  }
0x56: {  	v5 =	vld [tilespmem:$0x50];
	_ =	sdelay $0x4  }
0x57: {  	v6 =	vshll.u32 v5, $0x1  }
0x58: {  	v5 =	vand.u32 $0x7, v5;
	v6 =	vand.u32 $0xFFFFFFF0, v6  }
0x59: {  	v5 =	vor.u32 v5, v6  }
0x5a: {  	v6 =	vperm.xlane v5, v0;
	_ =	sdelay $0x1  }
0x5b: {  	v5 =	vperm.xlane v5, v2;
	v6 =	vadd.s32 v1, v6;
	_ =	sdelay $0x1  }
0x5c: {  	v5 =	vadd.s32 v1, v5;
	_ =	sdelay $0x2  }
0x5d: {  	[tilespmem:s20], [sflag:$0x2] =	stream.indirect_vreg.gather [hbm4b:s3+s2], $0x80, v6, vm0, $0xb8;
	[tilespmem:$0x8C00] =	vst v63  }
0x5e: {  	_ = 	snop  }
0x5f: {  	[tilespmem:s21], [sflag:$0x2] =	stream.indirect_vreg.gather [hbm4b:s3+s2], $0x80, v5, vm0, $0xb8;
	[tilespmem:$0x8C00] =	vst v63  }
0x60: {  	v5 =	vld [tilespmem:$0x60];
	_ =	sdelay $0x4  }
0x61: {  	v6 =	vshll.u32 v5, $0x1  }
0x62: {  	v5 =	vand.u32 $0x7, v5;
	v6 =	vand.u32 $0xFFFFFFF0, v6  }
0x63: {  	v5 =	vor.u32 v5, v6  }
0x64: {  	v6 =	vperm.xlane v5, v0;
	_ =	sdelay $0x1  }
0x65: {  	v5 =	vperm.xlane v5, v2;
	v6 =	vadd.s32 v1, v6;
	_ =	sdelay $0x1  }
0x66: {  	v5 =	vadd.s32 v1, v5;
	_ =	sdelay $0x2  }
0x67: {  	[tilespmem:s22], [sflag:$0x2] =	stream.indirect_vreg.gather [hbm4b:s3+s2], $0x80, v6, vm0, $0xb8;
	[tilespmem:$0x8C00] =	vst v63  }
0x68: {  	_ = 	snop  }
0x69: {  	[tilespmem:s23], [sflag:$0x2] =	stream.indirect_vreg.gather [hbm4b:s3+s2], $0x80, v5, vm0, $0xb8;
	[tilespmem:$0x8C00] =	vst v63  }
0x6a: {  	v5 =	vld [tilespmem:$0x70];
	_ =	sdelay $0x4  }
0x6b: {  	v6 =	vshll.u32 v5, $0x1  }
0x6c: {  	v5 =	vand.u32 $0x7, v5;
	v6 =	vand.u32 $0xFFFFFFF0, v6  }
0x6d: {  	v5 =	vor.u32 v5, v6  }
0x6e: {  	v6 =	vperm.xlane v5, v0;
	_ =	sdelay $0x1  }
0x6f: {  	v5 =	vperm.xlane v5, v2;
	v6 =	vadd.s32 v1, v6;
	_ =	sdelay $0x1  }
0x70: {  	v5 =	vadd.s32 v1, v5;
	_ =	sdelay $0x2  }
0x71: {  	[tilespmem:s24], [sflag:$0x2] =	stream.indirect_vreg.gather [hbm4b:s3+s2], $0x80, v6, vm0, $0xb8;
	[tilespmem:$0x8C00] =	vst v63  }
0x72: {  	_ = 	snop  }
0x73: {  	[tilespmem:s25], [sflag:$0x2] =	stream.indirect_vreg.gather [hbm4b:s3+s2], $0x80, v5, vm0, $0xb8;
	[tilespmem:$0x8C00] =	vst v63  }
0x74: {  	v5 =	vld [tilespmem:$0x80];
	_ =	sdelay $0x4  }
0x75: {  	v6 =	vshll.u32 v5, $0x1  }
0x76: {  	v5 =	vand.u32 $0x7, v5;
	v6 =	vand.u32 $0xFFFFFFF0, v6  }
0x77: {  	v5 =	vor.u32 v5, v6  }
0x78: {  	v6 =	vperm.xlane v5, v0;
	_ =	sdelay $0x1  }
0x79: {  	v5 =	vperm.xlane v5, v2;
	v6 =	vadd.s32 v1, v6;
	_ =	sdelay $0x1  }
0x7a: {  	v5 =	vadd.s32 v1, v5;
	_ =	sdelay $0x2  }
0x7b: {  	[tilespmem:s26], [sflag:$0x2] =	stream.indirect_vreg.gather [hbm4b:s3+s2], $0x80, v6, vm0, $0xb8;
	[tilespmem:$0x8C00] =	vst v63  }
0x7c: {  	_ = 	snop  }
0x7d: {  	[tilespmem:s28], [sflag:$0x2] =	stream.indirect_vreg.gather [hbm4b:s3+s2], $0x80, v5, vm0, $0xb8;
	[tilespmem:$0x8C00] =	vst v63  }
0x7e: {  	v5 =	vld.msk [tilespmem:$0x90], $0x1;
	_ =	sdelay $0x4  }
0x7f: {  	v6 =	vshll.u32 v5, $0x1  }
0x80: {  	v5 =	vand.u32 $0x7, v5;
	v6 =	vand.u32 $0xFFFFFFF0, v6  }
0x81: {  	v5 =	vor.u32 v5, v6  }
0x82: {  	v5 =	vperm.xlane v5, v3;
	_ =	sdelay $0x1  }
0x83: {  	v5 =	vadd.s32 v4, v5;
	_ =	sdelay $0x3  }
0x84: {  	s10 =	simm.s32 $0x130;
	s12 =	simm.s32 $0x0  }
0x85: {  	[tilespmem:s29], [sflag:$0x2] =	stream.indirect_vreg.gather [hbm4b:s3+s2], $0x80, v5, vm1, $0xb8;
	[tilespmem:$0x8C00] =	vst v63  }
.LBB2_2:
0x86: {  	_ =	swait.ge [sflag:s30], $0x4000  }
0x87: {  	[sflag:s30] =	ssyncset.done $0x0  }
0x88: {  	[sflag:s30] =	ssyncadd.s32 $0xFFFFC000  }
0x89: {  	_ =	swait.ge [sflag:s30], $0x100  }
0x8a: {  	[sflag:s30] =	ssyncset.done $0x0  }
0x8b: {  	s13 =	sadd.s32 s12, s6;
	[sflag:s30] =	ssyncadd.s32 $0xFFFFFF00  }
0x8c: {  	[hbm4b:s13+s2] =	stream.linear.scatter [tilespmem:s11], [sflag:$0x3], $0x4000, $0x38;
	[tilespmem:$0x8C00] =	vst v63  }
0x8d: {  	s13 =	sadd.s32 s12, s7  }
0x8e: {  	[hbm4b:s13+s31] =	stream.strided.scatter [tilespmem:s19], [sflag:$0x3], $0x100, s1, s31, $0x38;
	[tilespmem:$0x8C00] =	vst v63  }
0x8f: {  	_ =	swait.ge [sflag:s0], $0x4000  }
0x90: {  	[sflag:s0] =	ssyncset.done $0x0  }
0x91: {  	[sflag:s0] =	ssyncadd.s32 $0xFFFFC000  }
0x92: {  	_ =	swait.ge [sflag:s0], $0x100  }
0x93: {  	[sflag:s0] =	ssyncset.done $0x0  }
0x94: {  	s13 =	sadd.s32 s12, s9;
	[sflag:s0] =	ssyncadd.s32 $0xFFFFFF00  }
0x95: {  	[hbm4b:s13+s2] =	stream.linear.scatter [tilespmem:s20], [sflag:$0x4], $0x4000, $0x38;
	[tilespmem:$0x8C00] =	vst v63  }
0x96: {  	s13 =	sadd.s32 s12, s8  }
0x97: {  	[hbm4b:s13+s31] =	stream.strided.scatter [tilespmem:s29], [sflag:$0x4], $0x100, s1, s31, $0x38;
	[tilespmem:$0x8C00] =	vst v63  }
0x98: {  	p0 =	seq.s32 s12, $0x10E00;
	_ =	swait.ge [sflag:s4], $0x4000  }
.Ltmp2:
0x99: {  	[sflag:s4] =	ssyncset.done $0x0;
	(pc) =	sbr.rel @p0 .LBB2_4-.Ltmp2, $4  }
0x9a: {  	[sflag:s4] =	ssyncadd.s32 $0xFFFFC000  }
0x9b: {  	_ =	swait.ge [sflag:s4], $0x100  }
0x9c: {  	[sflag:s4] =	ssyncset.done $0x0  }
0x9d: {  	[sflag:s4] =	ssyncadd.s32 $0xFFFFFF00  }
0x9e: {  	v5 =	vld [tilespmem:s10+$0xFFFFFF70];
	_ =	sdelay $0x4  }
0x9f: {  	v6 =	vshll.u32 v5, $0x1  }
0xa0: {  	v5 =	vand.u32 $0x7, v5;
	v6 =	vand.u32 $0xFFFFFFF0, v6  }
0xa1: {  	v5 =	vor.u32 v5, v6  }
0xa2: {  	v6 =	vperm.xlane v5, v0;
	_ =	sdelay $0x1  }
0xa3: {  	v5 =	vperm.xlane v5, v2;
	v6 =	vadd.s32 v1, v6;
	_ =	sdelay $0x1  }
0xa4: {  	v5 =	vadd.s32 v1, v5;
	_ =	sdelay $0x2  }
0xa5: {  	[tilespmem:s11], [sflag:$0x1] =	stream.indirect_vreg.gather [hbm4b:s3+s2], $0x80, v6, vm0, $0xb8;
	[tilespmem:$0x8C00] =	vst v63  }
0xa6: {  	s13 =	simm.s32 $0x1200  }
0xa7: {  	[tilespmem:s13], [sflag:$0x1] =	stream.indirect_vreg.gather [hbm4b:s3+s2], $0x80, v5, vm0, $0xb8;
	[tilespmem:$0x8C00] =	vst v63  }
0xa8: {  	v5 =	vld [tilespmem:s10+$0xFFFFFF80];
	_ =	sdelay $0x4  }
0xa9: {  	v6 =	vshll.u32 v5, $0x1  }
0xaa: {  	v5 =	vand.u32 $0x7, v5;
	v6 =	vand.u32 $0xFFFFFFF0, v6  }
0xab: {  	v5 =	vor.u32 v5, v6  }
0xac: {  	v6 =	vperm.xlane v5, v0;
	_ =	sdelay $0x1  }
0xad: {  	v5 =	vperm.xlane v5, v2;
	v6 =	vadd.s32 v1, v6;
	_ =	sdelay $0x1  }
0xae: {  	v5 =	vadd.s32 v1, v5;
	_ =	sdelay $0x1  }
0xaf: {  	s13 =	simm.s32 $0x1A00  }
0xb0: {  	[tilespmem:s13], [sflag:$0x1] =	stream.indirect_vreg.gather [hbm4b:s3+s2], $0x80, v6, vm0, $0xb8;
	[tilespmem:$0x8C00] =	vst v63  }
0xb1: {  	_ = 	snop  }
0xb2: {  	[tilespmem:s14], [sflag:$0x1] =	stream.indirect_vreg.gather [hbm4b:s3+s2], $0x80, v5, vm0, $0xb8;
	[tilespmem:$0x8C00] =	vst v63  }
0xb3: {  	v5 =	vld [tilespmem:s10+$0xFFFFFF90];
	_ =	sdelay $0x4  }
0xb4: {  	v6 =	vshll.u32 v5, $0x1  }
0xb5: {  	v5 =	vand.u32 $0x7, v5;
	v6 =	vand.u32 $0xFFFFFFF0, v6  }
0xb6: {  	v5 =	vor.u32 v5, v6  }
0xb7: {  	v6 =	vperm.xlane v5, v0;
	_ =	sdelay $0x1  }
0xb8: {  	v5 =	vperm.xlane v5, v2;
	v6 =	vadd.s32 v1, v6;
	_ =	sdelay $0x1  }
0xb9: {  	v5 =	vadd.s32 v1, v5;
	_ =	sdelay $0x2  }
0xba: {  	[tilespmem:s15], [sflag:$0x1] =	stream.indirect_vreg.gather [hbm4b:s3+s2], $0x80, v6, vm0, $0xb8;
	[tilespmem:$0x8C00] =	vst v63  }
0xbb: {  	_ = 	snop  }
0xbc: {  	[tilespmem:s16], [sflag:$0x1] =	stream.indirect_vreg.gather [hbm4b:s3+s2], $0x80, v5, vm0, $0xb8;
	[tilespmem:$0x8C00] =	vst v63  }
0xbd: {  	v5 =	vld [tilespmem:s10+$0xFFFFFFA0];
	_ =	sdelay $0x4  }
0xbe: {  	v6 =	vshll.u32 v5, $0x1  }
0xbf: {  	v5 =	vand.u32 $0x7, v5;
	v6 =	vand.u32 $0xFFFFFFF0, v6  }
0xc0: {  	v5 =	vor.u32 v5, v6  }
0xc1: {  	v6 =	vperm.xlane v5, v0;
	_ =	sdelay $0x1  }
0xc2: {  	v5 =	vperm.xlane v5, v2;
	v6 =	vadd.s32 v1, v6;
	_ =	sdelay $0x1  }
0xc3: {  	v5 =	vadd.s32 v1, v5;
	_ =	sdelay $0x2  }
0xc4: {  	[tilespmem:s17], [sflag:$0x1] =	stream.indirect_vreg.gather [hbm4b:s3+s2], $0x80, v6, vm0, $0xb8;
	[tilespmem:$0x8C00] =	vst v63  }
0xc5: {  	_ = 	snop  }
0xc6: {  	[tilespmem:s18], [sflag:$0x1] =	stream.indirect_vreg.gather [hbm4b:s3+s2], $0x80, v5, vm0, $0xb8;
	[tilespmem:$0x8C00] =	vst v63  }
0xc7: {  	v5 =	vld.msk [tilespmem:s10+$0xFFFFFFB0], $0x1;
	_ =	sdelay $0x4  }
0xc8: {  	v6 =	vshll.u32 v5, $0x1  }
0xc9: {  	v5 =	vand.u32 $0x7, v5;
	v6 =	vand.u32 $0xFFFFFFF0, v6  }
0xca: {  	v5 =	vor.u32 v5, v6  }
0xcb: {  	v5 =	vperm.xlane v5, v3;
	_ =	sdelay $0x1  }
0xcc: {  	v5 =	vadd.s32 v4, v5;
	_ =	sdelay $0x4  }
0xcd: {  	[tilespmem:s19], [sflag:$0x1] =	stream.indirect_vreg.gather [hbm4b:s3+s2], $0x80, v5, vm1, $0xb8;
	[tilespmem:$0x8C00] =	vst v63  }
0xce: {  	_ =	swait.ge [sflag:s5], $0x4000  }
0xcf: {  	[sflag:s5] =	ssyncset.done $0x0  }
0xd0: {  	[sflag:s5] =	ssyncadd.s32 $0xFFFFC000  }
0xd1: {  	_ =	swait.ge [sflag:s5], $0x100  }
0xd2: {  	[sflag:s5] =	ssyncset.done $0x0  }
0xd3: {  	[sflag:s5] =	ssyncadd.s32 $0xFFFFFF00  }
0xd4: {  	v5 =	vld [tilespmem:s10+$0xFFFFFFC0];
	_ =	sdelay $0x4  }
0xd5: {  	v6 =	vshll.u32 v5, $0x1  }
0xd6: {  	v5 =	vand.u32 $0x7, v5;
	v6 =	vand.u32 $0xFFFFFFF0, v6  }
0xd7: {  	v5 =	vor.u32 v5, v6  }
0xd8: {  	v6 =	vperm.xlane v5, v0;
	_ =	sdelay $0x1  }
0xd9: {  	v5 =	vperm.xlane v5, v2;
	v6 =	vadd.s32 v1, v6;
	_ =	sdelay $0x1  }
0xda: {  	v5 =	vadd.s32 v1, v5;
	_ =	sdelay $0x2  }
0xdb: {  	[tilespmem:s20], [sflag:$0x2] =	stream.indirect_vreg.gather [hbm4b:s3+s2], $0x80, v6, vm0, $0xb8;
	[tilespmem:$0x8C00] =	vst v63  }
0xdc: {  	_ = 	snop  }
0xdd: {  	[tilespmem:s21], [sflag:$0x2] =	stream.indirect_vreg.gather [hbm4b:s3+s2], $0x80, v5, vm0, $0xb8;
	[tilespmem:$0x8C00] =	vst v63  }
0xde: {  	v5 =	vld [tilespmem:s10+$0xFFFFFFD0];
	_ =	sdelay $0x4  }
0xdf: {  	v6 =	vshll.u32 v5, $0x1  }
0xe0: {  	v5 =	vand.u32 $0x7, v5;
	v6 =	vand.u32 $0xFFFFFFF0, v6  }
0xe1: {  	v5 =	vor.u32 v5, v6  }
0xe2: {  	v6 =	vperm.xlane v5, v0;
	_ =	sdelay $0x1  }
0xe3: {  	v5 =	vperm.xlane v5, v2;
	v6 =	vadd.s32 v1, v6;
	_ =	sdelay $0x1  }
0xe4: {  	v5 =	vadd.s32 v1, v5;
	_ =	sdelay $0x2  }
0xe5: {  	[tilespmem:s22], [sflag:$0x2] =	stream.indirect_vreg.gather [hbm4b:s3+s2], $0x80, v6, vm0, $0xb8;
	[tilespmem:$0x8C00] =	vst v63  }
0xe6: {  	_ = 	snop  }
0xe7: {  	[tilespmem:s23], [sflag:$0x2] =	stream.indirect_vreg.gather [hbm4b:s3+s2], $0x80, v5, vm0, $0xb8;
	[tilespmem:$0x8C00] =	vst v63  }
0xe8: {  	v5 =	vld [tilespmem:s10+$0xFFFFFFE0];
	_ =	sdelay $0x4  }
0xe9: {  	v6 =	vshll.u32 v5, $0x1  }
0xea: {  	v5 =	vand.u32 $0x7, v5;
	v6 =	vand.u32 $0xFFFFFFF0, v6  }
0xeb: {  	v5 =	vor.u32 v5, v6  }
0xec: {  	v6 =	vperm.xlane v5, v0;
	_ =	sdelay $0x1  }
0xed: {  	v5 =	vperm.xlane v5, v2;
	v6 =	vadd.s32 v1, v6;
	_ =	sdelay $0x1  }
0xee: {  	v5 =	vadd.s32 v1, v5;
	_ =	sdelay $0x2  }
0xef: {  	[tilespmem:s24], [sflag:$0x2] =	stream.indirect_vreg.gather [hbm4b:s3+s2], $0x80, v6, vm0, $0xb8;
	[tilespmem:$0x8C00] =	vst v63  }
0xf0: {  	_ = 	snop  }
0xf1: {  	[tilespmem:s25], [sflag:$0x2] =	stream.indirect_vreg.gather [hbm4b:s3+s2], $0x80, v5, vm0, $0xb8;
	[tilespmem:$0x8C00] =	vst v63  }
0xf2: {  	v5 =	vld [tilespmem:s10+$0xFFFFFFF0];
	_ =	sdelay $0x4  }
0xf3: {  	v6 =	vshll.u32 v5, $0x1  }
0xf4: {  	v5 =	vand.u32 $0x7, v5;
	v6 =	vand.u32 $0xFFFFFFF0, v6  }
0xf5: {  	v5 =	vor.u32 v5, v6  }
0xf6: {  	v6 =	vperm.xlane v5, v0;
	_ =	sdelay $0x1  }
0xf7: {  	v5 =	vperm.xlane v5, v2;
	v6 =	vadd.s32 v1, v6;
	_ =	sdelay $0x1  }
0xf8: {  	v5 =	vadd.s32 v1, v5;
	_ =	sdelay $0x2  }
0xf9: {  	[tilespmem:s26], [sflag:$0x2] =	stream.indirect_vreg.gather [hbm4b:s3+s2], $0x80, v6, vm0, $0xb8;
	[tilespmem:$0x8C00] =	vst v63  }
0xfa: {  	_ = 	snop  }
0xfb: {  	[tilespmem:s28], [sflag:$0x2] =	stream.indirect_vreg.gather [hbm4b:s3+s2], $0x80, v5, vm0, $0xb8;
	[tilespmem:$0x8C00] =	vst v63  }
0xfc: {  	v5 =	vld.msk [tilespmem:s10+$0x0], $0x1;
	_ =	sdelay $0x4  }
0xfd: {  	v6 =	vshll.u32 v5, $0x1  }
0xfe: {  	v5 =	vand.u32 $0x7, v5;
	v6 =	vand.u32 $0xFFFFFFF0, v6  }
0xff: {  	v5 =	vor.u32 v5, v6  }
0x100: {  	v5 =	vperm.xlane v5, v3;
	_ =	sdelay $0x1  }
0x101: {  	v5 =	vadd.s32 v4, v5  }
.Ltmp3:
0x102: {  	_ = 	snop;
	(pc) =	sbr.rel .LBB2_2-.Ltmp3, $3  }
0x103: {  	_ =	sdelay $0x1  }
0x104: {  	s12 =	sadd.s32 $0x1200, s12;
	s10 =	sadd.s32 $0xA0, s10  }
0x105: {  	[tilespmem:s29], [sflag:$0x2] =	stream.indirect_vreg.gather [hbm4b:s3+s2], $0x80, v5, vm1, $0xb8;
	[tilespmem:$0x8C00] =	vst v63  }
.LBB2_5:
0x106: {  	_ =	sfence.sel $0x180000  }
0x107: {  	[bflag:$0x0] =	sbarrier.arrive $0xFFFF  }
0x108: {  	_ =	strace $0x9000004D  }
0x109: {  	s0 =	stileid.u32;
	[bflag:$0x2] =	sbarrier.arrive $0xFFFF  }
0x10a: {  	p0 =	sne.s32 s0, $0x0;
	s0 =	rddreg [dreg:$0x1]  }
0x10b: {  	s0 =	sadd.s32 @!p0 $0x100000, s0  }
0x10c: {  	[sflag:s0] =	ssyncadd.tile.s32 @!p0 $0x1;
	_ =	shalt  }
.Lfunc_end2:
_tile_overlayer_lowered:
.L_overlay_start_2:
0x10d: {  	(tag) =	ssettag $0x2  }
0x10e: {  	s0 =	rddreg [dreg:$0x0];
	s2 =	stileid.u32  }
0x10f: {  	s1 =	rddreg [dreg:$0x1];
	p0 =	sne.s32 s2, $0x0  }
0x110: {  	s3 =	rddreg [dreg:$0x2];
	[bflag:$0x3] =	sbarrier.arrive $0xFFFF;
	s2 =	simm.s32 @!p0 $0x1C05  }
0x111: {  	[timem:s3], [sflag:s2] =	dma.local @!p0 [hbm:s0], s1  }
0x112: {  	s0 =	simm.s32 @!p0 $0x5  }
0x113: {  	_ =	swait.ge @!p0 [sflag:s0], s1  }
0x114: {  	s1 =	ssub.s32 @!p0 $0x0, s1;
	[sflag:s0] =	ssyncset.done @!p0 $0x0  }
0x115: {  	[sflag:s0] =	ssyncadd.s32 @!p0 s1  }
0x116: {  	[bflag:$0x3] =	sbarrier.arrive $0xFFFF  }
0x117: {  	_ =	shalt  }

// kernel: kernel.7.cloned.1.call-start
scs
__scs_entry_jumppad:
0x0: {  	(pc) =	sbr.rel $0x88, $3  }
0x1: {  	(tag) =	ssettag $0x0;
	lr =	simm.s32 $0x1  }
0x2: {  	[smem:$0x3F9A] =	sst lr;
	_ =	strace $0xD0000000  }
0x3: {  	_ = 	snop  }
0x4: {  	_ = 	snop  }
0x5: {  	_ = 	snop  }
0x6: {  	_ = 	snop  }
0x7: {  	_ = 	snop  }
__scs_overlays_trampoline_lowered:
0x8: {  	[smem:$0x3FA9] =	sst s0  }
0x9: {  	[smem:$0x3FAA] =	sst s1  }
0xa: {  	[smem:$0x3FAB] =	sst s2  }
0xb: {  	[smem:$0x3FAC] =	sst s3  }
0xc: {  	[smem:$0x3FAD] =	sst s4  }
0xd: {  	[smem:$0x3FAE] =	sst s5  }
0xe: {  	[smem:$0x3FAF] =	sst s6  }
0xf: {  	[smem:$0x3FB0] =	sst s7  }
0x10: {  	[smem:$0x3FB1] =	sst s8  }
0x11: {  	[smem:$0x3FB2] =	sst s9;
	s0 =	simm.s32 @!p0 $0x0  }
0x12: {  	s1 =	sld [smem:$0x3F98];
	s0 =	simm.s32 @p0 $0x1  }
0x13: {  	[smem:$0x3FB3] =	sst s0;
	s0 =	simm.s32 @!p1 $0x0  }
0x14: {  	s2 =	sld [smem:$0x3F97];
	s0 =	simm.s32 @p1 $0x1  }
0x15: {  	[smem:$0x3FB4] =	sst s0;
	s0 =	simm.s32 @!p2 $0x0  }
0x16: {  	s3 =	sld [smem:$0x3FDB];
	s0 =	simm.s32 @p2 $0x1  }
0x17: {  	s4 =	simm.s32 $0x1BF5;
	[smem:$0x3FB6] =	sst s0  }
0x18: {  	s0 =	sld [smem:$0x3F99];
	_ =	swait.ge [sflag:s4], $0x0  }
0x19: {  	s7 =	sld [smem:$0x3F9A]  }
0x1a: {  	s8 =	sadd.s32 $0xFFFFE003, lr  }
0x1b: {  	s9 =	sadd.s32 $0xFFFFFEF7, lr;
	s5 =	simm.s32 $0xFFFFFFFF;
	p2 =	slt.u32 s8, $0xFFFFF086  }
0x1c: {  	p1 =	slt.u32 s9, $0xF7A;
	s5 =	simm.s32 @!p2 $0x0  }
0x1d: {  	s5 =	simm.s32 @p1 $0x1;
	p0 =	seq.s32 s7, s2  }
0x1e: {  	s7 =	smul.u32 @!p0 $0xF7A, s2;
	p2 =	seq.s32 @!p0 s5, $0x0  }
0x1f: {  	s9 =	smul.u32 $0xF7A, s1;
	s8 =	simm.s32 @!p0 $0x1BF5;
	p2 =	por !p2, p0  }
0x20: {  	[sflag:s8] =	ssyncset.s32 @!p0 $0xFFFFF086;
	s6 =	sadd.s32 @!p0 s3, s7;
	s7 =	simm.s32 @!p0 $0x108  }
0x21: {  	s3 =	sadd.s32 s3, s9;
	s6 =	sadd.s32 @!p0 $0x88, s6;
	s7 =	simm.s32 @p2 $0x1082  }
0x22: {  	[simem:s7], [sflag:s8] =	dma.local @!p0 [hbm:s6], $0xF7A  }
0x23: {  	s9 =	sor.u32 $0xD0000000, s2;
	s6 =	simm.s32 $0x108;
	_ =	swait.ge @!p0 [sflag:s8], $0x0  }
0x24: {  	s3 =	sadd.s32 $0x88, s3;
	s6 =	simm.s32 @!p1 $0x1082;
	[sflag:s4] =	ssyncset.s32 $0xFFFFF086  }
0x25: {  	[simem:s6], [sflag:s4] =	dma.local [hbm:s3], $0xF7A  }
0x26: {  	[smem:$0x3F9A] =	sst s1;
	(tag) =	ssettag s2;
	_ =	strace s9  }
0x27: {  	s1 =	sld [smem:$0x3FAA]  }
0x28: {  	s2 =	sld [smem:$0x3FAB]  }
0x29: {  	s4 =	sld [smem:$0x3FAD]  }
0x2a: {  	p0 =	seq.s32 s5, $0x0;
	s5 =	sld [smem:$0x3FAE]  }
0x2b: {  	s6 =	sld [smem:$0x3FAF]  }
0x2c: {  	s7 =	sld [smem:$0x3FB0]  }
0x2d: {  	s3 =	simm.s32 $0x108;
	s8 =	sld [smem:$0x3FB1]  }
0x2e: {  	s3 =	simm.s32 @!p0 $0x1082;
	s9 =	sld [smem:$0x3FB2]  }
0x2f: {  	lr =	sadd.s32 s0, s3;
	s0 =	sld [smem:$0x3FA9]  }
0x30: {  	s3 =	sld [smem:$0x3FAC]  }
0x31: {  	[smem:$0x3FB5] =	sst s10  }
0x32: {  	s10 =	sld [smem:$0x3FB3];
	_ =	sdelay $0x3  }
0x33: {  	p0 =	seq.s32 s10, $0x1;
	s10 =	sld [smem:$0x3FB5];
	_ =	sdelay $0x3  }
0x34: {  	[smem:$0x3FB5] =	sst s10  }
0x35: {  	s10 =	sld [smem:$0x3FB4];
	_ =	sdelay $0x3  }
0x36: {  	p1 =	seq.s32 s10, $0x1;
	s10 =	sld [smem:$0x3FB5];
	_ =	sdelay $0x3  }
0x37: {  	[smem:$0x3FB5] =	sst s10  }
0x38: {  	s10 =	sld [smem:$0x3FB6]  }
0x39: {  	_ = 	snop;
	(pc) =	sbr.ind lr, $3  }
0x3a: {  	_ = 	snop  }
0x3b: {  	_ = 	snop  }
0x3c: {  	p2 =	seq.s32 s10, $0x1;
	s10 =	sld [smem:$0x3FB5]  }
0x3d: {  	_ =	shalt  }
0x3e: {  	_ =	shalt  }
0x3f: {  	_ =	shalt  }
0x40: {  	_ =	shalt  }
0x41: {  	_ =	shalt  }
0x42: {  	_ =	shalt  }
0x43: {  	_ =	shalt  }
0x44: {  	_ =	shalt  }
0x45: {  	_ =	shalt  }
0x46: {  	_ =	shalt  }
0x47: {  	_ =	shalt  }
0x48: {  	_ =	shalt  }
0x49: {  	_ =	shalt  }
0x4a: {  	_ =	shalt  }
0x4b: {  	_ =	shalt  }
0x4c: {  	_ =	shalt  }
0x4d: {  	_ =	shalt  }
0x4e: {  	_ =	shalt  }
0x4f: {  	_ =	shalt  }
0x50: {  	_ =	shalt  }
0x51: {  	_ =	shalt  }
0x52: {  	_ =	shalt  }
0x53: {  	_ =	shalt  }
0x54: {  	_ =	shalt  }
0x55: {  	_ =	shalt  }
0x56: {  	_ =	shalt  }
0x57: {  	_ =	shalt  }
0x58: {  	_ =	shalt  }
0x59: {  	_ =	shalt  }
0x5a: {  	_ =	shalt  }
0x5b: {  	_ =	shalt  }
0x5c: {  	_ =	shalt  }
0x5d: {  	_ =	shalt  }
0x5e: {  	_ =	shalt  }
0x5f: {  	_ =	shalt  }
0x60: {  	_ =	shalt  }
0x61: {  	_ =	shalt  }
0x62: {  	_ =	shalt  }
0x63: {  	_ =	shalt  }
0x64: {  	_ =	shalt  }
0x65: {  	_ =	shalt  }
0x66: {  	_ =	shalt  }
0x67: {  	_ =	shalt  }
0x68: {  	_ =	shalt  }
0x69: {  	_ =	shalt  }
0x6a: {  	_ =	shalt  }
0x6b: {  	_ =	shalt  }
0x6c: {  	_ =	shalt  }
0x6d: {  	_ =	shalt  }
0x6e: {  	_ =	shalt  }
0x6f: {  	_ =	shalt  }
0x70: {  	_ =	shalt  }
0x71: {  	_ =	shalt  }
0x72: {  	_ =	shalt  }
0x73: {  	_ =	shalt  }
0x74: {  	_ =	shalt  }
0x75: {  	_ =	shalt  }
0x76: {  	_ =	shalt  }
0x77: {  	_ =	shalt  }
0x78: {  	_ =	shalt  }
0x79: {  	_ =	shalt  }
0x7a: {  	_ =	shalt  }
0x7b: {  	_ =	shalt  }
0x7c: {  	_ =	shalt  }
0x7d: {  	_ =	shalt  }
0x7e: {  	_ =	shalt  }
0x7f: {  	_ =	shalt  }
0x80: {  	_ =	shalt  }
0x81: {  	_ =	shalt  }
0x82: {  	_ =	shalt  }
0x83: {  	_ =	shalt  }
0x84: {  	_ =	shalt  }
0x85: {  	_ =	shalt  }
0x86: {  	_ =	shalt  }
0x87: {  	_ =	shalt  }
.Lfunc_end0:
.L_simem_size_0:
called_computation.1_lowered:
.L_overlay_start_0:
0x88: {  	s2 =	sld [smem:$0x3FD9]  }
0x89: {  	s3 =	sld [smem:$0x3FFE];
	_ =	sdelay $0x1  }
0x8a: {  	s1 =	srdreg.scid  }
0x8b: {  	s0 =	sand.u32 $0x1, s1  }
0x8c: {  	s17 =	sshll.u32 s0, $0xA;
	s2 =	sadd.s32 s3, s2  }
0x8d: {  	s2 =	sadd.s32 s2, s17  }
0x8e: {  	[smem:$0x3FC1] =	sst s2  }
0x8f: {  	_ = 	snop  }
0x90: {  	s18 =	sld [smem:$0x3FD0];
	(tm) =	ssettm $0x1  }
0x91: {  	s19 =	sld [smem:$0x3FFB];
	_ =	sdelay $0x3  }
0x92: {  	_ =	strace s19  }
0x93: {  	s2 =	sld [smem:$0x3FFC];
	_ =	sdelay $0x3  }
0x94: {  	_ =	strace s2  }
0x95: {  	s2 =	sld [smem:$0x3FFD];
	_ =	sdelay $0x3  }
0x96: {  	_ =	strace s2  }
0x97: {  	_ =	strace $0x8FFFFFFF  }
0x98: {  	s20 =	sld [smem:$0x3FDB];
	_ =	sdelay $0x1  }
0x99: {  	s4 =	simm.s32 $_scs_section_size  }
0x9a: {  	s5 =	simm.s32 $_size__tile_overlayer_lowered;
	s6 =	simm.s32 $_tile_overlayer_lowered  }
0x9b: {  	s7 =	simm.s32 $0x1BFF;
	s21 =	sshll.u32 s6, $0x1;
	s4 =	sadd.s32 s4, s20  }
0x9c: {  	s22 =	simm.s32 $0x0;
	s5 =	sshll.u32 s5, $0x1;
	s6 =	sadd.s32 s21, s4  }
0x9d: {  	[timem:s22], [sflag:s7] =	dma.local [hbm:s6], s5  }
0x9e: {  	_ =	swait.ge [sflag:s7], s5  }
0x9f: {  	s5 =	ssub.s32 $0x0, s5;
	[sflag:s7] =	ssyncset.done $0x0  }
0xa0: {  	[sflag:s7] =	ssyncadd.s32 s5;
	_ =	sdelay $0x1  }
0xa1: {  	s23 =	simm.s32 $0x1B8B  }
0xa2: {  	_ =	swait.ge [sflag:s23], $0x1  }
0xa3: {  	[sflag:s23] =	ssyncset.done $0x0  }
0xa4: {  	[sflag:s23] =	ssyncadd.s32 $0xFFFFFFFF  }
0xa5: {  	s5 =	sld [smem:$0x0]  }
0xa6: {  	s6 =	sand.u32 $0xFFFFFFFE, s1  }
0xa7: {  	p0 =	sne.s32 s1, s6  }
0xa8: {  	s6 =	sshll.u32 @p0 s6, $0xE  }
0xa9: {  	s6 =	sadd.s32 @p0 $0x11B8D, s6;
	s7 =	sshll.u32 @p0 s5, $0x11  }
0xaa: {  	s6 =	sor.u32 @p0 s7, s6  }
0xab: {  	[sflag:s6] =	ssyncadd.remote.s32 @p0 $0x1;
	_ =	sdelay $0x1  }
0xac: {  	s6 =	simm.s32 @p0 $0x1B8D  }
0xad: {  	_ =	swait.eq @p0 [sflag:s6], $0x1  }
0xae: {  	[sflag:s6] =	ssyncadd.s32 @p0 $0xFFFFFFFF  }
0xaf: {  	s7 =	sshll.u32 @!p0 s1, $0xE  }
0xb0: {  	s7 =	sor.u32 @!p0 $0x4000, s7;
	s6 =	simm.s32 @!p0 $0x1B8D  }
0xb1: {  	s5 =	sshll.u32 @!p0 s5, $0x11;
	s7 =	sadd.s32 @!p0 $0x11B8D, s7;
	_ =	swait.eq @!p0 [sflag:s6], $0x1  }
0xb2: {  	s5 =	sor.u32 @!p0 s5, s7;
	[sflag:s6] =	ssyncadd.s32 @!p0 $0xFFFFFFFF  }
0xb3: {  	s25 =	simm.s32 $0x1B8E;
	s24 =	sld [smem:$0x3FFE];
	[sflag:s5] =	ssyncadd.remote.s32 @!p0 $0x1  }
0xb4: {  	s26 =	simm.s32 $execute0_lowered;
	[smem:$0x3FD2] =	sst s25  }
0xb5: {  	s6 =	sshll.u32 s26, $0x1;
	_ =	strace $0x8000004F;
	[dreg:$0x1] =	wrdreg $0xFFFFFFFF  }
0xb6: {  	s28 =	simm.s32 $_size_execute0_lowered;
	s4 =	sadd.s32 s4, s6;
	[dreg:$0x0] =	wrdreg $0x0  }
0xb7: {  	s6 =	sshll.u32 s28, $0x1;
	[dreg:$0x2] =	wrdreg s4  }
0xb8: {  	[dreg:$0x3] =	wrdreg s6  }
0xb9: {  	[dreg:$0x4] =	wrdreg $0xC0  }
0xba: {  	_ =	task [dreg:s22], $0x5FFFF  }
0xbb: {  	[dreg:$0x1] =	wrdreg $0xFFFFFFFF  }
0xbc: {  	[dreg:$0x0] =	wrdreg $0x60  }
0xbd: {  	[dreg:$0x2] =	wrdreg s24  }
0xbe: {  	[dreg:$0x3] =	wrdreg s18  }
0xbf: {  	[dreg:$0x4] =	wrdreg $0x9  }
0xc0: {  	_ =	task.clear_ibuf [dreg:s22], $0x5FFFF;
	_ =	strace $0x9000004F  }
0xc1: {  	s29 =	simm.s32 $0x9;
	_ =	strace $0x80000051  }
0xc2: {  	_ =	swait.ge [sflag:s29], $0x1  }
0xc3: {  	[sflag:s29] =	ssyncadd.s32 $0xFFFFFFFF  }
0xc4: {  	_ =	strace $0x90000051  }
0xc5: {  	_ =	sfence  }
0xc6: {  	s30 =	sld [smem:$0x0];
	_ =	sdelay $0x2  }
0xc7: {  	s31 =	sshll.u32 s1, $0xD;
	s1 =	sshrl.u32 s1, $0x2  }
0xc8: {  	s4 =	sand.u32 $0x4000, s31;
	s1 =	sadd.s32 s1, s30  }
0xc9: {  	s0 =	sor.u32 s4, s0;
	s1 =	sshll.u32 s1, $0x11  }
0xca: {  	s0 =	sor.u32 s1, s0  }
0xcb: {  	s0 =	sadd.s32 $0x8F2B, s0  }
0xcc: {  	[sflag:s0] =	ssyncadd.remote.s32 $0x1  }
0xcd: {  	_ =	sfence.sel $0xFFFF  }
0xce: {  	[dreg:$0x0] =	wrdreg $0xFFFFFFFF;
	(pc) =	sbr.abs _section_cstart, $3  }
0xcf: {  	[dreg:$0x1] =	wrdreg $0xFFFFFFFF  }
0xd0: {  	_ =	task.clear_ibuf [dreg:s22], $0x2FFFF;
	_ =	strace $0x9FFFFFFF  }
0xd1: {  	(tm) =	ssettm $0x7FFFFFFF  }
tec
execute0_lowered:
.L_overlay_start_1:
0x0: {  	(tag) =	ssettag $0x1  }
0x1: {  	s0 =	srdreg.scid;
	s4 =	rddreg [dreg:$0x0]  }
0x2: {  	s3 =	stileid.u32;
	s5 =	rddreg [dreg:$0x1]  }
0x3: {  	s2 =	simm.s32 $0x0;
	s11 =	simm.s32 $0xA00;
	s14 =	simm.s32 $0x2200  }
0x4: {  	s15 =	simm.s32 $0x2A00;
	s16 =	simm.s32 $0x3200;
	s17 =	simm.s32 $0x3A00  }
0x5: {  	s18 =	simm.s32 $0x4200;
	s19 =	simm.s32 $0x8A00;
	s20 =	simm.s32 $0x4A00  }
0x6: {  	s21 =	simm.s32 $0x5200;
	s28 =	simm.s32 $0x8200;
	s29 =	simm.s32 $0x8B00  }
0x7: {  	s30 =	simm.s32 $0x1;
	s31 =	simm.s32 $0x80;
	s12 =	simm.s32 $0x0  }
0x8: {  	s0 =	sand.u32 $0x1, s0;
	s1 =	sshll.u32 s3, $0x1;
	s6 =	smul.u32 $0x120000, s3  }
0x9: {  	s1 =	sor.u32 s0, s1;
	s7 =	ssub.s32 $0x2, s0;
	s0 =	smul.u32 $0x90000, s0  }
0xa: {  	[smem:$0x7FF] =	sst s2;
	s1 =	smul.u32 $0x140, s1;
	s8 =	sshrl.u32 s7, $0x1  }
0xb: {  	s3 =	sadd.s32 $0x2400, s4;
	_ =	strace $0x80000050;
	s22 =	ssub.s32 s7, s8  }
0xc: {  	s0 =	sadd.s32 s0, s6;
	s1 =	sadd.s32 s1, s4;
	s23 =	smax.u32 s22, $0x1  }
0xd: {  	s24 =	sshrl.u32 s0, $0x3;
	s25 =	sor.u32 $0x4000, s0;
	s26 =	sor.u32 $0x8800, s0  }
0xe: {  	s0 =	sor.u32 $0x4800, s0;
	s22 =	simm.s32 $0x5A00;
	s1 =	sadd.s32 $0x6D6000, s1  }
0xf: {  	[dreg:$0x4] =	wrdreg s23;
	s6 =	sadd.s32 s24, s5;
	s4 =	sshrl.u32 s26, $0x3  }
.Ltmp0:
0x10: {  	s0 =	sshrl.u32 s0, $0x3;
	s23 =	simm.s32 $0x6200;
	(pc) =	sbr.rel .LBB2_1-.Ltmp0, $4  }
0x11: {  	s24 =	simm.s32 $0x6A00;
	s26 =	simm.s32 $0x7A00;
	[dreg:$0x3] =	wrdreg s1  }
0x12: {  	v4 =	vlaneseq.u32;
	vm0 =	vmmov $0xffff;
	v3 =	vimm.s32 $0x0;
	s1 =	sshrl.u32 s25, $0x3;
	s8 =	sadd.s32 s4, s5;
	s9 =	sadd.s32 s0, s5  }
0x13: {  	vm1 =	vmmov $0x3;
	v0 =	vand.u32 $0x7, v4;
	v1 =	vshrl.u32 v4, $0x3;
	s25 =	simm.s32 $0x7200;
	s0 =	simm.s32 $0x2;
	s4 =	simm.s32 $0x3  }
0x14: {  	v2 =	vor.u32 $0x8, v4;
	v4 =	vmul.u32 $0x8, v4;
	v1 =	vmul.u32 $0x8, v1;
	s7 =	sadd.s32 s1, s5;
	s1 =	simm.s32 $0x400;
	s5 =	simm.s32 $0x4  }
.LBB2_4:
0x15: {  	_ =	swait.ge [sflag:s5], $0x4000  }
0x16: {  	[sflag:s5] =	ssyncset.done $0x0  }
0x17: {  	[sflag:s5] =	ssyncadd.s32 $0xFFFFC000  }
0x18: {  	_ =	swait.ge [sflag:s5], $0x100  }
0x19: {  	s12 =	rddreg [dreg:$0x5]  }
0x1a: {  	s10 =	rddreg [dreg:$0x4];
	s12 =	sadd.s32 $0x1, s12  }
0x1b: {  	p0 =	sne.s32 s12, s10  }
.Ltmp1:
0x1c: {  	_ = 	snop;
	(pc) =	sbr.rel @!p0 .LBB2_5-.Ltmp1, $3  }
0x1d: {  	_ =	sdelay $0x1  }
0x1e: {  	[sflag:s5] =	ssyncset.done $0x0  }
0x1f: {  	[sflag:s5] =	ssyncadd.s32 $0xFFFFFF00  }
.LBB2_1:
0x20: {  	[dreg:$0x5] =	wrdreg s12  }
0x21: {  	s10 =	rddreg [dreg:$0x3];
	s13 =	simm.s32 $0x5  }
0x22: {  	[tilespmem:s2], [sflag:$0x5] =	stream.linear.gather [hbm4b:s10+s2], $0xA00, $0x38;
	[tilespmem:$0x8C00] =	vst v63  }
0x23: {  	_ =	swait.ge [sflag:s13], $0xA00  }
0x24: {  	[sflag:s13] =	ssyncset.done $0x0  }
0x25: {  	[sflag:s13] =	ssyncadd.s32 $0xFFFFF600  }
0x26: {  	v5 =	vld [tilespmem:$0x0];
	_ =	sdelay $0x4  }
0x27: {  	v6 =	vshll.u32 v5, $0x1  }
0x28: {  	v5 =	vand.u32 $0x7, v5;
	v6 =	vand.u32 $0xFFFFFFF0, v6  }
0x29: {  	v5 =	vor.u32 v5, v6  }
0x2a: {  	v6 =	vperm.xlane v5, v0;
	_ =	sdelay $0x1  }
0x2b: {  	v5 =	vperm.xlane v5, v2;
	v6 =	vadd.s32 v1, v6;
	_ =	sdelay $0x1  }
0x2c: {  	v5 =	vadd.s32 v1, v5;
	_ =	sdelay $0x2  }
0x2d: {  	[tilespmem:s11], [sflag:$0x1] =	stream.indirect_vreg.gather [hbm4b:s3+s2], $0x80, v6, vm0, $0xb8;
	[tilespmem:$0x8C00] =	vst v63  }
0x2e: {  	s12 =	simm.s32 $0x1200  }
0x2f: {  	[tilespmem:s12], [sflag:$0x1] =	stream.indirect_vreg.gather [hbm4b:s3+s2], $0x80, v5, vm0, $0xb8;
	[tilespmem:$0x8C00] =	vst v63  }
0x30: {  	v5 =	vld [tilespmem:$0x10];
	_ =	sdelay $0x4  }
0x31: {  	v6 =	vshll.u32 v5, $0x1  }
0x32: {  	v5 =	vand.u32 $0x7, v5;
	v6 =	vand.u32 $0xFFFFFFF0, v6  }
0x33: {  	v5 =	vor.u32 v5, v6  }
0x34: {  	v6 =	vperm.xlane v5, v0;
	_ =	sdelay $0x1  }
0x35: {  	v5 =	vperm.xlane v5, v2;
	v6 =	vadd.s32 v1, v6;
	_ =	sdelay $0x1  }
0x36: {  	v5 =	vadd.s32 v1, v5;
	_ =	sdelay $0x1  }
0x37: {  	s13 =	simm.s32 $0x1A00  }
0x38: {  	[tilespmem:s13], [sflag:$0x1] =	stream.indirect_vreg.gather [hbm4b:s3+s2], $0x80, v6, vm0, $0xb8;
	[tilespmem:$0x8C00] =	vst v63  }
0x39: {  	_ = 	snop  }
0x3a: {  	[tilespmem:s14], [sflag:$0x1] =	stream.indirect_vreg.gather [hbm4b:s3+s2], $0x80, v5, vm0, $0xb8;
	[tilespmem:$0x8C00] =	vst v63  }
0x3b: {  	v5 =	vld [tilespmem:$0x20];
	_ =	sdelay $0x4  }
0x3c: {  	v6 =	vshll.u32 v5, $0x1  }
0x3d: {  	v5 =	vand.u32 $0x7, v5;
	v6 =	vand.u32 $0xFFFFFFF0, v6  }
0x3e: {  	v5 =	vor.u32 v5, v6  }
0x3f: {  	v6 =	vperm.xlane v5, v0;
	_ =	sdelay $0x1  }
0x40: {  	v5 =	vperm.xlane v5, v2;
	v6 =	vadd.s32 v1, v6;
	_ =	sdelay $0x1  }
0x41: {  	v5 =	vadd.s32 v1, v5;
	_ =	sdelay $0x2  }
0x42: {  	[tilespmem:s15], [sflag:$0x1] =	stream.indirect_vreg.gather [hbm4b:s3+s2], $0x80, v6, vm0, $0xb8;
	[tilespmem:$0x8C00] =	vst v63  }
0x43: {  	_ = 	snop  }
0x44: {  	[tilespmem:s16], [sflag:$0x1] =	stream.indirect_vreg.gather [hbm4b:s3+s2], $0x80, v5, vm0, $0xb8;
	[tilespmem:$0x8C00] =	vst v63  }
0x45: {  	v5 =	vld [tilespmem:$0x30];
	_ =	sdelay $0x4  }
0x46: {  	v6 =	vshll.u32 v5, $0x1  }
0x47: {  	v5 =	vand.u32 $0x7, v5;
	v6 =	vand.u32 $0xFFFFFFF0, v6  }
0x48: {  	v5 =	vor.u32 v5, v6  }
0x49: {  	v6 =	vperm.xlane v5, v0;
	_ =	sdelay $0x1  }
0x4a: {  	v5 =	vperm.xlane v5, v2;
	v6 =	vadd.s32 v1, v6;
	_ =	sdelay $0x1  }
0x4b: {  	v5 =	vadd.s32 v1, v5;
	_ =	sdelay $0x2  }
0x4c: {  	[tilespmem:s17], [sflag:$0x1] =	stream.indirect_vreg.gather [hbm4b:s3+s2], $0x80, v6, vm0, $0xb8;
	[tilespmem:$0x8C00] =	vst v63  }
0x4d: {  	_ = 	snop  }
0x4e: {  	[tilespmem:s18], [sflag:$0x1] =	stream.indirect_vreg.gather [hbm4b:s3+s2], $0x80, v5, vm0, $0xb8;
	[tilespmem:$0x8C00] =	vst v63  }
0x4f: {  	v5 =	vld.msk [tilespmem:$0x40], $0x1;
	_ =	sdelay $0x4  }
0x50: {  	v6 =	vshll.u32 v5, $0x1  }
0x51: {  	v5 =	vand.u32 $0x7, v5;
	v6 =	vand.u32 $0xFFFFFFF0, v6  }
0x52: {  	v5 =	vor.u32 v5, v6  }
0x53: {  	v5 =	vperm.xlane v5, v3;
	_ =	sdelay $0x1  }
0x54: {  	v5 =	vadd.s32 v4, v5;
	_ =	sdelay $0x4  }
0x55: {  	[tilespmem:s19], [sflag:$0x1] =	stream.indirect_vreg.gather [hbm4b:s3+s2], $0x80, v5, vm1, $0xb8;
	[tilespmem:$0x8C00] =	vst v63  }
0x56: {  	v5 =	vld [tilespmem:$0x50];
	_ =	sdelay $0x4  }
0x57: {  	v6 =	vshll.u32 v5, $0x1  }
0x58: {  	v5 =	vand.u32 $0x7, v5;
	v6 =	vand.u32 $0xFFFFFFF0, v6  }
0x59: {  	v5 =	vor.u32 v5, v6  }
0x5a: {  	v6 =	vperm.xlane v5, v0;
	_ =	sdelay $0x1  }
0x5b: {  	v5 =	vperm.xlane v5, v2;
	v6 =	vadd.s32 v1, v6;
	_ =	sdelay $0x1  }
0x5c: {  	v5 =	vadd.s32 v1, v5;
	_ =	sdelay $0x2  }
0x5d: {  	[tilespmem:s20], [sflag:$0x2] =	stream.indirect_vreg.gather [hbm4b:s3+s2], $0x80, v6, vm0, $0xb8;
	[tilespmem:$0x8C00] =	vst v63  }
0x5e: {  	_ = 	snop  }
0x5f: {  	[tilespmem:s21], [sflag:$0x2] =	stream.indirect_vreg.gather [hbm4b:s3+s2], $0x80, v5, vm0, $0xb8;
	[tilespmem:$0x8C00] =	vst v63  }
0x60: {  	v5 =	vld [tilespmem:$0x60];
	_ =	sdelay $0x4  }
0x61: {  	v6 =	vshll.u32 v5, $0x1  }
0x62: {  	v5 =	vand.u32 $0x7, v5;
	v6 =	vand.u32 $0xFFFFFFF0, v6  }
0x63: {  	v5 =	vor.u32 v5, v6  }
0x64: {  	v6 =	vperm.xlane v5, v0;
	_ =	sdelay $0x1  }
0x65: {  	v5 =	vperm.xlane v5, v2;
	v6 =	vadd.s32 v1, v6;
	_ =	sdelay $0x1  }
0x66: {  	v5 =	vadd.s32 v1, v5;
	_ =	sdelay $0x2  }
0x67: {  	[tilespmem:s22], [sflag:$0x2] =	stream.indirect_vreg.gather [hbm4b:s3+s2], $0x80, v6, vm0, $0xb8;
	[tilespmem:$0x8C00] =	vst v63  }
0x68: {  	_ = 	snop  }
0x69: {  	[tilespmem:s23], [sflag:$0x2] =	stream.indirect_vreg.gather [hbm4b:s3+s2], $0x80, v5, vm0, $0xb8;
	[tilespmem:$0x8C00] =	vst v63  }
0x6a: {  	v5 =	vld [tilespmem:$0x70];
	_ =	sdelay $0x4  }
0x6b: {  	v6 =	vshll.u32 v5, $0x1  }
0x6c: {  	v5 =	vand.u32 $0x7, v5;
	v6 =	vand.u32 $0xFFFFFFF0, v6  }
0x6d: {  	v5 =	vor.u32 v5, v6  }
0x6e: {  	v6 =	vperm.xlane v5, v0;
	_ =	sdelay $0x1  }
0x6f: {  	v5 =	vperm.xlane v5, v2;
	v6 =	vadd.s32 v1, v6;
	_ =	sdelay $0x1  }
0x70: {  	v5 =	vadd.s32 v1, v5;
	_ =	sdelay $0x2  }
0x71: {  	[tilespmem:s24], [sflag:$0x2] =	stream.indirect_vreg.gather [hbm4b:s3+s2], $0x80, v6, vm0, $0xb8;
	[tilespmem:$0x8C00] =	vst v63  }
0x72: {  	_ = 	snop  }
0x73: {  	[tilespmem:s25], [sflag:$0x2] =	stream.indirect_vreg.gather [hbm4b:s3+s2], $0x80, v5, vm0, $0xb8;
	[tilespmem:$0x8C00] =	vst v63  }
0x74: {  	v5 =	vld [tilespmem:$0x80];
	_ =	sdelay $0x4  }
0x75: {  	v6 =	vshll.u32 v5, $0x1  }
0x76: {  	v5 =	vand.u32 $0x7, v5;
	v6 =	vand.u32 $0xFFFFFFF0, v6  }
0x77: {  	v5 =	vor.u32 v5, v6  }
0x78: {  	v6 =	vperm.xlane v5, v0;
	_ =	sdelay $0x1  }
0x79: {  	v5 =	vperm.xlane v5, v2;
	v6 =	vadd.s32 v1, v6;
	_ =	sdelay $0x1  }
0x7a: {  	v5 =	vadd.s32 v1, v5;
	_ =	sdelay $0x2  }
0x7b: {  	[tilespmem:s26], [sflag:$0x2] =	stream.indirect_vreg.gather [hbm4b:s3+s2], $0x80, v6, vm0, $0xb8;
	[tilespmem:$0x8C00] =	vst v63  }
0x7c: {  	_ = 	snop  }
0x7d: {  	[tilespmem:s28], [sflag:$0x2] =	stream.indirect_vreg.gather [hbm4b:s3+s2], $0x80, v5, vm0, $0xb8;
	[tilespmem:$0x8C00] =	vst v63  }
0x7e: {  	v5 =	vld.msk [tilespmem:$0x90], $0x1;
	_ =	sdelay $0x4  }
0x7f: {  	v6 =	vshll.u32 v5, $0x1  }
0x80: {  	v5 =	vand.u32 $0x7, v5;
	v6 =	vand.u32 $0xFFFFFFF0, v6  }
0x81: {  	v5 =	vor.u32 v5, v6  }
0x82: {  	v5 =	vperm.xlane v5, v3;
	_ =	sdelay $0x1  }
0x83: {  	v5 =	vadd.s32 v4, v5;
	_ =	sdelay $0x3  }
0x84: {  	s10 =	simm.s32 $0x130;
	s12 =	simm.s32 $0x0  }
0x85: {  	[tilespmem:s29], [sflag:$0x2] =	stream.indirect_vreg.gather [hbm4b:s3+s2], $0x80, v5, vm1, $0xb8;
	[tilespmem:$0x8C00] =	vst v63  }
.LBB2_2:
0x86: {  	_ =	swait.ge [sflag:s30], $0x4000  }
0x87: {  	[sflag:s30] =	ssyncset.done $0x0  }
0x88: {  	[sflag:s30] =	ssyncadd.s32 $0xFFFFC000  }
0x89: {  	_ =	swait.ge [sflag:s30], $0x100  }
0x8a: {  	[sflag:s30] =	ssyncset.done $0x0  }
0x8b: {  	s13 =	sadd.s32 s12, s6;
	[sflag:s30] =	ssyncadd.s32 $0xFFFFFF00  }
0x8c: {  	[hbm4b:s13+s2] =	stream.linear.scatter [tilespmem:s11], [sflag:$0x3], $0x4000, $0x38;
	[tilespmem:$0x8C00] =	vst v63  }
0x8d: {  	s13 =	sadd.s32 s12, s7  }
0x8e: {  	[hbm4b:s13+s31] =	stream.strided.scatter [tilespmem:s19], [sflag:$0x3], $0x100, s1, s31, $0x38;
	[tilespmem:$0x8C00] =	vst v63  }
0x8f: {  	_ =	swait.ge [sflag:s0], $0x4000  }
0x90: {  	[sflag:s0] =	ssyncset.done $0x0  }
0x91: {  	[sflag:s0] =	ssyncadd.s32 $0xFFFFC000  }
0x92: {  	_ =	swait.ge [sflag:s0], $0x100  }
0x93: {  	[sflag:s0] =	ssyncset.done $0x0  }
0x94: {  	s13 =	sadd.s32 s12, s9;
	[sflag:s0] =	ssyncadd.s32 $0xFFFFFF00  }
0x95: {  	[hbm4b:s13+s2] =	stream.linear.scatter [tilespmem:s20], [sflag:$0x4], $0x4000, $0x38;
	[tilespmem:$0x8C00] =	vst v63  }
0x96: {  	s13 =	sadd.s32 s12, s8  }
0x97: {  	[hbm4b:s13+s31] =	stream.strided.scatter [tilespmem:s29], [sflag:$0x4], $0x100, s1, s31, $0x38;
	[tilespmem:$0x8C00] =	vst v63  }
0x98: {  	p0 =	seq.s32 s12, $0x10E00;
	_ =	swait.ge [sflag:s4], $0x4000  }
.Ltmp2:
0x99: {  	[sflag:s4] =	ssyncset.done $0x0;
	(pc) =	sbr.rel @p0 .LBB2_4-.Ltmp2, $4  }
0x9a: {  	[sflag:s4] =	ssyncadd.s32 $0xFFFFC000  }
0x9b: {  	_ =	swait.ge [sflag:s4], $0x100  }
0x9c: {  	[sflag:s4] =	ssyncset.done $0x0  }
0x9d: {  	[sflag:s4] =	ssyncadd.s32 $0xFFFFFF00  }
0x9e: {  	v5 =	vld [tilespmem:s10+$0xFFFFFF70];
	_ =	sdelay $0x4  }
0x9f: {  	v6 =	vshll.u32 v5, $0x1  }
0xa0: {  	v5 =	vand.u32 $0x7, v5;
	v6 =	vand.u32 $0xFFFFFFF0, v6  }
0xa1: {  	v5 =	vor.u32 v5, v6  }
0xa2: {  	v6 =	vperm.xlane v5, v0;
	_ =	sdelay $0x1  }
0xa3: {  	v5 =	vperm.xlane v5, v2;
	v6 =	vadd.s32 v1, v6;
	_ =	sdelay $0x1  }
0xa4: {  	v5 =	vadd.s32 v1, v5;
	_ =	sdelay $0x2  }
0xa5: {  	[tilespmem:s11], [sflag:$0x1] =	stream.indirect_vreg.gather [hbm4b:s3+s2], $0x80, v6, vm0, $0xb8;
	[tilespmem:$0x8C00] =	vst v63  }
0xa6: {  	s13 =	simm.s32 $0x1200  }
0xa7: {  	[tilespmem:s13], [sflag:$0x1] =	stream.indirect_vreg.gather [hbm4b:s3+s2], $0x80, v5, vm0, $0xb8;
	[tilespmem:$0x8C00] =	vst v63  }
0xa8: {  	v5 =	vld [tilespmem:s10+$0xFFFFFF80];
	_ =	sdelay $0x4  }
0xa9: {  	v6 =	vshll.u32 v5, $0x1  }
0xaa: {  	v5 =	vand.u32 $0x7, v5;
	v6 =	vand.u32 $0xFFFFFFF0, v6  }
0xab: {  	v5 =	vor.u32 v5, v6  }
0xac: {  	v6 =	vperm.xlane v5, v0;
	_ =	sdelay $0x1  }
0xad: {  	v5 =	vperm.xlane v5, v2;
	v6 =	vadd.s32 v1, v6;
	_ =	sdelay $0x1  }
0xae: {  	v5 =	vadd.s32 v1, v5;
	_ =	sdelay $0x1  }
0xaf: {  	s13 =	simm.s32 $0x1A00  }
0xb0: {  	[tilespmem:s13], [sflag:$0x1] =	stream.indirect_vreg.gather [hbm4b:s3+s2], $0x80, v6, vm0, $0xb8;
	[tilespmem:$0x8C00] =	vst v63  }
0xb1: {  	_ = 	snop  }
0xb2: {  	[tilespmem:s14], [sflag:$0x1] =	stream.indirect_vreg.gather [hbm4b:s3+s2], $0x80, v5, vm0, $0xb8;
	[tilespmem:$0x8C00] =	vst v63  }
0xb3: {  	v5 =	vld [tilespmem:s10+$0xFFFFFF90];
	_ =	sdelay $0x4  }
0xb4: {  	v6 =	vshll.u32 v5, $0x1  }
0xb5: {  	v5 =	vand.u32 $0x7, v5;
	v6 =	vand.u32 $0xFFFFFFF0, v6  }
0xb6: {  	v5 =	vor.u32 v5, v6  }
0xb7: {  	v6 =	vperm.xlane v5, v0;
	_ =	sdelay $0x1  }
0xb8: {  	v5 =	vperm.xlane v5, v2;
	v6 =	vadd.s32 v1, v6;
	_ =	sdelay $0x1  }
0xb9: {  	v5 =	vadd.s32 v1, v5;
	_ =	sdelay $0x2  }
0xba: {  	[tilespmem:s15], [sflag:$0x1] =	stream.indirect_vreg.gather [hbm4b:s3+s2], $0x80, v6, vm0, $0xb8;
	[tilespmem:$0x8C00] =	vst v63  }
0xbb: {  	_ = 	snop  }
0xbc: {  	[tilespmem:s16], [sflag:$0x1] =	stream.indirect_vreg.gather [hbm4b:s3+s2], $0x80, v5, vm0, $0xb8;
	[tilespmem:$0x8C00] =	vst v63  }
0xbd: {  	v5 =	vld [tilespmem:s10+$0xFFFFFFA0];
	_ =	sdelay $0x4  }
0xbe: {  	v6 =	vshll.u32 v5, $0x1  }
0xbf: {  	v5 =	vand.u32 $0x7, v5;
	v6 =	vand.u32 $0xFFFFFFF0, v6  }
0xc0: {  	v5 =	vor.u32 v5, v6  }
0xc1: {  	v6 =	vperm.xlane v5, v0;
	_ =	sdelay $0x1  }
0xc2: {  	v5 =	vperm.xlane v5, v2;
	v6 =	vadd.s32 v1, v6;
	_ =	sdelay $0x1  }
0xc3: {  	v5 =	vadd.s32 v1, v5;
	_ =	sdelay $0x2  }
0xc4: {  	[tilespmem:s17], [sflag:$0x1] =	stream.indirect_vreg.gather [hbm4b:s3+s2], $0x80, v6, vm0, $0xb8;
	[tilespmem:$0x8C00] =	vst v63  }
0xc5: {  	_ = 	snop  }
0xc6: {  	[tilespmem:s18], [sflag:$0x1] =	stream.indirect_vreg.gather [hbm4b:s3+s2], $0x80, v5, vm0, $0xb8;
	[tilespmem:$0x8C00] =	vst v63  }
0xc7: {  	v5 =	vld.msk [tilespmem:s10+$0xFFFFFFB0], $0x1;
	_ =	sdelay $0x4  }
0xc8: {  	v6 =	vshll.u32 v5, $0x1  }
0xc9: {  	v5 =	vand.u32 $0x7, v5;
	v6 =	vand.u32 $0xFFFFFFF0, v6  }
0xca: {  	v5 =	vor.u32 v5, v6  }
0xcb: {  	v5 =	vperm.xlane v5, v3;
	_ =	sdelay $0x1  }
0xcc: {  	v5 =	vadd.s32 v4, v5;
	_ =	sdelay $0x4  }
0xcd: {  	[tilespmem:s19], [sflag:$0x1] =	stream.indirect_vreg.gather [hbm4b:s3+s2], $0x80, v5, vm1, $0xb8;
	[tilespmem:$0x8C00] =	vst v63  }
0xce: {  	_ =	swait.ge [sflag:s5], $0x4000  }
0xcf: {  	[sflag:s5] =	ssyncset.done $0x0  }
0xd0: {  	[sflag:s5] =	ssyncadd.s32 $0xFFFFC000  }
0xd1: {  	_ =	swait.ge [sflag:s5], $0x100  }
0xd2: {  	[sflag:s5] =	ssyncset.done $0x0  }
0xd3: {  	[sflag:s5] =	ssyncadd.s32 $0xFFFFFF00  }
0xd4: {  	v5 =	vld [tilespmem:s10+$0xFFFFFFC0];
	_ =	sdelay $0x4  }
0xd5: {  	v6 =	vshll.u32 v5, $0x1  }
0xd6: {  	v5 =	vand.u32 $0x7, v5;
	v6 =	vand.u32 $0xFFFFFFF0, v6  }
0xd7: {  	v5 =	vor.u32 v5, v6  }
0xd8: {  	v6 =	vperm.xlane v5, v0;
	_ =	sdelay $0x1  }
0xd9: {  	v5 =	vperm.xlane v5, v2;
	v6 =	vadd.s32 v1, v6;
	_ =	sdelay $0x1  }
0xda: {  	v5 =	vadd.s32 v1, v5;
	_ =	sdelay $0x2  }
0xdb: {  	[tilespmem:s20], [sflag:$0x2] =	stream.indirect_vreg.gather [hbm4b:s3+s2], $0x80, v6, vm0, $0xb8;
	[tilespmem:$0x8C00] =	vst v63  }
0xdc: {  	_ = 	snop  }
0xdd: {  	[tilespmem:s21], [sflag:$0x2] =	stream.indirect_vreg.gather [hbm4b:s3+s2], $0x80, v5, vm0, $0xb8;
	[tilespmem:$0x8C00] =	vst v63  }
0xde: {  	v5 =	vld [tilespmem:s10+$0xFFFFFFD0];
	_ =	sdelay $0x4  }
0xdf: {  	v6 =	vshll.u32 v5, $0x1  }
0xe0: {  	v5 =	vand.u32 $0x7, v5;
	v6 =	vand.u32 $0xFFFFFFF0, v6  }
0xe1: {  	v5 =	vor.u32 v5, v6  }
0xe2: {  	v6 =	vperm.xlane v5, v0;
	_ =	sdelay $0x1  }
0xe3: {  	v5 =	vperm.xlane v5, v2;
	v6 =	vadd.s32 v1, v6;
	_ =	sdelay $0x1  }
0xe4: {  	v5 =	vadd.s32 v1, v5;
	_ =	sdelay $0x2  }
0xe5: {  	[tilespmem:s22], [sflag:$0x2] =	stream.indirect_vreg.gather [hbm4b:s3+s2], $0x80, v6, vm0, $0xb8;
	[tilespmem:$0x8C00] =	vst v63  }
0xe6: {  	_ = 	snop  }
0xe7: {  	[tilespmem:s23], [sflag:$0x2] =	stream.indirect_vreg.gather [hbm4b:s3+s2], $0x80, v5, vm0, $0xb8;
	[tilespmem:$0x8C00] =	vst v63  }
0xe8: {  	v5 =	vld [tilespmem:s10+$0xFFFFFFE0];
	_ =	sdelay $0x4  }
0xe9: {  	v6 =	vshll.u32 v5, $0x1  }
0xea: {  	v5 =	vand.u32 $0x7, v5;
	v6 =	vand.u32 $0xFFFFFFF0, v6  }
0xeb: {  	v5 =	vor.u32 v5, v6  }
0xec: {  	v6 =	vperm.xlane v5, v0;
	_ =	sdelay $0x1  }
0xed: {  	v5 =	vperm.xlane v5, v2;
	v6 =	vadd.s32 v1, v6;
	_ =	sdelay $0x1  }
0xee: {  	v5 =	vadd.s32 v1, v5;
	_ =	sdelay $0x2  }
0xef: {  	[tilespmem:s24], [sflag:$0x2] =	stream.indirect_vreg.gather [hbm4b:s3+s2], $0x80, v6, vm0, $0xb8;
	[tilespmem:$0x8C00] =	vst v63  }
0xf0: {  	_ = 	snop  }
0xf1: {  	[tilespmem:s25], [sflag:$0x2] =	stream.indirect_vreg.gather [hbm4b:s3+s2], $0x80, v5, vm0, $0xb8;
	[tilespmem:$0x8C00] =	vst v63  }
0xf2: {  	v5 =	vld [tilespmem:s10+$0xFFFFFFF0];
	_ =	sdelay $0x4  }
0xf3: {  	v6 =	vshll.u32 v5, $0x1  }
0xf4: {  	v5 =	vand.u32 $0x7, v5;
	v6 =	vand.u32 $0xFFFFFFF0, v6  }
0xf5: {  	v5 =	vor.u32 v5, v6  }
0xf6: {  	v6 =	vperm.xlane v5, v0;
	_ =	sdelay $0x1  }
0xf7: {  	v5 =	vperm.xlane v5, v2;
	v6 =	vadd.s32 v1, v6;
	_ =	sdelay $0x1  }
0xf8: {  	v5 =	vadd.s32 v1, v5;
	_ =	sdelay $0x2  }
0xf9: {  	[tilespmem:s26], [sflag:$0x2] =	stream.indirect_vreg.gather [hbm4b:s3+s2], $0x80, v6, vm0, $0xb8;
	[tilespmem:$0x8C00] =	vst v63  }
0xfa: {  	_ = 	snop  }
0xfb: {  	[tilespmem:s28], [sflag:$0x2] =	stream.indirect_vreg.gather [hbm4b:s3+s2], $0x80, v5, vm0, $0xb8;
	[tilespmem:$0x8C00] =	vst v63  }
0xfc: {  	v5 =	vld.msk [tilespmem:s10+$0x0], $0x1;
	_ =	sdelay $0x4  }
0xfd: {  	v6 =	vshll.u32 v5, $0x1  }
0xfe: {  	v5 =	vand.u32 $0x7, v5;
	v6 =	vand.u32 $0xFFFFFFF0, v6  }
0xff: {  	v5 =	vor.u32 v5, v6  }
0x100: {  	v5 =	vperm.xlane v5, v3;
	_ =	sdelay $0x1  }
0x101: {  	v5 =	vadd.s32 v4, v5  }
.Ltmp3:
0x102: {  	_ = 	snop;
	(pc) =	sbr.rel .LBB2_2-.Ltmp3, $3  }
0x103: {  	_ =	sdelay $0x1  }
0x104: {  	s12 =	sadd.s32 $0x1200, s12;
	s10 =	sadd.s32 $0xA0, s10  }
0x105: {  	[tilespmem:s29], [sflag:$0x2] =	stream.indirect_vreg.gather [hbm4b:s3+s2], $0x80, v5, vm1, $0xb8;
	[tilespmem:$0x8C00] =	vst v63  }
.LBB2_5:
0x106: {  	_ =	sfence.sel $0x180000  }
0x107: {  	[bflag:$0x0] =	sbarrier.arrive $0xFFFF  }
0x108: {  	_ =	strace $0x90000050  }
0x109: {  	s0 =	stileid.u32;
	[bflag:$0x2] =	sbarrier.arrive $0xFFFF  }
0x10a: {  	p0 =	sne.s32 s0, $0x0;
	s0 =	rddreg [dreg:$0x2]  }
0x10b: {  	s0 =	sadd.s32 @!p0 $0x100000, s0  }
0x10c: {  	[sflag:s0] =	ssyncadd.tile.s32 @!p0 $0x1;
	_ =	shalt  }
.Lfunc_end2:
_tile_overlayer_lowered:
.L_overlay_start_2:
0x10d: {  	(tag) =	ssettag $0x2  }
0x10e: {  	s0 =	rddreg [dreg:$0x0];
	s2 =	stileid.u32  }
0x10f: {  	s1 =	rddreg [dreg:$0x1];
	p0 =	sne.s32 s2, $0x0  }
0x110: {  	s3 =	rddreg [dreg:$0x2];
	[bflag:$0x3] =	sbarrier.arrive $0xFFFF;
	s2 =	simm.s32 @!p0 $0x1C05  }
0x111: {  	[timem:s3], [sflag:s2] =	dma.local @!p0 [hbm:s0], s1  }
0x112: {  	s0 =	simm.s32 @!p0 $0x5  }
0x113: {  	_ =	swait.ge @!p0 [sflag:s0], s1  }
0x114: {  	s1 =	ssub.s32 @!p0 $0x0, s1;
	[sflag:s0] =	ssyncset.done @!p0 $0x0  }
0x115: {  	[sflag:s0] =	ssyncadd.s32 @!p0 s1  }
0x116: {  	[bflag:$0x3] =	sbarrier.arrive $0xFFFF  }
0x117: {  	_ =	shalt  }

// kernel: sparse-core-data-format-call.cloned.1.call-start
scs
called_computation_lowered:
.L_overlay_start_0:
0x0: {  	s2 =	sld [smem:$0x3FD9]  }
0x1: {  	s3 =	sld [smem:$0x3FFE];
	_ =	sdelay $0x1  }
0x2: {  	s1 =	srdreg.scid  }
0x3: {  	s0 =	sand.u32 $0x1, s1  }
0x4: {  	s18 =	sshll.u32 s0, $0xA;
	s2 =	sadd.s32 s3, s2  }
0x5: {  	s2 =	sadd.s32 s2, s18  }
0x6: {  	[smem:$0x3FC1] =	sst s2  }
0x7: {  	_ = 	snop  }
0x8: {  	s2 =	sld [smem:$0x3FD0];
	(tm) =	ssettm $0x1  }
0x9: {  	s19 =	sld [smem:$0x3FFB];
	_ =	sdelay $0x3  }
0xa: {  	_ =	strace s19  }
0xb: {  	s3 =	sld [smem:$0x3FFC];
	_ =	sdelay $0x3  }
0xc: {  	_ =	strace s3  }
0xd: {  	s3 =	sld [smem:$0x3FFD];
	_ =	sdelay $0x3  }
0xe: {  	_ =	strace s3  }
0xf: {  	_ =	strace $0x8FFFFFFF  }
0x10: {  	s20 =	sld [smem:$0x3FDB];
	_ =	sdelay $0x1  }
0x11: {  	s4 =	simm.s32 $_scs_section_size  }
0x12: {  	s5 =	simm.s32 $_size__tile_overlayer_lowered;
	s6 =	simm.s32 $_tile_overlayer_lowered  }
0x13: {  	s23 =	simm.s32 $0x1BFF;
	s22 =	sshll.u32 s6, $0x1;
	s3 =	sadd.s32 s4, s20  }
0x14: {  	s7 =	simm.s32 $0x0;
	s21 =	sshll.u32 s5, $0x1;
	s5 =	sadd.s32 s22, s3  }
0x15: {  	[timem:s7], [sflag:s23] =	dma.local [hbm:s5], s21  }
0x16: {  	_ =	swait.ge [sflag:s23], s21  }
0x17: {  	s4 =	ssub.s32 $0x0, s21;
	[sflag:s23] =	ssyncset.done $0x0  }
0x18: {  	[sflag:s23] =	ssyncadd.s32 s4;
	_ =	sdelay $0x1  }
0x19: {  	s24 =	simm.s32 $0x1B8B  }
0x1a: {  	_ =	swait.ge [sflag:s24], $0x1  }
0x1b: {  	[sflag:s24] =	ssyncset.done $0x0  }
0x1c: {  	s26 =	simm.s32 $0x1B8E;
	s25 =	sld [smem:$0x3FFE];
	[sflag:s24] =	ssyncadd.s32 $0xFFFFFFFF  }
0x1d: {  	s27 =	simm.s32 $execute0_lowered;
	[smem:$0x3FD2] =	sst s26  }
0x1e: {  	s5 =	sshll.u32 s27, $0x1;
	_ =	strace $0x80000052;
	[dreg:$0x1] =	wrdreg $0xFFFFFFFF  }
0x1f: {  	s28 =	simm.s32 $_size_execute0_lowered;
	s3 =	sadd.s32 s3, s5;
	[dreg:$0x0] =	wrdreg $0x0  }
0x20: {  	s5 =	sshll.u32 s28, $0x1;
	[dreg:$0x2] =	wrdreg s3  }
0x21: {  	[dreg:$0x3] =	wrdreg s5  }
0x22: {  	[dreg:$0x4] =	wrdreg $0xC0  }
0x23: {  	_ =	task [dreg:s7], $0x5FFFF  }
0x24: {  	[dreg:$0x1] =	wrdreg $0xFFFFFFFF  }
0x25: {  	[dreg:$0x0] =	wrdreg $0x60  }
0x26: {  	[dreg:$0x2] =	wrdreg s25  }
0x27: {  	[dreg:$0x3] =	wrdreg s2  }
0x28: {  	[dreg:$0x4] =	wrdreg $0x9  }
0x29: {  	_ =	task.clear_ibuf [dreg:s7], $0x5FFFF;
	_ =	strace $0x90000052  }
0x2a: {  	s29 =	simm.s32 $0x9;
	_ =	strace $0x80000054  }
0x2b: {  	_ =	swait.ge [sflag:s29], $0x1  }
0x2c: {  	[sflag:s29] =	ssyncadd.s32 $0xFFFFFFFF  }
0x2d: {  	_ =	strace $0x90000054  }
0x2e: {  	_ =	sfence  }
0x2f: {  	s30 =	sld [smem:$0x0];
	_ =	sdelay $0x2  }
0x30: {  	s31 =	sshll.u32 s1, $0xD;
	s1 =	sshrl.u32 s1, $0x2  }
0x31: {  	s3 =	sand.u32 $0x4000, s31;
	s1 =	sadd.s32 s1, s30  }
0x32: {  	s0 =	sor.u32 s3, s0;
	s1 =	sshll.u32 s1, $0x11  }
0x33: {  	s0 =	sor.u32 s1, s0  }
0x34: {  	s0 =	sadd.s32 $0x8F2B, s0  }
0x35: {  	[sflag:s0] =	ssyncadd.remote.s32 $0x1  }
0x36: {  	_ =	sfence.sel $0xFFFF  }
0x37: {  	[dreg:$0x0] =	wrdreg $0xFFFFFFFF;
	(pc) =	sbr.abs _section_cstart, $3  }
0x38: {  	[dreg:$0x1] =	wrdreg $0xFFFFFFFF  }
0x39: {  	_ =	task.clear_ibuf [dreg:s7], $0x2FFFF;
	_ =	strace $0x9FFFFFFF  }
0x3a: {  	(tm) =	ssettm $0x7FFFFFFF  }
0x3b: {  	_ =	shalt  }
tec
execute0_lowered:
.L_overlay_start_1:
0x0: {  	(tag) =	ssettag $0x1  }
0x1: {  	s0 =	srdreg.scid  }
0x2: {  	s1 =	sshll.u32 s0, $0x4  }
0x3: {  	s6 =	rddreg [dreg:$0x0];
	s0 =	stileid.u32;
	s1 =	sand.u32 $0x10, s1  }
0x4: {  	s3 =	rddreg [dreg:$0x1];
	s1 =	sor.u32 s0, s1  }
0x5: {  	s5 =	simm.s32 $0x1;
	s31 =	simm.s32 $0x2;
	s2 =	sshll.u32 s1, $0x7  }
0x6: {  	s14 =	simm.s32 $0x0;
	s8 =	simm.s32 $0x800;
	s4 =	ssub.s32 $0x1000, s2  }
0x7: {  	s9 =	simm.s32 $0x0;
	s15 =	simm.s32 $0x0;
	s30 =	sand.u32 $0xF80, s4  }
0x8: {  	s16 =	simm.s32 $0x0;
	s10 =	simm.s32 $0x0;
	p0 =	sne.s32 s30, $0x0  }
.Ltmp0:
0x9: {  	s7 =	sshrl.u32 s4, $0xC;
	s5 =	simm.s32 @!p0 $0x0;
	(pc) =	sbr.rel .LBB1_1-.Ltmp0, $4  }
0xa: {  	s11 =	simm.s32 $0x0;
	s1 =	rddreg [dreg:$0x2];
	s5 =	sadd.s32 s5, s7  }
0xb: {  	_ =	strace $0x80000053;
	s4 =	simm.s32 $0x1;
	s5 =	smul.u32 $0x82, s5  }
0xc: {  	s13 =	simm.s32 $0x0;
	s6 =	sadd.s32 $0x6D6000, s6;
	[sflag:s4] =	ssyncpa.u1 $0x0  }
0xd: {  	s12 =	smov.u32 s2;
	[sflag:s31] =	ssyncpa.u1 $0x0;
	s7 =	sor.u32 $0x1, s5  }
.LBB1_4:
0xe: {  	_ =	sdelay $0x3  }
0xf: {  	[tilespmem:v0+s19+$0xFFFFFFD0 ss:$0x1] =	vst.idx.msk $0xffff, v6  }
0x10: {  	v56 =	vld.idx.msk [tilespmem:v1+s18+$0x0 ss:$0x1], $0xffff;
	[tilespmem:v0+s19+$0xFFFFFFE0 ss:$0x1] =	vst.idx.msk $0xffff, v4  }
0x11: {  	v57 =	vld.idx.msk [tilespmem:v1+s18+$0xFFFFFF90 ss:$0x1], $0xffff;
	[tilespmem:v0+s19+$0xFFFFFFF0 ss:$0x1] =	vst.idx.msk $0xffff, v2  }
0x12: {  	v58 =	vld.idx.msk [tilespmem:v1+s18+$0xFFFFFFA0 ss:$0x1], $0xffff;
	[tilespmem:v0+s19+$0x0 ss:$0x1] =	vst.idx.msk $0xffff, v3  }
0x13: {  	v59 =	vld.idx.msk [tilespmem:v1+s18+$0xFFFFFFB0 ss:$0x1], $0xffff;
	[tilespmem:v0+s19+$0x10 ss:$0x1] =	vst.idx.msk $0xffff, v5  }
0x14: {  	v60 =	vld.idx.msk [tilespmem:v1+s18+$0xFFFFFFC0 ss:$0x1], $0xffff;
	[tilespmem:v0+s19+$0x20 ss:$0x1] =	vst.idx.msk $0xffff, v7  }
0x15: {  	v61 =	vld.idx.msk [tilespmem:v1+s18+$0xFFFFFFD0 ss:$0x1], $0xffff;
	s27 =	sshll.u32 s16, $0x8;
	[tilespmem:v0+s18+$0x30 ss:$0x1] =	vst.idx.msk $0xffff, v56  }
0x16: {  	s20 =	sshll.u32 s14, $0x3;
	v62 =	vld.idx.msk [tilespmem:v1+s18+$0xFFFFFFE0 ss:$0x1], $0xffff;
	s28 =	sshll.u32 s16, $0x7;
	s30 =	sand.u32 $0x78, s14;
	[tilespmem:v0+s18+$0xFFFFFFC0 ss:$0x1] =	vst.idx.msk $0xffff, v57  }
0x17: {  	v63 =	vld.idx.msk [tilespmem:v1+s18+$0xFFFFFFF0 ss:$0x1], $0xffff;
	s15 =	sshll.u32 s15, $0x11;
	s19 =	sand.u32 $0xFF800, s27;
	s20 =	sand.u32 $0xFFC00, s20;
	[tilespmem:v0+s18+$0xFFFFFFD0 ss:$0x1] =	vst.idx.msk $0xffff, v58  }
0x18: {  	s29 =	sand.u32 $0x300, s28;
	s16 =	sand.u32 $0x80, s28;
	s19 =	sadd.s32 s19, s20;
	[tilespmem:v0+s18+$0xFFFFFFE0 ss:$0x1] =	vst.idx.msk $0xffff, v59  }
0x19: {  	s31 =	sand.u32 $0x7, s14;
	s16 =	sor.u32 s16, s30;
	s19 =	sor.u32 s29, s19;
	[tilespmem:v0+s18+$0xFFFFFFF0 ss:$0x1] =	vst.idx.msk $0xffff, v60  }
0x1a: {  	s15 =	sadd.s32 s3, s15;
	s16 =	sshrl.u32 s16, $0x3;
	s19 =	sshrl.u32 s19, $0x3;
	[tilespmem:v0+s18+$0x0 ss:$0x1] =	vst.idx.msk $0xffff, v61  }
0x1b: {  	s14 =	sshll.u32 s31, $0x12;
	s15 =	sadd.s32 s16, s15;
	[tilespmem:v0+s18+$0x10 ss:$0x1] =	vst.idx.msk $0xffff, v62;
	s19 =	sand.u32 $0x1FFE0, s19  }
0x1c: {  	s14 =	sor.u32 $0x400, s14;
	[tilespmem:v0+s18+$0x20 ss:$0x1] =	vst.idx.msk $0xffff, v63;
	s15 =	sadd.s32 s19, s15  }
0x1d: {  	[hbm4b:s15+s14] =	stream.strided.scatter [tilespmem:s17], [sflag:$0x2], $0x4000, s8, s14, $0x38;
	[tilespmem:$0x10000] =	vst v63  }
.LBB1_5:
0x1e: {  	s17 =	sadd.s32 $0x80, s10  }
0x1f: {  	s14 =	simm.s32 $0x1;
	p1 =	sgt.s32 s17, $0xFF  }
0x20: {  	s14 =	simm.s32 @!p1 $0x0  }
0x21: {  	s18 =	sadd.s32 s14, s11  }
0x22: {  	s20 =	smov.u32 s12;
	s14 =	sadd.s32 $0x1000, s12;
	p2 =	sgt.s32 s18, $0x40  }
0x23: {  	s20 =	smov.u32 @p2 s14  }
0x24: {  	p0 =	slt.u32 s13, $0x2;
	s17 =	simm.s32 @p1 $0x0;
	p1 =	sgt.s32 s20, $0xFFF  }
0x25: {  	s19 =	simm.s32 @!p0 $0x2;
	s20 =	smov.u32 @p1 s2;
	p1 =	sne.s32 s13, s7  }
.Ltmp1:
0x26: {  	_ =	swait.ge @!p0 [sflag:s19], $0x4000;
	(pc) =	sbr.rel @!p1 .LBB1_6-.Ltmp1, $4  }
0x27: {  	s15 =	smov.u32 s11;
	[sflag:s19] =	ssyncset.done @!p0 $0x0  }
0x28: {  	s16 =	smov.u32 s12;
	s9 =	sadd.s32 $0x4000, s9;
	[sflag:s19] =	ssyncadd.s32 @!p0 $0xFFFFC000  }
0x29: {  	s18 =	simm.s32 @p2 $0x0;
	s14 =	smov.u32 s10;
	s10 =	smov.u32 s17  }
0x2a: {  	s11 =	smov.u32 s18;
	s13 =	sadd.s32 $0x1, s13;
	s12 =	smov.u32 s20  }
.LBB1_1:
0x2b: {  	p0 =	sge.u32 s13, s5  }
0x2c: {  	s17 =	sshll.u32 @!p0 s11, $0x8;
	s18 =	sshll.u32 @!p0 s10, $0x3  }
0x2d: {  	s19 =	sshll.u32 @!p0 s11, $0x7;
	s17 =	sand.u32 @!p0 $0xFFFFF800, s17;
	s18 =	sand.u32 @!p0 $0xFFFFFC00, s18  }
0x2e: {  	s17 =	sadd.s32 @!p0 s17, s18;
	s18 =	sand.u32 @!p0 $0x300, s19  }
0x2f: {  	s17 =	sor.u32 @!p0 s18, s17  }
0x30: {  	s17 =	sshrl.u32 @!p0 s17, $0x8  }
0x31: {  	s31 =	sadd.s32 $0xFFFFFFFF, s13;
	s18 =	smulhi.u32 @!p0 $0x38E38E4, s17  }
0x32: {  	s20 =	sxor.u32 @!p0 $0xFFFFFFFF, s13;
	s21 =	sand.u32 @!p0 $0x78, s10;
	s22 =	smul.u32 @!p0 $0x900, s12  }
0x33: {  	s20 =	sshll.u32 @!p0 s20, $0xE;
	s19 =	sand.u32 @!p0 $0x80, s19;
	s18 =	smul.u32 @!p0 $0x48, s18  }
0x34: {  	s20 =	sand.u32 @!p0 $0x4000, s20;
	s19 =	sor.u32 @!p0 s21, s19;
	s21 =	sand.u32 @!p0 $0x7, s10  }
0x35: {  	s17 =	ssub.s32 @!p0 s17, s18;
	s18 =	sshrl.u32 @!p0 s19, $0x3;
	s19 =	sadd.s32 @!p0 s6, s22  }
0x36: {  	s17 =	sshll.u32 @!p0 s17, $0x5;
	s18 =	sadd.s32 @!p0 s18, s19;
	s19 =	sshll.u32 @!p0 s21, $0x12  }
0x37: {  	s17 =	sadd.s32 @!p0 s17, s18;
	s18 =	sor.u32 @!p0 $0x80, s19;
	s19 =	simm.s32 @!p0 $0x4800  }
0x38: {  	[tilespmem:s20], [sflag:$0x1] =	stream.strided.gather @!p0 [hbm4b:s17+s18], $0x4000, s19, s18, $0x38;
	[tilespmem:$0x10000] =	vst v63  }
0x39: {  	p0 =	sge.u32 s31, s5  }
.Ltmp2:
0x3a: {  	_ = 	snop;
	(pc) =	sbr.rel @p0 .LBB1_5-.Ltmp2, $1  }
0x3b: {  	_ =	sdelay $0x3  }
0x3c: {  	s17 =	sand.u32 $0x4000, s9  }
0x3d: {  	s18 =	sor.u32 $0x70, s17  }
0x3e: {  	v1 =	vmov s18;
	_ =	sdelay $0x1  }
0x3f: {  	_ =	swait.ge [sflag:s4], $0x4000  }
0x40: {  	[sflag:s4] =	ssyncset.done $0x0  }
0x41: {  	s19 =	simm.s32 $0x0;
	[sflag:s4] =	ssyncadd.s32 $0xFFFFC000  }
0x42: {  	s17 =	sor.u32 $0x8040, s17;
	v7 =	vld.idx.msk [tilespmem:v1+s19+$0x0 ss:$0x1], $0xffff  }
0x43: {  	v0 =	vmov s17;
	v8 =	vld.idx.msk [tilespmem:v1+s19+$0xFFFFFF90 ss:$0x1], $0xffff  }
0x44: {  	v6 =	vld.idx.msk [tilespmem:v1+s19+$0xFFFFFFA0 ss:$0x1], $0xffff  }
0x45: {  	v4 =	vld.idx.msk [tilespmem:v1+s19+$0xFFFFFFB0 ss:$0x1], $0xffff  }
0x46: {  	v2 =	vld.idx.msk [tilespmem:v1+s19+$0xFFFFFFC0 ss:$0x1], $0xffff  }
0x47: {  	s31 =	sshll.u32 s13, $0xE;
	v3 =	vld.idx.msk [tilespmem:v1+s19+$0xFFFFFFD0 ss:$0x1], $0xffff  }
0x48: {  	s17 =	sand.u32 $0x4000, s31;
	v5 =	vld.idx.msk [tilespmem:v1+s19+$0xFFFFFFE0 ss:$0x1], $0xffff;
	[tilespmem:v0+s19+$0x30 ss:$0x1] =	vst.idx.msk $0xffff, v7  }
0x49: {  	s20 =	simm.s32 $0x400;
	s18 =	simm.s32 $0x80;
	s17 =	sor.u32 $0x8000, s17;
	[tilespmem:v0+s19+$0xFFFFFFC0 ss:$0x1] =	vst.idx.msk $0xffff, v8;
	v7 =	vld.idx.msk [tilespmem:v1+s19+$0xFFFFFFF0 ss:$0x1], $0xffff  }
.LBB1_3:
0x4a: {  	p0 =	sne.s32 s20, $0xFE00;
	v8 =	vld.idx.msk [tilespmem:v1+s18+$0x0 ss:$0x1], $0xffff;
	[tilespmem:v0+s19+$0xFFFFFFD0 ss:$0x1] =	vst.idx.msk $0xffff, v6  }
0x4b: {  	v9 =	vld.idx.msk [tilespmem:v1+s18+$0xFFFFFF90 ss:$0x1], $0xffff;
	[tilespmem:v0+s19+$0xFFFFFFE0 ss:$0x1] =	vst.idx.msk $0xffff, v4  }
0x4c: {  	v6 =	vld.idx.msk [tilespmem:v1+s18+$0xFFFFFFA0 ss:$0x1], $0xffff;
	[tilespmem:v0+s19+$0xFFFFFFF0 ss:$0x1] =	vst.idx.msk $0xffff, v2  }
.Ltmp3:
0x4d: {  	v4 =	vld.idx.msk [tilespmem:v1+s18+$0xFFFFFFB0 ss:$0x1], $0xffff;
	[tilespmem:v0+s19+$0x0 ss:$0x1] =	vst.idx.msk $0xffff, v3;
	(pc) =	sbr.rel @p0 .LBB1_3-.Ltmp3, $4  }
0x4e: {  	v2 =	vld.idx.msk [tilespmem:v1+s18+$0xFFFFFFC0 ss:$0x1], $0xffff;
	[tilespmem:v0+s19+$0x10 ss:$0x1] =	vst.idx.msk $0xffff, v5  }
0x4f: {  	v3 =	vld.idx.msk [tilespmem:v1+s18+$0xFFFFFFD0 ss:$0x1], $0xffff;
	[tilespmem:v0+s19+$0x20 ss:$0x1] =	vst.idx.msk $0xffff, v7;
	s19 =	smov.u32 s18  }
0x50: {  	v5 =	vld.idx.msk [tilespmem:v1+s19+$0xFFFFFFE0 ss:$0x1], $0xffff;
	[tilespmem:v0+s19+$0x30 ss:$0x1] =	vst.idx.msk $0xffff, v8  }
0x51: {  	s18 =	sshra.s32 s20, $0x2;
	s20 =	sadd.s32 $0x200, s20;
	[tilespmem:v0+s19+$0xFFFFFFC0 ss:$0x1] =	vst.idx.msk $0xffff, v9;
	v7 =	vld.idx.msk [tilespmem:v1+s19+$0xFFFFFFF0 ss:$0x1], $0xffff  }
.Ltmp4:
0x52: {  	_ = 	snop;
	(pc) =	sbr.rel .LBB1_4-.Ltmp4, $1  }
0x53: {  	_ =	sdelay $0x3  }
.LBB1_6:
0x54: {  	_ =	sfence.sel $0x180000  }
0x55: {  	s2 =	simm.s32 $0x1;
	[bflag:$0x0] =	sbarrier.arrive $0xFFFF  }
0x56: {  	s31 =	simm.s32 $0x2;
	[sflag:s2] =	ssyncpa.u1 $0x1  }
0x57: {  	[sflag:s31] =	ssyncpa.u1 $0x1  }
0x58: {  	p0 =	sne.s32 s0, $0x0;
	_ =	strace $0x90000053  }
0x59: {  	s0 =	sadd.s32 @!p0 $0x100000, s1;
	[bflag:$0x2] =	sbarrier.arrive $0xFFFF  }
0x5a: {  	[sflag:s0] =	ssyncadd.tile.s32 @!p0 $0x1;
	_ =	shalt  }
.Lfunc_end1:
_tile_overlayer_lowered:
.L_overlay_start_2:
0x5b: {  	(tag) =	ssettag $0x2  }
0x5c: {  	s0 =	rddreg [dreg:$0x0];
	s2 =	stileid.u32  }
0x5d: {  	s1 =	rddreg [dreg:$0x1];
	p0 =	sne.s32 s2, $0x0  }
0x5e: {  	s3 =	rddreg [dreg:$0x2];
	[bflag:$0x3] =	sbarrier.arrive $0xFFFF;
	s2 =	simm.s32 @!p0 $0x1C01  }
0x5f: {  	[timem:s3], [sflag:s2] =	dma.local @!p0 [hbm:s0], s1  }
0x60: {  	s0 =	simm.s32 @!p0 $0x1  }
0x61: {  	_ =	swait.ge @!p0 [sflag:s0], s1  }
0x62: {  	s1 =	ssub.s32 @!p0 $0x0, s1;
	[sflag:s0] =	ssyncset.done @!p0 $0x0  }
0x63: {  	[sflag:s0] =	ssyncadd.s32 @!p0 s1  }
0x64: {  	[bflag:$0x3] =	sbarrier.arrive $0xFFFF  }
0x65: {  	_ =	shalt  }

</sc_bundles>
